<compile_context>
chip_gen: v7x
topology: tpu7x:2x2x1
jax: 0.10.2.dev20260603
libtpu: 0.0.44.dev20260713+nightly
codegen_flags: <defaults>
</compile_context>

<pallas_src>
import functools

import jax
import jax.numpy as jnp
import numpy as np
from jax import lax
from jax.experimental import pallas as pl
from jax.experimental.pallas import tpu as pltpu
from jax.experimental.pallas import tpu_sc as plsc

KS = 128
GF = 0.1

_BYTE_SH = [0xFF, 0xFF00, 0xFF0000, -16777216]


def _step_table(length: int) -> np.ndarray:
    vals = []
    for ml in range(length + 1):
        max_tokens = max(1, int(round(GF * ml)))
        vals.append(max(1, int(round(ml / max_tokens))))
    return np.asarray(vals, dtype=np.int32)


def _make_sc_kernel(length: int, nb: int, table_len: int):
    lw = length // 4
    lwp = lw + 16
    nw = 32
    rows_per_w = length // nw
    nbuf = 8
    iters = rows_per_w // nbuf
    mesh = plsc.VectorSubcoreMesh(core_axis_name="c", subcore_axis_name="s")

    @functools.partial(
        pl.kernel,
        mesh=mesh,
        out_type=jax.ShapeDtypeStruct((length, lw), jnp.int32),
        scratch_types=[
            pltpu.VMEM((16,), jnp.int32),
            pltpu.VMEM((table_len,), jnp.int32),
            pltpu.VMEM((lwp,), jnp.int32),
            pltpu.VMEM((lw,), jnp.int32),
        ]
        + [pltpu.VMEM((lwp,), jnp.int32) for _ in range(nbuf)]
        + [pltpu.SemaphoreType.DMA for _ in range(nbuf)],
        compiler_params=pltpu.CompilerParams(needs_layout_passes=False),
    )
    def sc_kernel(seq_hbm, table_hbm, out_hbm, seqb, tabb, tmpl, zbuf, *rest):
        rowbufs = rest[:nbuf]
        sems = rest[nbuf:]

        wid = lax.axis_index("c") * 16 + lax.axis_index("s")
        r0 = wid * rows_per_w

        pltpu.sync_copy(seq_hbm, seqb)
        pltpu.sync_copy(table_hbm, tabb)

        sv = seqb[pl.ds(0, 16)]
        max_len = sv[0]
        for b in range(1, nb):
            max_len = jnp.maximum(max_len, sv[b])
        step = plsc.load_gather(tabb, [jnp.full((16,), max_len, jnp.int32)])[0]

        lane = lax.broadcasted_iota(jnp.int32, (16,), 0)

        def build_tmpl(g, _):
            w16 = g * 16 + lane
            acc = jnp.zeros((16,), jnp.int32)
            for byte in range(4):
                pos = w16 * 4 + byte
                ng = jnp.logical_or(pos >= max_len, pos % step != 0)
                acc = acc | jnp.where(ng, _BYTE_SH[byte], 0)
            tmpl[pl.ds(g * 16, 16)] = acc
            zbuf[pl.ds(g * 16, 16)] = jnp.zeros((16,), jnp.int32)
            return 0

        lax.fori_loop(0, lw // 16, build_tmpl, 0)
        tmpl[pl.ds(lw, 16)] = jnp.zeros((16,), jnp.int32)

        def is_glob(r):
            return jnp.logical_and(r < max_len, r % step == 0)

        def fire(b, r):
            @pl.when(is_glob(r))
            def _():
                pltpu.async_copy(zbuf, out_hbm.at[r], sems[b])

            @pl.when(jnp.logical_not(is_glob(r)))
            def _():
                pltpu.async_copy(
                    rowbufs[b].at[pl.ds(0, lw)], out_hbm.at[r], sems[b])

        for b in range(nbuf):
            buf = rowbufs[b]
            rb0 = r0 + b
            lo = jnp.maximum(0, rb0 - KS)

            def init_g(g, _, buf=buf, lo=lo, rb0=rb0):
                w16 = g * 16 + lane
                tv = tmpl[pl.ds(g * 16, 16)]
                m = jnp.zeros((16,), jnp.int32)
                for byte in range(4):
                    pos = w16 * 4 + byte
                    inwin = jnp.logical_and(pos >= lo, pos <= rb0)
                    m = m | jnp.where(inwin, _BYTE_SH[byte], 0)
                buf[pl.ds(g * 16, 16)] = tv & ~m
                return 0

            lax.fori_loop(0, lwp // 16, init_g, 0)
            fire(b, rb0)

        def body(k, _):
            for b in range(nbuf):
                buf = rowbufs[b]
                r = r0 + b + 8 * k
                pltpu.make_async_copy(
                    buf.at[pl.ds(0, lw)], out_hbm.at[r0], sems[b]).wait()

                p = b % 4
                q = (b + 1) % 4

                @pl.when(r >= 136)
                def _(buf=buf, r=r, p=p):
                    idx = ((r - 136) >> 2) + lane
                    tv = plsc.load_gather(tmpl, [idx])
                    v = plsc.load_gather(buf, [idx])
                    if p == 0:
                        mm = jnp.where(lane <= 1, -1, 0)
                    else:
                        k0 = (1 << (8 * p)) - 1
                        mm = jnp.where(lane == 0, ~k0,
                                       jnp.where(lane == 1, -1,
                                                 jnp.where(lane == 2, k0, 0)))
                    plsc.store_scatter(buf, [idx], (v & ~mm) | (tv & mm))

                idxz = ((r - 7) >> 2) + lane
                v = plsc.load_gather(buf, [idxz])
                if q == 0:
                    mz = jnp.where(lane <= 1, -1, 0)
                else:
                    kq = (1 << (8 * q)) - 1
                    ke = (1 << (8 * (p + 1))) - 1
                    mz = jnp.where(lane == 0, ~kq,
                                   jnp.where(lane == 1, -1,
                                             jnp.where(lane == 2, ke, 0)))
                plsc.store_scatter(buf, [idxz], v & ~mz)

                fire(b, r)
            return 0

        lax.fori_loop(1, iters, body, 0)

        for b in range(nbuf):
            pltpu.make_async_copy(
                rowbufs[b].at[pl.ds(0, lw)], out_hbm.at[r0], sems[b]).wait()

    return sc_kernel


def kernel(x, timestamps, seq_lens):
    length = x.shape[1]
    nb = seq_lens.shape[0]
    table = _step_table(length)
    table_len = ((len(table) + 15) // 16) * 16 + 16
    table_pad = np.zeros((table_len,), np.int32)
    table_pad[: len(table)] = table

    seq_pad = jnp.zeros((16,), jnp.int32).at[:nb].set(seq_lens.astype(jnp.int32))

    sc = _make_sc_kernel(length, nb, table_len)
    out_words = sc(seq_pad, jnp.asarray(table_pad))

    mask = out_words.view(jnp.uint8).astype(jnp.bool_)
    one = (seq_lens[0] * 0 + 1).astype(x.dtype)
    return (x * one, timestamps * one.astype(timestamps.dtype), mask)

# --- scband reference (transcript-rebuilt; emitter-appended) ---
"""Pipeline reference for scband-long-former-htstrategy-70987219468439 (READ-ONLY COPY).

The authoritative reference and input builder live on the scoring server;
editing this copy changes nothing except your own understanding.
"""

import jax, jax.numpy as jnp
import numpy as np

KERNEL_SIZE = 128
GLOBAL_FREQUENCY = 0.1
B, L, D = 2, 4096, 1024


def setup_inputs(seed: int = 0) -> dict:
    key = jax.random.key(seed)
    k1, k2, k3 = jax.random.split(key, 3)
    x = jax.random.normal(k1, (B, L, D), dtype=jnp.float32)
    timestamps = jnp.sort(jax.random.uniform(k2, (B, L), dtype=jnp.float32) * 1000.0, axis=1)
    seq_lens = jax.random.randint(k3, (B,), 1, L + 1, dtype=jnp.int32)
    return {"x": x, "timestamps": timestamps, "seq_lens": seq_lens}


def _make_attention_mask(seq_lens, length):
    # select() with embedding=True path (deterministic): global positions on a
    # regular grid with frequency GLOBAL_FREQUENCY over the max sequence length.
    max_length = jnp.max(seq_lens)
    step_values = []
    for ml in range(length + 1):
        max_tokens = max(1, int(round(GLOBAL_FREQUENCY * ml)))
        step_values.append(max(1, int(round(ml / max_tokens))))
    step_table = jnp.asarray(np.array(step_values, dtype=np.int32))
    step = step_table[max_length]
    positions = jnp.arange(length, dtype=jnp.int32)
    is_global = jnp.logical_and(positions < max_length, positions % step == 0)
    # Convolutional (banded) causal mask.
    conv_mask = jnp.ones((length, length), dtype=bool)
    conv_mask = jnp.tril(conv_mask, KERNEL_SIZE)
    conv_mask = jnp.triu(conv_mask, -KERNEL_SIZE)
    conv_mask = jnp.tril(conv_mask)
    # Global-token mask: full rows and columns at global positions.
    glob_mask = jnp.logical_or(is_global[:, None], is_global[None, :])
    # True = masked out (disallowed attention).
    mask = jnp.logical_not(jnp.logical_or(conv_mask, glob_mask))
    return mask


def reference(x, timestamps, seq_lens):
    # insert_tokens is the identity for the LongFormer strategy.
    new_x = x
    new_timestamps = timestamps
    length = x.shape[1]
    attention_mask = _make_attention_mask(seq_lens, length)
    return (new_x, new_timestamps, attention_mask)

if __name__ == "__main__":
    import jax
    _d = setup_inputs()
    print(jax.jit(kernel)(*tuple(_d.values())))

</pallas_src>

<mosaic_0001>
#map = affine_map<(d0, d1) -> (0)>
#map1 = affine_map<(d0, d1) -> (0, 0)>
module attributes {stable_mosaic.version = 14 : i64} {
  func.func @sc_kernel(%arg0: i32, %arg1: i32, %arg2: memref<16xi32, #tpu.memory_space<hbm>>, %arg3: memref<4128xi32, #tpu.memory_space<hbm>>, %arg4: memref<4096x1024xi32, #tpu.memory_space<hbm>>, %arg5: memref<16xi32, #tpu.memory_space<vmem>>, %arg6: memref<4128xi32, #tpu.memory_space<vmem>>, %arg7: memref<1040xi32, #tpu.memory_space<vmem>>, %arg8: memref<1024xi32, #tpu.memory_space<vmem>>, %arg9: memref<1040xi32, #tpu.memory_space<vmem>>, %arg10: memref<1040xi32, #tpu.memory_space<vmem>>, %arg11: memref<1040xi32, #tpu.memory_space<vmem>>, %arg12: memref<1040xi32, #tpu.memory_space<vmem>>, %arg13: memref<1040xi32, #tpu.memory_space<vmem>>, %arg14: memref<1040xi32, #tpu.memory_space<vmem>>, %arg15: memref<1040xi32, #tpu.memory_space<vmem>>, %arg16: memref<1040xi32, #tpu.memory_space<vmem>>, %arg17: memref<!tpu.dma_semaphore, #tpu.memory_space<semaphore_mem>>, %arg18: memref<!tpu.dma_semaphore, #tpu.memory_space<semaphore_mem>>, %arg19: memref<!tpu.dma_semaphore, #tpu.memory_space<semaphore_mem>>, %arg20: memref<!tpu.dma_semaphore, #tpu.memory_space<semaphore_mem>>, %arg21: memref<!tpu.dma_semaphore, #tpu.memory_space<semaphore_mem>>, %arg22: memref<!tpu.dma_semaphore, #tpu.memory_space<semaphore_mem>>, %arg23: memref<!tpu.dma_semaphore, #tpu.memory_space<semaphore_mem>>, %arg24: memref<!tpu.dma_semaphore, #tpu.memory_space<semaphore_mem>>) attributes {dimension_semantics = [#tpu.dimension_semantics<core_parallel>, #tpu.dimension_semantics<subcore_parallel>], iteration_bounds = array<i64: 2, 16>, scalar_prefetch = 0 : i64, scratch_operands = 20 : i64, tpu.core_type = #tpu.core_type<sc_vector_subcore>, window_params = [{transform_indices = #map}, {transform_indices = #map}, {transform_indices = #map1}]} {
    %mul3A = arith.constant 16 : i32
    %mul3A_0 = arith.muli %arg0, %mul3A : i32
    %add3A = arith.addi %mul3A_0, %arg1 : i32
    %mul3A_1 = arith.constant 128 : i32
    %mul3A_2 = arith.muli %add3A, %mul3A_1 : i32
    "tpu.region"() ({
      %run_scoped3A = tpu.sem_alloc : memref<!tpu.dma_semaphore, #tpu.memory_space<semaphore_mem>>
      tpu.enqueue_dma source(%arg2 : memref<16xi32, #tpu.memory_space<hbm>>) target(%arg5 : memref<16xi32, #tpu.memory_space<vmem>>) target_semaphore(%run_scoped3A : memref<!tpu.dma_semaphore, #tpu.memory_space<semaphore_mem>>)
      tpu.wait_dma2 semaphore(%run_scoped3A : memref<!tpu.dma_semaphore, #tpu.memory_space<semaphore_mem>>) src(%arg2 : memref<16xi32, #tpu.memory_space<hbm>>) dst(%arg5 : memref<16xi32, #tpu.memory_space<vmem>>)
      tpu.yield
    }) : () -> ()
    "tpu.region"() ({
      %run_scoped3A = tpu.sem_alloc : memref<!tpu.dma_semaphore, #tpu.memory_space<semaphore_mem>>
      tpu.enqueue_dma source(%arg3 : memref<4128xi32, #tpu.memory_space<hbm>>) target(%arg6 : memref<4128xi32, #tpu.memory_space<vmem>>) target_semaphore(%run_scoped3A : memref<!tpu.dma_semaphore, #tpu.memory_space<semaphore_mem>>)
      tpu.wait_dma2 semaphore(%run_scoped3A : memref<!tpu.dma_semaphore, #tpu.memory_space<semaphore_mem>>) src(%arg3 : memref<4128xi32, #tpu.memory_space<hbm>>) dst(%arg6 : memref<4128xi32, #tpu.memory_space<vmem>>)
      tpu.yield
    }) : () -> ()
    %get3A = arith.constant 0 : index
    %get3A_3 = tpu.vector_load %arg5[%get3A] {strides = array<i32>} : memref<16xi32, #tpu.memory_space<vmem>>, vector<16xi32>,
    %slice3A = vector.extract_strided_slice %get3A_3 {offsets = [0], sizes = [1], strides = [1]} : vector<16xi32> to vector<1xi32>
    %squeeze3A = vector.extract %slice3A[0] : i32 from vector<1xi32>
    %slice3A_4 = vector.extract_strided_slice %get3A_3 {offsets = [1], sizes = [1], strides = [1]} : vector<16xi32> to vector<1xi32>
    %squeeze3A_5 = vector.extract %slice3A_4[0] : i32 from vector<1xi32>
    %max3A = arith.maxsi %squeeze3A, %squeeze3A_5 : i32
    %broadcast_in_dim3A = vector.broadcast %max3A : i32 to vector<16xi32>
    %gather3A = tpu.vector_load_idx %arg6[%broadcast_in_dim3A] : memref<4128xi32, #tpu.memory_space<vmem>>[vector<16xi32>], vector<16xi32>,
    %slice3A_6 = vector.extract_strided_slice %gather3A {offsets = [0], sizes = [1], strides = [1]} : vector<16xi32> to vector<1xi32>
    %squeeze3A_7 = vector.extract %slice3A_6[0] : i32 from vector<1xi32>
    %iota3A = tpu.iota {dimensions = array<i32: 0>} : vector<16xi32>
    %scan3A = arith.constant 0 : i32
    %scan3A_8 = arith.constant 0 : i32
    %scan3A_9 = arith.constant 64 : i32
    %scan3A_10 = arith.addi %scan3A_8, %scan3A_9 : i32
    %scan3A_11 = arith.constant 1 : i32
    %scan3A_12 = scf.for %scan3A_564 = %scan3A_8 to %scan3A_10 step %scan3A_11 iter_args(%scan3A_565 = %scan3A) -> (i32)  : i32 {
      %mul3A_566 = arith.constant 16 : i32
      %mul3A_567 = arith.muli %scan3A_564, %mul3A_566 : i32
      %add3A_568 = vector.broadcast %mul3A_567 : i32 to vector<16xi32>
      %add3A_569 = arith.addi %add3A_568, %iota3A : vector<16xi32>
      %broadcast_in_dim3A_570 = arith.constant 0 : i32
      %broadcast_in_dim3A_571 = vector.broadcast %broadcast_in_dim3A_570 : i32 to vector<16xi32>
      %mul3A_572 = arith.constant 4 : i32
      %mul3A_573 = vector.broadcast %mul3A_572 : i32 to vector<16xi32>
      %mul3A_574 = arith.muli %add3A_569, %mul3A_573 : vector<16xi32>
      %add3A_575 = arith.constant 0 : i32
      %add3A_576 = vector.broadcast %add3A_575 : i32 to vector<16xi32>
      %add3A_577 = arith.addi %mul3A_574, %add3A_576 : vector<16xi32>
      %ge3A = vector.broadcast %max3A : i32 to vector<16xi32>
      %ge3A_578 = arith.cmpi sge, %add3A_577, %ge3A : vector<16xi32>
      %eq3A_579 = arith.constant 0 : i32
      %eq3A_580 = arith.cmpi eq, %squeeze3A_7, %eq3A_579 : i32
      %jit3A_581 = arith.constant 1 : i32
      %select_n3A_582 = arith.select %eq3A_580, %jit3A_581, %squeeze3A_7 : i32
      %rem3A_583 = vector.broadcast %select_n3A_582 : i32 to vector<16xi32>
      %rem3A_584 = arith.remsi %add3A_577, %rem3A_583 : vector<16xi32>
      %ne3A_585 = arith.constant 0 : i32
      %ne3A_586 = vector.broadcast %ne3A_585 : i32 to vector<16xi32>
      %ne3A_587 = arith.cmpi ne, %rem3A_584, %ne3A_586 : vector<16xi32>
      %lt3A_588 = arith.constant 0 : i32
      %lt3A_589 = vector.broadcast %lt3A_588 : i32 to vector<16xi32>
      %lt3A_590 = arith.cmpi slt, %rem3A_584, %lt3A_589 : vector<16xi32>
      %lt3A_591 = arith.constant 0 : i32
      %lt3A_592 = arith.cmpi slt, %select_n3A_582, %lt3A_591 : i32
      %ne3A_593 = vector.broadcast %lt3A_592 : i1 to vector<16xi1>
      %ne3A_594 = vector.broadcast %ne3A_593 : vector<16xi1> to vector<16xi1>
      %ne3A_595 = arith.xori %lt3A_590, %ne3A_594 : vector<16xi1>
      %and3A_596 = arith.andi %ne3A_595, %ne3A_587 : vector<16xi1>
      %add3A_597 = vector.broadcast %select_n3A_582 : i32 to vector<16xi32>
      %add3A_598 = arith.addi %rem3A_584, %add3A_597 : vector<16xi32>
      %select_n3A_599 = arith.select %and3A_596, %add3A_598, %rem3A_584 : vector<16xi1>, vector<16xi32>
      %ne3A_600 = arith.constant 0 : i32
      %ne3A_601 = vector.broadcast %ne3A_600 : i32 to vector<16xi32>
      %ne3A_602 = arith.cmpi ne, %select_n3A_599, %ne3A_601 : vector<16xi32>
      %or3A = arith.ori %ge3A_578, %ne3A_602 : vector<16xi1>
      %jit3A_603 = arith.constant 255 : i32
      %jit3A_604 = arith.constant 0 : i32
      %broadcast_in_dim3A_605 = vector.broadcast %jit3A_603 : i32 to vector<16xi32>
      %broadcast_in_dim3A_606 = vector.broadcast %jit3A_604 : i32 to vector<16xi32>
      %select_n3A_607 = arith.select %or3A, %broadcast_in_dim3A_605, %broadcast_in_dim3A_606 : vector<16xi1>, vector<16xi32>
      %or3A_608 = arith.ori %broadcast_in_dim3A_571, %select_n3A_607 : vector<16xi32>
      %mul3A_609 = arith.constant 4 : i32
      %mul3A_610 = vector.broadcast %mul3A_609 : i32 to vector<16xi32>
      %mul3A_611 = arith.muli %add3A_569, %mul3A_610 : vector<16xi32>
      %add3A_612 = arith.constant 1 : i32
      %add3A_613 = vector.broadcast %add3A_612 : i32 to vector<16xi32>
      %add3A_614 = arith.addi %mul3A_611, %add3A_613 : vector<16xi32>
      %ge3A_615 = vector.broadcast %max3A : i32 to vector<16xi32>
      %ge3A_616 = arith.cmpi sge, %add3A_614, %ge3A_615 : vector<16xi32>
      %eq3A_617 = arith.constant 0 : i32
      %eq3A_618 = arith.cmpi eq, %squeeze3A_7, %eq3A_617 : i32
      %jit3A_619 = arith.constant 1 : i32
      %select_n3A_620 = arith.select %eq3A_618, %jit3A_619, %squeeze3A_7 : i32
      %rem3A_621 = vector.broadcast %select_n3A_620 : i32 to vector<16xi32>
      %rem3A_622 = arith.remsi %add3A_614, %rem3A_621 : vector<16xi32>
      %ne3A_623 = arith.constant 0 : i32
      %ne3A_624 = vector.broadcast %ne3A_623 : i32 to vector<16xi32>
      %ne3A_625 = arith.cmpi ne, %rem3A_622, %ne3A_624 : vector<16xi32>
      %lt3A_626 = arith.constant 0 : i32
      %lt3A_627 = vector.broadcast %lt3A_626 : i32 to vector<16xi32>
      %lt3A_628 = arith.cmpi slt, %rem3A_622, %lt3A_627 : vector<16xi32>
      %lt3A_629 = arith.constant 0 : i32
      %lt3A_630 = arith.cmpi slt, %select_n3A_620, %lt3A_629 : i32
      %ne3A_631 = vector.broadcast %lt3A_630 : i1 to vector<16xi1>
      %ne3A_632 = vector.broadcast %ne3A_631 : vector<16xi1> to vector<16xi1>
      %ne3A_633 = arith.xori %lt3A_628, %ne3A_632 : vector<16xi1>
      %and3A_634 = arith.andi %ne3A_633, %ne3A_625 : vector<16xi1>
      %add3A_635 = vector.broadcast %select_n3A_620 : i32 to vector<16xi32>
      %add3A_636 = arith.addi %rem3A_622, %add3A_635 : vector<16xi32>
      %select_n3A_637 = arith.select %and3A_634, %add3A_636, %rem3A_622 : vector<16xi1>, vector<16xi32>
      %ne3A_638 = arith.constant 0 : i32
      %ne3A_639 = vector.broadcast %ne3A_638 : i32 to vector<16xi32>
      %ne3A_640 = arith.cmpi ne, %select_n3A_637, %ne3A_639 : vector<16xi32>
      %or3A_641 = arith.ori %ge3A_616, %ne3A_640 : vector<16xi1>
      %jit3A_642 = arith.constant 65280 : i32
      %jit3A_643 = arith.constant 0 : i32
      %broadcast_in_dim3A_644 = vector.broadcast %jit3A_642 : i32 to vector<16xi32>
      %broadcast_in_dim3A_645 = vector.broadcast %jit3A_643 : i32 to vector<16xi32>
      %select_n3A_646 = arith.select %or3A_641, %broadcast_in_dim3A_644, %broadcast_in_dim3A_645 : vector<16xi1>, vector<16xi32>
      %or3A_647 = arith.ori %or3A_608, %select_n3A_646 : vector<16xi32>
      %mul3A_648 = arith.constant 4 : i32
      %mul3A_649 = vector.broadcast %mul3A_648 : i32 to vector<16xi32>
      %mul3A_650 = arith.muli %add3A_569, %mul3A_649 : vector<16xi32>
      %add3A_651 = arith.constant 2 : i32
      %add3A_652 = vector.broadcast %add3A_651 : i32 to vector<16xi32>
      %add3A_653 = arith.addi %mul3A_650, %add3A_652 : vector<16xi32>
      %ge3A_654 = vector.broadcast %max3A : i32 to vector<16xi32>
      %ge3A_655 = arith.cmpi sge, %add3A_653, %ge3A_654 : vector<16xi32>
      %eq3A_656 = arith.constant 0 : i32
      %eq3A_657 = arith.cmpi eq, %squeeze3A_7, %eq3A_656 : i32
      %jit3A_658 = arith.constant 1 : i32
      %select_n3A_659 = arith.select %eq3A_657, %jit3A_658, %squeeze3A_7 : i32
      %rem3A_660 = vector.broadcast %select_n3A_659 : i32 to vector<16xi32>
      %rem3A_661 = arith.remsi %add3A_653, %rem3A_660 : vector<16xi32>
      %ne3A_662 = arith.constant 0 : i32
      %ne3A_663 = vector.broadcast %ne3A_662 : i32 to vector<16xi32>
      %ne3A_664 = arith.cmpi ne, %rem3A_661, %ne3A_663 : vector<16xi32>
      %lt3A_665 = arith.constant 0 : i32
      %lt3A_666 = vector.broadcast %lt3A_665 : i32 to vector<16xi32>
      %lt3A_667 = arith.cmpi slt, %rem3A_661, %lt3A_666 : vector<16xi32>
      %lt3A_668 = arith.constant 0 : i32
      %lt3A_669 = arith.cmpi slt, %select_n3A_659, %lt3A_668 : i32
      %ne3A_670 = vector.broadcast %lt3A_669 : i1 to vector<16xi1>
      %ne3A_671 = vector.broadcast %ne3A_670 : vector<16xi1> to vector<16xi1>
      %ne3A_672 = arith.xori %lt3A_667, %ne3A_671 : vector<16xi1>
      %and3A_673 = arith.andi %ne3A_672, %ne3A_664 : vector<16xi1>
      %add3A_674 = vector.broadcast %select_n3A_659 : i32 to vector<16xi32>
      %add3A_675 = arith.addi %rem3A_661, %add3A_674 : vector<16xi32>
      %select_n3A_676 = arith.select %and3A_673, %add3A_675, %rem3A_661 : vector<16xi1>, vector<16xi32>
      %ne3A_677 = arith.constant 0 : i32
      %ne3A_678 = vector.broadcast %ne3A_677 : i32 to vector<16xi32>
      %ne3A_679 = arith.cmpi ne, %select_n3A_676, %ne3A_678 : vector<16xi32>
      %or3A_680 = arith.ori %ge3A_655, %ne3A_679 : vector<16xi1>
      %jit3A_681 = arith.constant 16711680 : i32
      %jit3A_682 = arith.constant 0 : i32
      %broadcast_in_dim3A_683 = vector.broadcast %jit3A_681 : i32 to vector<16xi32>
      %broadcast_in_dim3A_684 = vector.broadcast %jit3A_682 : i32 to vector<16xi32>
      %select_n3A_685 = arith.select %or3A_680, %broadcast_in_dim3A_683, %broadcast_in_dim3A_684 : vector<16xi1>, vector<16xi32>
      %or3A_686 = arith.ori %or3A_647, %select_n3A_685 : vector<16xi32>
      %mul3A_687 = arith.constant 4 : i32
      %mul3A_688 = vector.broadcast %mul3A_687 : i32 to vector<16xi32>
      %mul3A_689 = arith.muli %add3A_569, %mul3A_688 : vector<16xi32>
      %add3A_690 = arith.constant 3 : i32
      %add3A_691 = vector.broadcast %add3A_690 : i32 to vector<16xi32>
      %add3A_692 = arith.addi %mul3A_689, %add3A_691 : vector<16xi32>
      %ge3A_693 = vector.broadcast %max3A : i32 to vector<16xi32>
      %ge3A_694 = arith.cmpi sge, %add3A_692, %ge3A_693 : vector<16xi32>
      %eq3A_695 = arith.constant 0 : i32
      %eq3A_696 = arith.cmpi eq, %squeeze3A_7, %eq3A_695 : i32
      %jit3A_697 = arith.constant 1 : i32
      %select_n3A_698 = arith.select %eq3A_696, %jit3A_697, %squeeze3A_7 : i32
      %rem3A_699 = vector.broadcast %select_n3A_698 : i32 to vector<16xi32>
      %rem3A_700 = arith.remsi %add3A_692, %rem3A_699 : vector<16xi32>
      %ne3A_701 = arith.constant 0 : i32
      %ne3A_702 = vector.broadcast %ne3A_701 : i32 to vector<16xi32>
      %ne3A_703 = arith.cmpi ne, %rem3A_700, %ne3A_702 : vector<16xi32>
      %lt3A_704 = arith.constant 0 : i32
      %lt3A_705 = vector.broadcast %lt3A_704 : i32 to vector<16xi32>
      %lt3A_706 = arith.cmpi slt, %rem3A_700, %lt3A_705 : vector<16xi32>
      %lt3A_707 = arith.constant 0 : i32
      %lt3A_708 = arith.cmpi slt, %select_n3A_698, %lt3A_707 : i32
      %ne3A_709 = vector.broadcast %lt3A_708 : i1 to vector<16xi1>
      %ne3A_710 = vector.broadcast %ne3A_709 : vector<16xi1> to vector<16xi1>
      %ne3A_711 = arith.xori %lt3A_706, %ne3A_710 : vector<16xi1>
      %and3A_712 = arith.andi %ne3A_711, %ne3A_703 : vector<16xi1>
      %add3A_713 = vector.broadcast %select_n3A_698 : i32 to vector<16xi32>
      %add3A_714 = arith.addi %rem3A_700, %add3A_713 : vector<16xi32>
      %select_n3A_715 = arith.select %and3A_712, %add3A_714, %rem3A_700 : vector<16xi1>, vector<16xi32>
      %ne3A_716 = arith.constant 0 : i32
      %ne3A_717 = vector.broadcast %ne3A_716 : i32 to vector<16xi32>
      %ne3A_718 = arith.cmpi ne, %select_n3A_715, %ne3A_717 : vector<16xi32>
      %or3A_719 = arith.ori %ge3A_694, %ne3A_718 : vector<16xi1>
      %jit3A_720 = arith.constant -16777216 : i32
      %jit3A_721 = arith.constant 0 : i32
      %broadcast_in_dim3A_722 = vector.broadcast %jit3A_720 : i32 to vector<16xi32>
      %broadcast_in_dim3A_723 = vector.broadcast %jit3A_721 : i32 to vector<16xi32>
      %select_n3A_724 = arith.select %or3A_719, %broadcast_in_dim3A_722, %broadcast_in_dim3A_723 : vector<16xi1>, vector<16xi32>
      %or3A_725 = arith.ori %or3A_686, %select_n3A_724 : vector<16xi32>
      %mul3A_726 = arith.constant 16 : i32
      %mul3A_727 = arith.muli %scan3A_564, %mul3A_726 : i32
      %swap3A_728 = arith.index_cast %mul3A_727 : i32 to index
      %swap3A_729 = tpu.vector_load %arg7[%swap3A_728] {strides = array<i32>} : memref<1040xi32, #tpu.memory_space<vmem>>, vector<16xi32>,
      tpu.vector_store %arg7[%swap3A_728], %or3A_725 {strides = array<i32>} : memref<1040xi32, #tpu.memory_space<vmem>>, vector<16xi32>,
      %broadcast_in_dim3A_730 = arith.constant 0 : i32
      %broadcast_in_dim3A_731 = vector.broadcast %broadcast_in_dim3A_730 : i32 to vector<16xi32>
      %mul3A_732 = arith.constant 16 : i32
      %mul3A_733 = arith.muli %scan3A_564, %mul3A_732 : i32
      %swap3A_734 = arith.index_cast %mul3A_733 : i32 to index
      %swap3A_735 = tpu.vector_load %arg8[%swap3A_734] {strides = array<i32>} : memref<1024xi32, #tpu.memory_space<vmem>>, vector<16xi32>,
      tpu.vector_store %arg8[%swap3A_734], %broadcast_in_dim3A_731 {strides = array<i32>} : memref<1024xi32, #tpu.memory_space<vmem>>, vector<16xi32>,
      %scan3A_736 = arith.constant 0 : i32
      scf.yield %scan3A_736 : i32
    }
    %scan3A_13 = arith.constant 64 : i32
    %broadcast_in_dim3A_14 = arith.constant 0 : i32
    %broadcast_in_dim3A_15 = vector.broadcast %broadcast_in_dim3A_14 : i32 to vector<16xi32>
    %swap3A = arith.constant 1024 : index
    %swap3A_16 = tpu.vector_load %arg7[%swap3A] {strides = array<i32>} : memref<1040xi32, #tpu.memory_space<vmem>>, vector<16xi32>,
    tpu.vector_store %arg7[%swap3A], %broadcast_in_dim3A_15 {strides = array<i32>} : memref<1040xi32, #tpu.memory_space<vmem>>, vector<16xi32>,
    %add3A_17 = arith.constant 0 : i32
    %add3A_18 = arith.addi %mul3A_2, %add3A_17 : i32
    %sub3A = arith.constant 128 : i32
    %sub3A_19 = arith.subi %add3A_18, %sub3A : i32
    %max3A_20 = arith.constant 0 : i32
    %max3A_21 = arith.maxsi %max3A_20, %sub3A_19 : i32
    %scan3A_22 = arith.constant 0 : i32
    %scan3A_23 = arith.constant 0 : i32
    %scan3A_24 = arith.constant 65 : i32
    %scan3A_25 = arith.addi %scan3A_23, %scan3A_24 : i32
    %scan3A_26 = arith.constant 1 : i32
    %scan3A_27 = scf.for %scan3A_564 = %scan3A_23 to %scan3A_25 step %scan3A_26 iter_args(%scan3A_565 = %scan3A_22) -> (i32)  : i32 {
      %mul3A_566 = arith.constant 16 : i32
      %mul3A_567 = arith.muli %scan3A_564, %mul3A_566 : i32
      %add3A_568 = vector.broadcast %mul3A_567 : i32 to vector<16xi32>
      %add3A_569 = arith.addi %add3A_568, %iota3A : vector<16xi32>
      %mul3A_570 = arith.constant 16 : i32
      %mul3A_571 = arith.muli %scan3A_564, %mul3A_570 : i32
      %get3A_572 = arith.index_cast %mul3A_571 : i32 to index
      %get3A_573 = tpu.vector_load %arg7[%get3A_572] {strides = array<i32>} : memref<1040xi32, #tpu.memory_space<vmem>>, vector<16xi32>,
      %broadcast_in_dim3A_574 = arith.constant 0 : i32
      %broadcast_in_dim3A_575 = vector.broadcast %broadcast_in_dim3A_574 : i32 to vector<16xi32>
      %mul3A_576 = arith.constant 4 : i32
      %mul3A_577 = vector.broadcast %mul3A_576 : i32 to vector<16xi32>
      %mul3A_578 = arith.muli %add3A_569, %mul3A_577 : vector<16xi32>
      %add3A_579 = arith.constant 0 : i32
      %add3A_580 = vector.broadcast %add3A_579 : i32 to vector<16xi32>
      %add3A_581 = arith.addi %mul3A_578, %add3A_580 : vector<16xi32>
      %ge3A = vector.broadcast %max3A_21 : i32 to vector<16xi32>
      %ge3A_582 = arith.cmpi sge, %add3A_581, %ge3A : vector<16xi32>
      %le3A = vector.broadcast %add3A_18 : i32 to vector<16xi32>
      %le3A_583 = arith.cmpi sle, %add3A_581, %le3A : vector<16xi32>
      %and3A_584 = arith.andi %ge3A_582, %le3A_583 : vector<16xi1>
      %jit3A_585 = arith.constant 255 : i32
      %jit3A_586 = arith.constant 0 : i32
      %broadcast_in_dim3A_587 = vector.broadcast %jit3A_585 : i32 to vector<16xi32>
      %broadcast_in_dim3A_588 = vector.broadcast %jit3A_586 : i32 to vector<16xi32>
      %select_n3A_589 = arith.select %and3A_584, %broadcast_in_dim3A_587, %broadcast_in_dim3A_588 : vector<16xi1>, vector<16xi32>
      %or3A = arith.ori %broadcast_in_dim3A_575, %select_n3A_589 : vector<16xi32>
      %mul3A_590 = arith.constant 4 : i32
      %mul3A_591 = vector.broadcast %mul3A_590 : i32 to vector<16xi32>
      %mul3A_592 = arith.muli %add3A_569, %mul3A_591 : vector<16xi32>
      %add3A_593 = arith.constant 1 : i32
      %add3A_594 = vector.broadcast %add3A_593 : i32 to vector<16xi32>
      %add3A_595 = arith.addi %mul3A_592, %add3A_594 : vector<16xi32>
      %ge3A_596 = vector.broadcast %max3A_21 : i32 to vector<16xi32>
      %ge3A_597 = arith.cmpi sge, %add3A_595, %ge3A_596 : vector<16xi32>
      %le3A_598 = vector.broadcast %add3A_18 : i32 to vector<16xi32>
      %le3A_599 = arith.cmpi sle, %add3A_595, %le3A_598 : vector<16xi32>
      %and3A_600 = arith.andi %ge3A_597, %le3A_599 : vector<16xi1>
      %jit3A_601 = arith.constant 65280 : i32
      %jit3A_602 = arith.constant 0 : i32
      %broadcast_in_dim3A_603 = vector.broadcast %jit3A_601 : i32 to vector<16xi32>
      %broadcast_in_dim3A_604 = vector.broadcast %jit3A_602 : i32 to vector<16xi32>
      %select_n3A_605 = arith.select %and3A_600, %broadcast_in_dim3A_603, %broadcast_in_dim3A_604 : vector<16xi1>, vector<16xi32>
      %or3A_606 = arith.ori %or3A, %select_n3A_605 : vector<16xi32>
      %mul3A_607 = arith.constant 4 : i32
      %mul3A_608 = vector.broadcast %mul3A_607 : i32 to vector<16xi32>
      %mul3A_609 = arith.muli %add3A_569, %mul3A_608 : vector<16xi32>
      %add3A_610 = arith.constant 2 : i32
      %add3A_611 = vector.broadcast %add3A_610 : i32 to vector<16xi32>
      %add3A_612 = arith.addi %mul3A_609, %add3A_611 : vector<16xi32>
      %ge3A_613 = vector.broadcast %max3A_21 : i32 to vector<16xi32>
      %ge3A_614 = arith.cmpi sge, %add3A_612, %ge3A_613 : vector<16xi32>
      %le3A_615 = vector.broadcast %add3A_18 : i32 to vector<16xi32>
      %le3A_616 = arith.cmpi sle, %add3A_612, %le3A_615 : vector<16xi32>
      %and3A_617 = arith.andi %ge3A_614, %le3A_616 : vector<16xi1>
      %jit3A_618 = arith.constant 16711680 : i32
      %jit3A_619 = arith.constant 0 : i32
      %broadcast_in_dim3A_620 = vector.broadcast %jit3A_618 : i32 to vector<16xi32>
      %broadcast_in_dim3A_621 = vector.broadcast %jit3A_619 : i32 to vector<16xi32>
      %select_n3A_622 = arith.select %and3A_617, %broadcast_in_dim3A_620, %broadcast_in_dim3A_621 : vector<16xi1>, vector<16xi32>
      %or3A_623 = arith.ori %or3A_606, %select_n3A_622 : vector<16xi32>
      %mul3A_624 = arith.constant 4 : i32
      %mul3A_625 = vector.broadcast %mul3A_624 : i32 to vector<16xi32>
      %mul3A_626 = arith.muli %add3A_569, %mul3A_625 : vector<16xi32>
      %add3A_627 = arith.constant 3 : i32
      %add3A_628 = vector.broadcast %add3A_627 : i32 to vector<16xi32>
      %add3A_629 = arith.addi %mul3A_626, %add3A_628 : vector<16xi32>
      %ge3A_630 = vector.broadcast %max3A_21 : i32 to vector<16xi32>
      %ge3A_631 = arith.cmpi sge, %add3A_629, %ge3A_630 : vector<16xi32>
      %le3A_632 = vector.broadcast %add3A_18 : i32 to vector<16xi32>
      %le3A_633 = arith.cmpi sle, %add3A_629, %le3A_632 : vector<16xi32>
      %and3A_634 = arith.andi %ge3A_631, %le3A_633 : vector<16xi1>
      %jit3A_635 = arith.constant -16777216 : i32
      %jit3A_636 = arith.constant 0 : i32
      %broadcast_in_dim3A_637 = vector.broadcast %jit3A_635 : i32 to vector<16xi32>
      %broadcast_in_dim3A_638 = vector.broadcast %jit3A_636 : i32 to vector<16xi32>
      %select_n3A_639 = arith.select %and3A_634, %broadcast_in_dim3A_637, %broadcast_in_dim3A_638 : vector<16xi1>, vector<16xi32>
      %or3A_640 = arith.ori %or3A_623, %select_n3A_639 : vector<16xi32>
      %not3A_641 = arith.constant dense<-1> : vector<16xi32>
      %not3A_642 = arith.xori %or3A_640, %not3A_641 : vector<16xi32>
      %and3A_643 = arith.andi %get3A_573, %not3A_642 : vector<16xi32>
      %mul3A_644 = arith.constant 16 : i32
      %mul3A_645 = arith.muli %scan3A_564, %mul3A_644 : i32
      %swap3A_646 = arith.index_cast %mul3A_645 : i32 to index
      %swap3A_647 = tpu.vector_load %arg9[%swap3A_646] {strides = array<i32>} : memref<1040xi32, #tpu.memory_space<vmem>>, vector<16xi32>,
      tpu.vector_store %arg9[%swap3A_646], %and3A_643 {strides = array<i32>} : memref<1040xi32, #tpu.memory_space<vmem>>, vector<16xi32>,
      %scan3A_648 = arith.constant 0 : i32
      scf.yield %scan3A_648 : i32
    }
    %scan3A_28 = arith.constant 65 : i32
    %lt3A = arith.cmpi slt, %add3A_18, %max3A : i32
    %eq3A = arith.constant 0 : i32
    %eq3A_29 = arith.cmpi eq, %squeeze3A_7, %eq3A : i32
    %jit3A = arith.constant 1 : i32
    %select_n3A = arith.select %eq3A_29, %jit3A, %squeeze3A_7 : i32
    %rem3A = arith.remsi %add3A_18, %select_n3A : i32
    %ne3A = arith.constant 0 : i32
    %ne3A_30 = arith.cmpi ne, %rem3A, %ne3A : i32
    %lt3A_31 = arith.constant 0 : i32
    %lt3A_32 = arith.cmpi slt, %rem3A, %lt3A_31 : i32
    %lt3A_33 = arith.constant 0 : i32
    %lt3A_34 = arith.cmpi slt, %select_n3A, %lt3A_33 : i32
    %ne3A_35 = arith.xori %lt3A_32, %lt3A_34 : i1
    %and3A = arith.andi %ne3A_35, %ne3A_30 : i1
    %add3A_36 = arith.addi %rem3A, %select_n3A : i32
    %select_n3A_37 = arith.select %and3A, %add3A_36, %rem3A : i32
    %eq3A_38 = arith.constant 0 : i32
    %eq3A_39 = arith.cmpi eq, %select_n3A_37, %eq3A_38 : i32
    %and3A_40 = arith.andi %lt3A, %eq3A_39 : i1
    %convert_element_type3A = arith.extui %and3A_40 : i1 to i32
    %cond3A = arith.constant 0 : i32
    %cond3A_41 = arith.cmpi ne, %convert_element_type3A, %cond3A : i32
    scf.if %cond3A_41 {
      %dma_start3A = arith.constant 0 : i32
      %dma_start3A_564 = tpu.memref_slice %arg4[%add3A_18, %dma_start3A] : memref<4096x1024xi32, #tpu.memory_space<hbm>> -> memref<1x1024xi32, #tpu.memory_space<hbm>>
      %dma_start3A_565 = tpu.memref_squeeze %dma_start3A_564 : memref<1x1024xi32, #tpu.memory_space<hbm>> -> memref<1024xi32, #tpu.memory_space<hbm>>
      %dma_start3A_566 = arith.constant 0 : i32
      %dma_start3A_567 = tpu.memref_slice %arg4[%add3A_18, %dma_start3A_566] : memref<4096x1024xi32, #tpu.memory_space<hbm>> -> memref<1x1024xi32, #tpu.memory_space<hbm>>
      %dma_start3A_568 = tpu.memref_squeeze %dma_start3A_567 : memref<1x1024xi32, #tpu.memory_space<hbm>> -> memref<1024xi32, #tpu.memory_space<hbm>>
      tpu.enqueue_dma source(%arg8 : memref<1024xi32, #tpu.memory_space<vmem>>) target(%dma_start3A_568 : memref<1024xi32, #tpu.memory_space<hbm>>) target_semaphore(%arg17 : memref<!tpu.dma_semaphore, #tpu.memory_space<semaphore_mem>>)
    } else {
    }
    %lt3A_42 = arith.cmpi slt, %add3A_18, %max3A : i32
    %eq3A_43 = arith.constant 0 : i32
    %eq3A_44 = arith.cmpi eq, %squeeze3A_7, %eq3A_43 : i32
    %jit3A_45 = arith.constant 1 : i32
    %select_n3A_46 = arith.select %eq3A_44, %jit3A_45, %squeeze3A_7 : i32
    %rem3A_47 = arith.remsi %add3A_18, %select_n3A_46 : i32
    %ne3A_48 = arith.constant 0 : i32
    %ne3A_49 = arith.cmpi ne, %rem3A_47, %ne3A_48 : i32
    %lt3A_50 = arith.constant 0 : i32
    %lt3A_51 = arith.cmpi slt, %rem3A_47, %lt3A_50 : i32
    %lt3A_52 = arith.constant 0 : i32
    %lt3A_53 = arith.cmpi slt, %select_n3A_46, %lt3A_52 : i32
    %ne3A_54 = arith.xori %lt3A_51, %lt3A_53 : i1
    %and3A_55 = arith.andi %ne3A_54, %ne3A_49 : i1
    %add3A_56 = arith.addi %rem3A_47, %select_n3A_46 : i32
    %select_n3A_57 = arith.select %and3A_55, %add3A_56, %rem3A_47 : i32
    %eq3A_58 = arith.constant 0 : i32
    %eq3A_59 = arith.cmpi eq, %select_n3A_57, %eq3A_58 : i32
    %and3A_60 = arith.andi %lt3A_42, %eq3A_59 : i1
    %not3A = arith.constant true
    %not3A_61 = arith.xori %and3A_60, %not3A : i1
    %convert_element_type3A_62 = arith.extui %not3A_61 : i1 to i32
    %cond3A_63 = arith.constant 0 : i32
    %cond3A_64 = arith.cmpi ne, %convert_element_type3A_62, %cond3A_63 : i32
    scf.if %cond3A_64 {
      %dma_start3A = arith.constant 0 : i32
      %dma_start3A_564 = tpu.memref_slice %arg9[%dma_start3A] : memref<1040xi32, #tpu.memory_space<vmem>> -> memref<1024xi32, #tpu.memory_space<vmem>>
      %dma_start3A_565 = arith.constant 0 : i32
      %dma_start3A_566 = tpu.memref_slice %arg4[%add3A_18, %dma_start3A_565] : memref<4096x1024xi32, #tpu.memory_space<hbm>> -> memref<1x1024xi32, #tpu.memory_space<hbm>>
      %dma_start3A_567 = tpu.memref_squeeze %dma_start3A_566 : memref<1x1024xi32, #tpu.memory_space<hbm>> -> memref<1024xi32, #tpu.memory_space<hbm>>
      %dma_start3A_568 = arith.constant 0 : i32
      %dma_start3A_569 = tpu.memref_slice %arg4[%add3A_18, %dma_start3A_568] : memref<4096x1024xi32, #tpu.memory_space<hbm>> -> memref<1x1024xi32, #tpu.memory_space<hbm>>
      %dma_start3A_570 = tpu.memref_squeeze %dma_start3A_569 : memref<1x1024xi32, #tpu.memory_space<hbm>> -> memref<1024xi32, #tpu.memory_space<hbm>>
      %dma_start3A_571 = arith.constant 0 : i32
      %dma_start3A_572 = tpu.memref_slice %arg9[%dma_start3A_571] : memref<1040xi32, #tpu.memory_space<vmem>> -> memref<1024xi32, #tpu.memory_space<vmem>>
      tpu.enqueue_dma source(%dma_start3A_572 : memref<1024xi32, #tpu.memory_space<vmem>>) target(%dma_start3A_570 : memref<1024xi32, #tpu.memory_space<hbm>>) target_semaphore(%arg17 : memref<!tpu.dma_semaphore, #tpu.memory_space<semaphore_mem>>)
    } else {
    }
    %add3A_65 = arith.constant 1 : i32
    %add3A_66 = arith.addi %mul3A_2, %add3A_65 : i32
    %sub3A_67 = arith.constant 128 : i32
    %sub3A_68 = arith.subi %add3A_66, %sub3A_67 : i32
    %max3A_69 = arith.constant 0 : i32
    %max3A_70 = arith.maxsi %max3A_69, %sub3A_68 : i32
    %scan3A_71 = arith.constant 0 : i32
    %scan3A_72 = arith.constant 0 : i32
    %scan3A_73 = arith.constant 65 : i32
    %scan3A_74 = arith.addi %scan3A_72, %scan3A_73 : i32
    %scan3A_75 = arith.constant 1 : i32
    %scan3A_76 = scf.for %scan3A_564 = %scan3A_72 to %scan3A_74 step %scan3A_75 iter_args(%scan3A_565 = %scan3A_71) -> (i32)  : i32 {
      %mul3A_566 = arith.constant 16 : i32
      %mul3A_567 = arith.muli %scan3A_564, %mul3A_566 : i32
      %add3A_568 = vector.broadcast %mul3A_567 : i32 to vector<16xi32>
      %add3A_569 = arith.addi %add3A_568, %iota3A : vector<16xi32>
      %mul3A_570 = arith.constant 16 : i32
      %mul3A_571 = arith.muli %scan3A_564, %mul3A_570 : i32
      %get3A_572 = arith.index_cast %mul3A_571 : i32 to index
      %get3A_573 = tpu.vector_load %arg7[%get3A_572] {strides = array<i32>} : memref<1040xi32, #tpu.memory_space<vmem>>, vector<16xi32>,
      %broadcast_in_dim3A_574 = arith.constant 0 : i32
      %broadcast_in_dim3A_575 = vector.broadcast %broadcast_in_dim3A_574 : i32 to vector<16xi32>
      %mul3A_576 = arith.constant 4 : i32
      %mul3A_577 = vector.broadcast %mul3A_576 : i32 to vector<16xi32>
      %mul3A_578 = arith.muli %add3A_569, %mul3A_577 : vector<16xi32>
      %add3A_579 = arith.constant 0 : i32
      %add3A_580 = vector.broadcast %add3A_579 : i32 to vector<16xi32>
      %add3A_581 = arith.addi %mul3A_578, %add3A_580 : vector<16xi32>
      %ge3A = vector.broadcast %max3A_70 : i32 to vector<16xi32>
      %ge3A_582 = arith.cmpi sge, %add3A_581, %ge3A : vector<16xi32>
      %le3A = vector.broadcast %add3A_66 : i32 to vector<16xi32>
      %le3A_583 = arith.cmpi sle, %add3A_581, %le3A : vector<16xi32>
      %and3A_584 = arith.andi %ge3A_582, %le3A_583 : vector<16xi1>
      %jit3A_585 = arith.constant 255 : i32
      %jit3A_586 = arith.constant 0 : i32
      %broadcast_in_dim3A_587 = vector.broadcast %jit3A_585 : i32 to vector<16xi32>
      %broadcast_in_dim3A_588 = vector.broadcast %jit3A_586 : i32 to vector<16xi32>
      %select_n3A_589 = arith.select %and3A_584, %broadcast_in_dim3A_587, %broadcast_in_dim3A_588 : vector<16xi1>, vector<16xi32>
      %or3A = arith.ori %broadcast_in_dim3A_575, %select_n3A_589 : vector<16xi32>
      %mul3A_590 = arith.constant 4 : i32
      %mul3A_591 = vector.broadcast %mul3A_590 : i32 to vector<16xi32>
      %mul3A_592 = arith.muli %add3A_569, %mul3A_591 : vector<16xi32>
      %add3A_593 = arith.constant 1 : i32
      %add3A_594 = vector.broadcast %add3A_593 : i32 to vector<16xi32>
      %add3A_595 = arith.addi %mul3A_592, %add3A_594 : vector<16xi32>
      %ge3A_596 = vector.broadcast %max3A_70 : i32 to vector<16xi32>
      %ge3A_597 = arith.cmpi sge, %add3A_595, %ge3A_596 : vector<16xi32>
      %le3A_598 = vector.broadcast %add3A_66 : i32 to vector<16xi32>
      %le3A_599 = arith.cmpi sle, %add3A_595, %le3A_598 : vector<16xi32>
      %and3A_600 = arith.andi %ge3A_597, %le3A_599 : vector<16xi1>
      %jit3A_601 = arith.constant 65280 : i32
      %jit3A_602 = arith.constant 0 : i32
      %broadcast_in_dim3A_603 = vector.broadcast %jit3A_601 : i32 to vector<16xi32>
      %broadcast_in_dim3A_604 = vector.broadcast %jit3A_602 : i32 to vector<16xi32>
      %select_n3A_605 = arith.select %and3A_600, %broadcast_in_dim3A_603, %broadcast_in_dim3A_604 : vector<16xi1>, vector<16xi32>
      %or3A_606 = arith.ori %or3A, %select_n3A_605 : vector<16xi32>
      %mul3A_607 = arith.constant 4 : i32
      %mul3A_608 = vector.broadcast %mul3A_607 : i32 to vector<16xi32>
      %mul3A_609 = arith.muli %add3A_569, %mul3A_608 : vector<16xi32>
      %add3A_610 = arith.constant 2 : i32
      %add3A_611 = vector.broadcast %add3A_610 : i32 to vector<16xi32>
      %add3A_612 = arith.addi %mul3A_609, %add3A_611 : vector<16xi32>
      %ge3A_613 = vector.broadcast %max3A_70 : i32 to vector<16xi32>
      %ge3A_614 = arith.cmpi sge, %add3A_612, %ge3A_613 : vector<16xi32>
      %le3A_615 = vector.broadcast %add3A_66 : i32 to vector<16xi32>
      %le3A_616 = arith.cmpi sle, %add3A_612, %le3A_615 : vector<16xi32>
      %and3A_617 = arith.andi %ge3A_614, %le3A_616 : vector<16xi1>
      %jit3A_618 = arith.constant 16711680 : i32
      %jit3A_619 = arith.constant 0 : i32
      %broadcast_in_dim3A_620 = vector.broadcast %jit3A_618 : i32 to vector<16xi32>
      %broadcast_in_dim3A_621 = vector.broadcast %jit3A_619 : i32 to vector<16xi32>
      %select_n3A_622 = arith.select %and3A_617, %broadcast_in_dim3A_620, %broadcast_in_dim3A_621 : vector<16xi1>, vector<16xi32>
      %or3A_623 = arith.ori %or3A_606, %select_n3A_622 : vector<16xi32>
      %mul3A_624 = arith.constant 4 : i32
      %mul3A_625 = vector.broadcast %mul3A_624 : i32 to vector<16xi32>
      %mul3A_626 = arith.muli %add3A_569, %mul3A_625 : vector<16xi32>
      %add3A_627 = arith.constant 3 : i32
      %add3A_628 = vector.broadcast %add3A_627 : i32 to vector<16xi32>
      %add3A_629 = arith.addi %mul3A_626, %add3A_628 : vector<16xi32>
      %ge3A_630 = vector.broadcast %max3A_70 : i32 to vector<16xi32>
      %ge3A_631 = arith.cmpi sge, %add3A_629, %ge3A_630 : vector<16xi32>
      %le3A_632 = vector.broadcast %add3A_66 : i32 to vector<16xi32>
      %le3A_633 = arith.cmpi sle, %add3A_629, %le3A_632 : vector<16xi32>
      %and3A_634 = arith.andi %ge3A_631, %le3A_633 : vector<16xi1>
      %jit3A_635 = arith.constant -16777216 : i32
      %jit3A_636 = arith.constant 0 : i32
      %broadcast_in_dim3A_637 = vector.broadcast %jit3A_635 : i32 to vector<16xi32>
      %broadcast_in_dim3A_638 = vector.broadcast %jit3A_636 : i32 to vector<16xi32>
      %select_n3A_639 = arith.select %and3A_634, %broadcast_in_dim3A_637, %broadcast_in_dim3A_638 : vector<16xi1>, vector<16xi32>
      %or3A_640 = arith.ori %or3A_623, %select_n3A_639 : vector<16xi32>
      %not3A_641 = arith.constant dense<-1> : vector<16xi32>
      %not3A_642 = arith.xori %or3A_640, %not3A_641 : vector<16xi32>
      %and3A_643 = arith.andi %get3A_573, %not3A_642 : vector<16xi32>
      %mul3A_644 = arith.constant 16 : i32
      %mul3A_645 = arith.muli %scan3A_564, %mul3A_644 : i32
      %swap3A_646 = arith.index_cast %mul3A_645 : i32 to index
      %swap3A_647 = tpu.vector_load %arg10[%swap3A_646] {strides = array<i32>} : memref<1040xi32, #tpu.memory_space<vmem>>, vector<16xi32>,
      tpu.vector_store %arg10[%swap3A_646], %and3A_643 {strides = array<i32>} : memref<1040xi32, #tpu.memory_space<vmem>>, vector<16xi32>,
      %scan3A_648 = arith.constant 0 : i32
      scf.yield %scan3A_648 : i32
    }
    %scan3A_77 = arith.constant 65 : i32
    %lt3A_78 = arith.cmpi slt, %add3A_66, %max3A : i32
    %eq3A_79 = arith.constant 0 : i32
    %eq3A_80 = arith.cmpi eq, %squeeze3A_7, %eq3A_79 : i32
    %jit3A_81 = arith.constant 1 : i32
    %select_n3A_82 = arith.select %eq3A_80, %jit3A_81, %squeeze3A_7 : i32
    %rem3A_83 = arith.remsi %add3A_66, %select_n3A_82 : i32
    %ne3A_84 = arith.constant 0 : i32
    %ne3A_85 = arith.cmpi ne, %rem3A_83, %ne3A_84 : i32
    %lt3A_86 = arith.constant 0 : i32
    %lt3A_87 = arith.cmpi slt, %rem3A_83, %lt3A_86 : i32
    %lt3A_88 = arith.constant 0 : i32
    %lt3A_89 = arith.cmpi slt, %select_n3A_82, %lt3A_88 : i32
    %ne3A_90 = arith.xori %lt3A_87, %lt3A_89 : i1
    %and3A_91 = arith.andi %ne3A_90, %ne3A_85 : i1
    %add3A_92 = arith.addi %rem3A_83, %select_n3A_82 : i32
    %select_n3A_93 = arith.select %and3A_91, %add3A_92, %rem3A_83 : i32
    %eq3A_94 = arith.constant 0 : i32
    %eq3A_95 = arith.cmpi eq, %select_n3A_93, %eq3A_94 : i32
    %and3A_96 = arith.andi %lt3A_78, %eq3A_95 : i1
    %convert_element_type3A_97 = arith.extui %and3A_96 : i1 to i32
    %cond3A_98 = arith.constant 0 : i32
    %cond3A_99 = arith.cmpi ne, %convert_element_type3A_97, %cond3A_98 : i32
    scf.if %cond3A_99 {
      %dma_start3A = arith.constant 0 : i32
      %dma_start3A_564 = tpu.memref_slice %arg4[%add3A_66, %dma_start3A] : memref<4096x1024xi32, #tpu.memory_space<hbm>> -> memref<1x1024xi32, #tpu.memory_space<hbm>>
      %dma_start3A_565 = tpu.memref_squeeze %dma_start3A_564 : memref<1x1024xi32, #tpu.memory_space<hbm>> -> memref<1024xi32, #tpu.memory_space<hbm>>
      %dma_start3A_566 = arith.constant 0 : i32
      %dma_start3A_567 = tpu.memref_slice %arg4[%add3A_66, %dma_start3A_566] : memref<4096x1024xi32, #tpu.memory_space<hbm>> -> memref<1x1024xi32, #tpu.memory_space<hbm>>
      %dma_start3A_568 = tpu.memref_squeeze %dma_start3A_567 : memref<1x1024xi32, #tpu.memory_space<hbm>> -> memref<1024xi32, #tpu.memory_space<hbm>>
      tpu.enqueue_dma source(%arg8 : memref<1024xi32, #tpu.memory_space<vmem>>) target(%dma_start3A_568 : memref<1024xi32, #tpu.memory_space<hbm>>) target_semaphore(%arg18 : memref<!tpu.dma_semaphore, #tpu.memory_space<semaphore_mem>>)
    } else {
    }
    %lt3A_100 = arith.cmpi slt, %add3A_66, %max3A : i32
    %eq3A_101 = arith.constant 0 : i32
    %eq3A_102 = arith.cmpi eq, %squeeze3A_7, %eq3A_101 : i32
    %jit3A_103 = arith.constant 1 : i32
    %select_n3A_104 = arith.select %eq3A_102, %jit3A_103, %squeeze3A_7 : i32
    %rem3A_105 = arith.remsi %add3A_66, %select_n3A_104 : i32
    %ne3A_106 = arith.constant 0 : i32
    %ne3A_107 = arith.cmpi ne, %rem3A_105, %ne3A_106 : i32
    %lt3A_108 = arith.constant 0 : i32
    %lt3A_109 = arith.cmpi slt, %rem3A_105, %lt3A_108 : i32
    %lt3A_110 = arith.constant 0 : i32
    %lt3A_111 = arith.cmpi slt, %select_n3A_104, %lt3A_110 : i32
    %ne3A_112 = arith.xori %lt3A_109, %lt3A_111 : i1
    %and3A_113 = arith.andi %ne3A_112, %ne3A_107 : i1
    %add3A_114 = arith.addi %rem3A_105, %select_n3A_104 : i32
    %select_n3A_115 = arith.select %and3A_113, %add3A_114, %rem3A_105 : i32
    %eq3A_116 = arith.constant 0 : i32
    %eq3A_117 = arith.cmpi eq, %select_n3A_115, %eq3A_116 : i32
    %and3A_118 = arith.andi %lt3A_100, %eq3A_117 : i1
    %not3A_119 = arith.constant true
    %not3A_120 = arith.xori %and3A_118, %not3A_119 : i1
    %convert_element_type3A_121 = arith.extui %not3A_120 : i1 to i32
    %cond3A_122 = arith.constant 0 : i32
    %cond3A_123 = arith.cmpi ne, %convert_element_type3A_121, %cond3A_122 : i32
    scf.if %cond3A_123 {
      %dma_start3A = arith.constant 0 : i32
      %dma_start3A_564 = tpu.memref_slice %arg10[%dma_start3A] : memref<1040xi32, #tpu.memory_space<vmem>> -> memref<1024xi32, #tpu.memory_space<vmem>>
      %dma_start3A_565 = arith.constant 0 : i32
      %dma_start3A_566 = tpu.memref_slice %arg4[%add3A_66, %dma_start3A_565] : memref<4096x1024xi32, #tpu.memory_space<hbm>> -> memref<1x1024xi32, #tpu.memory_space<hbm>>
      %dma_start3A_567 = tpu.memref_squeeze %dma_start3A_566 : memref<1x1024xi32, #tpu.memory_space<hbm>> -> memref<1024xi32, #tpu.memory_space<hbm>>
      %dma_start3A_568 = arith.constant 0 : i32
      %dma_start3A_569 = tpu.memref_slice %arg4[%add3A_66, %dma_start3A_568] : memref<4096x1024xi32, #tpu.memory_space<hbm>> -> memref<1x1024xi32, #tpu.memory_space<hbm>>
      %dma_start3A_570 = tpu.memref_squeeze %dma_start3A_569 : memref<1x1024xi32, #tpu.memory_space<hbm>> -> memref<1024xi32, #tpu.memory_space<hbm>>
      %dma_start3A_571 = arith.constant 0 : i32
      %dma_start3A_572 = tpu.memref_slice %arg10[%dma_start3A_571] : memref<1040xi32, #tpu.memory_space<vmem>> -> memref<1024xi32, #tpu.memory_space<vmem>>
      tpu.enqueue_dma source(%dma_start3A_572 : memref<1024xi32, #tpu.memory_space<vmem>>) target(%dma_start3A_570 : memref<1024xi32, #tpu.memory_space<hbm>>) target_semaphore(%arg18 : memref<!tpu.dma_semaphore, #tpu.memory_space<semaphore_mem>>)
    } else {
    }
    %add3A_124 = arith.constant 2 : i32
    %add3A_125 = arith.addi %mul3A_2, %add3A_124 : i32
    %sub3A_126 = arith.constant 128 : i32
    %sub3A_127 = arith.subi %add3A_125, %sub3A_126 : i32
    %max3A_128 = arith.constant 0 : i32
    %max3A_129 = arith.maxsi %max3A_128, %sub3A_127 : i32
    %scan3A_130 = arith.constant 0 : i32
    %scan3A_131 = arith.constant 0 : i32
    %scan3A_132 = arith.constant 65 : i32
    %scan3A_133 = arith.addi %scan3A_131, %scan3A_132 : i32
    %scan3A_134 = arith.constant 1 : i32
    %scan3A_135 = scf.for %scan3A_564 = %scan3A_131 to %scan3A_133 step %scan3A_134 iter_args(%scan3A_565 = %scan3A_130) -> (i32)  : i32 {
      %mul3A_566 = arith.constant 16 : i32
      %mul3A_567 = arith.muli %scan3A_564, %mul3A_566 : i32
      %add3A_568 = vector.broadcast %mul3A_567 : i32 to vector<16xi32>
      %add3A_569 = arith.addi %add3A_568, %iota3A : vector<16xi32>
      %mul3A_570 = arith.constant 16 : i32
      %mul3A_571 = arith.muli %scan3A_564, %mul3A_570 : i32
      %get3A_572 = arith.index_cast %mul3A_571 : i32 to index
      %get3A_573 = tpu.vector_load %arg7[%get3A_572] {strides = array<i32>} : memref<1040xi32, #tpu.memory_space<vmem>>, vector<16xi32>,
      %broadcast_in_dim3A_574 = arith.constant 0 : i32
      %broadcast_in_dim3A_575 = vector.broadcast %broadcast_in_dim3A_574 : i32 to vector<16xi32>
      %mul3A_576 = arith.constant 4 : i32
      %mul3A_577 = vector.broadcast %mul3A_576 : i32 to vector<16xi32>
      %mul3A_578 = arith.muli %add3A_569, %mul3A_577 : vector<16xi32>
      %add3A_579 = arith.constant 0 : i32
      %add3A_580 = vector.broadcast %add3A_579 : i32 to vector<16xi32>
      %add3A_581 = arith.addi %mul3A_578, %add3A_580 : vector<16xi32>
      %ge3A = vector.broadcast %max3A_129 : i32 to vector<16xi32>
      %ge3A_582 = arith.cmpi sge, %add3A_581, %ge3A : vector<16xi32>
      %le3A = vector.broadcast %add3A_125 : i32 to vector<16xi32>
      %le3A_583 = arith.cmpi sle, %add3A_581, %le3A : vector<16xi32>
      %and3A_584 = arith.andi %ge3A_582, %le3A_583 : vector<16xi1>
      %jit3A_585 = arith.constant 255 : i32
      %jit3A_586 = arith.constant 0 : i32
      %broadcast_in_dim3A_587 = vector.broadcast %jit3A_585 : i32 to vector<16xi32>
      %broadcast_in_dim3A_588 = vector.broadcast %jit3A_586 : i32 to vector<16xi32>
      %select_n3A_589 = arith.select %and3A_584, %broadcast_in_dim3A_587, %broadcast_in_dim3A_588 : vector<16xi1>, vector<16xi32>
      %or3A = arith.ori %broadcast_in_dim3A_575, %select_n3A_589 : vector<16xi32>
      %mul3A_590 = arith.constant 4 : i32
      %mul3A_591 = vector.broadcast %mul3A_590 : i32 to vector<16xi32>
      %mul3A_592 = arith.muli %add3A_569, %mul3A_591 : vector<16xi32>
      %add3A_593 = arith.constant 1 : i32
      %add3A_594 = vector.broadcast %add3A_593 : i32 to vector<16xi32>
      %add3A_595 = arith.addi %mul3A_592, %add3A_594 : vector<16xi32>
      %ge3A_596 = vector.broadcast %max3A_129 : i32 to vector<16xi32>
      %ge3A_597 = arith.cmpi sge, %add3A_595, %ge3A_596 : vector<16xi32>
      %le3A_598 = vector.broadcast %add3A_125 : i32 to vector<16xi32>
      %le3A_599 = arith.cmpi sle, %add3A_595, %le3A_598 : vector<16xi32>
      %and3A_600 = arith.andi %ge3A_597, %le3A_599 : vector<16xi1>
      %jit3A_601 = arith.constant 65280 : i32
      %jit3A_602 = arith.constant 0 : i32
      %broadcast_in_dim3A_603 = vector.broadcast %jit3A_601 : i32 to vector<16xi32>
      %broadcast_in_dim3A_604 = vector.broadcast %jit3A_602 : i32 to vector<16xi32>
      %select_n3A_605 = arith.select %and3A_600, %broadcast_in_dim3A_603, %broadcast_in_dim3A_604 : vector<16xi1>, vector<16xi32>
      %or3A_606 = arith.ori %or3A, %select_n3A_605 : vector<16xi32>
      %mul3A_607 = arith.constant 4 : i32
      %mul3A_608 = vector.broadcast %mul3A_607 : i32 to vector<16xi32>
      %mul3A_609 = arith.muli %add3A_569, %mul3A_608 : vector<16xi32>
      %add3A_610 = arith.constant 2 : i32
      %add3A_611 = vector.broadcast %add3A_610 : i32 to vector<16xi32>
      %add3A_612 = arith.addi %mul3A_609, %add3A_611 : vector<16xi32>
      %ge3A_613 = vector.broadcast %max3A_129 : i32 to vector<16xi32>
      %ge3A_614 = arith.cmpi sge, %add3A_612, %ge3A_613 : vector<16xi32>
      %le3A_615 = vector.broadcast %add3A_125 : i32 to vector<16xi32>
      %le3A_616 = arith.cmpi sle, %add3A_612, %le3A_615 : vector<16xi32>
      %and3A_617 = arith.andi %ge3A_614, %le3A_616 : vector<16xi1>
      %jit3A_618 = arith.constant 16711680 : i32
      %jit3A_619 = arith.constant 0 : i32
      %broadcast_in_dim3A_620 = vector.broadcast %jit3A_618 : i32 to vector<16xi32>
      %broadcast_in_dim3A_621 = vector.broadcast %jit3A_619 : i32 to vector<16xi32>
      %select_n3A_622 = arith.select %and3A_617, %broadcast_in_dim3A_620, %broadcast_in_dim3A_621 : vector<16xi1>, vector<16xi32>
      %or3A_623 = arith.ori %or3A_606, %select_n3A_622 : vector<16xi32>
      %mul3A_624 = arith.constant 4 : i32
      %mul3A_625 = vector.broadcast %mul3A_624 : i32 to vector<16xi32>
      %mul3A_626 = arith.muli %add3A_569, %mul3A_625 : vector<16xi32>
      %add3A_627 = arith.constant 3 : i32
      %add3A_628 = vector.broadcast %add3A_627 : i32 to vector<16xi32>
      %add3A_629 = arith.addi %mul3A_626, %add3A_628 : vector<16xi32>
      %ge3A_630 = vector.broadcast %max3A_129 : i32 to vector<16xi32>
      %ge3A_631 = arith.cmpi sge, %add3A_629, %ge3A_630 : vector<16xi32>
      %le3A_632 = vector.broadcast %add3A_125 : i32 to vector<16xi32>
      %le3A_633 = arith.cmpi sle, %add3A_629, %le3A_632 : vector<16xi32>
      %and3A_634 = arith.andi %ge3A_631, %le3A_633 : vector<16xi1>
      %jit3A_635 = arith.constant -16777216 : i32
      %jit3A_636 = arith.constant 0 : i32
      %broadcast_in_dim3A_637 = vector.broadcast %jit3A_635 : i32 to vector<16xi32>
      %broadcast_in_dim3A_638 = vector.broadcast %jit3A_636 : i32 to vector<16xi32>
      %select_n3A_639 = arith.select %and3A_634, %broadcast_in_dim3A_637, %broadcast_in_dim3A_638 : vector<16xi1>, vector<16xi32>
      %or3A_640 = arith.ori %or3A_623, %select_n3A_639 : vector<16xi32>
      %not3A_641 = arith.constant dense<-1> : vector<16xi32>
      %not3A_642 = arith.xori %or3A_640, %not3A_641 : vector<16xi32>
      %and3A_643 = arith.andi %get3A_573, %not3A_642 : vector<16xi32>
      %mul3A_644 = arith.constant 16 : i32
      %mul3A_645 = arith.muli %scan3A_564, %mul3A_644 : i32
      %swap3A_646 = arith.index_cast %mul3A_645 : i32 to index
      %swap3A_647 = tpu.vector_load %arg11[%swap3A_646] {strides = array<i32>} : memref<1040xi32, #tpu.memory_space<vmem>>, vector<16xi32>,
      tpu.vector_store %arg11[%swap3A_646], %and3A_643 {strides = array<i32>} : memref<1040xi32, #tpu.memory_space<vmem>>, vector<16xi32>,
      %scan3A_648 = arith.constant 0 : i32
      scf.yield %scan3A_648 : i32
    }
    %scan3A_136 = arith.constant 65 : i32
    %lt3A_137 = arith.cmpi slt, %add3A_125, %max3A : i32
    %eq3A_138 = arith.constant 0 : i32
    %eq3A_139 = arith.cmpi eq, %squeeze3A_7, %eq3A_138 : i32
    %jit3A_140 = arith.constant 1 : i32
    %select_n3A_141 = arith.select %eq3A_139, %jit3A_140, %squeeze3A_7 : i32
    %rem3A_142 = arith.remsi %add3A_125, %select_n3A_141 : i32
    %ne3A_143 = arith.constant 0 : i32
    %ne3A_144 = arith.cmpi ne, %rem3A_142, %ne3A_143 : i32
    %lt3A_145 = arith.constant 0 : i32
    %lt3A_146 = arith.cmpi slt, %rem3A_142, %lt3A_145 : i32
    %lt3A_147 = arith.constant 0 : i32
    %lt3A_148 = arith.cmpi slt, %select_n3A_141, %lt3A_147 : i32
    %ne3A_149 = arith.xori %lt3A_146, %lt3A_148 : i1
    %and3A_150 = arith.andi %ne3A_149, %ne3A_144 : i1
    %add3A_151 = arith.addi %rem3A_142, %select_n3A_141 : i32
    %select_n3A_152 = arith.select %and3A_150, %add3A_151, %rem3A_142 : i32
    %eq3A_153 = arith.constant 0 : i32
    %eq3A_154 = arith.cmpi eq, %select_n3A_152, %eq3A_153 : i32
    %and3A_155 = arith.andi %lt3A_137, %eq3A_154 : i1
    %convert_element_type3A_156 = arith.extui %and3A_155 : i1 to i32
    %cond3A_157 = arith.constant 0 : i32
    %cond3A_158 = arith.cmpi ne, %convert_element_type3A_156, %cond3A_157 : i32
    scf.if %cond3A_158 {
      %dma_start3A = arith.constant 0 : i32
      %dma_start3A_564 = tpu.memref_slice %arg4[%add3A_125, %dma_start3A] : memref<4096x1024xi32, #tpu.memory_space<hbm>> -> memref<1x1024xi32, #tpu.memory_space<hbm>>
      %dma_start3A_565 = tpu.memref_squeeze %dma_start3A_564 : memref<1x1024xi32, #tpu.memory_space<hbm>> -> memref<1024xi32, #tpu.memory_space<hbm>>
      %dma_start3A_566 = arith.constant 0 : i32
      %dma_start3A_567 = tpu.memref_slice %arg4[%add3A_125, %dma_start3A_566] : memref<4096x1024xi32, #tpu.memory_space<hbm>> -> memref<1x1024xi32, #tpu.memory_space<hbm>>
      %dma_start3A_568 = tpu.memref_squeeze %dma_start3A_567 : memref<1x1024xi32, #tpu.memory_space<hbm>> -> memref<1024xi32, #tpu.memory_space<hbm>>
      tpu.enqueue_dma source(%arg8 : memref<1024xi32, #tpu.memory_space<vmem>>) target(%dma_start3A_568 : memref<1024xi32, #tpu.memory_space<hbm>>) target_semaphore(%arg19 : memref<!tpu.dma_semaphore, #tpu.memory_space<semaphore_mem>>)
    } else {
    }
    %lt3A_159 = arith.cmpi slt, %add3A_125, %max3A : i32
    %eq3A_160 = arith.constant 0 : i32
    %eq3A_161 = arith.cmpi eq, %squeeze3A_7, %eq3A_160 : i32
    %jit3A_162 = arith.constant 1 : i32
    %select_n3A_163 = arith.select %eq3A_161, %jit3A_162, %squeeze3A_7 : i32
    %rem3A_164 = arith.remsi %add3A_125, %select_n3A_163 : i32
    %ne3A_165 = arith.constant 0 : i32
    %ne3A_166 = arith.cmpi ne, %rem3A_164, %ne3A_165 : i32
    %lt3A_167 = arith.constant 0 : i32
    %lt3A_168 = arith.cmpi slt, %rem3A_164, %lt3A_167 : i32
    %lt3A_169 = arith.constant 0 : i32
    %lt3A_170 = arith.cmpi slt, %select_n3A_163, %lt3A_169 : i32
    %ne3A_171 = arith.xori %lt3A_168, %lt3A_170 : i1
    %and3A_172 = arith.andi %ne3A_171, %ne3A_166 : i1
    %add3A_173 = arith.addi %rem3A_164, %select_n3A_163 : i32
    %select_n3A_174 = arith.select %and3A_172, %add3A_173, %rem3A_164 : i32
    %eq3A_175 = arith.constant 0 : i32
    %eq3A_176 = arith.cmpi eq, %select_n3A_174, %eq3A_175 : i32
    %and3A_177 = arith.andi %lt3A_159, %eq3A_176 : i1
    %not3A_178 = arith.constant true
    %not3A_179 = arith.xori %and3A_177, %not3A_178 : i1
    %convert_element_type3A_180 = arith.extui %not3A_179 : i1 to i32
    %cond3A_181 = arith.constant 0 : i32
    %cond3A_182 = arith.cmpi ne, %convert_element_type3A_180, %cond3A_181 : i32
    scf.if %cond3A_182 {
      %dma_start3A = arith.constant 0 : i32
      %dma_start3A_564 = tpu.memref_slice %arg11[%dma_start3A] : memref<1040xi32, #tpu.memory_space<vmem>> -> memref<1024xi32, #tpu.memory_space<vmem>>
      %dma_start3A_565 = arith.constant 0 : i32
      %dma_start3A_566 = tpu.memref_slice %arg4[%add3A_125, %dma_start3A_565] : memref<4096x1024xi32, #tpu.memory_space<hbm>> -> memref<1x1024xi32, #tpu.memory_space<hbm>>
      %dma_start3A_567 = tpu.memref_squeeze %dma_start3A_566 : memref<1x1024xi32, #tpu.memory_space<hbm>> -> memref<1024xi32, #tpu.memory_space<hbm>>
      %dma_start3A_568 = arith.constant 0 : i32
      %dma_start3A_569 = tpu.memref_slice %arg4[%add3A_125, %dma_start3A_568] : memref<4096x1024xi32, #tpu.memory_space<hbm>> -> memref<1x1024xi32, #tpu.memory_space<hbm>>
      %dma_start3A_570 = tpu.memref_squeeze %dma_start3A_569 : memref<1x1024xi32, #tpu.memory_space<hbm>> -> memref<1024xi32, #tpu.memory_space<hbm>>
      %dma_start3A_571 = arith.constant 0 : i32
      %dma_start3A_572 = tpu.memref_slice %arg11[%dma_start3A_571] : memref<1040xi32, #tpu.memory_space<vmem>> -> memref<1024xi32, #tpu.memory_space<vmem>>
      tpu.enqueue_dma source(%dma_start3A_572 : memref<1024xi32, #tpu.memory_space<vmem>>) target(%dma_start3A_570 : memref<1024xi32, #tpu.memory_space<hbm>>) target_semaphore(%arg19 : memref<!tpu.dma_semaphore, #tpu.memory_space<semaphore_mem>>)
    } else {
    }
    %add3A_183 = arith.constant 3 : i32
    %add3A_184 = arith.addi %mul3A_2, %add3A_183 : i32
    %sub3A_185 = arith.constant 128 : i32
    %sub3A_186 = arith.subi %add3A_184, %sub3A_185 : i32
    %max3A_187 = arith.constant 0 : i32
    %max3A_188 = arith.maxsi %max3A_187, %sub3A_186 : i32
    %scan3A_189 = arith.constant 0 : i32
    %scan3A_190 = arith.constant 0 : i32
    %scan3A_191 = arith.constant 65 : i32
    %scan3A_192 = arith.addi %scan3A_190, %scan3A_191 : i32
    %scan3A_193 = arith.constant 1 : i32
    %scan3A_194 = scf.for %scan3A_564 = %scan3A_190 to %scan3A_192 step %scan3A_193 iter_args(%scan3A_565 = %scan3A_189) -> (i32)  : i32 {
      %mul3A_566 = arith.constant 16 : i32
      %mul3A_567 = arith.muli %scan3A_564, %mul3A_566 : i32
      %add3A_568 = vector.broadcast %mul3A_567 : i32 to vector<16xi32>
      %add3A_569 = arith.addi %add3A_568, %iota3A : vector<16xi32>
      %mul3A_570 = arith.constant 16 : i32
      %mul3A_571 = arith.muli %scan3A_564, %mul3A_570 : i32
      %get3A_572 = arith.index_cast %mul3A_571 : i32 to index
      %get3A_573 = tpu.vector_load %arg7[%get3A_572] {strides = array<i32>} : memref<1040xi32, #tpu.memory_space<vmem>>, vector<16xi32>,
      %broadcast_in_dim3A_574 = arith.constant 0 : i32
      %broadcast_in_dim3A_575 = vector.broadcast %broadcast_in_dim3A_574 : i32 to vector<16xi32>
      %mul3A_576 = arith.constant 4 : i32
      %mul3A_577 = vector.broadcast %mul3A_576 : i32 to vector<16xi32>
      %mul3A_578 = arith.muli %add3A_569, %mul3A_577 : vector<16xi32>
      %add3A_579 = arith.constant 0 : i32
      %add3A_580 = vector.broadcast %add3A_579 : i32 to vector<16xi32>
      %add3A_581 = arith.addi %mul3A_578, %add3A_580 : vector<16xi32>
      %ge3A = vector.broadcast %max3A_188 : i32 to vector<16xi32>
      %ge3A_582 = arith.cmpi sge, %add3A_581, %ge3A : vector<16xi32>
      %le3A = vector.broadcast %add3A_184 : i32 to vector<16xi32>
      %le3A_583 = arith.cmpi sle, %add3A_581, %le3A : vector<16xi32>
      %and3A_584 = arith.andi %ge3A_582, %le3A_583 : vector<16xi1>
      %jit3A_585 = arith.constant 255 : i32
      %jit3A_586 = arith.constant 0 : i32
      %broadcast_in_dim3A_587 = vector.broadcast %jit3A_585 : i32 to vector<16xi32>
      %broadcast_in_dim3A_588 = vector.broadcast %jit3A_586 : i32 to vector<16xi32>
      %select_n3A_589 = arith.select %and3A_584, %broadcast_in_dim3A_587, %broadcast_in_dim3A_588 : vector<16xi1>, vector<16xi32>
      %or3A = arith.ori %broadcast_in_dim3A_575, %select_n3A_589 : vector<16xi32>
      %mul3A_590 = arith.constant 4 : i32
      %mul3A_591 = vector.broadcast %mul3A_590 : i32 to vector<16xi32>
      %mul3A_592 = arith.muli %add3A_569, %mul3A_591 : vector<16xi32>
      %add3A_593 = arith.constant 1 : i32
      %add3A_594 = vector.broadcast %add3A_593 : i32 to vector<16xi32>
      %add3A_595 = arith.addi %mul3A_592, %add3A_594 : vector<16xi32>
      %ge3A_596 = vector.broadcast %max3A_188 : i32 to vector<16xi32>
      %ge3A_597 = arith.cmpi sge, %add3A_595, %ge3A_596 : vector<16xi32>
      %le3A_598 = vector.broadcast %add3A_184 : i32 to vector<16xi32>
      %le3A_599 = arith.cmpi sle, %add3A_595, %le3A_598 : vector<16xi32>
      %and3A_600 = arith.andi %ge3A_597, %le3A_599 : vector<16xi1>
      %jit3A_601 = arith.constant 65280 : i32
      %jit3A_602 = arith.constant 0 : i32
      %broadcast_in_dim3A_603 = vector.broadcast %jit3A_601 : i32 to vector<16xi32>
      %broadcast_in_dim3A_604 = vector.broadcast %jit3A_602 : i32 to vector<16xi32>
      %select_n3A_605 = arith.select %and3A_600, %broadcast_in_dim3A_603, %broadcast_in_dim3A_604 : vector<16xi1>, vector<16xi32>
      %or3A_606 = arith.ori %or3A, %select_n3A_605 : vector<16xi32>
      %mul3A_607 = arith.constant 4 : i32
      %mul3A_608 = vector.broadcast %mul3A_607 : i32 to vector<16xi32>
      %mul3A_609 = arith.muli %add3A_569, %mul3A_608 : vector<16xi32>
      %add3A_610 = arith.constant 2 : i32
      %add3A_611 = vector.broadcast %add3A_610 : i32 to vector<16xi32>
      %add3A_612 = arith.addi %mul3A_609, %add3A_611 : vector<16xi32>
      %ge3A_613 = vector.broadcast %max3A_188 : i32 to vector<16xi32>
      %ge3A_614 = arith.cmpi sge, %add3A_612, %ge3A_613 : vector<16xi32>
      %le3A_615 = vector.broadcast %add3A_184 : i32 to vector<16xi32>
      %le3A_616 = arith.cmpi sle, %add3A_612, %le3A_615 : vector<16xi32>
      %and3A_617 = arith.andi %ge3A_614, %le3A_616 : vector<16xi1>
      %jit3A_618 = arith.constant 16711680 : i32
      %jit3A_619 = arith.constant 0 : i32
      %broadcast_in_dim3A_620 = vector.broadcast %jit3A_618 : i32 to vector<16xi32>
      %broadcast_in_dim3A_621 = vector.broadcast %jit3A_619 : i32 to vector<16xi32>
      %select_n3A_622 = arith.select %and3A_617, %broadcast_in_dim3A_620, %broadcast_in_dim3A_621 : vector<16xi1>, vector<16xi32>
      %or3A_623 = arith.ori %or3A_606, %select_n3A_622 : vector<16xi32>
      %mul3A_624 = arith.constant 4 : i32
      %mul3A_625 = vector.broadcast %mul3A_624 : i32 to vector<16xi32>
      %mul3A_626 = arith.muli %add3A_569, %mul3A_625 : vector<16xi32>
      %add3A_627 = arith.constant 3 : i32
      %add3A_628 = vector.broadcast %add3A_627 : i32 to vector<16xi32>
      %add3A_629 = arith.addi %mul3A_626, %add3A_628 : vector<16xi32>
      %ge3A_630 = vector.broadcast %max3A_188 : i32 to vector<16xi32>
      %ge3A_631 = arith.cmpi sge, %add3A_629, %ge3A_630 : vector<16xi32>
      %le3A_632 = vector.broadcast %add3A_184 : i32 to vector<16xi32>
      %le3A_633 = arith.cmpi sle, %add3A_629, %le3A_632 : vector<16xi32>
      %and3A_634 = arith.andi %ge3A_631, %le3A_633 : vector<16xi1>
      %jit3A_635 = arith.constant -16777216 : i32
      %jit3A_636 = arith.constant 0 : i32
      %broadcast_in_dim3A_637 = vector.broadcast %jit3A_635 : i32 to vector<16xi32>
      %broadcast_in_dim3A_638 = vector.broadcast %jit3A_636 : i32 to vector<16xi32>
      %select_n3A_639 = arith.select %and3A_634, %broadcast_in_dim3A_637, %broadcast_in_dim3A_638 : vector<16xi1>, vector<16xi32>
      %or3A_640 = arith.ori %or3A_623, %select_n3A_639 : vector<16xi32>
      %not3A_641 = arith.constant dense<-1> : vector<16xi32>
      %not3A_642 = arith.xori %or3A_640, %not3A_641 : vector<16xi32>
      %and3A_643 = arith.andi %get3A_573, %not3A_642 : vector<16xi32>
      %mul3A_644 = arith.constant 16 : i32
      %mul3A_645 = arith.muli %scan3A_564, %mul3A_644 : i32
      %swap3A_646 = arith.index_cast %mul3A_645 : i32 to index
      %swap3A_647 = tpu.vector_load %arg12[%swap3A_646] {strides = array<i32>} : memref<1040xi32, #tpu.memory_space<vmem>>, vector<16xi32>,
      tpu.vector_store %arg12[%swap3A_646], %and3A_643 {strides = array<i32>} : memref<1040xi32, #tpu.memory_space<vmem>>, vector<16xi32>,
      %scan3A_648 = arith.constant 0 : i32
      scf.yield %scan3A_648 : i32
    }
    %scan3A_195 = arith.constant 65 : i32
    %lt3A_196 = arith.cmpi slt, %add3A_184, %max3A : i32
    %eq3A_197 = arith.constant 0 : i32
    %eq3A_198 = arith.cmpi eq, %squeeze3A_7, %eq3A_197 : i32
    %jit3A_199 = arith.constant 1 : i32
    %select_n3A_200 = arith.select %eq3A_198, %jit3A_199, %squeeze3A_7 : i32
    %rem3A_201 = arith.remsi %add3A_184, %select_n3A_200 : i32
    %ne3A_202 = arith.constant 0 : i32
    %ne3A_203 = arith.cmpi ne, %rem3A_201, %ne3A_202 : i32
    %lt3A_204 = arith.constant 0 : i32
    %lt3A_205 = arith.cmpi slt, %rem3A_201, %lt3A_204 : i32
    %lt3A_206 = arith.constant 0 : i32
    %lt3A_207 = arith.cmpi slt, %select_n3A_200, %lt3A_206 : i32
    %ne3A_208 = arith.xori %lt3A_205, %lt3A_207 : i1
    %and3A_209 = arith.andi %ne3A_208, %ne3A_203 : i1
    %add3A_210 = arith.addi %rem3A_201, %select_n3A_200 : i32
    %select_n3A_211 = arith.select %and3A_209, %add3A_210, %rem3A_201 : i32
    %eq3A_212 = arith.constant 0 : i32
    %eq3A_213 = arith.cmpi eq, %select_n3A_211, %eq3A_212 : i32
    %and3A_214 = arith.andi %lt3A_196, %eq3A_213 : i1
    %convert_element_type3A_215 = arith.extui %and3A_214 : i1 to i32
    %cond3A_216 = arith.constant 0 : i32
    %cond3A_217 = arith.cmpi ne, %convert_element_type3A_215, %cond3A_216 : i32
    scf.if %cond3A_217 {
      %dma_start3A = arith.constant 0 : i32
      %dma_start3A_564 = tpu.memref_slice %arg4[%add3A_184, %dma_start3A] : memref<4096x1024xi32, #tpu.memory_space<hbm>> -> memref<1x1024xi32, #tpu.memory_space<hbm>>
      %dma_start3A_565 = tpu.memref_squeeze %dma_start3A_564 : memref<1x1024xi32, #tpu.memory_space<hbm>> -> memref<1024xi32, #tpu.memory_space<hbm>>
      %dma_start3A_566 = arith.constant 0 : i32
      %dma_start3A_567 = tpu.memref_slice %arg4[%add3A_184, %dma_start3A_566] : memref<4096x1024xi32, #tpu.memory_space<hbm>> -> memref<1x1024xi32, #tpu.memory_space<hbm>>
      %dma_start3A_568 = tpu.memref_squeeze %dma_start3A_567 : memref<1x1024xi32, #tpu.memory_space<hbm>> -> memref<1024xi32, #tpu.memory_space<hbm>>
      tpu.enqueue_dma source(%arg8 : memref<1024xi32, #tpu.memory_space<vmem>>) target(%dma_start3A_568 : memref<1024xi32, #tpu.memory_space<hbm>>) target_semaphore(%arg20 : memref<!tpu.dma_semaphore, #tpu.memory_space<semaphore_mem>>)
    } else {
    }
    %lt3A_218 = arith.cmpi slt, %add3A_184, %max3A : i32
    %eq3A_219 = arith.constant 0 : i32
    %eq3A_220 = arith.cmpi eq, %squeeze3A_7, %eq3A_219 : i32
    %jit3A_221 = arith.constant 1 : i32
    %select_n3A_222 = arith.select %eq3A_220, %jit3A_221, %squeeze3A_7 : i32
    %rem3A_223 = arith.remsi %add3A_184, %select_n3A_222 : i32
    %ne3A_224 = arith.constant 0 : i32
    %ne3A_225 = arith.cmpi ne, %rem3A_223, %ne3A_224 : i32
    %lt3A_226 = arith.constant 0 : i32
    %lt3A_227 = arith.cmpi slt, %rem3A_223, %lt3A_226 : i32
    %lt3A_228 = arith.constant 0 : i32
    %lt3A_229 = arith.cmpi slt, %select_n3A_222, %lt3A_228 : i32
    %ne3A_230 = arith.xori %lt3A_227, %lt3A_229 : i1
    %and3A_231 = arith.andi %ne3A_230, %ne3A_225 : i1
    %add3A_232 = arith.addi %rem3A_223, %select_n3A_222 : i32
    %select_n3A_233 = arith.select %and3A_231, %add3A_232, %rem3A_223 : i32
    %eq3A_234 = arith.constant 0 : i32
    %eq3A_235 = arith.cmpi eq, %select_n3A_233, %eq3A_234 : i32
    %and3A_236 = arith.andi %lt3A_218, %eq3A_235 : i1
    %not3A_237 = arith.constant true
    %not3A_238 = arith.xori %and3A_236, %not3A_237 : i1
    %convert_element_type3A_239 = arith.extui %not3A_238 : i1 to i32
    %cond3A_240 = arith.constant 0 : i32
    %cond3A_241 = arith.cmpi ne, %convert_element_type3A_239, %cond3A_240 : i32
    scf.if %cond3A_241 {
      %dma_start3A = arith.constant 0 : i32
      %dma_start3A_564 = tpu.memref_slice %arg12[%dma_start3A] : memref<1040xi32, #tpu.memory_space<vmem>> -> memref<1024xi32, #tpu.memory_space<vmem>>
      %dma_start3A_565 = arith.constant 0 : i32
      %dma_start3A_566 = tpu.memref_slice %arg4[%add3A_184, %dma_start3A_565] : memref<4096x1024xi32, #tpu.memory_space<hbm>> -> memref<1x1024xi32, #tpu.memory_space<hbm>>
      %dma_start3A_567 = tpu.memref_squeeze %dma_start3A_566 : memref<1x1024xi32, #tpu.memory_space<hbm>> -> memref<1024xi32, #tpu.memory_space<hbm>>
      %dma_start3A_568 = arith.constant 0 : i32
      %dma_start3A_569 = tpu.memref_slice %arg4[%add3A_184, %dma_start3A_568] : memref<4096x1024xi32, #tpu.memory_space<hbm>> -> memref<1x1024xi32, #tpu.memory_space<hbm>>
      %dma_start3A_570 = tpu.memref_squeeze %dma_start3A_569 : memref<1x1024xi32, #tpu.memory_space<hbm>> -> memref<1024xi32, #tpu.memory_space<hbm>>
      %dma_start3A_571 = arith.constant 0 : i32
      %dma_start3A_572 = tpu.memref_slice %arg12[%dma_start3A_571] : memref<1040xi32, #tpu.memory_space<vmem>> -> memref<1024xi32, #tpu.memory_space<vmem>>
      tpu.enqueue_dma source(%dma_start3A_572 : memref<1024xi32, #tpu.memory_space<vmem>>) target(%dma_start3A_570 : memref<1024xi32, #tpu.memory_space<hbm>>) target_semaphore(%arg20 : memref<!tpu.dma_semaphore, #tpu.memory_space<semaphore_mem>>)
    } else {
    }
    %add3A_242 = arith.constant 4 : i32
    %add3A_243 = arith.addi %mul3A_2, %add3A_242 : i32
    %sub3A_244 = arith.constant 128 : i32
    %sub3A_245 = arith.subi %add3A_243, %sub3A_244 : i32
    %max3A_246 = arith.constant 0 : i32
    %max3A_247 = arith.maxsi %max3A_246, %sub3A_245 : i32
    %scan3A_248 = arith.constant 0 : i32
    %scan3A_249 = arith.constant 0 : i32
    %scan3A_250 = arith.constant 65 : i32
    %scan3A_251 = arith.addi %scan3A_249, %scan3A_250 : i32
    %scan3A_252 = arith.constant 1 : i32
    %scan3A_253 = scf.for %scan3A_564 = %scan3A_249 to %scan3A_251 step %scan3A_252 iter_args(%scan3A_565 = %scan3A_248) -> (i32)  : i32 {
      %mul3A_566 = arith.constant 16 : i32
      %mul3A_567 = arith.muli %scan3A_564, %mul3A_566 : i32
      %add3A_568 = vector.broadcast %mul3A_567 : i32 to vector<16xi32>
      %add3A_569 = arith.addi %add3A_568, %iota3A : vector<16xi32>
      %mul3A_570 = arith.constant 16 : i32
      %mul3A_571 = arith.muli %scan3A_564, %mul3A_570 : i32
      %get3A_572 = arith.index_cast %mul3A_571 : i32 to index
      %get3A_573 = tpu.vector_load %arg7[%get3A_572] {strides = array<i32>} : memref<1040xi32, #tpu.memory_space<vmem>>, vector<16xi32>,
      %broadcast_in_dim3A_574 = arith.constant 0 : i32
      %broadcast_in_dim3A_575 = vector.broadcast %broadcast_in_dim3A_574 : i32 to vector<16xi32>
      %mul3A_576 = arith.constant 4 : i32
      %mul3A_577 = vector.broadcast %mul3A_576 : i32 to vector<16xi32>
      %mul3A_578 = arith.muli %add3A_569, %mul3A_577 : vector<16xi32>
      %add3A_579 = arith.constant 0 : i32
      %add3A_580 = vector.broadcast %add3A_579 : i32 to vector<16xi32>
      %add3A_581 = arith.addi %mul3A_578, %add3A_580 : vector<16xi32>
      %ge3A = vector.broadcast %max3A_247 : i32 to vector<16xi32>
      %ge3A_582 = arith.cmpi sge, %add3A_581, %ge3A : vector<16xi32>
      %le3A = vector.broadcast %add3A_243 : i32 to vector<16xi32>
      %le3A_583 = arith.cmpi sle, %add3A_581, %le3A : vector<16xi32>
      %and3A_584 = arith.andi %ge3A_582, %le3A_583 : vector<16xi1>
      %jit3A_585 = arith.constant 255 : i32
      %jit3A_586 = arith.constant 0 : i32
      %broadcast_in_dim3A_587 = vector.broadcast %jit3A_585 : i32 to vector<16xi32>
      %broadcast_in_dim3A_588 = vector.broadcast %jit3A_586 : i32 to vector<16xi32>
      %select_n3A_589 = arith.select %and3A_584, %broadcast_in_dim3A_587, %broadcast_in_dim3A_588 : vector<16xi1>, vector<16xi32>
      %or3A = arith.ori %broadcast_in_dim3A_575, %select_n3A_589 : vector<16xi32>
      %mul3A_590 = arith.constant 4 : i32
      %mul3A_591 = vector.broadcast %mul3A_590 : i32 to vector<16xi32>
      %mul3A_592 = arith.muli %add3A_569, %mul3A_591 : vector<16xi32>
      %add3A_593 = arith.constant 1 : i32
      %add3A_594 = vector.broadcast %add3A_593 : i32 to vector<16xi32>
      %add3A_595 = arith.addi %mul3A_592, %add3A_594 : vector<16xi32>
      %ge3A_596 = vector.broadcast %max3A_247 : i32 to vector<16xi32>
      %ge3A_597 = arith.cmpi sge, %add3A_595, %ge3A_596 : vector<16xi32>
      %le3A_598 = vector.broadcast %add3A_243 : i32 to vector<16xi32>
      %le3A_599 = arith.cmpi sle, %add3A_595, %le3A_598 : vector<16xi32>
      %and3A_600 = arith.andi %ge3A_597, %le3A_599 : vector<16xi1>
      %jit3A_601 = arith.constant 65280 : i32
      %jit3A_602 = arith.constant 0 : i32
      %broadcast_in_dim3A_603 = vector.broadcast %jit3A_601 : i32 to vector<16xi32>
      %broadcast_in_dim3A_604 = vector.broadcast %jit3A_602 : i32 to vector<16xi32>
      %select_n3A_605 = arith.select %and3A_600, %broadcast_in_dim3A_603, %broadcast_in_dim3A_604 : vector<16xi1>, vector<16xi32>
      %or3A_606 = arith.ori %or3A, %select_n3A_605 : vector<16xi32>
      %mul3A_607 = arith.constant 4 : i32
      %mul3A_608 = vector.broadcast %mul3A_607 : i32 to vector<16xi32>
      %mul3A_609 = arith.muli %add3A_569, %mul3A_608 : vector<16xi32>
      %add3A_610 = arith.constant 2 : i32
      %add3A_611 = vector.broadcast %add3A_610 : i32 to vector<16xi32>
      %add3A_612 = arith.addi %mul3A_609, %add3A_611 : vector<16xi32>
      %ge3A_613 = vector.broadcast %max3A_247 : i32 to vector<16xi32>
      %ge3A_614 = arith.cmpi sge, %add3A_612, %ge3A_613 : vector<16xi32>
      %le3A_615 = vector.broadcast %add3A_243 : i32 to vector<16xi32>
      %le3A_616 = arith.cmpi sle, %add3A_612, %le3A_615 : vector<16xi32>
      %and3A_617 = arith.andi %ge3A_614, %le3A_616 : vector<16xi1>
      %jit3A_618 = arith.constant 16711680 : i32
      %jit3A_619 = arith.constant 0 : i32
      %broadcast_in_dim3A_620 = vector.broadcast %jit3A_618 : i32 to vector<16xi32>
      %broadcast_in_dim3A_621 = vector.broadcast %jit3A_619 : i32 to vector<16xi32>
      %select_n3A_622 = arith.select %and3A_617, %broadcast_in_dim3A_620, %broadcast_in_dim3A_621 : vector<16xi1>, vector<16xi32>
      %or3A_623 = arith.ori %or3A_606, %select_n3A_622 : vector<16xi32>
      %mul3A_624 = arith.constant 4 : i32
      %mul3A_625 = vector.broadcast %mul3A_624 : i32 to vector<16xi32>
      %mul3A_626 = arith.muli %add3A_569, %mul3A_625 : vector<16xi32>
      %add3A_627 = arith.constant 3 : i32
      %add3A_628 = vector.broadcast %add3A_627 : i32 to vector<16xi32>
      %add3A_629 = arith.addi %mul3A_626, %add3A_628 : vector<16xi32>
      %ge3A_630 = vector.broadcast %max3A_247 : i32 to vector<16xi32>
      %ge3A_631 = arith.cmpi sge, %add3A_629, %ge3A_630 : vector<16xi32>
      %le3A_632 = vector.broadcast %add3A_243 : i32 to vector<16xi32>
      %le3A_633 = arith.cmpi sle, %add3A_629, %le3A_632 : vector<16xi32>
      %and3A_634 = arith.andi %ge3A_631, %le3A_633 : vector<16xi1>
      %jit3A_635 = arith.constant -16777216 : i32
      %jit3A_636 = arith.constant 0 : i32
      %broadcast_in_dim3A_637 = vector.broadcast %jit3A_635 : i32 to vector<16xi32>
      %broadcast_in_dim3A_638 = vector.broadcast %jit3A_636 : i32 to vector<16xi32>
      %select_n3A_639 = arith.select %and3A_634, %broadcast_in_dim3A_637, %broadcast_in_dim3A_638 : vector<16xi1>, vector<16xi32>
      %or3A_640 = arith.ori %or3A_623, %select_n3A_639 : vector<16xi32>
      %not3A_641 = arith.constant dense<-1> : vector<16xi32>
      %not3A_642 = arith.xori %or3A_640, %not3A_641 : vector<16xi32>
      %and3A_643 = arith.andi %get3A_573, %not3A_642 : vector<16xi32>
      %mul3A_644 = arith.constant 16 : i32
      %mul3A_645 = arith.muli %scan3A_564, %mul3A_644 : i32
      %swap3A_646 = arith.index_cast %mul3A_645 : i32 to index
      %swap3A_647 = tpu.vector_load %arg13[%swap3A_646] {strides = array<i32>} : memref<1040xi32, #tpu.memory_space<vmem>>, vector<16xi32>,
      tpu.vector_store %arg13[%swap3A_646], %and3A_643 {strides = array<i32>} : memref<1040xi32, #tpu.memory_space<vmem>>, vector<16xi32>,
      %scan3A_648 = arith.constant 0 : i32
      scf.yield %scan3A_648 : i32
    }
    %scan3A_254 = arith.constant 65 : i32
    %lt3A_255 = arith.cmpi slt, %add3A_243, %max3A : i32
    %eq3A_256 = arith.constant 0 : i32
    %eq3A_257 = arith.cmpi eq, %squeeze3A_7, %eq3A_256 : i32
    %jit3A_258 = arith.constant 1 : i32
    %select_n3A_259 = arith.select %eq3A_257, %jit3A_258, %squeeze3A_7 : i32
    %rem3A_260 = arith.remsi %add3A_243, %select_n3A_259 : i32
    %ne3A_261 = arith.constant 0 : i32
    %ne3A_262 = arith.cmpi ne, %rem3A_260, %ne3A_261 : i32
    %lt3A_263 = arith.constant 0 : i32
    %lt3A_264 = arith.cmpi slt, %rem3A_260, %lt3A_263 : i32
    %lt3A_265 = arith.constant 0 : i32
    %lt3A_266 = arith.cmpi slt, %select_n3A_259, %lt3A_265 : i32
    %ne3A_267 = arith.xori %lt3A_264, %lt3A_266 : i1
    %and3A_268 = arith.andi %ne3A_267, %ne3A_262 : i1
    %add3A_269 = arith.addi %rem3A_260, %select_n3A_259 : i32
    %select_n3A_270 = arith.select %and3A_268, %add3A_269, %rem3A_260 : i32
    %eq3A_271 = arith.constant 0 : i32
    %eq3A_272 = arith.cmpi eq, %select_n3A_270, %eq3A_271 : i32
    %and3A_273 = arith.andi %lt3A_255, %eq3A_272 : i1
    %convert_element_type3A_274 = arith.extui %and3A_273 : i1 to i32
    %cond3A_275 = arith.constant 0 : i32
    %cond3A_276 = arith.cmpi ne, %convert_element_type3A_274, %cond3A_275 : i32
    scf.if %cond3A_276 {
      %dma_start3A = arith.constant 0 : i32
      %dma_start3A_564 = tpu.memref_slice %arg4[%add3A_243, %dma_start3A] : memref<4096x1024xi32, #tpu.memory_space<hbm>> -> memref<1x1024xi32, #tpu.memory_space<hbm>>
      %dma_start3A_565 = tpu.memref_squeeze %dma_start3A_564 : memref<1x1024xi32, #tpu.memory_space<hbm>> -> memref<1024xi32, #tpu.memory_space<hbm>>
      %dma_start3A_566 = arith.constant 0 : i32
      %dma_start3A_567 = tpu.memref_slice %arg4[%add3A_243, %dma_start3A_566] : memref<4096x1024xi32, #tpu.memory_space<hbm>> -> memref<1x1024xi32, #tpu.memory_space<hbm>>
      %dma_start3A_568 = tpu.memref_squeeze %dma_start3A_567 : memref<1x1024xi32, #tpu.memory_space<hbm>> -> memref<1024xi32, #tpu.memory_space<hbm>>
      tpu.enqueue_dma source(%arg8 : memref<1024xi32, #tpu.memory_space<vmem>>) target(%dma_start3A_568 : memref<1024xi32, #tpu.memory_space<hbm>>) target_semaphore(%arg21 : memref<!tpu.dma_semaphore, #tpu.memory_space<semaphore_mem>>)
    } else {
    }
    %lt3A_277 = arith.cmpi slt, %add3A_243, %max3A : i32
    %eq3A_278 = arith.constant 0 : i32
    %eq3A_279 = arith.cmpi eq, %squeeze3A_7, %eq3A_278 : i32
    %jit3A_280 = arith.constant 1 : i32
    %select_n3A_281 = arith.select %eq3A_279, %jit3A_280, %squeeze3A_7 : i32
    %rem3A_282 = arith.remsi %add3A_243, %select_n3A_281 : i32
    %ne3A_283 = arith.constant 0 : i32
    %ne3A_284 = arith.cmpi ne, %rem3A_282, %ne3A_283 : i32
    %lt3A_285 = arith.constant 0 : i32
    %lt3A_286 = arith.cmpi slt, %rem3A_282, %lt3A_285 : i32
    %lt3A_287 = arith.constant 0 : i32
    %lt3A_288 = arith.cmpi slt, %select_n3A_281, %lt3A_287 : i32
    %ne3A_289 = arith.xori %lt3A_286, %lt3A_288 : i1
    %and3A_290 = arith.andi %ne3A_289, %ne3A_284 : i1
    %add3A_291 = arith.addi %rem3A_282, %select_n3A_281 : i32
    %select_n3A_292 = arith.select %and3A_290, %add3A_291, %rem3A_282 : i32
    %eq3A_293 = arith.constant 0 : i32
    %eq3A_294 = arith.cmpi eq, %select_n3A_292, %eq3A_293 : i32
    %and3A_295 = arith.andi %lt3A_277, %eq3A_294 : i1
    %not3A_296 = arith.constant true
    %not3A_297 = arith.xori %and3A_295, %not3A_296 : i1
    %convert_element_type3A_298 = arith.extui %not3A_297 : i1 to i32
    %cond3A_299 = arith.constant 0 : i32
    %cond3A_300 = arith.cmpi ne, %convert_element_type3A_298, %cond3A_299 : i32
    scf.if %cond3A_300 {
      %dma_start3A = arith.constant 0 : i32
      %dma_start3A_564 = tpu.memref_slice %arg13[%dma_start3A] : memref<1040xi32, #tpu.memory_space<vmem>> -> memref<1024xi32, #tpu.memory_space<vmem>>
      %dma_start3A_565 = arith.constant 0 : i32
      %dma_start3A_566 = tpu.memref_slice %arg4[%add3A_243, %dma_start3A_565] : memref<4096x1024xi32, #tpu.memory_space<hbm>> -> memref<1x1024xi32, #tpu.memory_space<hbm>>
      %dma_start3A_567 = tpu.memref_squeeze %dma_start3A_566 : memref<1x1024xi32, #tpu.memory_space<hbm>> -> memref<1024xi32, #tpu.memory_space<hbm>>
      %dma_start3A_568 = arith.constant 0 : i32
      %dma_start3A_569 = tpu.memref_slice %arg4[%add3A_243, %dma_start3A_568] : memref<4096x1024xi32, #tpu.memory_space<hbm>> -> memref<1x1024xi32, #tpu.memory_space<hbm>>
      %dma_start3A_570 = tpu.memref_squeeze %dma_start3A_569 : memref<1x1024xi32, #tpu.memory_space<hbm>> -> memref<1024xi32, #tpu.memory_space<hbm>>
      %dma_start3A_571 = arith.constant 0 : i32
      %dma_start3A_572 = tpu.memref_slice %arg13[%dma_start3A_571] : memref<1040xi32, #tpu.memory_space<vmem>> -> memref<1024xi32, #tpu.memory_space<vmem>>
      tpu.enqueue_dma source(%dma_start3A_572 : memref<1024xi32, #tpu.memory_space<vmem>>) target(%dma_start3A_570 : memref<1024xi32, #tpu.memory_space<hbm>>) target_semaphore(%arg21 : memref<!tpu.dma_semaphore, #tpu.memory_space<semaphore_mem>>)
    } else {
    }
    %add3A_301 = arith.constant 5 : i32
    %add3A_302 = arith.addi %mul3A_2, %add3A_301 : i32
    %sub3A_303 = arith.constant 128 : i32
    %sub3A_304 = arith.subi %add3A_302, %sub3A_303 : i32
    %max3A_305 = arith.constant 0 : i32
    %max3A_306 = arith.maxsi %max3A_305, %sub3A_304 : i32
    %scan3A_307 = arith.constant 0 : i32
    %scan3A_308 = arith.constant 0 : i32
    %scan3A_309 = arith.constant 65 : i32
    %scan3A_310 = arith.addi %scan3A_308, %scan3A_309 : i32
    %scan3A_311 = arith.constant 1 : i32
    %scan3A_312 = scf.for %scan3A_564 = %scan3A_308 to %scan3A_310 step %scan3A_311 iter_args(%scan3A_565 = %scan3A_307) -> (i32)  : i32 {
      %mul3A_566 = arith.constant 16 : i32
      %mul3A_567 = arith.muli %scan3A_564, %mul3A_566 : i32
      %add3A_568 = vector.broadcast %mul3A_567 : i32 to vector<16xi32>
      %add3A_569 = arith.addi %add3A_568, %iota3A : vector<16xi32>
      %mul3A_570 = arith.constant 16 : i32
      %mul3A_571 = arith.muli %scan3A_564, %mul3A_570 : i32
      %get3A_572 = arith.index_cast %mul3A_571 : i32 to index
      %get3A_573 = tpu.vector_load %arg7[%get3A_572] {strides = array<i32>} : memref<1040xi32, #tpu.memory_space<vmem>>, vector<16xi32>,
      %broadcast_in_dim3A_574 = arith.constant 0 : i32
      %broadcast_in_dim3A_575 = vector.broadcast %broadcast_in_dim3A_574 : i32 to vector<16xi32>
      %mul3A_576 = arith.constant 4 : i32
      %mul3A_577 = vector.broadcast %mul3A_576 : i32 to vector<16xi32>
      %mul3A_578 = arith.muli %add3A_569, %mul3A_577 : vector<16xi32>
      %add3A_579 = arith.constant 0 : i32
      %add3A_580 = vector.broadcast %add3A_579 : i32 to vector<16xi32>
      %add3A_581 = arith.addi %mul3A_578, %add3A_580 : vector<16xi32>
      %ge3A = vector.broadcast %max3A_306 : i32 to vector<16xi32>
      %ge3A_582 = arith.cmpi sge, %add3A_581, %ge3A : vector<16xi32>
      %le3A = vector.broadcast %add3A_302 : i32 to vector<16xi32>
      %le3A_583 = arith.cmpi sle, %add3A_581, %le3A : vector<16xi32>
      %and3A_584 = arith.andi %ge3A_582, %le3A_583 : vector<16xi1>
      %jit3A_585 = arith.constant 255 : i32
      %jit3A_586 = arith.constant 0 : i32
      %broadcast_in_dim3A_587 = vector.broadcast %jit3A_585 : i32 to vector<16xi32>
      %broadcast_in_dim3A_588 = vector.broadcast %jit3A_586 : i32 to vector<16xi32>
      %select_n3A_589 = arith.select %and3A_584, %broadcast_in_dim3A_587, %broadcast_in_dim3A_588 : vector<16xi1>, vector<16xi32>
      %or3A = arith.ori %broadcast_in_dim3A_575, %select_n3A_589 : vector<16xi32>
      %mul3A_590 = arith.constant 4 : i32
      %mul3A_591 = vector.broadcast %mul3A_590 : i32 to vector<16xi32>
      %mul3A_592 = arith.muli %add3A_569, %mul3A_591 : vector<16xi32>
      %add3A_593 = arith.constant 1 : i32
      %add3A_594 = vector.broadcast %add3A_593 : i32 to vector<16xi32>
      %add3A_595 = arith.addi %mul3A_592, %add3A_594 : vector<16xi32>
      %ge3A_596 = vector.broadcast %max3A_306 : i32 to vector<16xi32>
      %ge3A_597 = arith.cmpi sge, %add3A_595, %ge3A_596 : vector<16xi32>
      %le3A_598 = vector.broadcast %add3A_302 : i32 to vector<16xi32>
      %le3A_599 = arith.cmpi sle, %add3A_595, %le3A_598 : vector<16xi32>
      %and3A_600 = arith.andi %ge3A_597, %le3A_599 : vector<16xi1>
      %jit3A_601 = arith.constant 65280 : i32
      %jit3A_602 = arith.constant 0 : i32
      %broadcast_in_dim3A_603 = vector.broadcast %jit3A_601 : i32 to vector<16xi32>
      %broadcast_in_dim3A_604 = vector.broadcast %jit3A_602 : i32 to vector<16xi32>
      %select_n3A_605 = arith.select %and3A_600, %broadcast_in_dim3A_603, %broadcast_in_dim3A_604 : vector<16xi1>, vector<16xi32>
      %or3A_606 = arith.ori %or3A, %select_n3A_605 : vector<16xi32>
      %mul3A_607 = arith.constant 4 : i32
      %mul3A_608 = vector.broadcast %mul3A_607 : i32 to vector<16xi32>
      %mul3A_609 = arith.muli %add3A_569, %mul3A_608 : vector<16xi32>
      %add3A_610 = arith.constant 2 : i32
      %add3A_611 = vector.broadcast %add3A_610 : i32 to vector<16xi32>
      %add3A_612 = arith.addi %mul3A_609, %add3A_611 : vector<16xi32>
      %ge3A_613 = vector.broadcast %max3A_306 : i32 to vector<16xi32>
      %ge3A_614 = arith.cmpi sge, %add3A_612, %ge3A_613 : vector<16xi32>
      %le3A_615 = vector.broadcast %add3A_302 : i32 to vector<16xi32>
      %le3A_616 = arith.cmpi sle, %add3A_612, %le3A_615 : vector<16xi32>
      %and3A_617 = arith.andi %ge3A_614, %le3A_616 : vector<16xi1>
      %jit3A_618 = arith.constant 16711680 : i32
      %jit3A_619 = arith.constant 0 : i32
      %broadcast_in_dim3A_620 = vector.broadcast %jit3A_618 : i32 to vector<16xi32>
      %broadcast_in_dim3A_621 = vector.broadcast %jit3A_619 : i32 to vector<16xi32>
      %select_n3A_622 = arith.select %and3A_617, %broadcast_in_dim3A_620, %broadcast_in_dim3A_621 : vector<16xi1>, vector<16xi32>
      %or3A_623 = arith.ori %or3A_606, %select_n3A_622 : vector<16xi32>
      %mul3A_624 = arith.constant 4 : i32
      %mul3A_625 = vector.broadcast %mul3A_624 : i32 to vector<16xi32>
      %mul3A_626 = arith.muli %add3A_569, %mul3A_625 : vector<16xi32>
      %add3A_627 = arith.constant 3 : i32
      %add3A_628 = vector.broadcast %add3A_627 : i32 to vector<16xi32>
      %add3A_629 = arith.addi %mul3A_626, %add3A_628 : vector<16xi32>
      %ge3A_630 = vector.broadcast %max3A_306 : i32 to vector<16xi32>
      %ge3A_631 = arith.cmpi sge, %add3A_629, %ge3A_630 : vector<16xi32>
      %le3A_632 = vector.broadcast %add3A_302 : i32 to vector<16xi32>
      %le3A_633 = arith.cmpi sle, %add3A_629, %le3A_632 : vector<16xi32>
      %and3A_634 = arith.andi %ge3A_631, %le3A_633 : vector<16xi1>
      %jit3A_635 = arith.constant -16777216 : i32
      %jit3A_636 = arith.constant 0 : i32
      %broadcast_in_dim3A_637 = vector.broadcast %jit3A_635 : i32 to vector<16xi32>
      %broadcast_in_dim3A_638 = vector.broadcast %jit3A_636 : i32 to vector<16xi32>
      %select_n3A_639 = arith.select %and3A_634, %broadcast_in_dim3A_637, %broadcast_in_dim3A_638 : vector<16xi1>, vector<16xi32>
      %or3A_640 = arith.ori %or3A_623, %select_n3A_639 : vector<16xi32>
      %not3A_641 = arith.constant dense<-1> : vector<16xi32>
      %not3A_642 = arith.xori %or3A_640, %not3A_641 : vector<16xi32>
      %and3A_643 = arith.andi %get3A_573, %not3A_642 : vector<16xi32>
      %mul3A_644 = arith.constant 16 : i32
      %mul3A_645 = arith.muli %scan3A_564, %mul3A_644 : i32
      %swap3A_646 = arith.index_cast %mul3A_645 : i32 to index
      %swap3A_647 = tpu.vector_load %arg14[%swap3A_646] {strides = array<i32>} : memref<1040xi32, #tpu.memory_space<vmem>>, vector<16xi32>,
      tpu.vector_store %arg14[%swap3A_646], %and3A_643 {strides = array<i32>} : memref<1040xi32, #tpu.memory_space<vmem>>, vector<16xi32>,
      %scan3A_648 = arith.constant 0 : i32
      scf.yield %scan3A_648 : i32
    }
    %scan3A_313 = arith.constant 65 : i32
    %lt3A_314 = arith.cmpi slt, %add3A_302, %max3A : i32
    %eq3A_315 = arith.constant 0 : i32
    %eq3A_316 = arith.cmpi eq, %squeeze3A_7, %eq3A_315 : i32
    %jit3A_317 = arith.constant 1 : i32
    %select_n3A_318 = arith.select %eq3A_316, %jit3A_317, %squeeze3A_7 : i32
    %rem3A_319 = arith.remsi %add3A_302, %select_n3A_318 : i32
    %ne3A_320 = arith.constant 0 : i32
    %ne3A_321 = arith.cmpi ne, %rem3A_319, %ne3A_320 : i32
    %lt3A_322 = arith.constant 0 : i32
    %lt3A_323 = arith.cmpi slt, %rem3A_319, %lt3A_322 : i32
    %lt3A_324 = arith.constant 0 : i32
    %lt3A_325 = arith.cmpi slt, %select_n3A_318, %lt3A_324 : i32
    %ne3A_326 = arith.xori %lt3A_323, %lt3A_325 : i1
    %and3A_327 = arith.andi %ne3A_326, %ne3A_321 : i1
    %add3A_328 = arith.addi %rem3A_319, %select_n3A_318 : i32
    %select_n3A_329 = arith.select %and3A_327, %add3A_328, %rem3A_319 : i32
    %eq3A_330 = arith.constant 0 : i32
    %eq3A_331 = arith.cmpi eq, %select_n3A_329, %eq3A_330 : i32
    %and3A_332 = arith.andi %lt3A_314, %eq3A_331 : i1
    %convert_element_type3A_333 = arith.extui %and3A_332 : i1 to i32
    %cond3A_334 = arith.constant 0 : i32
    %cond3A_335 = arith.cmpi ne, %convert_element_type3A_333, %cond3A_334 : i32
    scf.if %cond3A_335 {
      %dma_start3A = arith.constant 0 : i32
      %dma_start3A_564 = tpu.memref_slice %arg4[%add3A_302, %dma_start3A] : memref<4096x1024xi32, #tpu.memory_space<hbm>> -> memref<1x1024xi32, #tpu.memory_space<hbm>>
      %dma_start3A_565 = tpu.memref_squeeze %dma_start3A_564 : memref<1x1024xi32, #tpu.memory_space<hbm>> -> memref<1024xi32, #tpu.memory_space<hbm>>
      %dma_start3A_566 = arith.constant 0 : i32
      %dma_start3A_567 = tpu.memref_slice %arg4[%add3A_302, %dma_start3A_566] : memref<4096x1024xi32, #tpu.memory_space<hbm>> -> memref<1x1024xi32, #tpu.memory_space<hbm>>
      %dma_start3A_568 = tpu.memref_squeeze %dma_start3A_567 : memref<1x1024xi32, #tpu.memory_space<hbm>> -> memref<1024xi32, #tpu.memory_space<hbm>>
      tpu.enqueue_dma source(%arg8 : memref<1024xi32, #tpu.memory_space<vmem>>) target(%dma_start3A_568 : memref<1024xi32, #tpu.memory_space<hbm>>) target_semaphore(%arg22 : memref<!tpu.dma_semaphore, #tpu.memory_space<semaphore_mem>>)
    } else {
    }
    %lt3A_336 = arith.cmpi slt, %add3A_302, %max3A : i32
    %eq3A_337 = arith.constant 0 : i32
    %eq3A_338 = arith.cmpi eq, %squeeze3A_7, %eq3A_337 : i32
    %jit3A_339 = arith.constant 1 : i32
    %select_n3A_340 = arith.select %eq3A_338, %jit3A_339, %squeeze3A_7 : i32
    %rem3A_341 = arith.remsi %add3A_302, %select_n3A_340 : i32
    %ne3A_342 = arith.constant 0 : i32
    %ne3A_343 = arith.cmpi ne, %rem3A_341, %ne3A_342 : i32
    %lt3A_344 = arith.constant 0 : i32
    %lt3A_345 = arith.cmpi slt, %rem3A_341, %lt3A_344 : i32
    %lt3A_346 = arith.constant 0 : i32
    %lt3A_347 = arith.cmpi slt, %select_n3A_340, %lt3A_346 : i32
    %ne3A_348 = arith.xori %lt3A_345, %lt3A_347 : i1
    %and3A_349 = arith.andi %ne3A_348, %ne3A_343 : i1
    %add3A_350 = arith.addi %rem3A_341, %select_n3A_340 : i32
    %select_n3A_351 = arith.select %and3A_349, %add3A_350, %rem3A_341 : i32
    %eq3A_352 = arith.constant 0 : i32
    %eq3A_353 = arith.cmpi eq, %select_n3A_351, %eq3A_352 : i32
    %and3A_354 = arith.andi %lt3A_336, %eq3A_353 : i1
    %not3A_355 = arith.constant true
    %not3A_356 = arith.xori %and3A_354, %not3A_355 : i1
    %convert_element_type3A_357 = arith.extui %not3A_356 : i1 to i32
    %cond3A_358 = arith.constant 0 : i32
    %cond3A_359 = arith.cmpi ne, %convert_element_type3A_357, %cond3A_358 : i32
    scf.if %cond3A_359 {
      %dma_start3A = arith.constant 0 : i32
      %dma_start3A_564 = tpu.memref_slice %arg14[%dma_start3A] : memref<1040xi32, #tpu.memory_space<vmem>> -> memref<1024xi32, #tpu.memory_space<vmem>>
      %dma_start3A_565 = arith.constant 0 : i32
      %dma_start3A_566 = tpu.memref_slice %arg4[%add3A_302, %dma_start3A_565] : memref<4096x1024xi32, #tpu.memory_space<hbm>> -> memref<1x1024xi32, #tpu.memory_space<hbm>>
      %dma_start3A_567 = tpu.memref_squeeze %dma_start3A_566 : memref<1x1024xi32, #tpu.memory_space<hbm>> -> memref<1024xi32, #tpu.memory_space<hbm>>
      %dma_start3A_568 = arith.constant 0 : i32
      %dma_start3A_569 = tpu.memref_slice %arg4[%add3A_302, %dma_start3A_568] : memref<4096x1024xi32, #tpu.memory_space<hbm>> -> memref<1x1024xi32, #tpu.memory_space<hbm>>
      %dma_start3A_570 = tpu.memref_squeeze %dma_start3A_569 : memref<1x1024xi32, #tpu.memory_space<hbm>> -> memref<1024xi32, #tpu.memory_space<hbm>>
      %dma_start3A_571 = arith.constant 0 : i32
      %dma_start3A_572 = tpu.memref_slice %arg14[%dma_start3A_571] : memref<1040xi32, #tpu.memory_space<vmem>> -> memref<1024xi32, #tpu.memory_space<vmem>>
      tpu.enqueue_dma source(%dma_start3A_572 : memref<1024xi32, #tpu.memory_space<vmem>>) target(%dma_start3A_570 : memref<1024xi32, #tpu.memory_space<hbm>>) target_semaphore(%arg22 : memref<!tpu.dma_semaphore, #tpu.memory_space<semaphore_mem>>)
    } else {
    }
    %add3A_360 = arith.constant 6 : i32
    %add3A_361 = arith.addi %mul3A_2, %add3A_360 : i32
    %sub3A_362 = arith.constant 128 : i32
    %sub3A_363 = arith.subi %add3A_361, %sub3A_362 : i32
    %max3A_364 = arith.constant 0 : i32
    %max3A_365 = arith.maxsi %max3A_364, %sub3A_363 : i32
    %scan3A_366 = arith.constant 0 : i32
    %scan3A_367 = arith.constant 0 : i32
    %scan3A_368 = arith.constant 65 : i32
    %scan3A_369 = arith.addi %scan3A_367, %scan3A_368 : i32
    %scan3A_370 = arith.constant 1 : i32
    %scan3A_371 = scf.for %scan3A_564 = %scan3A_367 to %scan3A_369 step %scan3A_370 iter_args(%scan3A_565 = %scan3A_366) -> (i32)  : i32 {
      %mul3A_566 = arith.constant 16 : i32
      %mul3A_567 = arith.muli %scan3A_564, %mul3A_566 : i32
      %add3A_568 = vector.broadcast %mul3A_567 : i32 to vector<16xi32>
      %add3A_569 = arith.addi %add3A_568, %iota3A : vector<16xi32>
      %mul3A_570 = arith.constant 16 : i32
      %mul3A_571 = arith.muli %scan3A_564, %mul3A_570 : i32
      %get3A_572 = arith.index_cast %mul3A_571 : i32 to index
      %get3A_573 = tpu.vector_load %arg7[%get3A_572] {strides = array<i32>} : memref<1040xi32, #tpu.memory_space<vmem>>, vector<16xi32>,
      %broadcast_in_dim3A_574 = arith.constant 0 : i32
      %broadcast_in_dim3A_575 = vector.broadcast %broadcast_in_dim3A_574 : i32 to vector<16xi32>
      %mul3A_576 = arith.constant 4 : i32
      %mul3A_577 = vector.broadcast %mul3A_576 : i32 to vector<16xi32>
      %mul3A_578 = arith.muli %add3A_569, %mul3A_577 : vector<16xi32>
      %add3A_579 = arith.constant 0 : i32
      %add3A_580 = vector.broadcast %add3A_579 : i32 to vector<16xi32>
      %add3A_581 = arith.addi %mul3A_578, %add3A_580 : vector<16xi32>
      %ge3A = vector.broadcast %max3A_365 : i32 to vector<16xi32>
      %ge3A_582 = arith.cmpi sge, %add3A_581, %ge3A : vector<16xi32>
      %le3A = vector.broadcast %add3A_361 : i32 to vector<16xi32>
      %le3A_583 = arith.cmpi sle, %add3A_581, %le3A : vector<16xi32>
      %and3A_584 = arith.andi %ge3A_582, %le3A_583 : vector<16xi1>
      %jit3A_585 = arith.constant 255 : i32
      %jit3A_586 = arith.constant 0 : i32
      %broadcast_in_dim3A_587 = vector.broadcast %jit3A_585 : i32 to vector<16xi32>
      %broadcast_in_dim3A_588 = vector.broadcast %jit3A_586 : i32 to vector<16xi32>
      %select_n3A_589 = arith.select %and3A_584, %broadcast_in_dim3A_587, %broadcast_in_dim3A_588 : vector<16xi1>, vector<16xi32>
      %or3A = arith.ori %broadcast_in_dim3A_575, %select_n3A_589 : vector<16xi32>
      %mul3A_590 = arith.constant 4 : i32
      %mul3A_591 = vector.broadcast %mul3A_590 : i32 to vector<16xi32>
      %mul3A_592 = arith.muli %add3A_569, %mul3A_591 : vector<16xi32>
      %add3A_593 = arith.constant 1 : i32
      %add3A_594 = vector.broadcast %add3A_593 : i32 to vector<16xi32>
      %add3A_595 = arith.addi %mul3A_592, %add3A_594 : vector<16xi32>
      %ge3A_596 = vector.broadcast %max3A_365 : i32 to vector<16xi32>
      %ge3A_597 = arith.cmpi sge, %add3A_595, %ge3A_596 : vector<16xi32>
      %le3A_598 = vector.broadcast %add3A_361 : i32 to vector<16xi32>
      %le3A_599 = arith.cmpi sle, %add3A_595, %le3A_598 : vector<16xi32>
      %and3A_600 = arith.andi %ge3A_597, %le3A_599 : vector<16xi1>
      %jit3A_601 = arith.constant 65280 : i32
      %jit3A_602 = arith.constant 0 : i32
      %broadcast_in_dim3A_603 = vector.broadcast %jit3A_601 : i32 to vector<16xi32>
      %broadcast_in_dim3A_604 = vector.broadcast %jit3A_602 : i32 to vector<16xi32>
      %select_n3A_605 = arith.select %and3A_600, %broadcast_in_dim3A_603, %broadcast_in_dim3A_604 : vector<16xi1>, vector<16xi32>
      %or3A_606 = arith.ori %or3A, %select_n3A_605 : vector<16xi32>
      %mul3A_607 = arith.constant 4 : i32
      %mul3A_608 = vector.broadcast %mul3A_607 : i32 to vector<16xi32>
      %mul3A_609 = arith.muli %add3A_569, %mul3A_608 : vector<16xi32>
      %add3A_610 = arith.constant 2 : i32
      %add3A_611 = vector.broadcast %add3A_610 : i32 to vector<16xi32>
      %add3A_612 = arith.addi %mul3A_609, %add3A_611 : vector<16xi32>
      %ge3A_613 = vector.broadcast %max3A_365 : i32 to vector<16xi32>
      %ge3A_614 = arith.cmpi sge, %add3A_612, %ge3A_613 : vector<16xi32>
      %le3A_615 = vector.broadcast %add3A_361 : i32 to vector<16xi32>
      %le3A_616 = arith.cmpi sle, %add3A_612, %le3A_615 : vector<16xi32>
      %and3A_617 = arith.andi %ge3A_614, %le3A_616 : vector<16xi1>
      %jit3A_618 = arith.constant 16711680 : i32
      %jit3A_619 = arith.constant 0 : i32
      %broadcast_in_dim3A_620 = vector.broadcast %jit3A_618 : i32 to vector<16xi32>
      %broadcast_in_dim3A_621 = vector.broadcast %jit3A_619 : i32 to vector<16xi32>
      %select_n3A_622 = arith.select %and3A_617, %broadcast_in_dim3A_620, %broadcast_in_dim3A_621 : vector<16xi1>, vector<16xi32>
      %or3A_623 = arith.ori %or3A_606, %select_n3A_622 : vector<16xi32>
      %mul3A_624 = arith.constant 4 : i32
      %mul3A_625 = vector.broadcast %mul3A_624 : i32 to vector<16xi32>
      %mul3A_626 = arith.muli %add3A_569, %mul3A_625 : vector<16xi32>
      %add3A_627 = arith.constant 3 : i32
      %add3A_628 = vector.broadcast %add3A_627 : i32 to vector<16xi32>
      %add3A_629 = arith.addi %mul3A_626, %add3A_628 : vector<16xi32>
      %ge3A_630 = vector.broadcast %max3A_365 : i32 to vector<16xi32>
      %ge3A_631 = arith.cmpi sge, %add3A_629, %ge3A_630 : vector<16xi32>
      %le3A_632 = vector.broadcast %add3A_361 : i32 to vector<16xi32>
      %le3A_633 = arith.cmpi sle, %add3A_629, %le3A_632 : vector<16xi32>
      %and3A_634 = arith.andi %ge3A_631, %le3A_633 : vector<16xi1>
      %jit3A_635 = arith.constant -16777216 : i32
      %jit3A_636 = arith.constant 0 : i32
      %broadcast_in_dim3A_637 = vector.broadcast %jit3A_635 : i32 to vector<16xi32>
      %broadcast_in_dim3A_638 = vector.broadcast %jit3A_636 : i32 to vector<16xi32>
      %select_n3A_639 = arith.select %and3A_634, %broadcast_in_dim3A_637, %broadcast_in_dim3A_638 : vector<16xi1>, vector<16xi32>
      %or3A_640 = arith.ori %or3A_623, %select_n3A_639 : vector<16xi32>
      %not3A_641 = arith.constant dense<-1> : vector<16xi32>
      %not3A_642 = arith.xori %or3A_640, %not3A_641 : vector<16xi32>
      %and3A_643 = arith.andi %get3A_573, %not3A_642 : vector<16xi32>
      %mul3A_644 = arith.constant 16 : i32
      %mul3A_645 = arith.muli %scan3A_564, %mul3A_644 : i32
      %swap3A_646 = arith.index_cast %mul3A_645 : i32 to index
      %swap3A_647 = tpu.vector_load %arg15[%swap3A_646] {strides = array<i32>} : memref<1040xi32, #tpu.memory_space<vmem>>, vector<16xi32>,
      tpu.vector_store %arg15[%swap3A_646], %and3A_643 {strides = array<i32>} : memref<1040xi32, #tpu.memory_space<vmem>>, vector<16xi32>,
      %scan3A_648 = arith.constant 0 : i32
      scf.yield %scan3A_648 : i32
    }
    %scan3A_372 = arith.constant 65 : i32
    %lt3A_373 = arith.cmpi slt, %add3A_361, %max3A : i32
    %eq3A_374 = arith.constant 0 : i32
    %eq3A_375 = arith.cmpi eq, %squeeze3A_7, %eq3A_374 : i32
    %jit3A_376 = arith.constant 1 : i32
    %select_n3A_377 = arith.select %eq3A_375, %jit3A_376, %squeeze3A_7 : i32
    %rem3A_378 = arith.remsi %add3A_361, %select_n3A_377 : i32
    %ne3A_379 = arith.constant 0 : i32
    %ne3A_380 = arith.cmpi ne, %rem3A_378, %ne3A_379 : i32
    %lt3A_381 = arith.constant 0 : i32
    %lt3A_382 = arith.cmpi slt, %rem3A_378, %lt3A_381 : i32
    %lt3A_383 = arith.constant 0 : i32
    %lt3A_384 = arith.cmpi slt, %select_n3A_377, %lt3A_383 : i32
    %ne3A_385 = arith.xori %lt3A_382, %lt3A_384 : i1
    %and3A_386 = arith.andi %ne3A_385, %ne3A_380 : i1
    %add3A_387 = arith.addi %rem3A_378, %select_n3A_377 : i32
    %select_n3A_388 = arith.select %and3A_386, %add3A_387, %rem3A_378 : i32
    %eq3A_389 = arith.constant 0 : i32
    %eq3A_390 = arith.cmpi eq, %select_n3A_388, %eq3A_389 : i32
    %and3A_391 = arith.andi %lt3A_373, %eq3A_390 : i1
    %convert_element_type3A_392 = arith.extui %and3A_391 : i1 to i32
    %cond3A_393 = arith.constant 0 : i32
    %cond3A_394 = arith.cmpi ne, %convert_element_type3A_392, %cond3A_393 : i32
    scf.if %cond3A_394 {
      %dma_start3A = arith.constant 0 : i32
      %dma_start3A_564 = tpu.memref_slice %arg4[%add3A_361, %dma_start3A] : memref<4096x1024xi32, #tpu.memory_space<hbm>> -> memref<1x1024xi32, #tpu.memory_space<hbm>>
      %dma_start3A_565 = tpu.memref_squeeze %dma_start3A_564 : memref<1x1024xi32, #tpu.memory_space<hbm>> -> memref<1024xi32, #tpu.memory_space<hbm>>
      %dma_start3A_566 = arith.constant 0 : i32
      %dma_start3A_567 = tpu.memref_slice %arg4[%add3A_361, %dma_start3A_566] : memref<4096x1024xi32, #tpu.memory_space<hbm>> -> memref<1x1024xi32, #tpu.memory_space<hbm>>
      %dma_start3A_568 = tpu.memref_squeeze %dma_start3A_567 : memref<1x1024xi32, #tpu.memory_space<hbm>> -> memref<1024xi32, #tpu.memory_space<hbm>>
      tpu.enqueue_dma source(%arg8 : memref<1024xi32, #tpu.memory_space<vmem>>) target(%dma_start3A_568 : memref<1024xi32, #tpu.memory_space<hbm>>) target_semaphore(%arg23 : memref<!tpu.dma_semaphore, #tpu.memory_space<semaphore_mem>>)
    } else {
    }
    %lt3A_395 = arith.cmpi slt, %add3A_361, %max3A : i32
    %eq3A_396 = arith.constant 0 : i32
    %eq3A_397 = arith.cmpi eq, %squeeze3A_7, %eq3A_396 : i32
    %jit3A_398 = arith.constant 1 : i32
    %select_n3A_399 = arith.select %eq3A_397, %jit3A_398, %squeeze3A_7 : i32
    %rem3A_400 = arith.remsi %add3A_361, %select_n3A_399 : i32
    %ne3A_401 = arith.constant 0 : i32
    %ne3A_402 = arith.cmpi ne, %rem3A_400, %ne3A_401 : i32
    %lt3A_403 = arith.constant 0 : i32
    %lt3A_404 = arith.cmpi slt, %rem3A_400, %lt3A_403 : i32
    %lt3A_405 = arith.constant 0 : i32
    %lt3A_406 = arith.cmpi slt, %select_n3A_399, %lt3A_405 : i32
    %ne3A_407 = arith.xori %lt3A_404, %lt3A_406 : i1
    %and3A_408 = arith.andi %ne3A_407, %ne3A_402 : i1
    %add3A_409 = arith.addi %rem3A_400, %select_n3A_399 : i32
    %select_n3A_410 = arith.select %and3A_408, %add3A_409, %rem3A_400 : i32
    %eq3A_411 = arith.constant 0 : i32
    %eq3A_412 = arith.cmpi eq, %select_n3A_410, %eq3A_411 : i32
    %and3A_413 = arith.andi %lt3A_395, %eq3A_412 : i1
    %not3A_414 = arith.constant true
    %not3A_415 = arith.xori %and3A_413, %not3A_414 : i1
    %convert_element_type3A_416 = arith.extui %not3A_415 : i1 to i32
    %cond3A_417 = arith.constant 0 : i32
    %cond3A_418 = arith.cmpi ne, %convert_element_type3A_416, %cond3A_417 : i32
    scf.if %cond3A_418 {
      %dma_start3A = arith.constant 0 : i32
      %dma_start3A_564 = tpu.memref_slice %arg15[%dma_start3A] : memref<1040xi32, #tpu.memory_space<vmem>> -> memref<1024xi32, #tpu.memory_space<vmem>>
      %dma_start3A_565 = arith.constant 0 : i32
      %dma_start3A_566 = tpu.memref_slice %arg4[%add3A_361, %dma_start3A_565] : memref<4096x1024xi32, #tpu.memory_space<hbm>> -> memref<1x1024xi32, #tpu.memory_space<hbm>>
      %dma_start3A_567 = tpu.memref_squeeze %dma_start3A_566 : memref<1x1024xi32, #tpu.memory_space<hbm>> -> memref<1024xi32, #tpu.memory_space<hbm>>
      %dma_start3A_568 = arith.constant 0 : i32
      %dma_start3A_569 = tpu.memref_slice %arg4[%add3A_361, %dma_start3A_568] : memref<4096x1024xi32, #tpu.memory_space<hbm>> -> memref<1x1024xi32, #tpu.memory_space<hbm>>
      %dma_start3A_570 = tpu.memref_squeeze %dma_start3A_569 : memref<1x1024xi32, #tpu.memory_space<hbm>> -> memref<1024xi32, #tpu.memory_space<hbm>>
      %dma_start3A_571 = arith.constant 0 : i32
      %dma_start3A_572 = tpu.memref_slice %arg15[%dma_start3A_571] : memref<1040xi32, #tpu.memory_space<vmem>> -> memref<1024xi32, #tpu.memory_space<vmem>>
      tpu.enqueue_dma source(%dma_start3A_572 : memref<1024xi32, #tpu.memory_space<vmem>>) target(%dma_start3A_570 : memref<1024xi32, #tpu.memory_space<hbm>>) target_semaphore(%arg23 : memref<!tpu.dma_semaphore, #tpu.memory_space<semaphore_mem>>)
    } else {
    }
    %add3A_419 = arith.constant 7 : i32
    %add3A_420 = arith.addi %mul3A_2, %add3A_419 : i32
    %sub3A_421 = arith.constant 128 : i32
    %sub3A_422 = arith.subi %add3A_420, %sub3A_421 : i32
    %max3A_423 = arith.constant 0 : i32
    %max3A_424 = arith.maxsi %max3A_423, %sub3A_422 : i32
    %scan3A_425 = arith.constant 0 : i32
    %scan3A_426 = arith.constant 0 : i32
    %scan3A_427 = arith.constant 65 : i32
    %scan3A_428 = arith.addi %scan3A_426, %scan3A_427 : i32
    %scan3A_429 = arith.constant 1 : i32
    %scan3A_430 = scf.for %scan3A_564 = %scan3A_426 to %scan3A_428 step %scan3A_429 iter_args(%scan3A_565 = %scan3A_425) -> (i32)  : i32 {
      %mul3A_566 = arith.constant 16 : i32
      %mul3A_567 = arith.muli %scan3A_564, %mul3A_566 : i32
      %add3A_568 = vector.broadcast %mul3A_567 : i32 to vector<16xi32>
      %add3A_569 = arith.addi %add3A_568, %iota3A : vector<16xi32>
      %mul3A_570 = arith.constant 16 : i32
      %mul3A_571 = arith.muli %scan3A_564, %mul3A_570 : i32
      %get3A_572 = arith.index_cast %mul3A_571 : i32 to index
      %get3A_573 = tpu.vector_load %arg7[%get3A_572] {strides = array<i32>} : memref<1040xi32, #tpu.memory_space<vmem>>, vector<16xi32>,
      %broadcast_in_dim3A_574 = arith.constant 0 : i32
      %broadcast_in_dim3A_575 = vector.broadcast %broadcast_in_dim3A_574 : i32 to vector<16xi32>
      %mul3A_576 = arith.constant 4 : i32
      %mul3A_577 = vector.broadcast %mul3A_576 : i32 to vector<16xi32>
      %mul3A_578 = arith.muli %add3A_569, %mul3A_577 : vector<16xi32>
      %add3A_579 = arith.constant 0 : i32
      %add3A_580 = vector.broadcast %add3A_579 : i32 to vector<16xi32>
      %add3A_581 = arith.addi %mul3A_578, %add3A_580 : vector<16xi32>
      %ge3A = vector.broadcast %max3A_424 : i32 to vector<16xi32>
      %ge3A_582 = arith.cmpi sge, %add3A_581, %ge3A : vector<16xi32>
      %le3A = vector.broadcast %add3A_420 : i32 to vector<16xi32>
      %le3A_583 = arith.cmpi sle, %add3A_581, %le3A : vector<16xi32>
      %and3A_584 = arith.andi %ge3A_582, %le3A_583 : vector<16xi1>
      %jit3A_585 = arith.constant 255 : i32
      %jit3A_586 = arith.constant 0 : i32
      %broadcast_in_dim3A_587 = vector.broadcast %jit3A_585 : i32 to vector<16xi32>
      %broadcast_in_dim3A_588 = vector.broadcast %jit3A_586 : i32 to vector<16xi32>
      %select_n3A_589 = arith.select %and3A_584, %broadcast_in_dim3A_587, %broadcast_in_dim3A_588 : vector<16xi1>, vector<16xi32>
      %or3A = arith.ori %broadcast_in_dim3A_575, %select_n3A_589 : vector<16xi32>
      %mul3A_590 = arith.constant 4 : i32
      %mul3A_591 = vector.broadcast %mul3A_590 : i32 to vector<16xi32>
      %mul3A_592 = arith.muli %add3A_569, %mul3A_591 : vector<16xi32>
      %add3A_593 = arith.constant 1 : i32
      %add3A_594 = vector.broadcast %add3A_593 : i32 to vector<16xi32>
      %add3A_595 = arith.addi %mul3A_592, %add3A_594 : vector<16xi32>
      %ge3A_596 = vector.broadcast %max3A_424 : i32 to vector<16xi32>
      %ge3A_597 = arith.cmpi sge, %add3A_595, %ge3A_596 : vector<16xi32>
      %le3A_598 = vector.broadcast %add3A_420 : i32 to vector<16xi32>
      %le3A_599 = arith.cmpi sle, %add3A_595, %le3A_598 : vector<16xi32>
      %and3A_600 = arith.andi %ge3A_597, %le3A_599 : vector<16xi1>
      %jit3A_601 = arith.constant 65280 : i32
      %jit3A_602 = arith.constant 0 : i32
      %broadcast_in_dim3A_603 = vector.broadcast %jit3A_601 : i32 to vector<16xi32>
      %broadcast_in_dim3A_604 = vector.broadcast %jit3A_602 : i32 to vector<16xi32>
      %select_n3A_605 = arith.select %and3A_600, %broadcast_in_dim3A_603, %broadcast_in_dim3A_604 : vector<16xi1>, vector<16xi32>
      %or3A_606 = arith.ori %or3A, %select_n3A_605 : vector<16xi32>
      %mul3A_607 = arith.constant 4 : i32
      %mul3A_608 = vector.broadcast %mul3A_607 : i32 to vector<16xi32>
      %mul3A_609 = arith.muli %add3A_569, %mul3A_608 : vector<16xi32>
      %add3A_610 = arith.constant 2 : i32
      %add3A_611 = vector.broadcast %add3A_610 : i32 to vector<16xi32>
      %add3A_612 = arith.addi %mul3A_609, %add3A_611 : vector<16xi32>
      %ge3A_613 = vector.broadcast %max3A_424 : i32 to vector<16xi32>
      %ge3A_614 = arith.cmpi sge, %add3A_612, %ge3A_613 : vector<16xi32>
      %le3A_615 = vector.broadcast %add3A_420 : i32 to vector<16xi32>
      %le3A_616 = arith.cmpi sle, %add3A_612, %le3A_615 : vector<16xi32>
      %and3A_617 = arith.andi %ge3A_614, %le3A_616 : vector<16xi1>
      %jit3A_618 = arith.constant 16711680 : i32
      %jit3A_619 = arith.constant 0 : i32
      %broadcast_in_dim3A_620 = vector.broadcast %jit3A_618 : i32 to vector<16xi32>
      %broadcast_in_dim3A_621 = vector.broadcast %jit3A_619 : i32 to vector<16xi32>
      %select_n3A_622 = arith.select %and3A_617, %broadcast_in_dim3A_620, %broadcast_in_dim3A_621 : vector<16xi1>, vector<16xi32>
      %or3A_623 = arith.ori %or3A_606, %select_n3A_622 : vector<16xi32>
      %mul3A_624 = arith.constant 4 : i32
      %mul3A_625 = vector.broadcast %mul3A_624 : i32 to vector<16xi32>
      %mul3A_626 = arith.muli %add3A_569, %mul3A_625 : vector<16xi32>
      %add3A_627 = arith.constant 3 : i32
      %add3A_628 = vector.broadcast %add3A_627 : i32 to vector<16xi32>
      %add3A_629 = arith.addi %mul3A_626, %add3A_628 : vector<16xi32>
      %ge3A_630 = vector.broadcast %max3A_424 : i32 to vector<16xi32>
      %ge3A_631 = arith.cmpi sge, %add3A_629, %ge3A_630 : vector<16xi32>
      %le3A_632 = vector.broadcast %add3A_420 : i32 to vector<16xi32>
      %le3A_633 = arith.cmpi sle, %add3A_629, %le3A_632 : vector<16xi32>
      %and3A_634 = arith.andi %ge3A_631, %le3A_633 : vector<16xi1>
      %jit3A_635 = arith.constant -16777216 : i32
      %jit3A_636 = arith.constant 0 : i32
      %broadcast_in_dim3A_637 = vector.broadcast %jit3A_635 : i32 to vector<16xi32>
      %broadcast_in_dim3A_638 = vector.broadcast %jit3A_636 : i32 to vector<16xi32>
      %select_n3A_639 = arith.select %and3A_634, %broadcast_in_dim3A_637, %broadcast_in_dim3A_638 : vector<16xi1>, vector<16xi32>
      %or3A_640 = arith.ori %or3A_623, %select_n3A_639 : vector<16xi32>
      %not3A_641 = arith.constant dense<-1> : vector<16xi32>
      %not3A_642 = arith.xori %or3A_640, %not3A_641 : vector<16xi32>
      %and3A_643 = arith.andi %get3A_573, %not3A_642 : vector<16xi32>
      %mul3A_644 = arith.constant 16 : i32
      %mul3A_645 = arith.muli %scan3A_564, %mul3A_644 : i32
      %swap3A_646 = arith.index_cast %mul3A_645 : i32 to index
      %swap3A_647 = tpu.vector_load %arg16[%swap3A_646] {strides = array<i32>} : memref<1040xi32, #tpu.memory_space<vmem>>, vector<16xi32>,
      tpu.vector_store %arg16[%swap3A_646], %and3A_643 {strides = array<i32>} : memref<1040xi32, #tpu.memory_space<vmem>>, vector<16xi32>,
      %scan3A_648 = arith.constant 0 : i32
      scf.yield %scan3A_648 : i32
    }
    %scan3A_431 = arith.constant 65 : i32
    %lt3A_432 = arith.cmpi slt, %add3A_420, %max3A : i32
    %eq3A_433 = arith.constant 0 : i32
    %eq3A_434 = arith.cmpi eq, %squeeze3A_7, %eq3A_433 : i32
    %jit3A_435 = arith.constant 1 : i32
    %select_n3A_436 = arith.select %eq3A_434, %jit3A_435, %squeeze3A_7 : i32
    %rem3A_437 = arith.remsi %add3A_420, %select_n3A_436 : i32
    %ne3A_438 = arith.constant 0 : i32
    %ne3A_439 = arith.cmpi ne, %rem3A_437, %ne3A_438 : i32
    %lt3A_440 = arith.constant 0 : i32
    %lt3A_441 = arith.cmpi slt, %rem3A_437, %lt3A_440 : i32
    %lt3A_442 = arith.constant 0 : i32
    %lt3A_443 = arith.cmpi slt, %select_n3A_436, %lt3A_442 : i32
    %ne3A_444 = arith.xori %lt3A_441, %lt3A_443 : i1
    %and3A_445 = arith.andi %ne3A_444, %ne3A_439 : i1
    %add3A_446 = arith.addi %rem3A_437, %select_n3A_436 : i32
    %select_n3A_447 = arith.select %and3A_445, %add3A_446, %rem3A_437 : i32
    %eq3A_448 = arith.constant 0 : i32
    %eq3A_449 = arith.cmpi eq, %select_n3A_447, %eq3A_448 : i32
    %and3A_450 = arith.andi %lt3A_432, %eq3A_449 : i1
    %convert_element_type3A_451 = arith.extui %and3A_450 : i1 to i32
    %cond3A_452 = arith.constant 0 : i32
    %cond3A_453 = arith.cmpi ne, %convert_element_type3A_451, %cond3A_452 : i32
    scf.if %cond3A_453 {
      %dma_start3A = arith.constant 0 : i32
      %dma_start3A_564 = tpu.memref_slice %arg4[%add3A_420, %dma_start3A] : memref<4096x1024xi32, #tpu.memory_space<hbm>> -> memref<1x1024xi32, #tpu.memory_space<hbm>>
      %dma_start3A_565 = tpu.memref_squeeze %dma_start3A_564 : memref<1x1024xi32, #tpu.memory_space<hbm>> -> memref<1024xi32, #tpu.memory_space<hbm>>
      %dma_start3A_566 = arith.constant 0 : i32
      %dma_start3A_567 = tpu.memref_slice %arg4[%add3A_420, %dma_start3A_566] : memref<4096x1024xi32, #tpu.memory_space<hbm>> -> memref<1x1024xi32, #tpu.memory_space<hbm>>
      %dma_start3A_568 = tpu.memref_squeeze %dma_start3A_567 : memref<1x1024xi32, #tpu.memory_space<hbm>> -> memref<1024xi32, #tpu.memory_space<hbm>>
      tpu.enqueue_dma source(%arg8 : memref<1024xi32, #tpu.memory_space<vmem>>) target(%dma_start3A_568 : memref<1024xi32, #tpu.memory_space<hbm>>) target_semaphore(%arg24 : memref<!tpu.dma_semaphore, #tpu.memory_space<semaphore_mem>>)
    } else {
    }
    %lt3A_454 = arith.cmpi slt, %add3A_420, %max3A : i32
    %eq3A_455 = arith.constant 0 : i32
    %eq3A_456 = arith.cmpi eq, %squeeze3A_7, %eq3A_455 : i32
    %jit3A_457 = arith.constant 1 : i32
    %select_n3A_458 = arith.select %eq3A_456, %jit3A_457, %squeeze3A_7 : i32
    %rem3A_459 = arith.remsi %add3A_420, %select_n3A_458 : i32
    %ne3A_460 = arith.constant 0 : i32
    %ne3A_461 = arith.cmpi ne, %rem3A_459, %ne3A_460 : i32
    %lt3A_462 = arith.constant 0 : i32
    %lt3A_463 = arith.cmpi slt, %rem3A_459, %lt3A_462 : i32
    %lt3A_464 = arith.constant 0 : i32
    %lt3A_465 = arith.cmpi slt, %select_n3A_458, %lt3A_464 : i32
    %ne3A_466 = arith.xori %lt3A_463, %lt3A_465 : i1
    %and3A_467 = arith.andi %ne3A_466, %ne3A_461 : i1
    %add3A_468 = arith.addi %rem3A_459, %select_n3A_458 : i32
    %select_n3A_469 = arith.select %and3A_467, %add3A_468, %rem3A_459 : i32
    %eq3A_470 = arith.constant 0 : i32
    %eq3A_471 = arith.cmpi eq, %select_n3A_469, %eq3A_470 : i32
    %and3A_472 = arith.andi %lt3A_454, %eq3A_471 : i1
    %not3A_473 = arith.constant true
    %not3A_474 = arith.xori %and3A_472, %not3A_473 : i1
    %convert_element_type3A_475 = arith.extui %not3A_474 : i1 to i32
    %cond3A_476 = arith.constant 0 : i32
    %cond3A_477 = arith.cmpi ne, %convert_element_type3A_475, %cond3A_476 : i32
    scf.if %cond3A_477 {
      %dma_start3A = arith.constant 0 : i32
      %dma_start3A_564 = tpu.memref_slice %arg16[%dma_start3A] : memref<1040xi32, #tpu.memory_space<vmem>> -> memref<1024xi32, #tpu.memory_space<vmem>>
      %dma_start3A_565 = arith.constant 0 : i32
      %dma_start3A_566 = tpu.memref_slice %arg4[%add3A_420, %dma_start3A_565] : memref<4096x1024xi32, #tpu.memory_space<hbm>> -> memref<1x1024xi32, #tpu.memory_space<hbm>>
      %dma_start3A_567 = tpu.memref_squeeze %dma_start3A_566 : memref<1x1024xi32, #tpu.memory_space<hbm>> -> memref<1024xi32, #tpu.memory_space<hbm>>
      %dma_start3A_568 = arith.constant 0 : i32
      %dma_start3A_569 = tpu.memref_slice %arg4[%add3A_420, %dma_start3A_568] : memref<4096x1024xi32, #tpu.memory_space<hbm>> -> memref<1x1024xi32, #tpu.memory_space<hbm>>
      %dma_start3A_570 = tpu.memref_squeeze %dma_start3A_569 : memref<1x1024xi32, #tpu.memory_space<hbm>> -> memref<1024xi32, #tpu.memory_space<hbm>>
      %dma_start3A_571 = arith.constant 0 : i32
      %dma_start3A_572 = tpu.memref_slice %arg16[%dma_start3A_571] : memref<1040xi32, #tpu.memory_space<vmem>> -> memref<1024xi32, #tpu.memory_space<vmem>>
      tpu.enqueue_dma source(%dma_start3A_572 : memref<1024xi32, #tpu.memory_space<vmem>>) target(%dma_start3A_570 : memref<1024xi32, #tpu.memory_space<hbm>>) target_semaphore(%arg24 : memref<!tpu.dma_semaphore, #tpu.memory_space<semaphore_mem>>)
    } else {
    }
    %scan3A_478 = arith.constant 0 : i32
    %scan3A_479 = arith.constant 1 : i32
    %scan3A_480 = arith.constant 15 : i32
    %scan3A_481 = arith.addi %scan3A_479, %scan3A_480 : i32
    %scan3A_482 = arith.constant 1 : i32
    %scan3A_483 = scf.for %scan3A_564 = %scan3A_479 to %scan3A_481 step %scan3A_482 iter_args(%scan3A_565 = %scan3A_478) -> (i32)  : i32 {
      %add3A_566 = arith.constant 0 : i32
      %add3A_567 = arith.addi %mul3A_2, %add3A_566 : i32
      %mul3A_568 = arith.constant 8 : i32
      %mul3A_569 = arith.muli %mul3A_568, %scan3A_564 : i32
      %add3A_570 = arith.addi %add3A_567, %mul3A_569 : i32
      %dma_wait3A_571 = arith.constant 0 : i32
      %dma_wait3A_572 = tpu.memref_slice %arg9[%dma_wait3A_571] : memref<1040xi32, #tpu.memory_space<vmem>> -> memref<1024xi32, #tpu.memory_space<vmem>>
      %dma_wait3A_573 = arith.constant 0 : i32
      %dma_wait3A_574 = tpu.memref_slice %arg4[%mul3A_2, %dma_wait3A_573] : memref<4096x1024xi32, #tpu.memory_space<hbm>> -> memref<1x1024xi32, #tpu.memory_space<hbm>>
      %dma_wait3A_575 = tpu.memref_squeeze %dma_wait3A_574 : memref<1x1024xi32, #tpu.memory_space<hbm>> -> memref<1024xi32, #tpu.memory_space<hbm>>
      %dma_wait3A_576 = arith.constant 0 : i32
      %dma_wait3A_577 = tpu.memref_slice %arg4[%mul3A_2, %dma_wait3A_576] : memref<4096x1024xi32, #tpu.memory_space<hbm>> -> memref<1x1024xi32, #tpu.memory_space<hbm>>
      %dma_wait3A_578 = tpu.memref_squeeze %dma_wait3A_577 : memref<1x1024xi32, #tpu.memory_space<hbm>> -> memref<1024xi32, #tpu.memory_space<hbm>>
      %dma_wait3A_579 = arith.constant 0 : i32
      %dma_wait3A_580 = tpu.memref_slice %arg9[%dma_wait3A_579] : memref<1040xi32, #tpu.memory_space<vmem>> -> memref<1024xi32, #tpu.memory_space<vmem>>
      tpu.wait_dma2 semaphore(%arg17 : memref<!tpu.dma_semaphore, #tpu.memory_space<semaphore_mem>>) src(%dma_wait3A_580 : memref<1024xi32, #tpu.memory_space<vmem>>) dst(%dma_wait3A_578 : memref<1024xi32, #tpu.memory_space<hbm>>)
      %ge3A = arith.constant 136 : i32
      %ge3A_581 = arith.cmpi sge, %add3A_570, %ge3A : i32
      %convert_element_type3A_582 = arith.extui %ge3A_581 : i1 to i32
      %cond3A_583 = arith.constant 0 : i32
      %cond3A_584 = arith.cmpi ne, %convert_element_type3A_582, %cond3A_583 : i32
      scf.if %cond3A_584 {
        %sub3A_1308 = arith.constant 136 : i32
        %sub3A_1309 = arith.subi %add3A_570, %sub3A_1308 : i32
        %shift_right_arithmetic3A_1310 = arith.constant 2 : i32
        %shift_right_arithmetic3A_1311 = arith.shrsi %sub3A_1309, %shift_right_arithmetic3A_1310 : i32
        %add3A_1312 = vector.broadcast %shift_right_arithmetic3A_1311 : i32 to vector<16xi32>
        %add3A_1313 = arith.addi %add3A_1312, %iota3A : vector<16xi32>
        %gather3A_1314 = tpu.vector_load_idx %arg7[%add3A_1313] : memref<1040xi32, #tpu.memory_space<vmem>>[vector<16xi32>], vector<16xi32>,
        %gather3A_1315 = tpu.vector_load_idx %arg9[%add3A_1313] : memref<1040xi32, #tpu.memory_space<vmem>>[vector<16xi32>], vector<16xi32>,
        %le3A_1316 = arith.constant 1 : i32
        %le3A_1317 = vector.broadcast %le3A_1316 : i32 to vector<16xi32>
        %le3A_1318 = arith.cmpi sle, %iota3A, %le3A_1317 : vector<16xi32>
        %jit3A_1319 = arith.constant -1 : i32
        %jit3A_1320 = arith.constant 0 : i32
        %broadcast_in_dim3A_1321 = vector.broadcast %jit3A_1319 : i32 to vector<16xi32>
        %broadcast_in_dim3A_1322 = vector.broadcast %jit3A_1320 : i32 to vector<16xi32>
        %select_n3A_1323 = arith.select %le3A_1318, %broadcast_in_dim3A_1321, %broadcast_in_dim3A_1322 : vector<16xi1>, vector<16xi32>
        %not3A_1324 = arith.constant dense<-1> : vector<16xi32>
        %not3A_1325 = arith.xori %select_n3A_1323, %not3A_1324 : vector<16xi32>
        %and3A_1326 = arith.andi %gather3A_1315, %not3A_1325 : vector<16xi32>
        %and3A_1327 = arith.andi %gather3A_1314, %select_n3A_1323 : vector<16xi32>
        %or3A = arith.ori %and3A_1326, %and3A_1327 : vector<16xi32>
        tpu.vector_store_idx %arg9[%add3A_1313], %or3A : memref<1040xi32, #tpu.memory_space<vmem>>[vector<16xi32>], vector<16xi32>,
      } else {
      }
      %sub3A_585 = arith.constant 7 : i32
      %sub3A_586 = arith.subi %add3A_570, %sub3A_585 : i32
      %shift_right_arithmetic3A = arith.constant 2 : i32
      %shift_right_arithmetic3A_587 = arith.shrsi %sub3A_586, %shift_right_arithmetic3A : i32
      %add3A_588 = vector.broadcast %shift_right_arithmetic3A_587 : i32 to vector<16xi32>
      %add3A_589 = arith.addi %add3A_588, %iota3A : vector<16xi32>
      %gather3A_590 = tpu.vector_load_idx %arg9[%add3A_589] : memref<1040xi32, #tpu.memory_space<vmem>>[vector<16xi32>], vector<16xi32>,
      %eq3A_591 = arith.constant 0 : i32
      %eq3A_592 = vector.broadcast %eq3A_591 : i32 to vector<16xi32>
      %eq3A_593 = arith.cmpi eq, %iota3A, %eq3A_592 : vector<16xi32>
      %eq3A_594 = arith.constant 1 : i32
      %eq3A_595 = vector.broadcast %eq3A_594 : i32 to vector<16xi32>
      %eq3A_596 = arith.cmpi eq, %iota3A, %eq3A_595 : vector<16xi32>
      %eq3A_597 = arith.constant 2 : i32
      %eq3A_598 = vector.broadcast %eq3A_597 : i32 to vector<16xi32>
      %eq3A_599 = arith.cmpi eq, %iota3A, %eq3A_598 : vector<16xi32>
      %jit3A_600 = arith.constant 255 : i32
      %jit3A_601 = arith.constant 0 : i32
      %broadcast_in_dim3A_602 = vector.broadcast %jit3A_600 : i32 to vector<16xi32>
      %broadcast_in_dim3A_603 = vector.broadcast %jit3A_601 : i32 to vector<16xi32>
      %select_n3A_604 = arith.select %eq3A_599, %broadcast_in_dim3A_602, %broadcast_in_dim3A_603 : vector<16xi1>, vector<16xi32>
      %jit3A_605 = arith.constant -1 : i32
      %broadcast_in_dim3A_606 = vector.broadcast %jit3A_605 : i32 to vector<16xi32>
      %select_n3A_607 = arith.select %eq3A_596, %broadcast_in_dim3A_606, %select_n3A_604 : vector<16xi1>, vector<16xi32>
      %jit3A_608 = arith.constant -256 : i32
      %broadcast_in_dim3A_609 = vector.broadcast %jit3A_608 : i32 to vector<16xi32>
      %select_n3A_610 = arith.select %eq3A_593, %broadcast_in_dim3A_609, %select_n3A_607 : vector<16xi1>, vector<16xi32>
      %not3A_611 = arith.constant dense<-1> : vector<16xi32>
      %not3A_612 = arith.xori %select_n3A_610, %not3A_611 : vector<16xi32>
      %and3A_613 = arith.andi %gather3A_590, %not3A_612 : vector<16xi32>
      tpu.vector_store_idx %arg9[%add3A_589], %and3A_613 : memref<1040xi32, #tpu.memory_space<vmem>>[vector<16xi32>], vector<16xi32>,
      %lt3A_614 = arith.cmpi slt, %add3A_570, %max3A : i32
      %eq3A_615 = arith.constant 0 : i32
      %eq3A_616 = arith.cmpi eq, %squeeze3A_7, %eq3A_615 : i32
      %jit3A_617 = arith.constant 1 : i32
      %select_n3A_618 = arith.select %eq3A_616, %jit3A_617, %squeeze3A_7 : i32
      %rem3A_619 = arith.remsi %add3A_570, %select_n3A_618 : i32
      %ne3A_620 = arith.constant 0 : i32
      %ne3A_621 = arith.cmpi ne, %rem3A_619, %ne3A_620 : i32
      %lt3A_622 = arith.constant 0 : i32
      %lt3A_623 = arith.cmpi slt, %rem3A_619, %lt3A_622 : i32
      %lt3A_624 = arith.constant 0 : i32
      %lt3A_625 = arith.cmpi slt, %select_n3A_618, %lt3A_624 : i32
      %ne3A_626 = arith.xori %lt3A_623, %lt3A_625 : i1
      %and3A_627 = arith.andi %ne3A_626, %ne3A_621 : i1
      %add3A_628 = arith.addi %rem3A_619, %select_n3A_618 : i32
      %select_n3A_629 = arith.select %and3A_627, %add3A_628, %rem3A_619 : i32
      %eq3A_630 = arith.constant 0 : i32
      %eq3A_631 = arith.cmpi eq, %select_n3A_629, %eq3A_630 : i32
      %and3A_632 = arith.andi %lt3A_614, %eq3A_631 : i1
      %convert_element_type3A_633 = arith.extui %and3A_632 : i1 to i32
      %cond3A_634 = arith.constant 0 : i32
      %cond3A_635 = arith.cmpi ne, %convert_element_type3A_633, %cond3A_634 : i32
      scf.if %cond3A_635 {
        %dma_start3A = arith.constant 0 : i32
        %dma_start3A_1308 = tpu.memref_slice %arg4[%add3A_570, %dma_start3A] : memref<4096x1024xi32, #tpu.memory_space<hbm>> -> memref<1x1024xi32, #tpu.memory_space<hbm>>
        %dma_start3A_1309 = tpu.memref_squeeze %dma_start3A_1308 : memref<1x1024xi32, #tpu.memory_space<hbm>> -> memref<1024xi32, #tpu.memory_space<hbm>>
        %dma_start3A_1310 = arith.constant 0 : i32
        %dma_start3A_1311 = tpu.memref_slice %arg4[%add3A_570, %dma_start3A_1310] : memref<4096x1024xi32, #tpu.memory_space<hbm>> -> memref<1x1024xi32, #tpu.memory_space<hbm>>
        %dma_start3A_1312 = tpu.memref_squeeze %dma_start3A_1311 : memref<1x1024xi32, #tpu.memory_space<hbm>> -> memref<1024xi32, #tpu.memory_space<hbm>>
        tpu.enqueue_dma source(%arg8 : memref<1024xi32, #tpu.memory_space<vmem>>) target(%dma_start3A_1312 : memref<1024xi32, #tpu.memory_space<hbm>>) target_semaphore(%arg17 : memref<!tpu.dma_semaphore, #tpu.memory_space<semaphore_mem>>)
      } else {
      }
      %lt3A_636 = arith.cmpi slt, %add3A_570, %max3A : i32
      %eq3A_637 = arith.constant 0 : i32
      %eq3A_638 = arith.cmpi eq, %squeeze3A_7, %eq3A_637 : i32
      %jit3A_639 = arith.constant 1 : i32
      %select_n3A_640 = arith.select %eq3A_638, %jit3A_639, %squeeze3A_7 : i32
      %rem3A_641 = arith.remsi %add3A_570, %select_n3A_640 : i32
      %ne3A_642 = arith.constant 0 : i32
      %ne3A_643 = arith.cmpi ne, %rem3A_641, %ne3A_642 : i32
      %lt3A_644 = arith.constant 0 : i32
      %lt3A_645 = arith.cmpi slt, %rem3A_641, %lt3A_644 : i32
      %lt3A_646 = arith.constant 0 : i32
      %lt3A_647 = arith.cmpi slt, %select_n3A_640, %lt3A_646 : i32
      %ne3A_648 = arith.xori %lt3A_645, %lt3A_647 : i1
      %and3A_649 = arith.andi %ne3A_648, %ne3A_643 : i1
      %add3A_650 = arith.addi %rem3A_641, %select_n3A_640 : i32
      %select_n3A_651 = arith.select %and3A_649, %add3A_650, %rem3A_641 : i32
      %eq3A_652 = arith.constant 0 : i32
      %eq3A_653 = arith.cmpi eq, %select_n3A_651, %eq3A_652 : i32
      %and3A_654 = arith.andi %lt3A_636, %eq3A_653 : i1
      %not3A_655 = arith.constant true
      %not3A_656 = arith.xori %and3A_654, %not3A_655 : i1
      %convert_element_type3A_657 = arith.extui %not3A_656 : i1 to i32
      %cond3A_658 = arith.constant 0 : i32
      %cond3A_659 = arith.cmpi ne, %convert_element_type3A_657, %cond3A_658 : i32
      scf.if %cond3A_659 {
        %dma_start3A = arith.constant 0 : i32
        %dma_start3A_1308 = tpu.memref_slice %arg9[%dma_start3A] : memref<1040xi32, #tpu.memory_space<vmem>> -> memref<1024xi32, #tpu.memory_space<vmem>>
        %dma_start3A_1309 = arith.constant 0 : i32
        %dma_start3A_1310 = tpu.memref_slice %arg4[%add3A_570, %dma_start3A_1309] : memref<4096x1024xi32, #tpu.memory_space<hbm>> -> memref<1x1024xi32, #tpu.memory_space<hbm>>
        %dma_start3A_1311 = tpu.memref_squeeze %dma_start3A_1310 : memref<1x1024xi32, #tpu.memory_space<hbm>> -> memref<1024xi32, #tpu.memory_space<hbm>>
        %dma_start3A_1312 = arith.constant 0 : i32
        %dma_start3A_1313 = tpu.memref_slice %arg4[%add3A_570, %dma_start3A_1312] : memref<4096x1024xi32, #tpu.memory_space<hbm>> -> memref<1x1024xi32, #tpu.memory_space<hbm>>
        %dma_start3A_1314 = tpu.memref_squeeze %dma_start3A_1313 : memref<1x1024xi32, #tpu.memory_space<hbm>> -> memref<1024xi32, #tpu.memory_space<hbm>>
        %dma_start3A_1315 = arith.constant 0 : i32
        %dma_start3A_1316 = tpu.memref_slice %arg9[%dma_start3A_1315] : memref<1040xi32, #tpu.memory_space<vmem>> -> memref<1024xi32, #tpu.memory_space<vmem>>
        tpu.enqueue_dma source(%dma_start3A_1316 : memref<1024xi32, #tpu.memory_space<vmem>>) target(%dma_start3A_1314 : memref<1024xi32, #tpu.memory_space<hbm>>) target_semaphore(%arg17 : memref<!tpu.dma_semaphore, #tpu.memory_space<semaphore_mem>>)
      } else {
      }
      %add3A_660 = arith.constant 1 : i32
      %add3A_661 = arith.addi %mul3A_2, %add3A_660 : i32
      %mul3A_662 = arith.constant 8 : i32
      %mul3A_663 = arith.muli %mul3A_662, %scan3A_564 : i32
      %add3A_664 = arith.addi %add3A_661, %mul3A_663 : i32
      %dma_wait3A_665 = arith.constant 0 : i32
      %dma_wait3A_666 = tpu.memref_slice %arg10[%dma_wait3A_665] : memref<1040xi32, #tpu.memory_space<vmem>> -> memref<1024xi32, #tpu.memory_space<vmem>>
      %dma_wait3A_667 = arith.constant 0 : i32
      %dma_wait3A_668 = tpu.memref_slice %arg4[%mul3A_2, %dma_wait3A_667] : memref<4096x1024xi32, #tpu.memory_space<hbm>> -> memref<1x1024xi32, #tpu.memory_space<hbm>>
      %dma_wait3A_669 = tpu.memref_squeeze %dma_wait3A_668 : memref<1x1024xi32, #tpu.memory_space<hbm>> -> memref<1024xi32, #tpu.memory_space<hbm>>
      %dma_wait3A_670 = arith.constant 0 : i32
      %dma_wait3A_671 = tpu.memref_slice %arg4[%mul3A_2, %dma_wait3A_670] : memref<4096x1024xi32, #tpu.memory_space<hbm>> -> memref<1x1024xi32, #tpu.memory_space<hbm>>
      %dma_wait3A_672 = tpu.memref_squeeze %dma_wait3A_671 : memref<1x1024xi32, #tpu.memory_space<hbm>> -> memref<1024xi32, #tpu.memory_space<hbm>>
      %dma_wait3A_673 = arith.constant 0 : i32
      %dma_wait3A_674 = tpu.memref_slice %arg10[%dma_wait3A_673] : memref<1040xi32, #tpu.memory_space<vmem>> -> memref<1024xi32, #tpu.memory_space<vmem>>
      tpu.wait_dma2 semaphore(%arg18 : memref<!tpu.dma_semaphore, #tpu.memory_space<semaphore_mem>>) src(%dma_wait3A_674 : memref<1024xi32, #tpu.memory_space<vmem>>) dst(%dma_wait3A_672 : memref<1024xi32, #tpu.memory_space<hbm>>)
      %ge3A_675 = arith.constant 136 : i32
      %ge3A_676 = arith.cmpi sge, %add3A_664, %ge3A_675 : i32
      %convert_element_type3A_677 = arith.extui %ge3A_676 : i1 to i32
      %cond3A_678 = arith.constant 0 : i32
      %cond3A_679 = arith.cmpi ne, %convert_element_type3A_677, %cond3A_678 : i32
      scf.if %cond3A_679 {
        %sub3A_1308 = arith.constant 136 : i32
        %sub3A_1309 = arith.subi %add3A_664, %sub3A_1308 : i32
        %shift_right_arithmetic3A_1310 = arith.constant 2 : i32
        %shift_right_arithmetic3A_1311 = arith.shrsi %sub3A_1309, %shift_right_arithmetic3A_1310 : i32
        %add3A_1312 = vector.broadcast %shift_right_arithmetic3A_1311 : i32 to vector<16xi32>
        %add3A_1313 = arith.addi %add3A_1312, %iota3A : vector<16xi32>
        %gather3A_1314 = tpu.vector_load_idx %arg7[%add3A_1313] : memref<1040xi32, #tpu.memory_space<vmem>>[vector<16xi32>], vector<16xi32>,
        %gather3A_1315 = tpu.vector_load_idx %arg10[%add3A_1313] : memref<1040xi32, #tpu.memory_space<vmem>>[vector<16xi32>], vector<16xi32>,
        %eq3A_1316 = arith.constant 0 : i32
        %eq3A_1317 = vector.broadcast %eq3A_1316 : i32 to vector<16xi32>
        %eq3A_1318 = arith.cmpi eq, %iota3A, %eq3A_1317 : vector<16xi32>
        %eq3A_1319 = arith.constant 1 : i32
        %eq3A_1320 = vector.broadcast %eq3A_1319 : i32 to vector<16xi32>
        %eq3A_1321 = arith.cmpi eq, %iota3A, %eq3A_1320 : vector<16xi32>
        %eq3A_1322 = arith.constant 2 : i32
        %eq3A_1323 = vector.broadcast %eq3A_1322 : i32 to vector<16xi32>
        %eq3A_1324 = arith.cmpi eq, %iota3A, %eq3A_1323 : vector<16xi32>
        %jit3A_1325 = arith.constant 255 : i32
        %jit3A_1326 = arith.constant 0 : i32
        %broadcast_in_dim3A_1327 = vector.broadcast %jit3A_1325 : i32 to vector<16xi32>
        %broadcast_in_dim3A_1328 = vector.broadcast %jit3A_1326 : i32 to vector<16xi32>
        %select_n3A_1329 = arith.select %eq3A_1324, %broadcast_in_dim3A_1327, %broadcast_in_dim3A_1328 : vector<16xi1>, vector<16xi32>
        %jit3A_1330 = arith.constant -1 : i32
        %broadcast_in_dim3A_1331 = vector.broadcast %jit3A_1330 : i32 to vector<16xi32>
        %select_n3A_1332 = arith.select %eq3A_1321, %broadcast_in_dim3A_1331, %select_n3A_1329 : vector<16xi1>, vector<16xi32>
        %jit3A_1333 = arith.constant -256 : i32
        %broadcast_in_dim3A_1334 = vector.broadcast %jit3A_1333 : i32 to vector<16xi32>
        %select_n3A_1335 = arith.select %eq3A_1318, %broadcast_in_dim3A_1334, %select_n3A_1332 : vector<16xi1>, vector<16xi32>
        %not3A_1336 = arith.constant dense<-1> : vector<16xi32>
        %not3A_1337 = arith.xori %select_n3A_1335, %not3A_1336 : vector<16xi32>
        %and3A_1338 = arith.andi %gather3A_1315, %not3A_1337 : vector<16xi32>
        %and3A_1339 = arith.andi %gather3A_1314, %select_n3A_1335 : vector<16xi32>
        %or3A = arith.ori %and3A_1338, %and3A_1339 : vector<16xi32>
        tpu.vector_store_idx %arg10[%add3A_1313], %or3A : memref<1040xi32, #tpu.memory_space<vmem>>[vector<16xi32>], vector<16xi32>,
      } else {
      }
      %sub3A_680 = arith.constant 7 : i32
      %sub3A_681 = arith.subi %add3A_664, %sub3A_680 : i32
      %shift_right_arithmetic3A_682 = arith.constant 2 : i32
      %shift_right_arithmetic3A_683 = arith.shrsi %sub3A_681, %shift_right_arithmetic3A_682 : i32
      %add3A_684 = vector.broadcast %shift_right_arithmetic3A_683 : i32 to vector<16xi32>
      %add3A_685 = arith.addi %add3A_684, %iota3A : vector<16xi32>
      %gather3A_686 = tpu.vector_load_idx %arg10[%add3A_685] : memref<1040xi32, #tpu.memory_space<vmem>>[vector<16xi32>], vector<16xi32>,
      %eq3A_687 = arith.constant 0 : i32
      %eq3A_688 = vector.broadcast %eq3A_687 : i32 to vector<16xi32>
      %eq3A_689 = arith.cmpi eq, %iota3A, %eq3A_688 : vector<16xi32>
      %eq3A_690 = arith.constant 1 : i32
      %eq3A_691 = vector.broadcast %eq3A_690 : i32 to vector<16xi32>
      %eq3A_692 = arith.cmpi eq, %iota3A, %eq3A_691 : vector<16xi32>
      %eq3A_693 = arith.constant 2 : i32
      %eq3A_694 = vector.broadcast %eq3A_693 : i32 to vector<16xi32>
      %eq3A_695 = arith.cmpi eq, %iota3A, %eq3A_694 : vector<16xi32>
      %jit3A_696 = arith.constant 65535 : i32
      %jit3A_697 = arith.constant 0 : i32
      %broadcast_in_dim3A_698 = vector.broadcast %jit3A_696 : i32 to vector<16xi32>
      %broadcast_in_dim3A_699 = vector.broadcast %jit3A_697 : i32 to vector<16xi32>
      %select_n3A_700 = arith.select %eq3A_695, %broadcast_in_dim3A_698, %broadcast_in_dim3A_699 : vector<16xi1>, vector<16xi32>
      %jit3A_701 = arith.constant -1 : i32
      %broadcast_in_dim3A_702 = vector.broadcast %jit3A_701 : i32 to vector<16xi32>
      %select_n3A_703 = arith.select %eq3A_692, %broadcast_in_dim3A_702, %select_n3A_700 : vector<16xi1>, vector<16xi32>
      %jit3A_704 = arith.constant -65536 : i32
      %broadcast_in_dim3A_705 = vector.broadcast %jit3A_704 : i32 to vector<16xi32>
      %select_n3A_706 = arith.select %eq3A_689, %broadcast_in_dim3A_705, %select_n3A_703 : vector<16xi1>, vector<16xi32>
      %not3A_707 = arith.constant dense<-1> : vector<16xi32>
      %not3A_708 = arith.xori %select_n3A_706, %not3A_707 : vector<16xi32>
      %and3A_709 = arith.andi %gather3A_686, %not3A_708 : vector<16xi32>
      tpu.vector_store_idx %arg10[%add3A_685], %and3A_709 : memref<1040xi32, #tpu.memory_space<vmem>>[vector<16xi32>], vector<16xi32>,
      %lt3A_710 = arith.cmpi slt, %add3A_664, %max3A : i32
      %eq3A_711 = arith.constant 0 : i32
      %eq3A_712 = arith.cmpi eq, %squeeze3A_7, %eq3A_711 : i32
      %jit3A_713 = arith.constant 1 : i32
      %select_n3A_714 = arith.select %eq3A_712, %jit3A_713, %squeeze3A_7 : i32
      %rem3A_715 = arith.remsi %add3A_664, %select_n3A_714 : i32
      %ne3A_716 = arith.constant 0 : i32
      %ne3A_717 = arith.cmpi ne, %rem3A_715, %ne3A_716 : i32
      %lt3A_718 = arith.constant 0 : i32
      %lt3A_719 = arith.cmpi slt, %rem3A_715, %lt3A_718 : i32
      %lt3A_720 = arith.constant 0 : i32
      %lt3A_721 = arith.cmpi slt, %select_n3A_714, %lt3A_720 : i32
      %ne3A_722 = arith.xori %lt3A_719, %lt3A_721 : i1
      %and3A_723 = arith.andi %ne3A_722, %ne3A_717 : i1
      %add3A_724 = arith.addi %rem3A_715, %select_n3A_714 : i32
      %select_n3A_725 = arith.select %and3A_723, %add3A_724, %rem3A_715 : i32
      %eq3A_726 = arith.constant 0 : i32
      %eq3A_727 = arith.cmpi eq, %select_n3A_725, %eq3A_726 : i32
      %and3A_728 = arith.andi %lt3A_710, %eq3A_727 : i1
      %convert_element_type3A_729 = arith.extui %and3A_728 : i1 to i32
      %cond3A_730 = arith.constant 0 : i32
      %cond3A_731 = arith.cmpi ne, %convert_element_type3A_729, %cond3A_730 : i32
      scf.if %cond3A_731 {
        %dma_start3A = arith.constant 0 : i32
        %dma_start3A_1308 = tpu.memref_slice %arg4[%add3A_664, %dma_start3A] : memref<4096x1024xi32, #tpu.memory_space<hbm>> -> memref<1x1024xi32, #tpu.memory_space<hbm>>
        %dma_start3A_1309 = tpu.memref_squeeze %dma_start3A_1308 : memref<1x1024xi32, #tpu.memory_space<hbm>> -> memref<1024xi32, #tpu.memory_space<hbm>>
        %dma_start3A_1310 = arith.constant 0 : i32
        %dma_start3A_1311 = tpu.memref_slice %arg4[%add3A_664, %dma_start3A_1310] : memref<4096x1024xi32, #tpu.memory_space<hbm>> -> memref<1x1024xi32, #tpu.memory_space<hbm>>
        %dma_start3A_1312 = tpu.memref_squeeze %dma_start3A_1311 : memref<1x1024xi32, #tpu.memory_space<hbm>> -> memref<1024xi32, #tpu.memory_space<hbm>>
        tpu.enqueue_dma source(%arg8 : memref<1024xi32, #tpu.memory_space<vmem>>) target(%dma_start3A_1312 : memref<1024xi32, #tpu.memory_space<hbm>>) target_semaphore(%arg18 : memref<!tpu.dma_semaphore, #tpu.memory_space<semaphore_mem>>)
      } else {
      }
      %lt3A_732 = arith.cmpi slt, %add3A_664, %max3A : i32
      %eq3A_733 = arith.constant 0 : i32
      %eq3A_734 = arith.cmpi eq, %squeeze3A_7, %eq3A_733 : i32
      %jit3A_735 = arith.constant 1 : i32
      %select_n3A_736 = arith.select %eq3A_734, %jit3A_735, %squeeze3A_7 : i32
      %rem3A_737 = arith.remsi %add3A_664, %select_n3A_736 : i32
      %ne3A_738 = arith.constant 0 : i32
      %ne3A_739 = arith.cmpi ne, %rem3A_737, %ne3A_738 : i32
      %lt3A_740 = arith.constant 0 : i32
      %lt3A_741 = arith.cmpi slt, %rem3A_737, %lt3A_740 : i32
      %lt3A_742 = arith.constant 0 : i32
      %lt3A_743 = arith.cmpi slt, %select_n3A_736, %lt3A_742 : i32
      %ne3A_744 = arith.xori %lt3A_741, %lt3A_743 : i1
      %and3A_745 = arith.andi %ne3A_744, %ne3A_739 : i1
      %add3A_746 = arith.addi %rem3A_737, %select_n3A_736 : i32
      %select_n3A_747 = arith.select %and3A_745, %add3A_746, %rem3A_737 : i32
      %eq3A_748 = arith.constant 0 : i32
      %eq3A_749 = arith.cmpi eq, %select_n3A_747, %eq3A_748 : i32
      %and3A_750 = arith.andi %lt3A_732, %eq3A_749 : i1
      %not3A_751 = arith.constant true
      %not3A_752 = arith.xori %and3A_750, %not3A_751 : i1
      %convert_element_type3A_753 = arith.extui %not3A_752 : i1 to i32
      %cond3A_754 = arith.constant 0 : i32
      %cond3A_755 = arith.cmpi ne, %convert_element_type3A_753, %cond3A_754 : i32
      scf.if %cond3A_755 {
        %dma_start3A = arith.constant 0 : i32
        %dma_start3A_1308 = tpu.memref_slice %arg10[%dma_start3A] : memref<1040xi32, #tpu.memory_space<vmem>> -> memref<1024xi32, #tpu.memory_space<vmem>>
        %dma_start3A_1309 = arith.constant 0 : i32
        %dma_start3A_1310 = tpu.memref_slice %arg4[%add3A_664, %dma_start3A_1309] : memref<4096x1024xi32, #tpu.memory_space<hbm>> -> memref<1x1024xi32, #tpu.memory_space<hbm>>
        %dma_start3A_1311 = tpu.memref_squeeze %dma_start3A_1310 : memref<1x1024xi32, #tpu.memory_space<hbm>> -> memref<1024xi32, #tpu.memory_space<hbm>>
        %dma_start3A_1312 = arith.constant 0 : i32
        %dma_start3A_1313 = tpu.memref_slice %arg4[%add3A_664, %dma_start3A_1312] : memref<4096x1024xi32, #tpu.memory_space<hbm>> -> memref<1x1024xi32, #tpu.memory_space<hbm>>
        %dma_start3A_1314 = tpu.memref_squeeze %dma_start3A_1313 : memref<1x1024xi32, #tpu.memory_space<hbm>> -> memref<1024xi32, #tpu.memory_space<hbm>>
        %dma_start3A_1315 = arith.constant 0 : i32
        %dma_start3A_1316 = tpu.memref_slice %arg10[%dma_start3A_1315] : memref<1040xi32, #tpu.memory_space<vmem>> -> memref<1024xi32, #tpu.memory_space<vmem>>
        tpu.enqueue_dma source(%dma_start3A_1316 : memref<1024xi32, #tpu.memory_space<vmem>>) target(%dma_start3A_1314 : memref<1024xi32, #tpu.memory_space<hbm>>) target_semaphore(%arg18 : memref<!tpu.dma_semaphore, #tpu.memory_space<semaphore_mem>>)
      } else {
      }
      %add3A_756 = arith.constant 2 : i32
      %add3A_757 = arith.addi %mul3A_2, %add3A_756 : i32
      %mul3A_758 = arith.constant 8 : i32
      %mul3A_759 = arith.muli %mul3A_758, %scan3A_564 : i32
      %add3A_760 = arith.addi %add3A_757, %mul3A_759 : i32
      %dma_wait3A_761 = arith.constant 0 : i32
      %dma_wait3A_762 = tpu.memref_slice %arg11[%dma_wait3A_761] : memref<1040xi32, #tpu.memory_space<vmem>> -> memref<1024xi32, #tpu.memory_space<vmem>>
      %dma_wait3A_763 = arith.constant 0 : i32
      %dma_wait3A_764 = tpu.memref_slice %arg4[%mul3A_2, %dma_wait3A_763] : memref<4096x1024xi32, #tpu.memory_space<hbm>> -> memref<1x1024xi32, #tpu.memory_space<hbm>>
      %dma_wait3A_765 = tpu.memref_squeeze %dma_wait3A_764 : memref<1x1024xi32, #tpu.memory_space<hbm>> -> memref<1024xi32, #tpu.memory_space<hbm>>
      %dma_wait3A_766 = arith.constant 0 : i32
      %dma_wait3A_767 = tpu.memref_slice %arg4[%mul3A_2, %dma_wait3A_766] : memref<4096x1024xi32, #tpu.memory_space<hbm>> -> memref<1x1024xi32, #tpu.memory_space<hbm>>
      %dma_wait3A_768 = tpu.memref_squeeze %dma_wait3A_767 : memref<1x1024xi32, #tpu.memory_space<hbm>> -> memref<1024xi32, #tpu.memory_space<hbm>>
      %dma_wait3A_769 = arith.constant 0 : i32
      %dma_wait3A_770 = tpu.memref_slice %arg11[%dma_wait3A_769] : memref<1040xi32, #tpu.memory_space<vmem>> -> memref<1024xi32, #tpu.memory_space<vmem>>
      tpu.wait_dma2 semaphore(%arg19 : memref<!tpu.dma_semaphore, #tpu.memory_space<semaphore_mem>>) src(%dma_wait3A_770 : memref<1024xi32, #tpu.memory_space<vmem>>) dst(%dma_wait3A_768 : memref<1024xi32, #tpu.memory_space<hbm>>)
      %ge3A_771 = arith.constant 136 : i32
      %ge3A_772 = arith.cmpi sge, %add3A_760, %ge3A_771 : i32
      %convert_element_type3A_773 = arith.extui %ge3A_772 : i1 to i32
      %cond3A_774 = arith.constant 0 : i32
      %cond3A_775 = arith.cmpi ne, %convert_element_type3A_773, %cond3A_774 : i32
      scf.if %cond3A_775 {
        %sub3A_1308 = arith.constant 136 : i32
        %sub3A_1309 = arith.subi %add3A_760, %sub3A_1308 : i32
        %shift_right_arithmetic3A_1310 = arith.constant 2 : i32
        %shift_right_arithmetic3A_1311 = arith.shrsi %sub3A_1309, %shift_right_arithmetic3A_1310 : i32
        %add3A_1312 = vector.broadcast %shift_right_arithmetic3A_1311 : i32 to vector<16xi32>
        %add3A_1313 = arith.addi %add3A_1312, %iota3A : vector<16xi32>
        %gather3A_1314 = tpu.vector_load_idx %arg7[%add3A_1313] : memref<1040xi32, #tpu.memory_space<vmem>>[vector<16xi32>], vector<16xi32>,
        %gather3A_1315 = tpu.vector_load_idx %arg11[%add3A_1313] : memref<1040xi32, #tpu.memory_space<vmem>>[vector<16xi32>], vector<16xi32>,
        %eq3A_1316 = arith.constant 0 : i32
        %eq3A_1317 = vector.broadcast %eq3A_1316 : i32 to vector<16xi32>
        %eq3A_1318 = arith.cmpi eq, %iota3A, %eq3A_1317 : vector<16xi32>
        %eq3A_1319 = arith.constant 1 : i32
        %eq3A_1320 = vector.broadcast %eq3A_1319 : i32 to vector<16xi32>
        %eq3A_1321 = arith.cmpi eq, %iota3A, %eq3A_1320 : vector<16xi32>
        %eq3A_1322 = arith.constant 2 : i32
        %eq3A_1323 = vector.broadcast %eq3A_1322 : i32 to vector<16xi32>
        %eq3A_1324 = arith.cmpi eq, %iota3A, %eq3A_1323 : vector<16xi32>
        %jit3A_1325 = arith.constant 65535 : i32
        %jit3A_1326 = arith.constant 0 : i32
        %broadcast_in_dim3A_1327 = vector.broadcast %jit3A_1325 : i32 to vector<16xi32>
        %broadcast_in_dim3A_1328 = vector.broadcast %jit3A_1326 : i32 to vector<16xi32>
        %select_n3A_1329 = arith.select %eq3A_1324, %broadcast_in_dim3A_1327, %broadcast_in_dim3A_1328 : vector<16xi1>, vector<16xi32>
        %jit3A_1330 = arith.constant -1 : i32
        %broadcast_in_dim3A_1331 = vector.broadcast %jit3A_1330 : i32 to vector<16xi32>
        %select_n3A_1332 = arith.select %eq3A_1321, %broadcast_in_dim3A_1331, %select_n3A_1329 : vector<16xi1>, vector<16xi32>
        %jit3A_1333 = arith.constant -65536 : i32
        %broadcast_in_dim3A_1334 = vector.broadcast %jit3A_1333 : i32 to vector<16xi32>
        %select_n3A_1335 = arith.select %eq3A_1318, %broadcast_in_dim3A_1334, %select_n3A_1332 : vector<16xi1>, vector<16xi32>
        %not3A_1336 = arith.constant dense<-1> : vector<16xi32>
        %not3A_1337 = arith.xori %select_n3A_1335, %not3A_1336 : vector<16xi32>
        %and3A_1338 = arith.andi %gather3A_1315, %not3A_1337 : vector<16xi32>
        %and3A_1339 = arith.andi %gather3A_1314, %select_n3A_1335 : vector<16xi32>
        %or3A = arith.ori %and3A_1338, %and3A_1339 : vector<16xi32>
        tpu.vector_store_idx %arg11[%add3A_1313], %or3A : memref<1040xi32, #tpu.memory_space<vmem>>[vector<16xi32>], vector<16xi32>,
      } else {
      }
      %sub3A_776 = arith.constant 7 : i32
      %sub3A_777 = arith.subi %add3A_760, %sub3A_776 : i32
      %shift_right_arithmetic3A_778 = arith.constant 2 : i32
      %shift_right_arithmetic3A_779 = arith.shrsi %sub3A_777, %shift_right_arithmetic3A_778 : i32
      %add3A_780 = vector.broadcast %shift_right_arithmetic3A_779 : i32 to vector<16xi32>
      %add3A_781 = arith.addi %add3A_780, %iota3A : vector<16xi32>
      %gather3A_782 = tpu.vector_load_idx %arg11[%add3A_781] : memref<1040xi32, #tpu.memory_space<vmem>>[vector<16xi32>], vector<16xi32>,
      %eq3A_783 = arith.constant 0 : i32
      %eq3A_784 = vector.broadcast %eq3A_783 : i32 to vector<16xi32>
      %eq3A_785 = arith.cmpi eq, %iota3A, %eq3A_784 : vector<16xi32>
      %eq3A_786 = arith.constant 1 : i32
      %eq3A_787 = vector.broadcast %eq3A_786 : i32 to vector<16xi32>
      %eq3A_788 = arith.cmpi eq, %iota3A, %eq3A_787 : vector<16xi32>
      %eq3A_789 = arith.constant 2 : i32
      %eq3A_790 = vector.broadcast %eq3A_789 : i32 to vector<16xi32>
      %eq3A_791 = arith.cmpi eq, %iota3A, %eq3A_790 : vector<16xi32>
      %jit3A_792 = arith.constant 16777215 : i32
      %jit3A_793 = arith.constant 0 : i32
      %broadcast_in_dim3A_794 = vector.broadcast %jit3A_792 : i32 to vector<16xi32>
      %broadcast_in_dim3A_795 = vector.broadcast %jit3A_793 : i32 to vector<16xi32>
      %select_n3A_796 = arith.select %eq3A_791, %broadcast_in_dim3A_794, %broadcast_in_dim3A_795 : vector<16xi1>, vector<16xi32>
      %jit3A_797 = arith.constant -1 : i32
      %broadcast_in_dim3A_798 = vector.broadcast %jit3A_797 : i32 to vector<16xi32>
      %select_n3A_799 = arith.select %eq3A_788, %broadcast_in_dim3A_798, %select_n3A_796 : vector<16xi1>, vector<16xi32>
      %jit3A_800 = arith.constant -16777216 : i32
      %broadcast_in_dim3A_801 = vector.broadcast %jit3A_800 : i32 to vector<16xi32>
      %select_n3A_802 = arith.select %eq3A_785, %broadcast_in_dim3A_801, %select_n3A_799 : vector<16xi1>, vector<16xi32>
      %not3A_803 = arith.constant dense<-1> : vector<16xi32>
      %not3A_804 = arith.xori %select_n3A_802, %not3A_803 : vector<16xi32>
      %and3A_805 = arith.andi %gather3A_782, %not3A_804 : vector<16xi32>
      tpu.vector_store_idx %arg11[%add3A_781], %and3A_805 : memref<1040xi32, #tpu.memory_space<vmem>>[vector<16xi32>], vector<16xi32>,
      %lt3A_806 = arith.cmpi slt, %add3A_760, %max3A : i32
      %eq3A_807 = arith.constant 0 : i32
      %eq3A_808 = arith.cmpi eq, %squeeze3A_7, %eq3A_807 : i32
      %jit3A_809 = arith.constant 1 : i32
      %select_n3A_810 = arith.select %eq3A_808, %jit3A_809, %squeeze3A_7 : i32
      %rem3A_811 = arith.remsi %add3A_760, %select_n3A_810 : i32
      %ne3A_812 = arith.constant 0 : i32
      %ne3A_813 = arith.cmpi ne, %rem3A_811, %ne3A_812 : i32
      %lt3A_814 = arith.constant 0 : i32
      %lt3A_815 = arith.cmpi slt, %rem3A_811, %lt3A_814 : i32
      %lt3A_816 = arith.constant 0 : i32
      %lt3A_817 = arith.cmpi slt, %select_n3A_810, %lt3A_816 : i32
      %ne3A_818 = arith.xori %lt3A_815, %lt3A_817 : i1
      %and3A_819 = arith.andi %ne3A_818, %ne3A_813 : i1
      %add3A_820 = arith.addi %rem3A_811, %select_n3A_810 : i32
      %select_n3A_821 = arith.select %and3A_819, %add3A_820, %rem3A_811 : i32
      %eq3A_822 = arith.constant 0 : i32
      %eq3A_823 = arith.cmpi eq, %select_n3A_821, %eq3A_822 : i32
      %and3A_824 = arith.andi %lt3A_806, %eq3A_823 : i1
      %convert_element_type3A_825 = arith.extui %and3A_824 : i1 to i32
      %cond3A_826 = arith.constant 0 : i32
      %cond3A_827 = arith.cmpi ne, %convert_element_type3A_825, %cond3A_826 : i32
      scf.if %cond3A_827 {
        %dma_start3A = arith.constant 0 : i32
        %dma_start3A_1308 = tpu.memref_slice %arg4[%add3A_760, %dma_start3A] : memref<4096x1024xi32, #tpu.memory_space<hbm>> -> memref<1x1024xi32, #tpu.memory_space<hbm>>
        %dma_start3A_1309 = tpu.memref_squeeze %dma_start3A_1308 : memref<1x1024xi32, #tpu.memory_space<hbm>> -> memref<1024xi32, #tpu.memory_space<hbm>>
        %dma_start3A_1310 = arith.constant 0 : i32
        %dma_start3A_1311 = tpu.memref_slice %arg4[%add3A_760, %dma_start3A_1310] : memref<4096x1024xi32, #tpu.memory_space<hbm>> -> memref<1x1024xi32, #tpu.memory_space<hbm>>
        %dma_start3A_1312 = tpu.memref_squeeze %dma_start3A_1311 : memref<1x1024xi32, #tpu.memory_space<hbm>> -> memref<1024xi32, #tpu.memory_space<hbm>>
        tpu.enqueue_dma source(%arg8 : memref<1024xi32, #tpu.memory_space<vmem>>) target(%dma_start3A_1312 : memref<1024xi32, #tpu.memory_space<hbm>>) target_semaphore(%arg19 : memref<!tpu.dma_semaphore, #tpu.memory_space<semaphore_mem>>)
      } else {
      }
      %lt3A_828 = arith.cmpi slt, %add3A_760, %max3A : i32
      %eq3A_829 = arith.constant 0 : i32
      %eq3A_830 = arith.cmpi eq, %squeeze3A_7, %eq3A_829 : i32
      %jit3A_831 = arith.constant 1 : i32
      %select_n3A_832 = arith.select %eq3A_830, %jit3A_831, %squeeze3A_7 : i32
      %rem3A_833 = arith.remsi %add3A_760, %select_n3A_832 : i32
      %ne3A_834 = arith.constant 0 : i32
      %ne3A_835 = arith.cmpi ne, %rem3A_833, %ne3A_834 : i32
      %lt3A_836 = arith.constant 0 : i32
      %lt3A_837 = arith.cmpi slt, %rem3A_833, %lt3A_836 : i32
      %lt3A_838 = arith.constant 0 : i32
      %lt3A_839 = arith.cmpi slt, %select_n3A_832, %lt3A_838 : i32
      %ne3A_840 = arith.xori %lt3A_837, %lt3A_839 : i1
      %and3A_841 = arith.andi %ne3A_840, %ne3A_835 : i1
      %add3A_842 = arith.addi %rem3A_833, %select_n3A_832 : i32
      %select_n3A_843 = arith.select %and3A_841, %add3A_842, %rem3A_833 : i32
      %eq3A_844 = arith.constant 0 : i32
      %eq3A_845 = arith.cmpi eq, %select_n3A_843, %eq3A_844 : i32
      %and3A_846 = arith.andi %lt3A_828, %eq3A_845 : i1
      %not3A_847 = arith.constant true
      %not3A_848 = arith.xori %and3A_846, %not3A_847 : i1
      %convert_element_type3A_849 = arith.extui %not3A_848 : i1 to i32
      %cond3A_850 = arith.constant 0 : i32
      %cond3A_851 = arith.cmpi ne, %convert_element_type3A_849, %cond3A_850 : i32
      scf.if %cond3A_851 {
        %dma_start3A = arith.constant 0 : i32
        %dma_start3A_1308 = tpu.memref_slice %arg11[%dma_start3A] : memref<1040xi32, #tpu.memory_space<vmem>> -> memref<1024xi32, #tpu.memory_space<vmem>>
        %dma_start3A_1309 = arith.constant 0 : i32
        %dma_start3A_1310 = tpu.memref_slice %arg4[%add3A_760, %dma_start3A_1309] : memref<4096x1024xi32, #tpu.memory_space<hbm>> -> memref<1x1024xi32, #tpu.memory_space<hbm>>
        %dma_start3A_1311 = tpu.memref_squeeze %dma_start3A_1310 : memref<1x1024xi32, #tpu.memory_space<hbm>> -> memref<1024xi32, #tpu.memory_space<hbm>>
        %dma_start3A_1312 = arith.constant 0 : i32
        %dma_start3A_1313 = tpu.memref_slice %arg4[%add3A_760, %dma_start3A_1312] : memref<4096x1024xi32, #tpu.memory_space<hbm>> -> memref<1x1024xi32, #tpu.memory_space<hbm>>
        %dma_start3A_1314 = tpu.memref_squeeze %dma_start3A_1313 : memref<1x1024xi32, #tpu.memory_space<hbm>> -> memref<1024xi32, #tpu.memory_space<hbm>>
        %dma_start3A_1315 = arith.constant 0 : i32
        %dma_start3A_1316 = tpu.memref_slice %arg11[%dma_start3A_1315] : memref<1040xi32, #tpu.memory_space<vmem>> -> memref<1024xi32, #tpu.memory_space<vmem>>
        tpu.enqueue_dma source(%dma_start3A_1316 : memref<1024xi32, #tpu.memory_space<vmem>>) target(%dma_start3A_1314 : memref<1024xi32, #tpu.memory_space<hbm>>) target_semaphore(%arg19 : memref<!tpu.dma_semaphore, #tpu.memory_space<semaphore_mem>>)
      } else {
      }
      %add3A_852 = arith.constant 3 : i32
      %add3A_853 = arith.addi %mul3A_2, %add3A_852 : i32
      %mul3A_854 = arith.constant 8 : i32
      %mul3A_855 = arith.muli %mul3A_854, %scan3A_564 : i32
      %add3A_856 = arith.addi %add3A_853, %mul3A_855 : i32
      %dma_wait3A_857 = arith.constant 0 : i32
      %dma_wait3A_858 = tpu.memref_slice %arg12[%dma_wait3A_857] : memref<1040xi32, #tpu.memory_space<vmem>> -> memref<1024xi32, #tpu.memory_space<vmem>>
      %dma_wait3A_859 = arith.constant 0 : i32
      %dma_wait3A_860 = tpu.memref_slice %arg4[%mul3A_2, %dma_wait3A_859] : memref<4096x1024xi32, #tpu.memory_space<hbm>> -> memref<1x1024xi32, #tpu.memory_space<hbm>>
      %dma_wait3A_861 = tpu.memref_squeeze %dma_wait3A_860 : memref<1x1024xi32, #tpu.memory_space<hbm>> -> memref<1024xi32, #tpu.memory_space<hbm>>
      %dma_wait3A_862 = arith.constant 0 : i32
      %dma_wait3A_863 = tpu.memref_slice %arg4[%mul3A_2, %dma_wait3A_862] : memref<4096x1024xi32, #tpu.memory_space<hbm>> -> memref<1x1024xi32, #tpu.memory_space<hbm>>
      %dma_wait3A_864 = tpu.memref_squeeze %dma_wait3A_863 : memref<1x1024xi32, #tpu.memory_space<hbm>> -> memref<1024xi32, #tpu.memory_space<hbm>>
      %dma_wait3A_865 = arith.constant 0 : i32
      %dma_wait3A_866 = tpu.memref_slice %arg12[%dma_wait3A_865] : memref<1040xi32, #tpu.memory_space<vmem>> -> memref<1024xi32, #tpu.memory_space<vmem>>
      tpu.wait_dma2 semaphore(%arg20 : memref<!tpu.dma_semaphore, #tpu.memory_space<semaphore_mem>>) src(%dma_wait3A_866 : memref<1024xi32, #tpu.memory_space<vmem>>) dst(%dma_wait3A_864 : memref<1024xi32, #tpu.memory_space<hbm>>)
      %ge3A_867 = arith.constant 136 : i32
      %ge3A_868 = arith.cmpi sge, %add3A_856, %ge3A_867 : i32
      %convert_element_type3A_869 = arith.extui %ge3A_868 : i1 to i32
      %cond3A_870 = arith.constant 0 : i32
      %cond3A_871 = arith.cmpi ne, %convert_element_type3A_869, %cond3A_870 : i32
      scf.if %cond3A_871 {
        %sub3A_1308 = arith.constant 136 : i32
        %sub3A_1309 = arith.subi %add3A_856, %sub3A_1308 : i32
        %shift_right_arithmetic3A_1310 = arith.constant 2 : i32
        %shift_right_arithmetic3A_1311 = arith.shrsi %sub3A_1309, %shift_right_arithmetic3A_1310 : i32
        %add3A_1312 = vector.broadcast %shift_right_arithmetic3A_1311 : i32 to vector<16xi32>
        %add3A_1313 = arith.addi %add3A_1312, %iota3A : vector<16xi32>
        %gather3A_1314 = tpu.vector_load_idx %arg7[%add3A_1313] : memref<1040xi32, #tpu.memory_space<vmem>>[vector<16xi32>], vector<16xi32>,
        %gather3A_1315 = tpu.vector_load_idx %arg12[%add3A_1313] : memref<1040xi32, #tpu.memory_space<vmem>>[vector<16xi32>], vector<16xi32>,
        %eq3A_1316 = arith.constant 0 : i32
        %eq3A_1317 = vector.broadcast %eq3A_1316 : i32 to vector<16xi32>
        %eq3A_1318 = arith.cmpi eq, %iota3A, %eq3A_1317 : vector<16xi32>
        %eq3A_1319 = arith.constant 1 : i32
        %eq3A_1320 = vector.broadcast %eq3A_1319 : i32 to vector<16xi32>
        %eq3A_1321 = arith.cmpi eq, %iota3A, %eq3A_1320 : vector<16xi32>
        %eq3A_1322 = arith.constant 2 : i32
        %eq3A_1323 = vector.broadcast %eq3A_1322 : i32 to vector<16xi32>
        %eq3A_1324 = arith.cmpi eq, %iota3A, %eq3A_1323 : vector<16xi32>
        %jit3A_1325 = arith.constant 16777215 : i32
        %jit3A_1326 = arith.constant 0 : i32
        %broadcast_in_dim3A_1327 = vector.broadcast %jit3A_1325 : i32 to vector<16xi32>
        %broadcast_in_dim3A_1328 = vector.broadcast %jit3A_1326 : i32 to vector<16xi32>
        %select_n3A_1329 = arith.select %eq3A_1324, %broadcast_in_dim3A_1327, %broadcast_in_dim3A_1328 : vector<16xi1>, vector<16xi32>
        %jit3A_1330 = arith.constant -1 : i32
        %broadcast_in_dim3A_1331 = vector.broadcast %jit3A_1330 : i32 to vector<16xi32>
        %select_n3A_1332 = arith.select %eq3A_1321, %broadcast_in_dim3A_1331, %select_n3A_1329 : vector<16xi1>, vector<16xi32>
        %jit3A_1333 = arith.constant -16777216 : i32
        %broadcast_in_dim3A_1334 = vector.broadcast %jit3A_1333 : i32 to vector<16xi32>
        %select_n3A_1335 = arith.select %eq3A_1318, %broadcast_in_dim3A_1334, %select_n3A_1332 : vector<16xi1>, vector<16xi32>
        %not3A_1336 = arith.constant dense<-1> : vector<16xi32>
        %not3A_1337 = arith.xori %select_n3A_1335, %not3A_1336 : vector<16xi32>
        %and3A_1338 = arith.andi %gather3A_1315, %not3A_1337 : vector<16xi32>
        %and3A_1339 = arith.andi %gather3A_1314, %select_n3A_1335 : vector<16xi32>
        %or3A = arith.ori %and3A_1338, %and3A_1339 : vector<16xi32>
        tpu.vector_store_idx %arg12[%add3A_1313], %or3A : memref<1040xi32, #tpu.memory_space<vmem>>[vector<16xi32>], vector<16xi32>,
      } else {
      }
      %sub3A_872 = arith.constant 7 : i32
      %sub3A_873 = arith.subi %add3A_856, %sub3A_872 : i32
      %shift_right_arithmetic3A_874 = arith.constant 2 : i32
      %shift_right_arithmetic3A_875 = arith.shrsi %sub3A_873, %shift_right_arithmetic3A_874 : i32
      %add3A_876 = vector.broadcast %shift_right_arithmetic3A_875 : i32 to vector<16xi32>
      %add3A_877 = arith.addi %add3A_876, %iota3A : vector<16xi32>
      %gather3A_878 = tpu.vector_load_idx %arg12[%add3A_877] : memref<1040xi32, #tpu.memory_space<vmem>>[vector<16xi32>], vector<16xi32>,
      %le3A = arith.constant 1 : i32
      %le3A_879 = vector.broadcast %le3A : i32 to vector<16xi32>
      %le3A_880 = arith.cmpi sle, %iota3A, %le3A_879 : vector<16xi32>
      %jit3A_881 = arith.constant -1 : i32
      %jit3A_882 = arith.constant 0 : i32
      %broadcast_in_dim3A_883 = vector.broadcast %jit3A_881 : i32 to vector<16xi32>
      %broadcast_in_dim3A_884 = vector.broadcast %jit3A_882 : i32 to vector<16xi32>
      %select_n3A_885 = arith.select %le3A_880, %broadcast_in_dim3A_883, %broadcast_in_dim3A_884 : vector<16xi1>, vector<16xi32>
      %not3A_886 = arith.constant dense<-1> : vector<16xi32>
      %not3A_887 = arith.xori %select_n3A_885, %not3A_886 : vector<16xi32>
      %and3A_888 = arith.andi %gather3A_878, %not3A_887 : vector<16xi32>
      tpu.vector_store_idx %arg12[%add3A_877], %and3A_888 : memref<1040xi32, #tpu.memory_space<vmem>>[vector<16xi32>], vector<16xi32>,
      %lt3A_889 = arith.cmpi slt, %add3A_856, %max3A : i32
      %eq3A_890 = arith.constant 0 : i32
      %eq3A_891 = arith.cmpi eq, %squeeze3A_7, %eq3A_890 : i32
      %jit3A_892 = arith.constant 1 : i32
      %select_n3A_893 = arith.select %eq3A_891, %jit3A_892, %squeeze3A_7 : i32
      %rem3A_894 = arith.remsi %add3A_856, %select_n3A_893 : i32
      %ne3A_895 = arith.constant 0 : i32
      %ne3A_896 = arith.cmpi ne, %rem3A_894, %ne3A_895 : i32
      %lt3A_897 = arith.constant 0 : i32
      %lt3A_898 = arith.cmpi slt, %rem3A_894, %lt3A_897 : i32
      %lt3A_899 = arith.constant 0 : i32
      %lt3A_900 = arith.cmpi slt, %select_n3A_893, %lt3A_899 : i32
      %ne3A_901 = arith.xori %lt3A_898, %lt3A_900 : i1
      %and3A_902 = arith.andi %ne3A_901, %ne3A_896 : i1
      %add3A_903 = arith.addi %rem3A_894, %select_n3A_893 : i32
      %select_n3A_904 = arith.select %and3A_902, %add3A_903, %rem3A_894 : i32
      %eq3A_905 = arith.constant 0 : i32
      %eq3A_906 = arith.cmpi eq, %select_n3A_904, %eq3A_905 : i32
      %and3A_907 = arith.andi %lt3A_889, %eq3A_906 : i1
      %convert_element_type3A_908 = arith.extui %and3A_907 : i1 to i32
      %cond3A_909 = arith.constant 0 : i32
      %cond3A_910 = arith.cmpi ne, %convert_element_type3A_908, %cond3A_909 : i32
      scf.if %cond3A_910 {
        %dma_start3A = arith.constant 0 : i32
        %dma_start3A_1308 = tpu.memref_slice %arg4[%add3A_856, %dma_start3A] : memref<4096x1024xi32, #tpu.memory_space<hbm>> -> memref<1x1024xi32, #tpu.memory_space<hbm>>
        %dma_start3A_1309 = tpu.memref_squeeze %dma_start3A_1308 : memref<1x1024xi32, #tpu.memory_space<hbm>> -> memref<1024xi32, #tpu.memory_space<hbm>>
        %dma_start3A_1310 = arith.constant 0 : i32
        %dma_start3A_1311 = tpu.memref_slice %arg4[%add3A_856, %dma_start3A_1310] : memref<4096x1024xi32, #tpu.memory_space<hbm>> -> memref<1x1024xi32, #tpu.memory_space<hbm>>
        %dma_start3A_1312 = tpu.memref_squeeze %dma_start3A_1311 : memref<1x1024xi32, #tpu.memory_space<hbm>> -> memref<1024xi32, #tpu.memory_space<hbm>>
        tpu.enqueue_dma source(%arg8 : memref<1024xi32, #tpu.memory_space<vmem>>) target(%dma_start3A_1312 : memref<1024xi32, #tpu.memory_space<hbm>>) target_semaphore(%arg20 : memref<!tpu.dma_semaphore, #tpu.memory_space<semaphore_mem>>)
      } else {
      }
      %lt3A_911 = arith.cmpi slt, %add3A_856, %max3A : i32
      %eq3A_912 = arith.constant 0 : i32
      %eq3A_913 = arith.cmpi eq, %squeeze3A_7, %eq3A_912 : i32
      %jit3A_914 = arith.constant 1 : i32
      %select_n3A_915 = arith.select %eq3A_913, %jit3A_914, %squeeze3A_7 : i32
      %rem3A_916 = arith.remsi %add3A_856, %select_n3A_915 : i32
      %ne3A_917 = arith.constant 0 : i32
      %ne3A_918 = arith.cmpi ne, %rem3A_916, %ne3A_917 : i32
      %lt3A_919 = arith.constant 0 : i32
      %lt3A_920 = arith.cmpi slt, %rem3A_916, %lt3A_919 : i32
      %lt3A_921 = arith.constant 0 : i32
      %lt3A_922 = arith.cmpi slt, %select_n3A_915, %lt3A_921 : i32
      %ne3A_923 = arith.xori %lt3A_920, %lt3A_922 : i1
      %and3A_924 = arith.andi %ne3A_923, %ne3A_918 : i1
      %add3A_925 = arith.addi %rem3A_916, %select_n3A_915 : i32
      %select_n3A_926 = arith.select %and3A_924, %add3A_925, %rem3A_916 : i32
      %eq3A_927 = arith.constant 0 : i32
      %eq3A_928 = arith.cmpi eq, %select_n3A_926, %eq3A_927 : i32
      %and3A_929 = arith.andi %lt3A_911, %eq3A_928 : i1
      %not3A_930 = arith.constant true
      %not3A_931 = arith.xori %and3A_929, %not3A_930 : i1
      %convert_element_type3A_932 = arith.extui %not3A_931 : i1 to i32
      %cond3A_933 = arith.constant 0 : i32
      %cond3A_934 = arith.cmpi ne, %convert_element_type3A_932, %cond3A_933 : i32
      scf.if %cond3A_934 {
        %dma_start3A = arith.constant 0 : i32
        %dma_start3A_1308 = tpu.memref_slice %arg12[%dma_start3A] : memref<1040xi32, #tpu.memory_space<vmem>> -> memref<1024xi32, #tpu.memory_space<vmem>>
        %dma_start3A_1309 = arith.constant 0 : i32
        %dma_start3A_1310 = tpu.memref_slice %arg4[%add3A_856, %dma_start3A_1309] : memref<4096x1024xi32, #tpu.memory_space<hbm>> -> memref<1x1024xi32, #tpu.memory_space<hbm>>
        %dma_start3A_1311 = tpu.memref_squeeze %dma_start3A_1310 : memref<1x1024xi32, #tpu.memory_space<hbm>> -> memref<1024xi32, #tpu.memory_space<hbm>>
        %dma_start3A_1312 = arith.constant 0 : i32
        %dma_start3A_1313 = tpu.memref_slice %arg4[%add3A_856, %dma_start3A_1312] : memref<4096x1024xi32, #tpu.memory_space<hbm>> -> memref<1x1024xi32, #tpu.memory_space<hbm>>
        %dma_start3A_1314 = tpu.memref_squeeze %dma_start3A_1313 : memref<1x1024xi32, #tpu.memory_space<hbm>> -> memref<1024xi32, #tpu.memory_space<hbm>>
        %dma_start3A_1315 = arith.constant 0 : i32
        %dma_start3A_1316 = tpu.memref_slice %arg12[%dma_start3A_1315] : memref<1040xi32, #tpu.memory_space<vmem>> -> memref<1024xi32, #tpu.memory_space<vmem>>
        tpu.enqueue_dma source(%dma_start3A_1316 : memref<1024xi32, #tpu.memory_space<vmem>>) target(%dma_start3A_1314 : memref<1024xi32, #tpu.memory_space<hbm>>) target_semaphore(%arg20 : memref<!tpu.dma_semaphore, #tpu.memory_space<semaphore_mem>>)
      } else {
      }
      %add3A_935 = arith.constant 4 : i32
      %add3A_936 = arith.addi %mul3A_2, %add3A_935 : i32
      %mul3A_937 = arith.constant 8 : i32
      %mul3A_938 = arith.muli %mul3A_937, %scan3A_564 : i32
      %add3A_939 = arith.addi %add3A_936, %mul3A_938 : i32
      %dma_wait3A_940 = arith.constant 0 : i32
      %dma_wait3A_941 = tpu.memref_slice %arg13[%dma_wait3A_940] : memref<1040xi32, #tpu.memory_space<vmem>> -> memref<1024xi32, #tpu.memory_space<vmem>>
      %dma_wait3A_942 = arith.constant 0 : i32
      %dma_wait3A_943 = tpu.memref_slice %arg4[%mul3A_2, %dma_wait3A_942] : memref<4096x1024xi32, #tpu.memory_space<hbm>> -> memref<1x1024xi32, #tpu.memory_space<hbm>>
      %dma_wait3A_944 = tpu.memref_squeeze %dma_wait3A_943 : memref<1x1024xi32, #tpu.memory_space<hbm>> -> memref<1024xi32, #tpu.memory_space<hbm>>
      %dma_wait3A_945 = arith.constant 0 : i32
      %dma_wait3A_946 = tpu.memref_slice %arg4[%mul3A_2, %dma_wait3A_945] : memref<4096x1024xi32, #tpu.memory_space<hbm>> -> memref<1x1024xi32, #tpu.memory_space<hbm>>
      %dma_wait3A_947 = tpu.memref_squeeze %dma_wait3A_946 : memref<1x1024xi32, #tpu.memory_space<hbm>> -> memref<1024xi32, #tpu.memory_space<hbm>>
      %dma_wait3A_948 = arith.constant 0 : i32
      %dma_wait3A_949 = tpu.memref_slice %arg13[%dma_wait3A_948] : memref<1040xi32, #tpu.memory_space<vmem>> -> memref<1024xi32, #tpu.memory_space<vmem>>
      tpu.wait_dma2 semaphore(%arg21 : memref<!tpu.dma_semaphore, #tpu.memory_space<semaphore_mem>>) src(%dma_wait3A_949 : memref<1024xi32, #tpu.memory_space<vmem>>) dst(%dma_wait3A_947 : memref<1024xi32, #tpu.memory_space<hbm>>)
      %ge3A_950 = arith.constant 136 : i32
      %ge3A_951 = arith.cmpi sge, %add3A_939, %ge3A_950 : i32
      %convert_element_type3A_952 = arith.extui %ge3A_951 : i1 to i32
      %cond3A_953 = arith.constant 0 : i32
      %cond3A_954 = arith.cmpi ne, %convert_element_type3A_952, %cond3A_953 : i32
      scf.if %cond3A_954 {
        %sub3A_1308 = arith.constant 136 : i32
        %sub3A_1309 = arith.subi %add3A_939, %sub3A_1308 : i32
        %shift_right_arithmetic3A_1310 = arith.constant 2 : i32
        %shift_right_arithmetic3A_1311 = arith.shrsi %sub3A_1309, %shift_right_arithmetic3A_1310 : i32
        %add3A_1312 = vector.broadcast %shift_right_arithmetic3A_1311 : i32 to vector<16xi32>
        %add3A_1313 = arith.addi %add3A_1312, %iota3A : vector<16xi32>
        %gather3A_1314 = tpu.vector_load_idx %arg7[%add3A_1313] : memref<1040xi32, #tpu.memory_space<vmem>>[vector<16xi32>], vector<16xi32>,
        %gather3A_1315 = tpu.vector_load_idx %arg13[%add3A_1313] : memref<1040xi32, #tpu.memory_space<vmem>>[vector<16xi32>], vector<16xi32>,
        %le3A_1316 = arith.constant 1 : i32
        %le3A_1317 = vector.broadcast %le3A_1316 : i32 to vector<16xi32>
        %le3A_1318 = arith.cmpi sle, %iota3A, %le3A_1317 : vector<16xi32>
        %jit3A_1319 = arith.constant -1 : i32
        %jit3A_1320 = arith.constant 0 : i32
        %broadcast_in_dim3A_1321 = vector.broadcast %jit3A_1319 : i32 to vector<16xi32>
        %broadcast_in_dim3A_1322 = vector.broadcast %jit3A_1320 : i32 to vector<16xi32>
        %select_n3A_1323 = arith.select %le3A_1318, %broadcast_in_dim3A_1321, %broadcast_in_dim3A_1322 : vector<16xi1>, vector<16xi32>
        %not3A_1324 = arith.constant dense<-1> : vector<16xi32>
        %not3A_1325 = arith.xori %select_n3A_1323, %not3A_1324 : vector<16xi32>
        %and3A_1326 = arith.andi %gather3A_1315, %not3A_1325 : vector<16xi32>
        %and3A_1327 = arith.andi %gather3A_1314, %select_n3A_1323 : vector<16xi32>
        %or3A = arith.ori %and3A_1326, %and3A_1327 : vector<16xi32>
        tpu.vector_store_idx %arg13[%add3A_1313], %or3A : memref<1040xi32, #tpu.memory_space<vmem>>[vector<16xi32>], vector<16xi32>,
      } else {
      }
      %sub3A_955 = arith.constant 7 : i32
      %sub3A_956 = arith.subi %add3A_939, %sub3A_955 : i32
      %shift_right_arithmetic3A_957 = arith.constant 2 : i32
      %shift_right_arithmetic3A_958 = arith.shrsi %sub3A_956, %shift_right_arithmetic3A_957 : i32
      %add3A_959 = vector.broadcast %shift_right_arithmetic3A_958 : i32 to vector<16xi32>
      %add3A_960 = arith.addi %add3A_959, %iota3A : vector<16xi32>
      %gather3A_961 = tpu.vector_load_idx %arg13[%add3A_960] : memref<1040xi32, #tpu.memory_space<vmem>>[vector<16xi32>], vector<16xi32>,
      %eq3A_962 = arith.constant 0 : i32
      %eq3A_963 = vector.broadcast %eq3A_962 : i32 to vector<16xi32>
      %eq3A_964 = arith.cmpi eq, %iota3A, %eq3A_963 : vector<16xi32>
      %eq3A_965 = arith.constant 1 : i32
      %eq3A_966 = vector.broadcast %eq3A_965 : i32 to vector<16xi32>
      %eq3A_967 = arith.cmpi eq, %iota3A, %eq3A_966 : vector<16xi32>
      %eq3A_968 = arith.constant 2 : i32
      %eq3A_969 = vector.broadcast %eq3A_968 : i32 to vector<16xi32>
      %eq3A_970 = arith.cmpi eq, %iota3A, %eq3A_969 : vector<16xi32>
      %jit3A_971 = arith.constant 255 : i32
      %jit3A_972 = arith.constant 0 : i32
      %broadcast_in_dim3A_973 = vector.broadcast %jit3A_971 : i32 to vector<16xi32>
      %broadcast_in_dim3A_974 = vector.broadcast %jit3A_972 : i32 to vector<16xi32>
      %select_n3A_975 = arith.select %eq3A_970, %broadcast_in_dim3A_973, %broadcast_in_dim3A_974 : vector<16xi1>, vector<16xi32>
      %jit3A_976 = arith.constant -1 : i32
      %broadcast_in_dim3A_977 = vector.broadcast %jit3A_976 : i32 to vector<16xi32>
      %select_n3A_978 = arith.select %eq3A_967, %broadcast_in_dim3A_977, %select_n3A_975 : vector<16xi1>, vector<16xi32>
      %jit3A_979 = arith.constant -256 : i32
      %broadcast_in_dim3A_980 = vector.broadcast %jit3A_979 : i32 to vector<16xi32>
      %select_n3A_981 = arith.select %eq3A_964, %broadcast_in_dim3A_980, %select_n3A_978 : vector<16xi1>, vector<16xi32>
      %not3A_982 = arith.constant dense<-1> : vector<16xi32>
      %not3A_983 = arith.xori %select_n3A_981, %not3A_982 : vector<16xi32>
      %and3A_984 = arith.andi %gather3A_961, %not3A_983 : vector<16xi32>
      tpu.vector_store_idx %arg13[%add3A_960], %and3A_984 : memref<1040xi32, #tpu.memory_space<vmem>>[vector<16xi32>], vector<16xi32>,
      %lt3A_985 = arith.cmpi slt, %add3A_939, %max3A : i32
      %eq3A_986 = arith.constant 0 : i32
      %eq3A_987 = arith.cmpi eq, %squeeze3A_7, %eq3A_986 : i32
      %jit3A_988 = arith.constant 1 : i32
      %select_n3A_989 = arith.select %eq3A_987, %jit3A_988, %squeeze3A_7 : i32
      %rem3A_990 = arith.remsi %add3A_939, %select_n3A_989 : i32
      %ne3A_991 = arith.constant 0 : i32
      %ne3A_992 = arith.cmpi ne, %rem3A_990, %ne3A_991 : i32
      %lt3A_993 = arith.constant 0 : i32
      %lt3A_994 = arith.cmpi slt, %rem3A_990, %lt3A_993 : i32
      %lt3A_995 = arith.constant 0 : i32
      %lt3A_996 = arith.cmpi slt, %select_n3A_989, %lt3A_995 : i32
      %ne3A_997 = arith.xori %lt3A_994, %lt3A_996 : i1
      %and3A_998 = arith.andi %ne3A_997, %ne3A_992 : i1
      %add3A_999 = arith.addi %rem3A_990, %select_n3A_989 : i32
      %select_n3A_1000 = arith.select %and3A_998, %add3A_999, %rem3A_990 : i32
      %eq3A_1001 = arith.constant 0 : i32
      %eq3A_1002 = arith.cmpi eq, %select_n3A_1000, %eq3A_1001 : i32
      %and3A_1003 = arith.andi %lt3A_985, %eq3A_1002 : i1
      %convert_element_type3A_1004 = arith.extui %and3A_1003 : i1 to i32
      %cond3A_1005 = arith.constant 0 : i32
      %cond3A_1006 = arith.cmpi ne, %convert_element_type3A_1004, %cond3A_1005 : i32
      scf.if %cond3A_1006 {
        %dma_start3A = arith.constant 0 : i32
        %dma_start3A_1308 = tpu.memref_slice %arg4[%add3A_939, %dma_start3A] : memref<4096x1024xi32, #tpu.memory_space<hbm>> -> memref<1x1024xi32, #tpu.memory_space<hbm>>
        %dma_start3A_1309 = tpu.memref_squeeze %dma_start3A_1308 : memref<1x1024xi32, #tpu.memory_space<hbm>> -> memref<1024xi32, #tpu.memory_space<hbm>>
        %dma_start3A_1310 = arith.constant 0 : i32
        %dma_start3A_1311 = tpu.memref_slice %arg4[%add3A_939, %dma_start3A_1310] : memref<4096x1024xi32, #tpu.memory_space<hbm>> -> memref<1x1024xi32, #tpu.memory_space<hbm>>
        %dma_start3A_1312 = tpu.memref_squeeze %dma_start3A_1311 : memref<1x1024xi32, #tpu.memory_space<hbm>> -> memref<1024xi32, #tpu.memory_space<hbm>>
        tpu.enqueue_dma source(%arg8 : memref<1024xi32, #tpu.memory_space<vmem>>) target(%dma_start3A_1312 : memref<1024xi32, #tpu.memory_space<hbm>>) target_semaphore(%arg21 : memref<!tpu.dma_semaphore, #tpu.memory_space<semaphore_mem>>)
      } else {
      }
      %lt3A_1007 = arith.cmpi slt, %add3A_939, %max3A : i32
      %eq3A_1008 = arith.constant 0 : i32
      %eq3A_1009 = arith.cmpi eq, %squeeze3A_7, %eq3A_1008 : i32
      %jit3A_1010 = arith.constant 1 : i32
      %select_n3A_1011 = arith.select %eq3A_1009, %jit3A_1010, %squeeze3A_7 : i32
      %rem3A_1012 = arith.remsi %add3A_939, %select_n3A_1011 : i32
      %ne3A_1013 = arith.constant 0 : i32
      %ne3A_1014 = arith.cmpi ne, %rem3A_1012, %ne3A_1013 : i32
      %lt3A_1015 = arith.constant 0 : i32
      %lt3A_1016 = arith.cmpi slt, %rem3A_1012, %lt3A_1015 : i32
      %lt3A_1017 = arith.constant 0 : i32
      %lt3A_1018 = arith.cmpi slt, %select_n3A_1011, %lt3A_1017 : i32
      %ne3A_1019 = arith.xori %lt3A_1016, %lt3A_1018 : i1
      %and3A_1020 = arith.andi %ne3A_1019, %ne3A_1014 : i1
      %add3A_1021 = arith.addi %rem3A_1012, %select_n3A_1011 : i32
      %select_n3A_1022 = arith.select %and3A_1020, %add3A_1021, %rem3A_1012 : i32
      %eq3A_1023 = arith.constant 0 : i32
      %eq3A_1024 = arith.cmpi eq, %select_n3A_1022, %eq3A_1023 : i32
      %and3A_1025 = arith.andi %lt3A_1007, %eq3A_1024 : i1
      %not3A_1026 = arith.constant true
      %not3A_1027 = arith.xori %and3A_1025, %not3A_1026 : i1
      %convert_element_type3A_1028 = arith.extui %not3A_1027 : i1 to i32
      %cond3A_1029 = arith.constant 0 : i32
      %cond3A_1030 = arith.cmpi ne, %convert_element_type3A_1028, %cond3A_1029 : i32
      scf.if %cond3A_1030 {
        %dma_start3A = arith.constant 0 : i32
        %dma_start3A_1308 = tpu.memref_slice %arg13[%dma_start3A] : memref<1040xi32, #tpu.memory_space<vmem>> -> memref<1024xi32, #tpu.memory_space<vmem>>
        %dma_start3A_1309 = arith.constant 0 : i32
        %dma_start3A_1310 = tpu.memref_slice %arg4[%add3A_939, %dma_start3A_1309] : memref<4096x1024xi32, #tpu.memory_space<hbm>> -> memref<1x1024xi32, #tpu.memory_space<hbm>>
        %dma_start3A_1311 = tpu.memref_squeeze %dma_start3A_1310 : memref<1x1024xi32, #tpu.memory_space<hbm>> -> memref<1024xi32, #tpu.memory_space<hbm>>
        %dma_start3A_1312 = arith.constant 0 : i32
        %dma_start3A_1313 = tpu.memref_slice %arg4[%add3A_939, %dma_start3A_1312] : memref<4096x1024xi32, #tpu.memory_space<hbm>> -> memref<1x1024xi32, #tpu.memory_space<hbm>>
        %dma_start3A_1314 = tpu.memref_squeeze %dma_start3A_1313 : memref<1x1024xi32, #tpu.memory_space<hbm>> -> memref<1024xi32, #tpu.memory_space<hbm>>
        %dma_start3A_1315 = arith.constant 0 : i32
        %dma_start3A_1316 = tpu.memref_slice %arg13[%dma_start3A_1315] : memref<1040xi32, #tpu.memory_space<vmem>> -> memref<1024xi32, #tpu.memory_space<vmem>>
        tpu.enqueue_dma source(%dma_start3A_1316 : memref<1024xi32, #tpu.memory_space<vmem>>) target(%dma_start3A_1314 : memref<1024xi32, #tpu.memory_space<hbm>>) target_semaphore(%arg21 : memref<!tpu.dma_semaphore, #tpu.memory_space<semaphore_mem>>)
      } else {
      }
      %add3A_1031 = arith.constant 5 : i32
      %add3A_1032 = arith.addi %mul3A_2, %add3A_1031 : i32
      %mul3A_1033 = arith.constant 8 : i32
      %mul3A_1034 = arith.muli %mul3A_1033, %scan3A_564 : i32
      %add3A_1035 = arith.addi %add3A_1032, %mul3A_1034 : i32
      %dma_wait3A_1036 = arith.constant 0 : i32
      %dma_wait3A_1037 = tpu.memref_slice %arg14[%dma_wait3A_1036] : memref<1040xi32, #tpu.memory_space<vmem>> -> memref<1024xi32, #tpu.memory_space<vmem>>
      %dma_wait3A_1038 = arith.constant 0 : i32
      %dma_wait3A_1039 = tpu.memref_slice %arg4[%mul3A_2, %dma_wait3A_1038] : memref<4096x1024xi32, #tpu.memory_space<hbm>> -> memref<1x1024xi32, #tpu.memory_space<hbm>>
      %dma_wait3A_1040 = tpu.memref_squeeze %dma_wait3A_1039 : memref<1x1024xi32, #tpu.memory_space<hbm>> -> memref<1024xi32, #tpu.memory_space<hbm>>
      %dma_wait3A_1041 = arith.constant 0 : i32
      %dma_wait3A_1042 = tpu.memref_slice %arg4[%mul3A_2, %dma_wait3A_1041] : memref<4096x1024xi32, #tpu.memory_space<hbm>> -> memref<1x1024xi32, #tpu.memory_space<hbm>>
      %dma_wait3A_1043 = tpu.memref_squeeze %dma_wait3A_1042 : memref<1x1024xi32, #tpu.memory_space<hbm>> -> memref<1024xi32, #tpu.memory_space<hbm>>
      %dma_wait3A_1044 = arith.constant 0 : i32
      %dma_wait3A_1045 = tpu.memref_slice %arg14[%dma_wait3A_1044] : memref<1040xi32, #tpu.memory_space<vmem>> -> memref<1024xi32, #tpu.memory_space<vmem>>
      tpu.wait_dma2 semaphore(%arg22 : memref<!tpu.dma_semaphore, #tpu.memory_space<semaphore_mem>>) src(%dma_wait3A_1045 : memref<1024xi32, #tpu.memory_space<vmem>>) dst(%dma_wait3A_1043 : memref<1024xi32, #tpu.memory_space<hbm>>)
      %ge3A_1046 = arith.constant 136 : i32
      %ge3A_1047 = arith.cmpi sge, %add3A_1035, %ge3A_1046 : i32
      %convert_element_type3A_1048 = arith.extui %ge3A_1047 : i1 to i32
      %cond3A_1049 = arith.constant 0 : i32
      %cond3A_1050 = arith.cmpi ne, %convert_element_type3A_1048, %cond3A_1049 : i32
      scf.if %cond3A_1050 {
        %sub3A_1308 = arith.constant 136 : i32
        %sub3A_1309 = arith.subi %add3A_1035, %sub3A_1308 : i32
        %shift_right_arithmetic3A_1310 = arith.constant 2 : i32
        %shift_right_arithmetic3A_1311 = arith.shrsi %sub3A_1309, %shift_right_arithmetic3A_1310 : i32
        %add3A_1312 = vector.broadcast %shift_right_arithmetic3A_1311 : i32 to vector<16xi32>
        %add3A_1313 = arith.addi %add3A_1312, %iota3A : vector<16xi32>
        %gather3A_1314 = tpu.vector_load_idx %arg7[%add3A_1313] : memref<1040xi32, #tpu.memory_space<vmem>>[vector<16xi32>], vector<16xi32>,
        %gather3A_1315 = tpu.vector_load_idx %arg14[%add3A_1313] : memref<1040xi32, #tpu.memory_space<vmem>>[vector<16xi32>], vector<16xi32>,
        %eq3A_1316 = arith.constant 0 : i32
        %eq3A_1317 = vector.broadcast %eq3A_1316 : i32 to vector<16xi32>
        %eq3A_1318 = arith.cmpi eq, %iota3A, %eq3A_1317 : vector<16xi32>
        %eq3A_1319 = arith.constant 1 : i32
        %eq3A_1320 = vector.broadcast %eq3A_1319 : i32 to vector<16xi32>
        %eq3A_1321 = arith.cmpi eq, %iota3A, %eq3A_1320 : vector<16xi32>
        %eq3A_1322 = arith.constant 2 : i32
        %eq3A_1323 = vector.broadcast %eq3A_1322 : i32 to vector<16xi32>
        %eq3A_1324 = arith.cmpi eq, %iota3A, %eq3A_1323 : vector<16xi32>
        %jit3A_1325 = arith.constant 255 : i32
        %jit3A_1326 = arith.constant 0 : i32
        %broadcast_in_dim3A_1327 = vector.broadcast %jit3A_1325 : i32 to vector<16xi32>
        %broadcast_in_dim3A_1328 = vector.broadcast %jit3A_1326 : i32 to vector<16xi32>
        %select_n3A_1329 = arith.select %eq3A_1324, %broadcast_in_dim3A_1327, %broadcast_in_dim3A_1328 : vector<16xi1>, vector<16xi32>
        %jit3A_1330 = arith.constant -1 : i32
        %broadcast_in_dim3A_1331 = vector.broadcast %jit3A_1330 : i32 to vector<16xi32>
        %select_n3A_1332 = arith.select %eq3A_1321, %broadcast_in_dim3A_1331, %select_n3A_1329 : vector<16xi1>, vector<16xi32>
        %jit3A_1333 = arith.constant -256 : i32
        %broadcast_in_dim3A_1334 = vector.broadcast %jit3A_1333 : i32 to vector<16xi32>
        %select_n3A_1335 = arith.select %eq3A_1318, %broadcast_in_dim3A_1334, %select_n3A_1332 : vector<16xi1>, vector<16xi32>
        %not3A_1336 = arith.constant dense<-1> : vector<16xi32>
        %not3A_1337 = arith.xori %select_n3A_1335, %not3A_1336 : vector<16xi32>
        %and3A_1338 = arith.andi %gather3A_1315, %not3A_1337 : vector<16xi32>
        %and3A_1339 = arith.andi %gather3A_1314, %select_n3A_1335 : vector<16xi32>
        %or3A = arith.ori %and3A_1338, %and3A_1339 : vector<16xi32>
        tpu.vector_store_idx %arg14[%add3A_1313], %or3A : memref<1040xi32, #tpu.memory_space<vmem>>[vector<16xi32>], vector<16xi32>,
      } else {
      }
      %sub3A_1051 = arith.constant 7 : i32
      %sub3A_1052 = arith.subi %add3A_1035, %sub3A_1051 : i32
      %shift_right_arithmetic3A_1053 = arith.constant 2 : i32
      %shift_right_arithmetic3A_1054 = arith.shrsi %sub3A_1052, %shift_right_arithmetic3A_1053 : i32
      %add3A_1055 = vector.broadcast %shift_right_arithmetic3A_1054 : i32 to vector<16xi32>
      %add3A_1056 = arith.addi %add3A_1055, %iota3A : vector<16xi32>
      %gather3A_1057 = tpu.vector_load_idx %arg14[%add3A_1056] : memref<1040xi32, #tpu.memory_space<vmem>>[vector<16xi32>], vector<16xi32>,
      %eq3A_1058 = arith.constant 0 : i32
      %eq3A_1059 = vector.broadcast %eq3A_1058 : i32 to vector<16xi32>
      %eq3A_1060 = arith.cmpi eq, %iota3A, %eq3A_1059 : vector<16xi32>
      %eq3A_1061 = arith.constant 1 : i32
      %eq3A_1062 = vector.broadcast %eq3A_1061 : i32 to vector<16xi32>
      %eq3A_1063 = arith.cmpi eq, %iota3A, %eq3A_1062 : vector<16xi32>
      %eq3A_1064 = arith.constant 2 : i32
      %eq3A_1065 = vector.broadcast %eq3A_1064 : i32 to vector<16xi32>
      %eq3A_1066 = arith.cmpi eq, %iota3A, %eq3A_1065 : vector<16xi32>
      %jit3A_1067 = arith.constant 65535 : i32
      %jit3A_1068 = arith.constant 0 : i32
      %broadcast_in_dim3A_1069 = vector.broadcast %jit3A_1067 : i32 to vector<16xi32>
      %broadcast_in_dim3A_1070 = vector.broadcast %jit3A_1068 : i32 to vector<16xi32>
      %select_n3A_1071 = arith.select %eq3A_1066, %broadcast_in_dim3A_1069, %broadcast_in_dim3A_1070 : vector<16xi1>, vector<16xi32>
      %jit3A_1072 = arith.constant -1 : i32
      %broadcast_in_dim3A_1073 = vector.broadcast %jit3A_1072 : i32 to vector<16xi32>
      %select_n3A_1074 = arith.select %eq3A_1063, %broadcast_in_dim3A_1073, %select_n3A_1071 : vector<16xi1>, vector<16xi32>
      %jit3A_1075 = arith.constant -65536 : i32
      %broadcast_in_dim3A_1076 = vector.broadcast %jit3A_1075 : i32 to vector<16xi32>
      %select_n3A_1077 = arith.select %eq3A_1060, %broadcast_in_dim3A_1076, %select_n3A_1074 : vector<16xi1>, vector<16xi32>
      %not3A_1078 = arith.constant dense<-1> : vector<16xi32>
      %not3A_1079 = arith.xori %select_n3A_1077, %not3A_1078 : vector<16xi32>
      %and3A_1080 = arith.andi %gather3A_1057, %not3A_1079 : vector<16xi32>
      tpu.vector_store_idx %arg14[%add3A_1056], %and3A_1080 : memref<1040xi32, #tpu.memory_space<vmem>>[vector<16xi32>], vector<16xi32>,
      %lt3A_1081 = arith.cmpi slt, %add3A_1035, %max3A : i32
      %eq3A_1082 = arith.constant 0 : i32
      %eq3A_1083 = arith.cmpi eq, %squeeze3A_7, %eq3A_1082 : i32
      %jit3A_1084 = arith.constant 1 : i32
      %select_n3A_1085 = arith.select %eq3A_1083, %jit3A_1084, %squeeze3A_7 : i32
      %rem3A_1086 = arith.remsi %add3A_1035, %select_n3A_1085 : i32
      %ne3A_1087 = arith.constant 0 : i32
      %ne3A_1088 = arith.cmpi ne, %rem3A_1086, %ne3A_1087 : i32
      %lt3A_1089 = arith.constant 0 : i32
      %lt3A_1090 = arith.cmpi slt, %rem3A_1086, %lt3A_1089 : i32
      %lt3A_1091 = arith.constant 0 : i32
      %lt3A_1092 = arith.cmpi slt, %select_n3A_1085, %lt3A_1091 : i32
      %ne3A_1093 = arith.xori %lt3A_1090, %lt3A_1092 : i1
      %and3A_1094 = arith.andi %ne3A_1093, %ne3A_1088 : i1
      %add3A_1095 = arith.addi %rem3A_1086, %select_n3A_1085 : i32
      %select_n3A_1096 = arith.select %and3A_1094, %add3A_1095, %rem3A_1086 : i32
      %eq3A_1097 = arith.constant 0 : i32
      %eq3A_1098 = arith.cmpi eq, %select_n3A_1096, %eq3A_1097 : i32
      %and3A_1099 = arith.andi %lt3A_1081, %eq3A_1098 : i1
      %convert_element_type3A_1100 = arith.extui %and3A_1099 : i1 to i32
      %cond3A_1101 = arith.constant 0 : i32
      %cond3A_1102 = arith.cmpi ne, %convert_element_type3A_1100, %cond3A_1101 : i32
      scf.if %cond3A_1102 {
        %dma_start3A = arith.constant 0 : i32
        %dma_start3A_1308 = tpu.memref_slice %arg4[%add3A_1035, %dma_start3A] : memref<4096x1024xi32, #tpu.memory_space<hbm>> -> memref<1x1024xi32, #tpu.memory_space<hbm>>
        %dma_start3A_1309 = tpu.memref_squeeze %dma_start3A_1308 : memref<1x1024xi32, #tpu.memory_space<hbm>> -> memref<1024xi32, #tpu.memory_space<hbm>>
        %dma_start3A_1310 = arith.constant 0 : i32
        %dma_start3A_1311 = tpu.memref_slice %arg4[%add3A_1035, %dma_start3A_1310] : memref<4096x1024xi32, #tpu.memory_space<hbm>> -> memref<1x1024xi32, #tpu.memory_space<hbm>>
        %dma_start3A_1312 = tpu.memref_squeeze %dma_start3A_1311 : memref<1x1024xi32, #tpu.memory_space<hbm>> -> memref<1024xi32, #tpu.memory_space<hbm>>
        tpu.enqueue_dma source(%arg8 : memref<1024xi32, #tpu.memory_space<vmem>>) target(%dma_start3A_1312 : memref<1024xi32, #tpu.memory_space<hbm>>) target_semaphore(%arg22 : memref<!tpu.dma_semaphore, #tpu.memory_space<semaphore_mem>>)
      } else {
      }
      %lt3A_1103 = arith.cmpi slt, %add3A_1035, %max3A : i32
      %eq3A_1104 = arith.constant 0 : i32
      %eq3A_1105 = arith.cmpi eq, %squeeze3A_7, %eq3A_1104 : i32
      %jit3A_1106 = arith.constant 1 : i32
      %select_n3A_1107 = arith.select %eq3A_1105, %jit3A_1106, %squeeze3A_7 : i32
      %rem3A_1108 = arith.remsi %add3A_1035, %select_n3A_1107 : i32
      %ne3A_1109 = arith.constant 0 : i32
      %ne3A_1110 = arith.cmpi ne, %rem3A_1108, %ne3A_1109 : i32
      %lt3A_1111 = arith.constant 0 : i32
      %lt3A_1112 = arith.cmpi slt, %rem3A_1108, %lt3A_1111 : i32
      %lt3A_1113 = arith.constant 0 : i32
      %lt3A_1114 = arith.cmpi slt, %select_n3A_1107, %lt3A_1113 : i32
      %ne3A_1115 = arith.xori %lt3A_1112, %lt3A_1114 : i1
      %and3A_1116 = arith.andi %ne3A_1115, %ne3A_1110 : i1
      %add3A_1117 = arith.addi %rem3A_1108, %select_n3A_1107 : i32
      %select_n3A_1118 = arith.select %and3A_1116, %add3A_1117, %rem3A_1108 : i32
      %eq3A_1119 = arith.constant 0 : i32
      %eq3A_1120 = arith.cmpi eq, %select_n3A_1118, %eq3A_1119 : i32
      %and3A_1121 = arith.andi %lt3A_1103, %eq3A_1120 : i1
      %not3A_1122 = arith.constant true
      %not3A_1123 = arith.xori %and3A_1121, %not3A_1122 : i1
      %convert_element_type3A_1124 = arith.extui %not3A_1123 : i1 to i32
      %cond3A_1125 = arith.constant 0 : i32
      %cond3A_1126 = arith.cmpi ne, %convert_element_type3A_1124, %cond3A_1125 : i32
      scf.if %cond3A_1126 {
        %dma_start3A = arith.constant 0 : i32
        %dma_start3A_1308 = tpu.memref_slice %arg14[%dma_start3A] : memref<1040xi32, #tpu.memory_space<vmem>> -> memref<1024xi32, #tpu.memory_space<vmem>>
        %dma_start3A_1309 = arith.constant 0 : i32
        %dma_start3A_1310 = tpu.memref_slice %arg4[%add3A_1035, %dma_start3A_1309] : memref<4096x1024xi32, #tpu.memory_space<hbm>> -> memref<1x1024xi32, #tpu.memory_space<hbm>>
        %dma_start3A_1311 = tpu.memref_squeeze %dma_start3A_1310 : memref<1x1024xi32, #tpu.memory_space<hbm>> -> memref<1024xi32, #tpu.memory_space<hbm>>
        %dma_start3A_1312 = arith.constant 0 : i32
        %dma_start3A_1313 = tpu.memref_slice %arg4[%add3A_1035, %dma_start3A_1312] : memref<4096x1024xi32, #tpu.memory_space<hbm>> -> memref<1x1024xi32, #tpu.memory_space<hbm>>
        %dma_start3A_1314 = tpu.memref_squeeze %dma_start3A_1313 : memref<1x1024xi32, #tpu.memory_space<hbm>> -> memref<1024xi32, #tpu.memory_space<hbm>>
        %dma_start3A_1315 = arith.constant 0 : i32
        %dma_start3A_1316 = tpu.memref_slice %arg14[%dma_start3A_1315] : memref<1040xi32, #tpu.memory_space<vmem>> -> memref<1024xi32, #tpu.memory_space<vmem>>
        tpu.enqueue_dma source(%dma_start3A_1316 : memref<1024xi32, #tpu.memory_space<vmem>>) target(%dma_start3A_1314 : memref<1024xi32, #tpu.memory_space<hbm>>) target_semaphore(%arg22 : memref<!tpu.dma_semaphore, #tpu.memory_space<semaphore_mem>>)
      } else {
      }
      %add3A_1127 = arith.constant 6 : i32
      %add3A_1128 = arith.addi %mul3A_2, %add3A_1127 : i32
      %mul3A_1129 = arith.constant 8 : i32
      %mul3A_1130 = arith.muli %mul3A_1129, %scan3A_564 : i32
      %add3A_1131 = arith.addi %add3A_1128, %mul3A_1130 : i32
      %dma_wait3A_1132 = arith.constant 0 : i32
      %dma_wait3A_1133 = tpu.memref_slice %arg15[%dma_wait3A_1132] : memref<1040xi32, #tpu.memory_space<vmem>> -> memref<1024xi32, #tpu.memory_space<vmem>>
      %dma_wait3A_1134 = arith.constant 0 : i32
      %dma_wait3A_1135 = tpu.memref_slice %arg4[%mul3A_2, %dma_wait3A_1134] : memref<4096x1024xi32, #tpu.memory_space<hbm>> -> memref<1x1024xi32, #tpu.memory_space<hbm>>
      %dma_wait3A_1136 = tpu.memref_squeeze %dma_wait3A_1135 : memref<1x1024xi32, #tpu.memory_space<hbm>> -> memref<1024xi32, #tpu.memory_space<hbm>>
      %dma_wait3A_1137 = arith.constant 0 : i32
      %dma_wait3A_1138 = tpu.memref_slice %arg4[%mul3A_2, %dma_wait3A_1137] : memref<4096x1024xi32, #tpu.memory_space<hbm>> -> memref<1x1024xi32, #tpu.memory_space<hbm>>
      %dma_wait3A_1139 = tpu.memref_squeeze %dma_wait3A_1138 : memref<1x1024xi32, #tpu.memory_space<hbm>> -> memref<1024xi32, #tpu.memory_space<hbm>>
      %dma_wait3A_1140 = arith.constant 0 : i32
      %dma_wait3A_1141 = tpu.memref_slice %arg15[%dma_wait3A_1140] : memref<1040xi32, #tpu.memory_space<vmem>> -> memref<1024xi32, #tpu.memory_space<vmem>>
      tpu.wait_dma2 semaphore(%arg23 : memref<!tpu.dma_semaphore, #tpu.memory_space<semaphore_mem>>) src(%dma_wait3A_1141 : memref<1024xi32, #tpu.memory_space<vmem>>) dst(%dma_wait3A_1139 : memref<1024xi32, #tpu.memory_space<hbm>>)
      %ge3A_1142 = arith.constant 136 : i32
      %ge3A_1143 = arith.cmpi sge, %add3A_1131, %ge3A_1142 : i32
      %convert_element_type3A_1144 = arith.extui %ge3A_1143 : i1 to i32
      %cond3A_1145 = arith.constant 0 : i32
      %cond3A_1146 = arith.cmpi ne, %convert_element_type3A_1144, %cond3A_1145 : i32
      scf.if %cond3A_1146 {
        %sub3A_1308 = arith.constant 136 : i32
        %sub3A_1309 = arith.subi %add3A_1131, %sub3A_1308 : i32
        %shift_right_arithmetic3A_1310 = arith.constant 2 : i32
        %shift_right_arithmetic3A_1311 = arith.shrsi %sub3A_1309, %shift_right_arithmetic3A_1310 : i32
        %add3A_1312 = vector.broadcast %shift_right_arithmetic3A_1311 : i32 to vector<16xi32>
        %add3A_1313 = arith.addi %add3A_1312, %iota3A : vector<16xi32>
        %gather3A_1314 = tpu.vector_load_idx %arg7[%add3A_1313] : memref<1040xi32, #tpu.memory_space<vmem>>[vector<16xi32>], vector<16xi32>,
        %gather3A_1315 = tpu.vector_load_idx %arg15[%add3A_1313] : memref<1040xi32, #tpu.memory_space<vmem>>[vector<16xi32>], vector<16xi32>,
        %eq3A_1316 = arith.constant 0 : i32
        %eq3A_1317 = vector.broadcast %eq3A_1316 : i32 to vector<16xi32>
        %eq3A_1318 = arith.cmpi eq, %iota3A, %eq3A_1317 : vector<16xi32>
        %eq3A_1319 = arith.constant 1 : i32
        %eq3A_1320 = vector.broadcast %eq3A_1319 : i32 to vector<16xi32>
        %eq3A_1321 = arith.cmpi eq, %iota3A, %eq3A_1320 : vector<16xi32>
        %eq3A_1322 = arith.constant 2 : i32
        %eq3A_1323 = vector.broadcast %eq3A_1322 : i32 to vector<16xi32>
        %eq3A_1324 = arith.cmpi eq, %iota3A, %eq3A_1323 : vector<16xi32>
        %jit3A_1325 = arith.constant 65535 : i32
        %jit3A_1326 = arith.constant 0 : i32
        %broadcast_in_dim3A_1327 = vector.broadcast %jit3A_1325 : i32 to vector<16xi32>
        %broadcast_in_dim3A_1328 = vector.broadcast %jit3A_1326 : i32 to vector<16xi32>
        %select_n3A_1329 = arith.select %eq3A_1324, %broadcast_in_dim3A_1327, %broadcast_in_dim3A_1328 : vector<16xi1>, vector<16xi32>
        %jit3A_1330 = arith.constant -1 : i32
        %broadcast_in_dim3A_1331 = vector.broadcast %jit3A_1330 : i32 to vector<16xi32>
        %select_n3A_1332 = arith.select %eq3A_1321, %broadcast_in_dim3A_1331, %select_n3A_1329 : vector<16xi1>, vector<16xi32>
        %jit3A_1333 = arith.constant -65536 : i32
        %broadcast_in_dim3A_1334 = vector.broadcast %jit3A_1333 : i32 to vector<16xi32>
        %select_n3A_1335 = arith.select %eq3A_1318, %broadcast_in_dim3A_1334, %select_n3A_1332 : vector<16xi1>, vector<16xi32>
        %not3A_1336 = arith.constant dense<-1> : vector<16xi32>
        %not3A_1337 = arith.xori %select_n3A_1335, %not3A_1336 : vector<16xi32>
        %and3A_1338 = arith.andi %gather3A_1315, %not3A_1337 : vector<16xi32>
        %and3A_1339 = arith.andi %gather3A_1314, %select_n3A_1335 : vector<16xi32>
        %or3A = arith.ori %and3A_1338, %and3A_1339 : vector<16xi32>
        tpu.vector_store_idx %arg15[%add3A_1313], %or3A : memref<1040xi32, #tpu.memory_space<vmem>>[vector<16xi32>], vector<16xi32>,
      } else {
      }
      %sub3A_1147 = arith.constant 7 : i32
      %sub3A_1148 = arith.subi %add3A_1131, %sub3A_1147 : i32
      %shift_right_arithmetic3A_1149 = arith.constant 2 : i32
      %shift_right_arithmetic3A_1150 = arith.shrsi %sub3A_1148, %shift_right_arithmetic3A_1149 : i32
      %add3A_1151 = vector.broadcast %shift_right_arithmetic3A_1150 : i32 to vector<16xi32>
      %add3A_1152 = arith.addi %add3A_1151, %iota3A : vector<16xi32>
      %gather3A_1153 = tpu.vector_load_idx %arg15[%add3A_1152] : memref<1040xi32, #tpu.memory_space<vmem>>[vector<16xi32>], vector<16xi32>,
      %eq3A_1154 = arith.constant 0 : i32
      %eq3A_1155 = vector.broadcast %eq3A_1154 : i32 to vector<16xi32>
      %eq3A_1156 = arith.cmpi eq, %iota3A, %eq3A_1155 : vector<16xi32>
      %eq3A_1157 = arith.constant 1 : i32
      %eq3A_1158 = vector.broadcast %eq3A_1157 : i32 to vector<16xi32>
      %eq3A_1159 = arith.cmpi eq, %iota3A, %eq3A_1158 : vector<16xi32>
      %eq3A_1160 = arith.constant 2 : i32
      %eq3A_1161 = vector.broadcast %eq3A_1160 : i32 to vector<16xi32>
      %eq3A_1162 = arith.cmpi eq, %iota3A, %eq3A_1161 : vector<16xi32>
      %jit3A_1163 = arith.constant 16777215 : i32
      %jit3A_1164 = arith.constant 0 : i32
      %broadcast_in_dim3A_1165 = vector.broadcast %jit3A_1163 : i32 to vector<16xi32>
      %broadcast_in_dim3A_1166 = vector.broadcast %jit3A_1164 : i32 to vector<16xi32>
      %select_n3A_1167 = arith.select %eq3A_1162, %broadcast_in_dim3A_1165, %broadcast_in_dim3A_1166 : vector<16xi1>, vector<16xi32>
      %jit3A_1168 = arith.constant -1 : i32
      %broadcast_in_dim3A_1169 = vector.broadcast %jit3A_1168 : i32 to vector<16xi32>
      %select_n3A_1170 = arith.select %eq3A_1159, %broadcast_in_dim3A_1169, %select_n3A_1167 : vector<16xi1>, vector<16xi32>
      %jit3A_1171 = arith.constant -16777216 : i32
      %broadcast_in_dim3A_1172 = vector.broadcast %jit3A_1171 : i32 to vector<16xi32>
      %select_n3A_1173 = arith.select %eq3A_1156, %broadcast_in_dim3A_1172, %select_n3A_1170 : vector<16xi1>, vector<16xi32>
      %not3A_1174 = arith.constant dense<-1> : vector<16xi32>
      %not3A_1175 = arith.xori %select_n3A_1173, %not3A_1174 : vector<16xi32>
      %and3A_1176 = arith.andi %gather3A_1153, %not3A_1175 : vector<16xi32>
      tpu.vector_store_idx %arg15[%add3A_1152], %and3A_1176 : memref<1040xi32, #tpu.memory_space<vmem>>[vector<16xi32>], vector<16xi32>,
      %lt3A_1177 = arith.cmpi slt, %add3A_1131, %max3A : i32
      %eq3A_1178 = arith.constant 0 : i32
      %eq3A_1179 = arith.cmpi eq, %squeeze3A_7, %eq3A_1178 : i32
      %jit3A_1180 = arith.constant 1 : i32
      %select_n3A_1181 = arith.select %eq3A_1179, %jit3A_1180, %squeeze3A_7 : i32
      %rem3A_1182 = arith.remsi %add3A_1131, %select_n3A_1181 : i32
      %ne3A_1183 = arith.constant 0 : i32
      %ne3A_1184 = arith.cmpi ne, %rem3A_1182, %ne3A_1183 : i32
      %lt3A_1185 = arith.constant 0 : i32
      %lt3A_1186 = arith.cmpi slt, %rem3A_1182, %lt3A_1185 : i32
      %lt3A_1187 = arith.constant 0 : i32
      %lt3A_1188 = arith.cmpi slt, %select_n3A_1181, %lt3A_1187 : i32
      %ne3A_1189 = arith.xori %lt3A_1186, %lt3A_1188 : i1
      %and3A_1190 = arith.andi %ne3A_1189, %ne3A_1184 : i1
      %add3A_1191 = arith.addi %rem3A_1182, %select_n3A_1181 : i32
      %select_n3A_1192 = arith.select %and3A_1190, %add3A_1191, %rem3A_1182 : i32
      %eq3A_1193 = arith.constant 0 : i32
      %eq3A_1194 = arith.cmpi eq, %select_n3A_1192, %eq3A_1193 : i32
      %and3A_1195 = arith.andi %lt3A_1177, %eq3A_1194 : i1
      %convert_element_type3A_1196 = arith.extui %and3A_1195 : i1 to i32
      %cond3A_1197 = arith.constant 0 : i32
      %cond3A_1198 = arith.cmpi ne, %convert_element_type3A_1196, %cond3A_1197 : i32
      scf.if %cond3A_1198 {
        %dma_start3A = arith.constant 0 : i32
        %dma_start3A_1308 = tpu.memref_slice %arg4[%add3A_1131, %dma_start3A] : memref<4096x1024xi32, #tpu.memory_space<hbm>> -> memref<1x1024xi32, #tpu.memory_space<hbm>>
        %dma_start3A_1309 = tpu.memref_squeeze %dma_start3A_1308 : memref<1x1024xi32, #tpu.memory_space<hbm>> -> memref<1024xi32, #tpu.memory_space<hbm>>
        %dma_start3A_1310 = arith.constant 0 : i32
        %dma_start3A_1311 = tpu.memref_slice %arg4[%add3A_1131, %dma_start3A_1310] : memref<4096x1024xi32, #tpu.memory_space<hbm>> -> memref<1x1024xi32, #tpu.memory_space<hbm>>
        %dma_start3A_1312 = tpu.memref_squeeze %dma_start3A_1311 : memref<1x1024xi32, #tpu.memory_space<hbm>> -> memref<1024xi32, #tpu.memory_space<hbm>>
        tpu.enqueue_dma source(%arg8 : memref<1024xi32, #tpu.memory_space<vmem>>) target(%dma_start3A_1312 : memref<1024xi32, #tpu.memory_space<hbm>>) target_semaphore(%arg23 : memref<!tpu.dma_semaphore, #tpu.memory_space<semaphore_mem>>)
      } else {
      }
      %lt3A_1199 = arith.cmpi slt, %add3A_1131, %max3A : i32
      %eq3A_1200 = arith.constant 0 : i32
      %eq3A_1201 = arith.cmpi eq, %squeeze3A_7, %eq3A_1200 : i32
      %jit3A_1202 = arith.constant 1 : i32
      %select_n3A_1203 = arith.select %eq3A_1201, %jit3A_1202, %squeeze3A_7 : i32
      %rem3A_1204 = arith.remsi %add3A_1131, %select_n3A_1203 : i32
      %ne3A_1205 = arith.constant 0 : i32
      %ne3A_1206 = arith.cmpi ne, %rem3A_1204, %ne3A_1205 : i32
      %lt3A_1207 = arith.constant 0 : i32
      %lt3A_1208 = arith.cmpi slt, %rem3A_1204, %lt3A_1207 : i32
      %lt3A_1209 = arith.constant 0 : i32
      %lt3A_1210 = arith.cmpi slt, %select_n3A_1203, %lt3A_1209 : i32
      %ne3A_1211 = arith.xori %lt3A_1208, %lt3A_1210 : i1
      %and3A_1212 = arith.andi %ne3A_1211, %ne3A_1206 : i1
      %add3A_1213 = arith.addi %rem3A_1204, %select_n3A_1203 : i32
      %select_n3A_1214 = arith.select %and3A_1212, %add3A_1213, %rem3A_1204 : i32
      %eq3A_1215 = arith.constant 0 : i32
      %eq3A_1216 = arith.cmpi eq, %select_n3A_1214, %eq3A_1215 : i32
      %and3A_1217 = arith.andi %lt3A_1199, %eq3A_1216 : i1
      %not3A_1218 = arith.constant true
      %not3A_1219 = arith.xori %and3A_1217, %not3A_1218 : i1
      %convert_element_type3A_1220 = arith.extui %not3A_1219 : i1 to i32
      %cond3A_1221 = arith.constant 0 : i32
      %cond3A_1222 = arith.cmpi ne, %convert_element_type3A_1220, %cond3A_1221 : i32
      scf.if %cond3A_1222 {
        %dma_start3A = arith.constant 0 : i32
        %dma_start3A_1308 = tpu.memref_slice %arg15[%dma_start3A] : memref<1040xi32, #tpu.memory_space<vmem>> -> memref<1024xi32, #tpu.memory_space<vmem>>
        %dma_start3A_1309 = arith.constant 0 : i32
        %dma_start3A_1310 = tpu.memref_slice %arg4[%add3A_1131, %dma_start3A_1309] : memref<4096x1024xi32, #tpu.memory_space<hbm>> -> memref<1x1024xi32, #tpu.memory_space<hbm>>
        %dma_start3A_1311 = tpu.memref_squeeze %dma_start3A_1310 : memref<1x1024xi32, #tpu.memory_space<hbm>> -> memref<1024xi32, #tpu.memory_space<hbm>>
        %dma_start3A_1312 = arith.constant 0 : i32
        %dma_start3A_1313 = tpu.memref_slice %arg4[%add3A_1131, %dma_start3A_1312] : memref<4096x1024xi32, #tpu.memory_space<hbm>> -> memref<1x1024xi32, #tpu.memory_space<hbm>>
        %dma_start3A_1314 = tpu.memref_squeeze %dma_start3A_1313 : memref<1x1024xi32, #tpu.memory_space<hbm>> -> memref<1024xi32, #tpu.memory_space<hbm>>
        %dma_start3A_1315 = arith.constant 0 : i32
        %dma_start3A_1316 = tpu.memref_slice %arg15[%dma_start3A_1315] : memref<1040xi32, #tpu.memory_space<vmem>> -> memref<1024xi32, #tpu.memory_space<vmem>>
        tpu.enqueue_dma source(%dma_start3A_1316 : memref<1024xi32, #tpu.memory_space<vmem>>) target(%dma_start3A_1314 : memref<1024xi32, #tpu.memory_space<hbm>>) target_semaphore(%arg23 : memref<!tpu.dma_semaphore, #tpu.memory_space<semaphore_mem>>)
      } else {
      }
      %add3A_1223 = arith.constant 7 : i32
      %add3A_1224 = arith.addi %mul3A_2, %add3A_1223 : i32
      %mul3A_1225 = arith.constant 8 : i32
      %mul3A_1226 = arith.muli %mul3A_1225, %scan3A_564 : i32
      %add3A_1227 = arith.addi %add3A_1224, %mul3A_1226 : i32
      %dma_wait3A_1228 = arith.constant 0 : i32
      %dma_wait3A_1229 = tpu.memref_slice %arg16[%dma_wait3A_1228] : memref<1040xi32, #tpu.memory_space<vmem>> -> memref<1024xi32, #tpu.memory_space<vmem>>
      %dma_wait3A_1230 = arith.constant 0 : i32
      %dma_wait3A_1231 = tpu.memref_slice %arg4[%mul3A_2, %dma_wait3A_1230] : memref<4096x1024xi32, #tpu.memory_space<hbm>> -> memref<1x1024xi32, #tpu.memory_space<hbm>>
      %dma_wait3A_1232 = tpu.memref_squeeze %dma_wait3A_1231 : memref<1x1024xi32, #tpu.memory_space<hbm>> -> memref<1024xi32, #tpu.memory_space<hbm>>
      %dma_wait3A_1233 = arith.constant 0 : i32
      %dma_wait3A_1234 = tpu.memref_slice %arg4[%mul3A_2, %dma_wait3A_1233] : memref<4096x1024xi32, #tpu.memory_space<hbm>> -> memref<1x1024xi32, #tpu.memory_space<hbm>>
      %dma_wait3A_1235 = tpu.memref_squeeze %dma_wait3A_1234 : memref<1x1024xi32, #tpu.memory_space<hbm>> -> memref<1024xi32, #tpu.memory_space<hbm>>
      %dma_wait3A_1236 = arith.constant 0 : i32
      %dma_wait3A_1237 = tpu.memref_slice %arg16[%dma_wait3A_1236] : memref<1040xi32, #tpu.memory_space<vmem>> -> memref<1024xi32, #tpu.memory_space<vmem>>
      tpu.wait_dma2 semaphore(%arg24 : memref<!tpu.dma_semaphore, #tpu.memory_space<semaphore_mem>>) src(%dma_wait3A_1237 : memref<1024xi32, #tpu.memory_space<vmem>>) dst(%dma_wait3A_1235 : memref<1024xi32, #tpu.memory_space<hbm>>)
      %ge3A_1238 = arith.constant 136 : i32
      %ge3A_1239 = arith.cmpi sge, %add3A_1227, %ge3A_1238 : i32
      %convert_element_type3A_1240 = arith.extui %ge3A_1239 : i1 to i32
      %cond3A_1241 = arith.constant 0 : i32
      %cond3A_1242 = arith.cmpi ne, %convert_element_type3A_1240, %cond3A_1241 : i32
      scf.if %cond3A_1242 {
        %sub3A_1308 = arith.constant 136 : i32
        %sub3A_1309 = arith.subi %add3A_1227, %sub3A_1308 : i32
        %shift_right_arithmetic3A_1310 = arith.constant 2 : i32
        %shift_right_arithmetic3A_1311 = arith.shrsi %sub3A_1309, %shift_right_arithmetic3A_1310 : i32
        %add3A_1312 = vector.broadcast %shift_right_arithmetic3A_1311 : i32 to vector<16xi32>
        %add3A_1313 = arith.addi %add3A_1312, %iota3A : vector<16xi32>
        %gather3A_1314 = tpu.vector_load_idx %arg7[%add3A_1313] : memref<1040xi32, #tpu.memory_space<vmem>>[vector<16xi32>], vector<16xi32>,
        %gather3A_1315 = tpu.vector_load_idx %arg16[%add3A_1313] : memref<1040xi32, #tpu.memory_space<vmem>>[vector<16xi32>], vector<16xi32>,
        %eq3A_1316 = arith.constant 0 : i32
        %eq3A_1317 = vector.broadcast %eq3A_1316 : i32 to vector<16xi32>
        %eq3A_1318 = arith.cmpi eq, %iota3A, %eq3A_1317 : vector<16xi32>
        %eq3A_1319 = arith.constant 1 : i32
        %eq3A_1320 = vector.broadcast %eq3A_1319 : i32 to vector<16xi32>
        %eq3A_1321 = arith.cmpi eq, %iota3A, %eq3A_1320 : vector<16xi32>
        %eq3A_1322 = arith.constant 2 : i32
        %eq3A_1323 = vector.broadcast %eq3A_1322 : i32 to vector<16xi32>
        %eq3A_1324 = arith.cmpi eq, %iota3A, %eq3A_1323 : vector<16xi32>
        %jit3A_1325 = arith.constant 16777215 : i32
        %jit3A_1326 = arith.constant 0 : i32
        %broadcast_in_dim3A_1327 = vector.broadcast %jit3A_1325 : i32 to vector<16xi32>
        %broadcast_in_dim3A_1328 = vector.broadcast %jit3A_1326 : i32 to vector<16xi32>
        %select_n3A_1329 = arith.select %eq3A_1324, %broadcast_in_dim3A_1327, %broadcast_in_dim3A_1328 : vector<16xi1>, vector<16xi32>
        %jit3A_1330 = arith.constant -1 : i32
        %broadcast_in_dim3A_1331 = vector.broadcast %jit3A_1330 : i32 to vector<16xi32>
        %select_n3A_1332 = arith.select %eq3A_1321, %broadcast_in_dim3A_1331, %select_n3A_1329 : vector<16xi1>, vector<16xi32>
        %jit3A_1333 = arith.constant -16777216 : i32
        %broadcast_in_dim3A_1334 = vector.broadcast %jit3A_1333 : i32 to vector<16xi32>
        %select_n3A_1335 = arith.select %eq3A_1318, %broadcast_in_dim3A_1334, %select_n3A_1332 : vector<16xi1>, vector<16xi32>
        %not3A_1336 = arith.constant dense<-1> : vector<16xi32>
        %not3A_1337 = arith.xori %select_n3A_1335, %not3A_1336 : vector<16xi32>
        %and3A_1338 = arith.andi %gather3A_1315, %not3A_1337 : vector<16xi32>
        %and3A_1339 = arith.andi %gather3A_1314, %select_n3A_1335 : vector<16xi32>
        %or3A = arith.ori %and3A_1338, %and3A_1339 : vector<16xi32>
        tpu.vector_store_idx %arg16[%add3A_1313], %or3A : memref<1040xi32, #tpu.memory_space<vmem>>[vector<16xi32>], vector<16xi32>,
      } else {
      }
      %sub3A_1243 = arith.constant 7 : i32
      %sub3A_1244 = arith.subi %add3A_1227, %sub3A_1243 : i32
      %shift_right_arithmetic3A_1245 = arith.constant 2 : i32
      %shift_right_arithmetic3A_1246 = arith.shrsi %sub3A_1244, %shift_right_arithmetic3A_1245 : i32
      %add3A_1247 = vector.broadcast %shift_right_arithmetic3A_1246 : i32 to vector<16xi32>
      %add3A_1248 = arith.addi %add3A_1247, %iota3A : vector<16xi32>
      %gather3A_1249 = tpu.vector_load_idx %arg16[%add3A_1248] : memref<1040xi32, #tpu.memory_space<vmem>>[vector<16xi32>], vector<16xi32>,
      %le3A_1250 = arith.constant 1 : i32
      %le3A_1251 = vector.broadcast %le3A_1250 : i32 to vector<16xi32>
      %le3A_1252 = arith.cmpi sle, %iota3A, %le3A_1251 : vector<16xi32>
      %jit3A_1253 = arith.constant -1 : i32
      %jit3A_1254 = arith.constant 0 : i32
      %broadcast_in_dim3A_1255 = vector.broadcast %jit3A_1253 : i32 to vector<16xi32>
      %broadcast_in_dim3A_1256 = vector.broadcast %jit3A_1254 : i32 to vector<16xi32>
      %select_n3A_1257 = arith.select %le3A_1252, %broadcast_in_dim3A_1255, %broadcast_in_dim3A_1256 : vector<16xi1>, vector<16xi32>
      %not3A_1258 = arith.constant dense<-1> : vector<16xi32>
      %not3A_1259 = arith.xori %select_n3A_1257, %not3A_1258 : vector<16xi32>
      %and3A_1260 = arith.andi %gather3A_1249, %not3A_1259 : vector<16xi32>
      tpu.vector_store_idx %arg16[%add3A_1248], %and3A_1260 : memref<1040xi32, #tpu.memory_space<vmem>>[vector<16xi32>], vector<16xi32>,
      %lt3A_1261 = arith.cmpi slt, %add3A_1227, %max3A : i32
      %eq3A_1262 = arith.constant 0 : i32
      %eq3A_1263 = arith.cmpi eq, %squeeze3A_7, %eq3A_1262 : i32
      %jit3A_1264 = arith.constant 1 : i32
      %select_n3A_1265 = arith.select %eq3A_1263, %jit3A_1264, %squeeze3A_7 : i32
      %rem3A_1266 = arith.remsi %add3A_1227, %select_n3A_1265 : i32
      %ne3A_1267 = arith.constant 0 : i32
      %ne3A_1268 = arith.cmpi ne, %rem3A_1266, %ne3A_1267 : i32
      %lt3A_1269 = arith.constant 0 : i32
      %lt3A_1270 = arith.cmpi slt, %rem3A_1266, %lt3A_1269 : i32
      %lt3A_1271 = arith.constant 0 : i32
      %lt3A_1272 = arith.cmpi slt, %select_n3A_1265, %lt3A_1271 : i32
      %ne3A_1273 = arith.xori %lt3A_1270, %lt3A_1272 : i1
      %and3A_1274 = arith.andi %ne3A_1273, %ne3A_1268 : i1
      %add3A_1275 = arith.addi %rem3A_1266, %select_n3A_1265 : i32
      %select_n3A_1276 = arith.select %and3A_1274, %add3A_1275, %rem3A_1266 : i32
      %eq3A_1277 = arith.constant 0 : i32
      %eq3A_1278 = arith.cmpi eq, %select_n3A_1276, %eq3A_1277 : i32
      %and3A_1279 = arith.andi %lt3A_1261, %eq3A_1278 : i1
      %convert_element_type3A_1280 = arith.extui %and3A_1279 : i1 to i32
      %cond3A_1281 = arith.constant 0 : i32
      %cond3A_1282 = arith.cmpi ne, %convert_element_type3A_1280, %cond3A_1281 : i32
      scf.if %cond3A_1282 {
        %dma_start3A = arith.constant 0 : i32
        %dma_start3A_1308 = tpu.memref_slice %arg4[%add3A_1227, %dma_start3A] : memref<4096x1024xi32, #tpu.memory_space<hbm>> -> memref<1x1024xi32, #tpu.memory_space<hbm>>
        %dma_start3A_1309 = tpu.memref_squeeze %dma_start3A_1308 : memref<1x1024xi32, #tpu.memory_space<hbm>> -> memref<1024xi32, #tpu.memory_space<hbm>>
        %dma_start3A_1310 = arith.constant 0 : i32
        %dma_start3A_1311 = tpu.memref_slice %arg4[%add3A_1227, %dma_start3A_1310] : memref<4096x1024xi32, #tpu.memory_space<hbm>> -> memref<1x1024xi32, #tpu.memory_space<hbm>>
        %dma_start3A_1312 = tpu.memref_squeeze %dma_start3A_1311 : memref<1x1024xi32, #tpu.memory_space<hbm>> -> memref<1024xi32, #tpu.memory_space<hbm>>
        tpu.enqueue_dma source(%arg8 : memref<1024xi32, #tpu.memory_space<vmem>>) target(%dma_start3A_1312 : memref<1024xi32, #tpu.memory_space<hbm>>) target_semaphore(%arg24 : memref<!tpu.dma_semaphore, #tpu.memory_space<semaphore_mem>>)
      } else {
      }
      %lt3A_1283 = arith.cmpi slt, %add3A_1227, %max3A : i32
      %eq3A_1284 = arith.constant 0 : i32
      %eq3A_1285 = arith.cmpi eq, %squeeze3A_7, %eq3A_1284 : i32
      %jit3A_1286 = arith.constant 1 : i32
      %select_n3A_1287 = arith.select %eq3A_1285, %jit3A_1286, %squeeze3A_7 : i32
      %rem3A_1288 = arith.remsi %add3A_1227, %select_n3A_1287 : i32
      %ne3A_1289 = arith.constant 0 : i32
      %ne3A_1290 = arith.cmpi ne, %rem3A_1288, %ne3A_1289 : i32
      %lt3A_1291 = arith.constant 0 : i32
      %lt3A_1292 = arith.cmpi slt, %rem3A_1288, %lt3A_1291 : i32
      %lt3A_1293 = arith.constant 0 : i32
      %lt3A_1294 = arith.cmpi slt, %select_n3A_1287, %lt3A_1293 : i32
      %ne3A_1295 = arith.xori %lt3A_1292, %lt3A_1294 : i1
      %and3A_1296 = arith.andi %ne3A_1295, %ne3A_1290 : i1
      %add3A_1297 = arith.addi %rem3A_1288, %select_n3A_1287 : i32
      %select_n3A_1298 = arith.select %and3A_1296, %add3A_1297, %rem3A_1288 : i32
      %eq3A_1299 = arith.constant 0 : i32
      %eq3A_1300 = arith.cmpi eq, %select_n3A_1298, %eq3A_1299 : i32
      %and3A_1301 = arith.andi %lt3A_1283, %eq3A_1300 : i1
      %not3A_1302 = arith.constant true
      %not3A_1303 = arith.xori %and3A_1301, %not3A_1302 : i1
      %convert_element_type3A_1304 = arith.extui %not3A_1303 : i1 to i32
      %cond3A_1305 = arith.constant 0 : i32
      %cond3A_1306 = arith.cmpi ne, %convert_element_type3A_1304, %cond3A_1305 : i32
      scf.if %cond3A_1306 {
        %dma_start3A = arith.constant 0 : i32
        %dma_start3A_1308 = tpu.memref_slice %arg16[%dma_start3A] : memref<1040xi32, #tpu.memory_space<vmem>> -> memref<1024xi32, #tpu.memory_space<vmem>>
        %dma_start3A_1309 = arith.constant 0 : i32
        %dma_start3A_1310 = tpu.memref_slice %arg4[%add3A_1227, %dma_start3A_1309] : memref<4096x1024xi32, #tpu.memory_space<hbm>> -> memref<1x1024xi32, #tpu.memory_space<hbm>>
        %dma_start3A_1311 = tpu.memref_squeeze %dma_start3A_1310 : memref<1x1024xi32, #tpu.memory_space<hbm>> -> memref<1024xi32, #tpu.memory_space<hbm>>
        %dma_start3A_1312 = arith.constant 0 : i32
        %dma_start3A_1313 = tpu.memref_slice %arg4[%add3A_1227, %dma_start3A_1312] : memref<4096x1024xi32, #tpu.memory_space<hbm>> -> memref<1x1024xi32, #tpu.memory_space<hbm>>
        %dma_start3A_1314 = tpu.memref_squeeze %dma_start3A_1313 : memref<1x1024xi32, #tpu.memory_space<hbm>> -> memref<1024xi32, #tpu.memory_space<hbm>>
        %dma_start3A_1315 = arith.constant 0 : i32
        %dma_start3A_1316 = tpu.memref_slice %arg16[%dma_start3A_1315] : memref<1040xi32, #tpu.memory_space<vmem>> -> memref<1024xi32, #tpu.memory_space<vmem>>
        tpu.enqueue_dma source(%dma_start3A_1316 : memref<1024xi32, #tpu.memory_space<vmem>>) target(%dma_start3A_1314 : memref<1024xi32, #tpu.memory_space<hbm>>) target_semaphore(%arg24 : memref<!tpu.dma_semaphore, #tpu.memory_space<semaphore_mem>>)
      } else {
      }
      %scan3A_1307 = arith.constant 0 : i32
      scf.yield %scan3A_1307 : i32
    }
    %scan3A_484 = arith.constant 15 : i32
    %dma_wait3A = arith.constant 0 : i32
    %dma_wait3A_485 = tpu.memref_slice %arg9[%dma_wait3A] : memref<1040xi32, #tpu.memory_space<vmem>> -> memref<1024xi32, #tpu.memory_space<vmem>>
    %dma_wait3A_486 = arith.constant 0 : i32
    %dma_wait3A_487 = tpu.memref_slice %arg4[%mul3A_2, %dma_wait3A_486] : memref<4096x1024xi32, #tpu.memory_space<hbm>> -> memref<1x1024xi32, #tpu.memory_space<hbm>>
    %dma_wait3A_488 = tpu.memref_squeeze %dma_wait3A_487 : memref<1x1024xi32, #tpu.memory_space<hbm>> -> memref<1024xi32, #tpu.memory_space<hbm>>
    %dma_wait3A_489 = arith.constant 0 : i32
    %dma_wait3A_490 = tpu.memref_slice %arg4[%mul3A_2, %dma_wait3A_489] : memref<4096x1024xi32, #tpu.memory_space<hbm>> -> memref<1x1024xi32, #tpu.memory_space<hbm>>
    %dma_wait3A_491 = tpu.memref_squeeze %dma_wait3A_490 : memref<1x1024xi32, #tpu.memory_space<hbm>> -> memref<1024xi32, #tpu.memory_space<hbm>>
    %dma_wait3A_492 = arith.constant 0 : i32
    %dma_wait3A_493 = tpu.memref_slice %arg9[%dma_wait3A_492] : memref<1040xi32, #tpu.memory_space<vmem>> -> memref<1024xi32, #tpu.memory_space<vmem>>
    tpu.wait_dma2 semaphore(%arg17 : memref<!tpu.dma_semaphore, #tpu.memory_space<semaphore_mem>>) src(%dma_wait3A_493 : memref<1024xi32, #tpu.memory_space<vmem>>) dst(%dma_wait3A_491 : memref<1024xi32, #tpu.memory_space<hbm>>)
    %dma_wait3A_494 = arith.constant 0 : i32
    %dma_wait3A_495 = tpu.memref_slice %arg10[%dma_wait3A_494] : memref<1040xi32, #tpu.memory_space<vmem>> -> memref<1024xi32, #tpu.memory_space<vmem>>
    %dma_wait3A_496 = arith.constant 0 : i32
    %dma_wait3A_497 = tpu.memref_slice %arg4[%mul3A_2, %dma_wait3A_496] : memref<4096x1024xi32, #tpu.memory_space<hbm>> -> memref<1x1024xi32, #tpu.memory_space<hbm>>
    %dma_wait3A_498 = tpu.memref_squeeze %dma_wait3A_497 : memref<1x1024xi32, #tpu.memory_space<hbm>> -> memref<1024xi32, #tpu.memory_space<hbm>>
    %dma_wait3A_499 = arith.constant 0 : i32
    %dma_wait3A_500 = tpu.memref_slice %arg4[%mul3A_2, %dma_wait3A_499] : memref<4096x1024xi32, #tpu.memory_space<hbm>> -> memref<1x1024xi32, #tpu.memory_space<hbm>>
    %dma_wait3A_501 = tpu.memref_squeeze %dma_wait3A_500 : memref<1x1024xi32, #tpu.memory_space<hbm>> -> memref<1024xi32, #tpu.memory_space<hbm>>
    %dma_wait3A_502 = arith.constant 0 : i32
    %dma_wait3A_503 = tpu.memref_slice %arg10[%dma_wait3A_502] : memref<1040xi32, #tpu.memory_space<vmem>> -> memref<1024xi32, #tpu.memory_space<vmem>>
    tpu.wait_dma2 semaphore(%arg18 : memref<!tpu.dma_semaphore, #tpu.memory_space<semaphore_mem>>) src(%dma_wait3A_503 : memref<1024xi32, #tpu.memory_space<vmem>>) dst(%dma_wait3A_501 : memref<1024xi32, #tpu.memory_space<hbm>>)
    %dma_wait3A_504 = arith.constant 0 : i32
    %dma_wait3A_505 = tpu.memref_slice %arg11[%dma_wait3A_504] : memref<1040xi32, #tpu.memory_space<vmem>> -> memref<1024xi32, #tpu.memory_space<vmem>>
    %dma_wait3A_506 = arith.constant 0 : i32
    %dma_wait3A_507 = tpu.memref_slice %arg4[%mul3A_2, %dma_wait3A_506] : memref<4096x1024xi32, #tpu.memory_space<hbm>> -> memref<1x1024xi32, #tpu.memory_space<hbm>>
    %dma_wait3A_508 = tpu.memref_squeeze %dma_wait3A_507 : memref<1x1024xi32, #tpu.memory_space<hbm>> -> memref<1024xi32, #tpu.memory_space<hbm>>
    %dma_wait3A_509 = arith.constant 0 : i32
    %dma_wait3A_510 = tpu.memref_slice %arg4[%mul3A_2, %dma_wait3A_509] : memref<4096x1024xi32, #tpu.memory_space<hbm>> -> memref<1x1024xi32, #tpu.memory_space<hbm>>
    %dma_wait3A_511 = tpu.memref_squeeze %dma_wait3A_510 : memref<1x1024xi32, #tpu.memory_space<hbm>> -> memref<1024xi32, #tpu.memory_space<hbm>>
    %dma_wait3A_512 = arith.constant 0 : i32
    %dma_wait3A_513 = tpu.memref_slice %arg11[%dma_wait3A_512] : memref<1040xi32, #tpu.memory_space<vmem>> -> memref<1024xi32, #tpu.memory_space<vmem>>
    tpu.wait_dma2 semaphore(%arg19 : memref<!tpu.dma_semaphore, #tpu.memory_space<semaphore_mem>>) src(%dma_wait3A_513 : memref<1024xi32, #tpu.memory_space<vmem>>) dst(%dma_wait3A_511 : memref<1024xi32, #tpu.memory_space<hbm>>)
    %dma_wait3A_514 = arith.constant 0 : i32
    %dma_wait3A_515 = tpu.memref_slice %arg12[%dma_wait3A_514] : memref<1040xi32, #tpu.memory_space<vmem>> -> memref<1024xi32, #tpu.memory_space<vmem>>
    %dma_wait3A_516 = arith.constant 0 : i32
    %dma_wait3A_517 = tpu.memref_slice %arg4[%mul3A_2, %dma_wait3A_516] : memref<4096x1024xi32, #tpu.memory_space<hbm>> -> memref<1x1024xi32, #tpu.memory_space<hbm>>
    %dma_wait3A_518 = tpu.memref_squeeze %dma_wait3A_517 : memref<1x1024xi32, #tpu.memory_space<hbm>> -> memref<1024xi32, #tpu.memory_space<hbm>>
    %dma_wait3A_519 = arith.constant 0 : i32
    %dma_wait3A_520 = tpu.memref_slice %arg4[%mul3A_2, %dma_wait3A_519] : memref<4096x1024xi32, #tpu.memory_space<hbm>> -> memref<1x1024xi32, #tpu.memory_space<hbm>>
    %dma_wait3A_521 = tpu.memref_squeeze %dma_wait3A_520 : memref<1x1024xi32, #tpu.memory_space<hbm>> -> memref<1024xi32, #tpu.memory_space<hbm>>
    %dma_wait3A_522 = arith.constant 0 : i32
    %dma_wait3A_523 = tpu.memref_slice %arg12[%dma_wait3A_522] : memref<1040xi32, #tpu.memory_space<vmem>> -> memref<1024xi32, #tpu.memory_space<vmem>>
    tpu.wait_dma2 semaphore(%arg20 : memref<!tpu.dma_semaphore, #tpu.memory_space<semaphore_mem>>) src(%dma_wait3A_523 : memref<1024xi32, #tpu.memory_space<vmem>>) dst(%dma_wait3A_521 : memref<1024xi32, #tpu.memory_space<hbm>>)
    %dma_wait3A_524 = arith.constant 0 : i32
    %dma_wait3A_525 = tpu.memref_slice %arg13[%dma_wait3A_524] : memref<1040xi32, #tpu.memory_space<vmem>> -> memref<1024xi32, #tpu.memory_space<vmem>>
    %dma_wait3A_526 = arith.constant 0 : i32
    %dma_wait3A_527 = tpu.memref_slice %arg4[%mul3A_2, %dma_wait3A_526] : memref<4096x1024xi32, #tpu.memory_space<hbm>> -> memref<1x1024xi32, #tpu.memory_space<hbm>>
    %dma_wait3A_528 = tpu.memref_squeeze %dma_wait3A_527 : memref<1x1024xi32, #tpu.memory_space<hbm>> -> memref<1024xi32, #tpu.memory_space<hbm>>
    %dma_wait3A_529 = arith.constant 0 : i32
    %dma_wait3A_530 = tpu.memref_slice %arg4[%mul3A_2, %dma_wait3A_529] : memref<4096x1024xi32, #tpu.memory_space<hbm>> -> memref<1x1024xi32, #tpu.memory_space<hbm>>
    %dma_wait3A_531 = tpu.memref_squeeze %dma_wait3A_530 : memref<1x1024xi32, #tpu.memory_space<hbm>> -> memref<1024xi32, #tpu.memory_space<hbm>>
    %dma_wait3A_532 = arith.constant 0 : i32
    %dma_wait3A_533 = tpu.memref_slice %arg13[%dma_wait3A_532] : memref<1040xi32, #tpu.memory_space<vmem>> -> memref<1024xi32, #tpu.memory_space<vmem>>
    tpu.wait_dma2 semaphore(%arg21 : memref<!tpu.dma_semaphore, #tpu.memory_space<semaphore_mem>>) src(%dma_wait3A_533 : memref<1024xi32, #tpu.memory_space<vmem>>) dst(%dma_wait3A_531 : memref<1024xi32, #tpu.memory_space<hbm>>)
    %dma_wait3A_534 = arith.constant 0 : i32
    %dma_wait3A_535 = tpu.memref_slice %arg14[%dma_wait3A_534] : memref<1040xi32, #tpu.memory_space<vmem>> -> memref<1024xi32, #tpu.memory_space<vmem>>
    %dma_wait3A_536 = arith.constant 0 : i32
    %dma_wait3A_537 = tpu.memref_slice %arg4[%mul3A_2, %dma_wait3A_536] : memref<4096x1024xi32, #tpu.memory_space<hbm>> -> memref<1x1024xi32, #tpu.memory_space<hbm>>
    %dma_wait3A_538 = tpu.memref_squeeze %dma_wait3A_537 : memref<1x1024xi32, #tpu.memory_space<hbm>> -> memref<1024xi32, #tpu.memory_space<hbm>>
    %dma_wait3A_539 = arith.constant 0 : i32
    %dma_wait3A_540 = tpu.memref_slice %arg4[%mul3A_2, %dma_wait3A_539] : memref<4096x1024xi32, #tpu.memory_space<hbm>> -> memref<1x1024xi32, #tpu.memory_space<hbm>>
    %dma_wait3A_541 = tpu.memref_squeeze %dma_wait3A_540 : memref<1x1024xi32, #tpu.memory_space<hbm>> -> memref<1024xi32, #tpu.memory_space<hbm>>
    %dma_wait3A_542 = arith.constant 0 : i32
    %dma_wait3A_543 = tpu.memref_slice %arg14[%dma_wait3A_542] : memref<1040xi32, #tpu.memory_space<vmem>> -> memref<1024xi32, #tpu.memory_space<vmem>>
    tpu.wait_dma2 semaphore(%arg22 : memref<!tpu.dma_semaphore, #tpu.memory_space<semaphore_mem>>) src(%dma_wait3A_543 : memref<1024xi32, #tpu.memory_space<vmem>>) dst(%dma_wait3A_541 : memref<1024xi32, #tpu.memory_space<hbm>>)
    %dma_wait3A_544 = arith.constant 0 : i32
    %dma_wait3A_545 = tpu.memref_slice %arg15[%dma_wait3A_544] : memref<1040xi32, #tpu.memory_space<vmem>> -> memref<1024xi32, #tpu.memory_space<vmem>>
    %dma_wait3A_546 = arith.constant 0 : i32
    %dma_wait3A_547 = tpu.memref_slice %arg4[%mul3A_2, %dma_wait3A_546] : memref<4096x1024xi32, #tpu.memory_space<hbm>> -> memref<1x1024xi32, #tpu.memory_space<hbm>>
    %dma_wait3A_548 = tpu.memref_squeeze %dma_wait3A_547 : memref<1x1024xi32, #tpu.memory_space<hbm>> -> memref<1024xi32, #tpu.memory_space<hbm>>
    %dma_wait3A_549 = arith.constant 0 : i32
    %dma_wait3A_550 = tpu.memref_slice %arg4[%mul3A_2, %dma_wait3A_549] : memref<4096x1024xi32, #tpu.memory_space<hbm>> -> memref<1x1024xi32, #tpu.memory_space<hbm>>
    %dma_wait3A_551 = tpu.memref_squeeze %dma_wait3A_550 : memref<1x1024xi32, #tpu.memory_space<hbm>> -> memref<1024xi32, #tpu.memory_space<hbm>>
    %dma_wait3A_552 = arith.constant 0 : i32
    %dma_wait3A_553 = tpu.memref_slice %arg15[%dma_wait3A_552] : memref<1040xi32, #tpu.memory_space<vmem>> -> memref<1024xi32, #tpu.memory_space<vmem>>
    tpu.wait_dma2 semaphore(%arg23 : memref<!tpu.dma_semaphore, #tpu.memory_space<semaphore_mem>>) src(%dma_wait3A_553 : memref<1024xi32, #tpu.memory_space<vmem>>) dst(%dma_wait3A_551 : memref<1024xi32, #tpu.memory_space<hbm>>)
    %dma_wait3A_554 = arith.constant 0 : i32
    %dma_wait3A_555 = tpu.memref_slice %arg16[%dma_wait3A_554] : memref<1040xi32, #tpu.memory_space<vmem>> -> memref<1024xi32, #tpu.memory_space<vmem>>
    %dma_wait3A_556 = arith.constant 0 : i32
    %dma_wait3A_557 = tpu.memref_slice %arg4[%mul3A_2, %dma_wait3A_556] : memref<4096x1024xi32, #tpu.memory_space<hbm>> -> memref<1x1024xi32, #tpu.memory_space<hbm>>
    %dma_wait3A_558 = tpu.memref_squeeze %dma_wait3A_557 : memref<1x1024xi32, #tpu.memory_space<hbm>> -> memref<1024xi32, #tpu.memory_space<hbm>>
    %dma_wait3A_559 = arith.constant 0 : i32
    %dma_wait3A_560 = tpu.memref_slice %arg4[%mul3A_2, %dma_wait3A_559] : memref<4096x1024xi32, #tpu.memory_space<hbm>> -> memref<1x1024xi32, #tpu.memory_space<hbm>>
    %dma_wait3A_561 = tpu.memref_squeeze %dma_wait3A_560 : memref<1x1024xi32, #tpu.memory_space<hbm>> -> memref<1024xi32, #tpu.memory_space<hbm>>
    %dma_wait3A_562 = arith.constant 0 : i32
    %dma_wait3A_563 = tpu.memref_slice %arg16[%dma_wait3A_562] : memref<1040xi32, #tpu.memory_space<vmem>> -> memref<1024xi32, #tpu.memory_space<vmem>>
    tpu.wait_dma2 semaphore(%arg24 : memref<!tpu.dma_semaphore, #tpu.memory_space<semaphore_mem>>) src(%dma_wait3A_563 : memref<1024xi32, #tpu.memory_space<vmem>>) dst(%dma_wait3A_561 : memref<1024xi32, #tpu.memory_space<hbm>>)
    return
  }
}

</mosaic_0001>

<sc_bundles>
// kernel: kernel.3.cloned.1.call-start
scs
__scs_entry_jumppad:
0x0: {  	(pc) =	sbr.rel $0x88, $3  }
0x1: {  	(tag) =	ssettag $0x0;
	lr =	simm.s32 $0x1  }
0x2: {  	[smem:$0x3F9E] =	sst lr;
	_ =	strace $0xD0000000  }
0x3: {  	_ = 	snop  }
0x4: {  	_ = 	snop  }
0x5: {  	_ = 	snop  }
0x6: {  	_ = 	snop  }
0x7: {  	_ = 	snop  }
__scs_overlays_trampoline_lowered:
0x8: {  	[smem:$0x3FAD] =	sst s0  }
0x9: {  	[smem:$0x3FAE] =	sst s1  }
0xa: {  	[smem:$0x3FAF] =	sst s2  }
0xb: {  	[smem:$0x3FB0] =	sst s3  }
0xc: {  	[smem:$0x3FB1] =	sst s4  }
0xd: {  	[smem:$0x3FB2] =	sst s5  }
0xe: {  	[smem:$0x3FB3] =	sst s6  }
0xf: {  	[smem:$0x3FB4] =	sst s7  }
0x10: {  	[smem:$0x3FB5] =	sst s8  }
0x11: {  	[smem:$0x3FB6] =	sst s9;
	s0 =	simm.s32 @!p0 $0x0  }
0x12: {  	s1 =	sld [smem:$0x3F9C];
	s0 =	simm.s32 @p0 $0x1  }
0x13: {  	[smem:$0x3FB7] =	sst s0;
	s0 =	simm.s32 @!p1 $0x0  }
0x14: {  	s2 =	sld [smem:$0x3F9B];
	s0 =	simm.s32 @p1 $0x1  }
0x15: {  	[smem:$0x3FB8] =	sst s0;
	s0 =	simm.s32 @!p2 $0x0  }
0x16: {  	s3 =	sld [smem:$0x3FDB];
	s0 =	simm.s32 @p2 $0x1  }
0x17: {  	s4 =	simm.s32 $0x1BF5;
	[smem:$0x3FBA] =	sst s0  }
0x18: {  	s0 =	sld [smem:$0x3F9D];
	_ =	swait.ge [sflag:s4], $0x0  }
0x19: {  	s7 =	sld [smem:$0x3F9E]  }
0x1a: {  	s8 =	sadd.s32 $0xFFFFE003, lr  }
0x1b: {  	s9 =	sadd.s32 $0xFFFFFEF7, lr;
	s5 =	simm.s32 $0xFFFFFFFF;
	p2 =	slt.u32 s8, $0xFFFFF086  }
0x1c: {  	p1 =	slt.u32 s9, $0xF7A;
	s5 =	simm.s32 @!p2 $0x0  }
0x1d: {  	s5 =	simm.s32 @p1 $0x1;
	p0 =	seq.s32 s7, s2  }
0x1e: {  	s7 =	smul.u32 @!p0 $0xF7A, s2;
	p2 =	seq.s32 @!p0 s5, $0x0  }
0x1f: {  	s9 =	smul.u32 $0xF7A, s1;
	s8 =	simm.s32 @!p0 $0x1BF5;
	p2 =	por !p2, p0  }
0x20: {  	[sflag:s8] =	ssyncset.s32 @!p0 $0xFFFFF086;
	s6 =	sadd.s32 @!p0 s3, s7;
	s7 =	simm.s32 @!p0 $0x108  }
0x21: {  	s3 =	sadd.s32 s3, s9;
	s6 =	sadd.s32 @!p0 $0x88, s6;
	s7 =	simm.s32 @p2 $0x1082  }
0x22: {  	[simem:s7], [sflag:s8] =	dma.local @!p0 [hbm:s6], $0xF7A  }
0x23: {  	s9 =	sor.u32 $0xD0000000, s2;
	s6 =	simm.s32 $0x108;
	_ =	swait.ge @!p0 [sflag:s8], $0x0  }
0x24: {  	s3 =	sadd.s32 $0x88, s3;
	s6 =	simm.s32 @!p1 $0x1082;
	[sflag:s4] =	ssyncset.s32 $0xFFFFF086  }
0x25: {  	[simem:s6], [sflag:s4] =	dma.local [hbm:s3], $0xF7A  }
0x26: {  	[smem:$0x3F9E] =	sst s1;
	(tag) =	ssettag s2;
	_ =	strace s9  }
0x27: {  	s1 =	sld [smem:$0x3FAE]  }
0x28: {  	s2 =	sld [smem:$0x3FAF]  }
0x29: {  	s4 =	sld [smem:$0x3FB1]  }
0x2a: {  	p0 =	seq.s32 s5, $0x0;
	s5 =	sld [smem:$0x3FB2]  }
0x2b: {  	s6 =	sld [smem:$0x3FB3]  }
0x2c: {  	s7 =	sld [smem:$0x3FB4]  }
0x2d: {  	s3 =	simm.s32 $0x108;
	s8 =	sld [smem:$0x3FB5]  }
0x2e: {  	s3 =	simm.s32 @!p0 $0x1082;
	s9 =	sld [smem:$0x3FB6]  }
0x2f: {  	lr =	sadd.s32 s0, s3;
	s0 =	sld [smem:$0x3FAD]  }
0x30: {  	s3 =	sld [smem:$0x3FB0]  }
0x31: {  	[smem:$0x3FB9] =	sst s10  }
0x32: {  	s10 =	sld [smem:$0x3FB7];
	_ =	sdelay $0x3  }
0x33: {  	p0 =	seq.s32 s10, $0x1;
	s10 =	sld [smem:$0x3FB9];
	_ =	sdelay $0x3  }
0x34: {  	[smem:$0x3FB9] =	sst s10  }
0x35: {  	s10 =	sld [smem:$0x3FB8];
	_ =	sdelay $0x3  }
0x36: {  	p1 =	seq.s32 s10, $0x1;
	s10 =	sld [smem:$0x3FB9];
	_ =	sdelay $0x3  }
0x37: {  	[smem:$0x3FB9] =	sst s10  }
0x38: {  	s10 =	sld [smem:$0x3FBA]  }
0x39: {  	_ = 	snop;
	(pc) =	sbr.ind lr, $3  }
0x3a: {  	_ = 	snop  }
0x3b: {  	_ = 	snop  }
0x3c: {  	p2 =	seq.s32 s10, $0x1;
	s10 =	sld [smem:$0x3FB9]  }
0x3d: {  	_ =	shalt  }
0x3e: {  	_ =	shalt  }
0x3f: {  	_ =	shalt  }
0x40: {  	_ =	shalt  }
0x41: {  	_ =	shalt  }
0x42: {  	_ =	shalt  }
0x43: {  	_ =	shalt  }
0x44: {  	_ =	shalt  }
0x45: {  	_ =	shalt  }
0x46: {  	_ =	shalt  }
0x47: {  	_ =	shalt  }
0x48: {  	_ =	shalt  }
0x49: {  	_ =	shalt  }
0x4a: {  	_ =	shalt  }
0x4b: {  	_ =	shalt  }
0x4c: {  	_ =	shalt  }
0x4d: {  	_ =	shalt  }
0x4e: {  	_ =	shalt  }
0x4f: {  	_ =	shalt  }
0x50: {  	_ =	shalt  }
0x51: {  	_ =	shalt  }
0x52: {  	_ =	shalt  }
0x53: {  	_ =	shalt  }
0x54: {  	_ =	shalt  }
0x55: {  	_ =	shalt  }
0x56: {  	_ =	shalt  }
0x57: {  	_ =	shalt  }
0x58: {  	_ =	shalt  }
0x59: {  	_ =	shalt  }
0x5a: {  	_ =	shalt  }
0x5b: {  	_ =	shalt  }
0x5c: {  	_ =	shalt  }
0x5d: {  	_ =	shalt  }
0x5e: {  	_ =	shalt  }
0x5f: {  	_ =	shalt  }
0x60: {  	_ =	shalt  }
0x61: {  	_ =	shalt  }
0x62: {  	_ =	shalt  }
0x63: {  	_ =	shalt  }
0x64: {  	_ =	shalt  }
0x65: {  	_ =	shalt  }
0x66: {  	_ =	shalt  }
0x67: {  	_ =	shalt  }
0x68: {  	_ =	shalt  }
0x69: {  	_ =	shalt  }
0x6a: {  	_ =	shalt  }
0x6b: {  	_ =	shalt  }
0x6c: {  	_ =	shalt  }
0x6d: {  	_ =	shalt  }
0x6e: {  	_ =	shalt  }
0x6f: {  	_ =	shalt  }
0x70: {  	_ =	shalt  }
0x71: {  	_ =	shalt  }
0x72: {  	_ =	shalt  }
0x73: {  	_ =	shalt  }
0x74: {  	_ =	shalt  }
0x75: {  	_ =	shalt  }
0x76: {  	_ =	shalt  }
0x77: {  	_ =	shalt  }
0x78: {  	_ =	shalt  }
0x79: {  	_ =	shalt  }
0x7a: {  	_ =	shalt  }
0x7b: {  	_ =	shalt  }
0x7c: {  	_ =	shalt  }
0x7d: {  	_ =	shalt  }
0x7e: {  	_ =	shalt  }
0x7f: {  	_ =	shalt  }
0x80: {  	_ =	shalt  }
0x81: {  	_ =	shalt  }
0x82: {  	_ =	shalt  }
0x83: {  	_ =	shalt  }
0x84: {  	_ =	shalt  }
0x85: {  	_ =	shalt  }
0x86: {  	_ =	shalt  }
0x87: {  	_ =	shalt  }
.Lfunc_end0:
.L_simem_size_0:
called_computation_lowered:
.L_overlay_start_0:
0x88: {  	s2 =	sld [smem:$0x3FD9]  }
0x89: {  	s3 =	sld [smem:$0x3FFE];
	_ =	sdelay $0x1  }
0x8a: {  	s1 =	srdreg.scid  }
0x8b: {  	s0 =	sand.u32 $0x1, s1  }
0x8c: {  	s15 =	sshll.u32 s0, $0xA;
	s2 =	sadd.s32 s3, s2  }
0x8d: {  	s2 =	sadd.s32 s2, s15  }
0x8e: {  	[smem:$0x3FC5] =	sst s2  }
0x8f: {  	_ = 	snop  }
0x90: {  	s2 =	sld [smem:$0x3FD0];
	_ =	sdelay $0x2  }
0x91: {  	s16 =	simm.s32 $0xA;
	s4 =	simm.s32 $0x10  }
0x92: {  	[smem:s4], [sflag:s16] =	dma.local [hbm:s2], $0x1  }
0x93: {  	_ =	swait.eq [sflag:s16], $0x1  }
0x94: {  	s17 =	sld [smem:$0x10];
	[sflag:s16] =	ssyncset.done $0x0  }
0x95: {  	s18 =	sld [smem:$0x11];
	[sflag:s16] =	ssyncadd.s32 $0xFFFFFFFF  }
0x96: {  	s19 =	sld [smem:$0x12];
	(tm) =	ssettm $0x1  }
0x97: {  	s5 =	sld [smem:$0x3FFB];
	_ =	sdelay $0x3  }
0x98: {  	_ =	strace s5  }
0x99: {  	s5 =	sld [smem:$0x3FFC];
	_ =	sdelay $0x3  }
0x9a: {  	_ =	strace s5  }
0x9b: {  	s5 =	sld [smem:$0x3FFD];
	_ =	sdelay $0x3  }
0x9c: {  	_ =	strace s5  }
0x9d: {  	_ =	strace $0x8FFFFFFF  }
0x9e: {  	s20 =	sld [smem:$0x3FDB];
	_ =	sdelay $0x1  }
0x9f: {  	s6 =	simm.s32 $_scs_section_size  }
0xa0: {  	s7 =	simm.s32 $_size__tile_overlayer_lowered;
	s8 =	simm.s32 $_tile_overlayer_lowered  }
0xa1: {  	s23 =	simm.s32 $0x1BFF;
	s22 =	sshll.u32 s8, $0x1;
	s5 =	sadd.s32 s6, s20  }
0xa2: {  	s9 =	simm.s32 $0x0;
	s21 =	sshll.u32 s7, $0x1;
	s7 =	sadd.s32 s22, s5  }
0xa3: {  	[timem:s9], [sflag:s23] =	dma.local [hbm:s7], s21  }
0xa4: {  	_ =	swait.ge [sflag:s23], s21  }
0xa5: {  	s6 =	ssub.s32 $0x0, s21;
	[sflag:s23] =	ssyncset.done $0x0  }
0xa6: {  	[sflag:s23] =	ssyncadd.s32 s6;
	_ =	sdelay $0x1  }
0xa7: {  	s24 =	simm.s32 $0x1B8B  }
0xa8: {  	_ =	swait.ge [sflag:s24], $0x1  }
0xa9: {  	[sflag:s24] =	ssyncset.done $0x0  }
0xaa: {  	s25 =	simm.s32 $0x1B8E;
	[sflag:s24] =	ssyncadd.s32 $0xFFFFFFFF  }
0xab: {  	s26 =	simm.s32 $execute0_lowered;
	[smem:$0x3FD2] =	sst s25  }
0xac: {  	s6 =	sshll.u32 s26, $0x1;
	_ =	strace $0x80000046;
	[dreg:$0x1] =	wrdreg $0xFFFFFFFF  }
0xad: {  	s28 =	simm.s32 $_size_execute0_lowered;
	s5 =	sadd.s32 s5, s6;
	[dreg:$0x0] =	wrdreg $0x0  }
0xae: {  	s6 =	sshll.u32 s28, $0x1;
	[dreg:$0x2] =	wrdreg s5  }
0xaf: {  	[dreg:$0x3] =	wrdreg s6  }
0xb0: {  	[dreg:$0x4] =	wrdreg $0xC0  }
0xb1: {  	_ =	task [dreg:s9], $0x5FFFF  }
0xb2: {  	[dreg:$0x1] =	wrdreg $0xFFFFFFFF  }
0xb3: {  	[dreg:$0x0] =	wrdreg $0x60  }
0xb4: {  	[dreg:$0x2] =	wrdreg s19  }
0xb5: {  	[dreg:$0x3] =	wrdreg s18  }
0xb6: {  	[dreg:$0x4] =	wrdreg s17  }
0xb7: {  	[dreg:$0x5] =	wrdreg $0x9  }
0xb8: {  	_ =	task.clear_ibuf [dreg:s9], $0x6FFFF;
	_ =	strace $0x90000046  }
0xb9: {  	s29 =	simm.s32 $0x9;
	_ =	strace $0x80000048  }
0xba: {  	_ =	swait.ge [sflag:s29], $0x1  }
0xbb: {  	[sflag:s29] =	ssyncadd.s32 $0xFFFFFFFF  }
0xbc: {  	_ =	strace $0x90000048  }
0xbd: {  	_ =	sfence  }
0xbe: {  	s30 =	sld [smem:$0x0];
	_ =	sdelay $0x2  }
0xbf: {  	s31 =	sshll.u32 s1, $0xD;
	s1 =	sshrl.u32 s1, $0x2  }
0xc0: {  	s3 =	sand.u32 $0x4000, s31;
	s1 =	sadd.s32 s1, s30  }
0xc1: {  	s0 =	sor.u32 s3, s0;
	s1 =	sshll.u32 s1, $0x11  }
0xc2: {  	s0 =	sor.u32 s1, s0  }
0xc3: {  	s0 =	sadd.s32 $0x8F2B, s0  }
0xc4: {  	[sflag:s0] =	ssyncadd.remote.s32 $0x1  }
0xc5: {  	_ =	sfence.sel $0xFFFF  }
0xc6: {  	[dreg:$0x0] =	wrdreg $0xFFFFFFFF;
	(pc) =	sbr.abs _section_cstart, $3  }
0xc7: {  	[dreg:$0x1] =	wrdreg $0xFFFFFFFF  }
0xc8: {  	_ =	task.clear_ibuf [dreg:s9], $0x2FFFF;
	_ =	strace $0x9FFFFFFF  }
0xc9: {  	(tm) =	ssettm $0x7FFFFFFF  }
tec
execute0_lowered:
.L_overlay_start_1:
0x0: {  	(tag) =	ssettag $0x1  }
0x1: {  	s4 =	rddreg [dreg:$0x2];
	s0 =	srdreg.scid  }
0x2: {  	s10 =	stileid.u32;
	s3 =	simm.s32 $0x0;
	s1 =	sand.u32 $0x1, s0  }
0x3: {  	s2 =	sshll.u32 s10, $0x7;
	[smem:$0x7FF] =	sst s3;
	s0 =	sshll.u32 s1, $0xB  }
0x4: {  	s22 =	ssub.s32 $0x2, s1;
	_ =	strace $0x80000047;
	s11 =	sor.u32 s2, s0  }
0x5: {  	s23 =	sshrl.u32 s22, $0x1;
	s13 =	sor.u32 $0x1, s11;
	[dreg:$0x15] =	wrdreg s11  }
0x6: {  	s2 =	smax.u32 s11, $0x80;
	s14 =	sor.u32 $0x2, s11;
	[dreg:$0x17] =	wrdreg s13  }
0x7: {  	s0 =	ssub.s32 s22, s23;
	s15 =	sor.u32 $0x3, s11;
	[dreg:$0x19] =	wrdreg s14  }
0x8: {  	s7 =	sadd.s32 $0xFFFFFF87, s11;
	s16 =	sor.u32 $0x4, s11;
	[dreg:$0x1b] =	wrdreg s15  }
0x9: {  	s8 =	sor.u32 $0x8, s11;
	s7 =	sshrl.u32 s7, $0x2;
	[dreg:$0x1d] =	wrdreg s16  }
0xa: {  	s30 =	sadd.s32 $0xFFFFFF86, s11;
	s28 =	sshrl.u32 s8, $0x2;
	[dreg:$0x4] =	wrdreg s7  }
0xb: {  	s20 =	sadd.s32 $0xFFFFFF84, s11;
	s31 =	sshrl.u32 s30, $0x2;
	[dreg:$0x5] =	wrdreg s28  }
0xc: {  	s3 =	sadd.s32 $0xFFFFFF80, s2;
	s21 =	sshrl.u32 s20, $0x2;
	[dreg:$0x7] =	wrdreg s31  }
0xd: {  	s2 =	sshll.u32 s11, $0x7;
	s0 =	smax.u32 s0, $0x1;
	[dreg:$0xb] =	wrdreg s21  }
0xe: {  	s29 =	sor.u32 $0x470, s2;
	[smem:$0x7FD] =	sst s0  }
0xf: {  	s24 =	smax.u32 s11, $0x7F;
	s8 =	sor.u32 $0x460, s2;
	[dreg:$0x6] =	wrdreg s29  }
0x10: {  	s23 =	sadd.s32 $0xFFFFFF83, s11;
	s19 =	sor.u32 $0x450, s2;
	[dreg:$0x8] =	wrdreg s8  }
0x11: {  	s12 =	sadd.s32 s4, s2;
	s22 =	sor.u32 $0x440, s2;
	[dreg:$0xa] =	wrdreg s19  }
0x12: {  	s4 =	sadd.s32 $0xFFFFFF81, s24;
	s24 =	sshrl.u32 s23, $0x2;
	[dreg:$0xc] =	wrdreg s22  }
0x13: {  	s1 =	sshll.u32 s1, $0x12;
	s30 =	sor.u32 $0x430, s2;
	[dreg:$0xd] =	wrdreg s24  }
0x14: {  	s25 =	smax.u32 s11, $0x7E;
	s20 =	sor.u32 $0x420, s2;
	[dreg:$0xe] =	wrdreg s30  }
0x15: {  	s26 =	smax.u32 s11, $0x7D;
	s2 =	sor.u32 $0x410, s2;
	[dreg:$0x10] =	wrdreg s20  }
0x16: {  	s17 =	smax.u32 s11, $0x7C;
	s28 =	smax.u32 s11, $0x7A;
	[dreg:$0x12] =	wrdreg s2  }
0x17: {  	s31 =	sadd.s32 $0xFFFFFF82, s11;
	s5 =	sadd.s32 $0x10, s12;
	[dreg:$0x16] =	wrdreg s12  }
0x18: {  	v16 =	vlaneseq.u32;
	vm4 =	vcmask $0x300;
	s21 =	sadd.s32 $0xFFFFFF81, s11;
	s6 =	sadd.s32 $0x20, s12;
	[dreg:$0x18] =	wrdreg s5  }
0x19: {  	vm6 =	vcmask $0x704;
	vm7 =	vcmask $0xB08;
	vm10 =	vcmask $0x1714;
	s9 =	sadd.s32 $0x30, s12;
	s29 =	sadd.s32 $0xFFFFFF86, s28;
	[dreg:$0x1a] =	wrdreg s6  }
0x1a: {  	vm11 =	vcmask $0x1B18;
	vm12 =	vcmask $0x1F1C;
	vm13 =	vcmask $0x2320;
	s19 =	sor.u32 $0x7, s11;
	s8 =	sshrl.u32 s31, $0x2;
	[dreg:$0x1c] =	wrdreg s9  }
0x1b: {  	vm14 =	vcmask $0x2724;
	vm15 =	vcmask $0x2B28;
	vm5 =	vcmask $0x2F2C;
	s22 =	smax.u32 s11, $0x79;
	s23 =	sshrl.u32 s21, $0x2;
	[dreg:$0xf] =	wrdreg s8  }
0x1c: {  	vm1 =	vcmask $0x3330;
	vm2 =	vcmask $0x3734;
	v18 =	vimm.s32 $0xFFFFFFFF;
	s28 =	sadd.s32 $0xFFFFFF80, s11;
	s30 =	sadd.s32 $0x70, s12;
	[dreg:$0x11] =	wrdreg s23  }
0x1d: {  	vm0 =	vcmask $0x700;
	vm8 =	vcmask $0x3B38;
	v20 =	vimm.s32 $0x0;
	s5 =	sadd.s32 $0xFFFFFF82, s25;
	s6 =	sadd.s32 $0xFFFFFF83, s26;
	[smem:$0x7FB] =	sst s19  }
0x1e: {  	v17 =	vmul.u32 $0x4, v16;
	v19 =	vsel vm0, $0x0, v18;
	v21 =	vsel vm4, $0xFF, v18;
	s9 =	sadd.s32 $0xFFFFFF85, s11;
	s25 =	sor.u32 $0x5, s11;
	[smem:$0x7FC] =	sst s30  }
0x1f: {  	v22 =	vsel vm4, $0xFFFF, v18;
	v23 =	vsel vm4, $0xFFFFFF, v18;
	v21 =	vsel vm6, $0x0, v21;
	s26 =	smax.u32 s11, $0x7B;
	s2 =	sshrl.u32 s28, $0x2;
	[dreg:$0x1f] =	wrdreg s25  }
0x20: {  	v22 =	vsel vm6, $0x0, v22;
	v23 =	vsel vm6, $0x0, v23;
	v21 =	vsel vm7, $0xFFFFFF00, v21;
	s24 =	sadd.s32 $0xFFFFFF87, s22;
	s18 =	sshrl.u32 s9, $0x2;
	[dreg:$0x13] =	wrdreg s2  }
0x21: {  	v22 =	vsel vm7, $0xFFFF0000, v22;
	v23 =	vsel vm7, $0xFF000000, v23;
	v4 =	vmov s11;
	s9 =	sadd.s32 $0xFFFFFF84, s17;
	s17 =	sadd.s32 $0x40, s12;
	[dreg:$0x9] =	wrdreg s18  }
0x22: {  	v5 =	vmov s13;
	v12 =	vmov s29;
	s29 =	sshll.u32 s10, $0xE;
	v11 =	vmov s25;
	s25 =	sadd.s32 $0x50, s12;
	[dreg:$0x1e] =	wrdreg s17  }
0x23: {  	v6 =	vmov s14;
	v8 =	vmov s15;
	v9 =	vmov s16;
	s7 =	sadd.s32 $0xFFFFFF85, s26;
	s26 =	sadd.s32 $0x60, s12;
	[smem:$0x7F9] =	sst s25  }
0x24: {  	v0 =	vmov s3;
	v1 =	vmov s4;
	v15 =	vmov s19;
	s1 =	sor.u32 s29, s1;
	s18 =	sor.u32 $0x6, s11;
	[smem:$0x7FA] =	sst s26  }
0x25: {  	v2 =	vmov s5;
	v3 =	vmov s6;
	v14 =	vmov s24;
	s31 =	sor.u32 $0x400, s1;
	[smem:$0x7F8] =	sst s18  }
0x26: {  	s5 =	simm.s32 $0x80;
	v7 =	vmov s9;
	v10 =	vmov s7;
	s1 =	simm.s32 $0x0;
	v13 =	vmov s18;
	[dreg:$0x14] =	wrdreg s31  }
.LBB2_1:
0x27: {  	[smem:$0x7F5] =	sst s1  }
0x28: {  	s0 =	rddreg [dreg:$0x0];
	s29 =	simm.s32 $0x0;
	s2 =	simm.s32 $0x9  }
0x29: {  	[tilespmem:s29], [sflag:$0x9] =	stream.linear.gather [hbm4b:s0+s29], $0x80, $0x38;
	[tilespmem:$0x3D80] =	vst v63  }
0x2a: {  	_ =	swait.ge [sflag:s2], $0x80  }
0x2b: {  	[sflag:s2] =	ssyncset.done $0x0  }
0x2c: {  	[sflag:s2] =	ssyncadd.s32 $0xFFFFFF80  }
0x2d: {  	s30 =	rddreg [dreg:$0x1]  }
0x2e: {  	[tilespmem:s5], [sflag:$0x9] =	stream.linear.gather [hbm4b:s30+s29], $0x1080, $0x38;
	[tilespmem:$0x3D80] =	vst v63  }
0x2f: {  	_ =	swait.ge [sflag:s2], $0x1080  }
0x30: {  	[sflag:s2] =	ssyncset.done $0x0  }
0x31: {  	[sflag:s2] =	ssyncadd.s32 $0xFFFFEF80  }
0x32: {  	v24 =	vld [tilespmem:$0x0];
	_ =	sdelay $0x4  }
0x33: {  	(v2sf) =	vpush v24, $0x0  }
0x34: {  	(v2sf) =	vpush v24, $0x1;
	_ =	sdelay $0xd  }
0x35: {  	s0 =	spop (v2sf)  }
0x36: {  	s1 =	spop (v2sf)  }
0x37: {  	p0 =	sgt.s32 s0, s1  }
0x38: {  	s1 =	smov.u32 @p0 s0  }
0x39: {  	v24 =	vmov s1;
	_ =	sdelay $0x4  }
0x3a: {  	v25 =	vld.idx.msk [tilespmem:v24+s5+$0x0], $0xffff;
	_ =	sdelay $0x4  }
0x3b: {  	(v2sf) =	vpush v25, $0x0;
	_ =	sdelay $0xe  }
0x3c: {  	s31 =	spop (v2sf)  }
0x3d: {  	s0 =	smax.u32 s31, $0x1  }
0x3e: {  	vm0 =	vmxor vm0, vm0;
	vm6 =	vmmov vm1;
	s2 =	simm.s32 $0x0;
	[smem:$0x7F6] =	sst s1;
	p0 =	slt.s32 s0, $0x0  }
0x3f: {  	vm7 =	vmmov vm2;
	s1 =	simm.s32 $0x1580;
	[smem:$0x7F7] =	sst s0;
	v25 =	vmov s0;
	s0 =	simm.s32 $0x1100;
	vm0 =	vmneg @p0 vm0  }
.LBB2_2:
0x40: {  	v26 =	vmov s2  }
0x41: {  	v26 =	vshll.u32 v26, $0x2  }
0x42: {  	v26 =	vor.u32 v17, v26  }
0x43: {  	(v2sf) =	vpush v26, $0x0  }
0x44: {  	(v2sf) =	vpush v25, $0x0;
	_ =	sdelay $0x1  }
0x45: {  	(v2sf) =	vpush v26, $0xF  }
0x46: {  	(v2sf) =	vpush v25, $0xF;
	_ =	sdelay $0x1  }
0x47: {  	(v2sf) =	vpush v26, $0x1;
	_ =	sdelay $0x1  }
0x48: {  	(v2sf) =	vpush v25, $0x1  }
0x49: {  	(v2sf) =	vpush v26, $0x2;
	_ =	sdelay $0x1  }
0x4a: {  	[smem:$0x7F2] =	sst s2;
	(v2sf) =	vpush v25, $0x2  }
0x4b: {  	[smem:$0x7F3] =	sst s1  }
0x4c: {  	[smem:$0x7F4] =	sst s0;
	(v2sf) =	vpush v26, $0x3  }
0x4d: {  	(v2sf) =	vpush v25, $0x3  }
0x4e: {  	s29 =	spop (v2sf)  }
0x4f: {  	s30 =	spop (v2sf);
	s4 =	sshra.s32 s29, $0x1F  }
0x50: {  	(v2sf) =	vpush v26, $0x4;
	[smem:$0x786] =	sst s4;
	s31 =	sshra.s32 s30, $0x1F  }
0x51: {  	(v2sf) =	vpush v25, $0x4;
	s0 =	sxor.u32 s4, s29;
	s3 =	spop (v2sf);
	s1 =	sxor.u32 s31, s30  }
0x52: {  	(v2sf) =	vpush v26, $0x5;
	s0 =	ssub.s32 s0, s4;
	s4 =	spop (v2sf);
	s5 =	sshra.s32 s3, $0x1F  }
0x53: {  	(v2sf) =	vpush v25, $0x5;
	s12 =	ssub.s32 s1, s31;
	[smem:$0x788] =	sst s5;
	s6 =	sshra.s32 s4, $0x1F  }
0x54: {  	s7 =	sxor.u32 s5, s3;
	s8 =	spop (v2sf);
	(drf) =	srem.u32 s0, s12  }
0x55: {  	(v2sf) =	vpush v26, $0x6;
	s1 =	sxor.u32 s6, s4;
	s2 =	ssub.s32 s7, s5;
	s10 =	sshra.s32 s8, $0x1F  }
0x56: {  	s9 =	spop (v2sf);
	(v2sf) =	vpush v25, $0x6;
	s13 =	ssub.s32 s1, s6;
	[smem:$0x78A] =	sst s10  }
0x57: {  	s11 =	sshra.s32 s9, $0x1F;
	s14 =	sxor.u32 s10, s8;
	s15 =	spop (v2sf)  }
0x58: {  	(v2sf) =	vpush v26, $0x7;
	(drf) =	srem.u32 s2, s13;
	s0 =	sxor.u32 s11, s9;
	s2 =	ssub.s32 s14, s10  }
0x59: {  	s16 =	spop (v2sf);
	(v2sf) =	vpush v25, $0x7;
	s17 =	sshra.s32 s15, $0x1F;
	s14 =	ssub.s32 s0, s11  }
0x5a: {  	[smem:$0x78C] =	sst s17;
	s18 =	sshra.s32 s16, $0x1F;
	s19 =	sxor.u32 s17, s15  }
0x5b: {  	s20 =	spop (v2sf);
	(v2sf) =	vpush v26, $0x8;
	(drf) =	srem.u32 s2, s14;
	s0 =	sxor.u32 s18, s16  }
0x5c: {  	s2 =	ssub.s32 s19, s17;
	s21 =	spop (v2sf);
	(v2sf) =	vpush v25, $0x8;
	s22 =	sshra.s32 s20, $0x1F  }
0x5d: {  	s17 =	ssub.s32 s0, s18;
	[smem:$0x78E] =	sst s22;
	s23 =	sshra.s32 s21, $0x1F  }
0x5e: {  	s24 =	sxor.u32 s22, s20;
	(drf) =	srem.u32 s2, s17;
	s0 =	sxor.u32 s23, s21  }
0x5f: {  	s2 =	ssub.s32 s24, s22;
	s18 =	ssub.s32 s0, s23;
	s25 =	spop (v2sf);
	(v2sf) =	vpush v26, $0x9  }
0x60: {  	(drf) =	srem.u32 s2, s18;
	s26 =	spop (v2sf);
	(v2sf) =	vpush v25, $0x9;
	s29 =	sshra.s32 s25, $0x1F  }
0x61: {  	s28 =	sshra.s32 s26, $0x1F;
	s30 =	sxor.u32 s29, s25;
	s31 =	spop (v2sf)  }
0x62: {  	(v2sf) =	vpush v26, $0xA;
	s0 =	sxor.u32 s28, s26;
	s2 =	ssub.s32 s30, s29;
	s1 =	spop (v2sf)  }
0x63: {  	(v2sf) =	vpush v25, $0xA;
	s19 =	sshra.s32 s31, $0x1F;
	s20 =	ssub.s32 s0, s28;
	s4 =	sshra.s32 s1, $0x1F  }
0x64: {  	s5 =	sxor.u32 s19, s31;
	s6 =	spop (v2sf);
	(drf) =	srem.u32 s2, s20  }
0x65: {  	(v2sf) =	vpush v26, $0xB;
	s0 =	sxor.u32 s4, s1;
	s2 =	ssub.s32 s5, s19;
	s7 =	spop (v2sf)  }
0x66: {  	(v2sf) =	vpush v25, $0xB;
	s15 =	sshra.s32 s6, $0x1F;
	s21 =	ssub.s32 s0, s4;
	s8 =	sshra.s32 s7, $0x1F  }
0x67: {  	s9 =	sxor.u32 s15, s6;
	s10 =	spop (v2sf);
	(drf) =	srem.u32 s2, s21  }
0x68: {  	(v2sf) =	vpush v26, $0xC;
	s0 =	sxor.u32 s8, s7;
	s2 =	ssub.s32 s9, s15;
	s11 =	spop (v2sf)  }
0x69: {  	(v2sf) =	vpush v25, $0xC;
	s16 =	sshra.s32 s10, $0x1F;
	s24 =	ssub.s32 s0, s8;
	s22 =	sshra.s32 s11, $0x1F  }
0x6a: {  	s23 =	sxor.u32 s16, s10;
	s25 =	spop (v2sf);
	(drf) =	srem.u32 s2, s24  }
0x6b: {  	(v2sf) =	vpush v26, $0xD;
	s0 =	sxor.u32 s22, s11;
	s2 =	ssub.s32 s23, s16;
	s26 =	spop (v2sf)  }
0x6c: {  	s30 =	sshra.s32 s25, $0x1F;
	s28 =	ssub.s32 s0, s22;
	s31 =	sshra.s32 s26, $0x1F  }
0x6d: {  	(v2sf) =	vpush v25, $0xD;
	s3 =	sxor.u32 s30, s25;
	(drf) =	srem.u32 s2, s28;
	s0 =	sxor.u32 s31, s26  }
0x6e: {  	s2 =	ssub.s32 s3, s30;
	s11 =	ssub.s32 s0, s31;
	s4 =	spop (v2sf)  }
0x6f: {  	(drf) =	srem.u32 s2, s11;
	(v2sf) =	vpush v26, $0xE;
	s5 =	spop (v2sf);
	s6 =	sshra.s32 s4, $0x1F  }
0x70: {  	(v2sf) =	vpush v25, $0xE;
	[smem:$0x794] =	sst s6;
	s7 =	sshra.s32 s5, $0x1F;
	s8 =	sxor.u32 s6, s4  }
0x71: {  	v27 =	vor.u32 $0x1, v26;
	s9 =	spop (v2sf);
	s0 =	sxor.u32 s7, s5;
	s2 =	ssub.s32 s8, s6  }
0x72: {  	(v2sf) =	vpush v27, $0x0;
	s22 =	spop (v2sf);
	s23 =	sshra.s32 s9, $0x1F;
	s10 =	ssub.s32 s0, s7  }
0x73: {  	(v2sf) =	vpush v27, $0xF;
	[smem:$0x796] =	sst s23;
	s25 =	sshra.s32 s22, $0x1F;
	s26 =	sxor.u32 s23, s9  }
0x74: {  	s31 =	spop (v2sf);
	(drf) =	srem.u32 s2, s10;
	s0 =	sxor.u32 s25, s22  }
0x75: {  	(v2sf) =	vpush v27, $0x1;
	s4 =	ssub.s32 s26, s23;
	s5 =	spop (v2sf);
	s7 =	sshra.s32 s31, $0x1F  }
0x76: {  	s9 =	ssub.s32 s0, s25;
	s6 =	sshra.s32 s5, $0x1F;
	[smem:$0x798] =	sst s7  }
0x77: {  	(v2sf) =	vpush v27, $0x2;
	s22 =	spop (v2sf);
	s23 =	sxor.u32 s7, s31;
	(drf) =	srem.u32 s4, s9  }
0x78: {  	s1 =	sxor.u32 s6, s5;
	s25 =	spop (v2sf);
	s26 =	sshra.s32 s22, $0x1F  }
0x79: {  	(v2sf) =	vpush v27, $0x3;
	s0 =	ssub.s32 s23, s7;
	s8 =	ssub.s32 s1, s6;
	[smem:$0x79A] =	sst s26  }
0x7a: {  	s31 =	sshra.s32 s25, $0x1F;
	s5 =	sxor.u32 s26, s22;
	s6 =	spop (v2sf)  }
0x7b: {  	(drf) =	srem.u32 s0, s8;
	s1 =	sxor.u32 s31, s25;
	s0 =	ssub.s32 s5, s26  }
0x7c: {  	(v2sf) =	vpush v27, $0x4;
	s23 =	spop (v2sf);
	s22 =	sshra.s32 s6, $0x1F;
	s7 =	ssub.s32 s1, s31  }
0x7d: {  	[smem:$0x79C] =	sst s22;
	s25 =	sshra.s32 s23, $0x1F;
	s1 =	sxor.u32 s22, s6  }
0x7e: {  	(drf) =	srem.u32 s0, s7;
	s0 =	sxor.u32 s25, s23;
	s26 =	spop (v2sf)  }
0x7f: {  	s1 =	ssub.s32 s1, s22;
	s6 =	ssub.s32 s0, s25;
	s31 =	spop (v2sf)  }
0x80: {  	(v2sf) =	vpush v27, $0x5;
	(drf) =	srem.u32 s1, s6;
	s4 =	sshra.s32 s26, $0x1F;
	s2 =	sshra.s32 s31, $0x1F  }
0x81: {  	s22 =	sxor.u32 s4, s26;
	s23 =	spop (v2sf);
	s5 =	sxor.u32 s2, s31  }
0x82: {  	s0 =	ssub.s32 s22, s4;
	s25 =	spop (v2sf);
	s26 =	sshra.s32 s23, $0x1F  }
0x83: {  	s22 =	spop (drf);
	s5 =	ssub.s32 s5, s2;
	[smem:$0x79F] =	sst s26  }
0x84: {  	s31 =	sxor.u32 s26, s23;
	s1 =	spop (v2sf);
	[smem:$0x787] =	sst s22  }
0x85: {  	(v2sf) =	vpush v27, $0x6;
	s23 =	sshra.s32 s25, $0x1F;
	(drf) =	srem.u32 s0, s5;
	s0 =	ssub.s32 s31, s26  }
0x86: {  	(v2sf) =	vpush v27, $0x7;
	[smem:$0x7A1] =	sst s23;
	s25 =	sxor.u32 s23, s25;
	s2 =	spop (v2sf)  }
0x87: {  	(v2sf) =	vpush v27, $0x8;
	s26 =	spop (drf);
	s31 =	sshra.s32 s1, $0x1F;
	(drf) =	srem.u32 s0, s12  }
0x88: {  	[smem:$0x789] =	sst s26;
	s22 =	sxor.u32 s31, s1;
	s1 =	spop (v2sf)  }
0x89: {  	(v2sf) =	vpush v27, $0x9;
	s0 =	ssub.s32 s25, s23;
	[smem:$0x7A3] =	sst s31;
	s23 =	spop (drf)  }
0x8a: {  	s25 =	sshra.s32 s2, $0x1F;
	(drf) =	srem.u32 s0, s13;
	s0 =	ssub.s32 s22, s31  }
0x8b: {  	[smem:$0x78B] =	sst s23;
	s26 =	sxor.u32 s25, s2;
	s2 =	spop (v2sf)  }
0x8c: {  	[smem:$0x7A5] =	sst s25;
	s31 =	spop (drf);
	s22 =	sshra.s32 s1, $0x1F  }
0x8d: {  	(drf) =	srem.u32 s0, s14;
	s0 =	ssub.s32 s26, s25;
	[smem:$0x78D] =	sst s31  }
0x8e: {  	(v2sf) =	vpush v27, $0xA;
	[smem:$0x7A7] =	sst s22;
	s23 =	sxor.u32 s22, s1;
	s25 =	spop (drf)  }
0x8f: {  	s1 =	spop (v2sf);
	s26 =	sshra.s32 s2, $0x1F;
	[smem:$0x78F] =	sst s25  }
0x90: {  	(v2sf) =	vpush v27, $0xB;
	(drf) =	srem.u32 s0, s17;
	s0 =	ssub.s32 s23, s22;
	[smem:$0x7A9] =	sst s26  }
0x91: {  	s31 =	sxor.u32 s26, s2;
	s22 =	spop (drf);
	s23 =	sshra.s32 s1, $0x1F  }
0x92: {  	(v2sf) =	vpush v27, $0xC;
	(drf) =	srem.u32 s0, s18;
	[smem:$0x790] =	sst s22;
	s0 =	ssub.s32 s31, s26  }
0x93: {  	[smem:$0x7AB] =	sst s23;
	s26 =	sxor.u32 s23, s1;
	s22 =	spop (drf)  }
0x94: {  	(drf) =	srem.u32 s0, s20;
	s0 =	ssub.s32 s26, s23;
	s25 =	spop (v2sf)  }
0x95: {  	(v2sf) =	vpush v27, $0xD;
	(drf) =	srem.u32 s0, s21;
	s1 =	spop (v2sf);
	s31 =	sshra.s32 s25, $0x1F  }
0x96: {  	[smem:$0x7AD] =	sst s31;
	s23 =	sxor.u32 s31, s25;
	s2 =	spop (v2sf)  }
0x97: {  	s25 =	spop (drf);
	s26 =	sshra.s32 s1, $0x1F;
	s0 =	ssub.s32 s23, s31  }
0x98: {  	[smem:$0x791] =	sst s25;
	s31 =	sxor.u32 s26, s1;
	s1 =	spop (v2sf)  }
0x99: {  	[smem:$0x7AF] =	sst s26;
	s23 =	spop (drf);
	s25 =	sshra.s32 s2, $0x1F  }
0x9a: {  	(drf) =	srem.u32 s0, s24;
	s0 =	ssub.s32 s31, s26;
	[smem:$0x792] =	sst s23  }
0x9b: {  	(v2sf) =	vpush v27, $0xE;
	[smem:$0x7B1] =	sst s25;
	s26 =	sxor.u32 s25, s2;
	s31 =	spop (drf)  }
0x9c: {  	v28 =	vor.u32 $0x2, v26;
	s23 =	sshra.s32 s1, $0x1F;
	(drf) =	srem.u32 s0, s28;
	[smem:$0x793] =	sst s31  }
0x9d: {  	(v2sf) =	vpush v28, $0x0;
	s2 =	spop (v2sf);
	s0 =	ssub.s32 s26, s25;
	[smem:$0x7B3] =	sst s23  }
0x9e: {  	(v2sf) =	vpush v28, $0xF;
	s25 =	sxor.u32 s23, s1;
	s26 =	spop (drf);
	(drf) =	srem.u32 s0, s11  }
0x9f: {  	(v2sf) =	vpush v28, $0x1;
	s1 =	spop (v2sf);
	[smem:$0x795] =	sst s26;
	s31 =	sshra.s32 s2, $0x1F  }
0xa0: {  	s0 =	ssub.s32 s25, s23;
	s25 =	spop (drf);
	[smem:$0x7B5] =	sst s31  }
0xa1: {  	(drf) =	srem.u32 s0, s10;
	s23 =	sxor.u32 s31, s2;
	s2 =	spop (v2sf)  }
0xa2: {  	[smem:$0x797] =	sst s25;
	s26 =	sshra.s32 s1, $0x1F;
	s0 =	ssub.s32 s23, s31  }
0xa3: {  	[smem:$0x7B7] =	sst s26;
	s31 =	sxor.u32 s26, s1;
	s23 =	spop (drf)  }
0xa4: {  	(v2sf) =	vpush v28, $0x2;
	s1 =	spop (v2sf);
	s25 =	sshra.s32 s2, $0x1F;
	[smem:$0x799] =	sst s23  }
0xa5: {  	(drf) =	srem.u32 s0, s9;
	s0 =	ssub.s32 s31, s26;
	[smem:$0x7B9] =	sst s25  }
0xa6: {  	(v2sf) =	vpush v28, $0x3;
	s26 =	sxor.u32 s25, s2;
	s31 =	spop (drf);
	s2 =	sshra.s32 s1, $0x1F  }
0xa7: {  	(drf) =	srem.u32 s0, s8;
	[smem:$0x79B] =	sst s31;
	s0 =	ssub.s32 s26, s25  }
0xa8: {  	(v2sf) =	vpush v28, $0x4;
	[smem:$0x7BB] =	sst s2;
	s25 =	sxor.u32 s2, s1;
	s26 =	spop (drf)  }
0xa9: {  	(drf) =	srem.u32 s0, s7;
	s0 =	ssub.s32 s25, s2;
	s25 =	spop (drf)  }
0xaa: {  	[smem:$0x79D] =	sst s26;
	s23 =	spop (v2sf)  }
0xab: {  	(v2sf) =	vpush v28, $0x5;
	(drf) =	srem.u32 s0, s6;
	[smem:$0x79E] =	sst s25;
	s31 =	sshra.s32 s23, $0x1F  }
0xac: {  	s1 =	spop (v2sf);
	[smem:$0x7BD] =	sst s31  }
0xad: {  	s23 =	sxor.u32 s31, s23;
	s2 =	spop (v2sf);
	s26 =	sshra.s32 s1, $0x1F  }
0xae: {  	s0 =	ssub.s32 s23, s31;
	s31 =	sxor.u32 s26, s1;
	s1 =	spop (v2sf)  }
0xaf: {  	[smem:$0x7BF] =	sst s26;
	s23 =	spop (drf);
	s25 =	sshra.s32 s2, $0x1F  }
0xb0: {  	(drf) =	srem.u32 s0, s5;
	s0 =	ssub.s32 s31, s26;
	[smem:$0x7A0] =	sst s23  }
0xb1: {  	(v2sf) =	vpush v28, $0x6;
	[smem:$0x7C1] =	sst s25;
	s26 =	sxor.u32 s25, s2;
	s31 =	spop (drf)  }
0xb2: {  	s23 =	sshra.s32 s1, $0x1F;
	(drf) =	srem.u32 s0, s12;
	[smem:$0x7A2] =	sst s31  }
0xb3: {  	(v2sf) =	vpush v28, $0x7;
	s2 =	spop (v2sf);
	s0 =	ssub.s32 s26, s25;
	[smem:$0x7C3] =	sst s23  }
0xb4: {  	(v2sf) =	vpush v28, $0x8;
	s25 =	sxor.u32 s23, s1;
	s26 =	spop (drf);
	(drf) =	srem.u32 s0, s13  }
0xb5: {  	(v2sf) =	vpush v28, $0x9;
	s1 =	spop (v2sf);
	[smem:$0x7A4] =	sst s26;
	s31 =	sshra.s32 s2, $0x1F  }
0xb6: {  	s0 =	ssub.s32 s25, s23;
	s25 =	spop (drf);
	[smem:$0x7C5] =	sst s31  }
0xb7: {  	(drf) =	srem.u32 s0, s14;
	s23 =	sxor.u32 s31, s2;
	s2 =	spop (v2sf)  }
0xb8: {  	[smem:$0x7A6] =	sst s25;
	s26 =	sshra.s32 s1, $0x1F;
	s0 =	ssub.s32 s23, s31  }
0xb9: {  	[smem:$0x7C7] =	sst s26;
	s31 =	sxor.u32 s26, s1;
	s23 =	spop (drf)  }
0xba: {  	(v2sf) =	vpush v28, $0xA;
	s1 =	spop (v2sf);
	s25 =	sshra.s32 s2, $0x1F;
	[smem:$0x7A8] =	sst s23  }
0xbb: {  	(drf) =	srem.u32 s0, s17;
	s0 =	ssub.s32 s31, s26;
	[smem:$0x7C9] =	sst s25  }
0xbc: {  	(v2sf) =	vpush v28, $0xB;
	s26 =	sxor.u32 s25, s2;
	s31 =	spop (drf);
	s2 =	sshra.s32 s1, $0x1F  }
0xbd: {  	(drf) =	srem.u32 s0, s18;
	[smem:$0x7AA] =	sst s31;
	s0 =	ssub.s32 s26, s25  }
0xbe: {  	(v2sf) =	vpush v28, $0xC;
	[smem:$0x7CB] =	sst s2;
	s25 =	sxor.u32 s2, s1;
	s26 =	spop (drf)  }
0xbf: {  	(drf) =	srem.u32 s0, s20;
	s0 =	ssub.s32 s25, s2;
	s25 =	spop (drf)  }
0xc0: {  	[smem:$0x7AC] =	sst s26;
	s23 =	spop (v2sf)  }
0xc1: {  	(v2sf) =	vpush v28, $0xD;
	(drf) =	srem.u32 s0, s21;
	[smem:$0x7AE] =	sst s25;
	s31 =	sshra.s32 s23, $0x1F  }
0xc2: {  	s1 =	spop (v2sf);
	[smem:$0x7CD] =	sst s31  }
0xc3: {  	s23 =	sxor.u32 s31, s23;
	s2 =	spop (v2sf);
	s26 =	sshra.s32 s1, $0x1F  }
0xc4: {  	s0 =	ssub.s32 s23, s31;
	s31 =	sxor.u32 s26, s1;
	s1 =	spop (v2sf)  }
0xc5: {  	[smem:$0x7CF] =	sst s26;
	s23 =	spop (drf);
	s25 =	sshra.s32 s2, $0x1F  }
0xc6: {  	(drf) =	srem.u32 s0, s24;
	s0 =	ssub.s32 s31, s26;
	[smem:$0x7B0] =	sst s23  }
0xc7: {  	(v2sf) =	vpush v28, $0xE;
	[smem:$0x7D1] =	sst s25;
	s26 =	sxor.u32 s25, s2;
	s31 =	spop (drf)  }
0xc8: {  	v29 =	vor.u32 $0x3, v26;
	s23 =	sshra.s32 s1, $0x1F;
	(drf) =	srem.u32 s0, s28;
	[smem:$0x7B2] =	sst s31  }
0xc9: {  	(v2sf) =	vpush v29, $0x0;
	s2 =	spop (v2sf);
	s0 =	ssub.s32 s26, s25;
	[smem:$0x7D4] =	sst s23  }
0xca: {  	(v2sf) =	vpush v29, $0xF;
	s25 =	sxor.u32 s23, s1;
	s26 =	spop (drf);
	(drf) =	srem.u32 s0, s11  }
0xcb: {  	s1 =	spop (v2sf);
	[smem:$0x7B4] =	sst s26;
	s31 =	sshra.s32 s2, $0x1F  }
0xcc: {  	(v2sf) =	vpush v29, $0x1;
	s0 =	ssub.s32 s25, s23;
	s25 =	spop (drf);
	[smem:$0x7D6] =	sst s31  }
0xcd: {  	(drf) =	srem.u32 s0, s10;
	s23 =	sxor.u32 s31, s2;
	s2 =	spop (v2sf)  }
0xce: {  	[smem:$0x7B6] =	sst s25;
	s26 =	sshra.s32 s1, $0x1F;
	s0 =	ssub.s32 s23, s31  }
0xcf: {  	(v2sf) =	vpush v29, $0x2;
	[smem:$0x7DA] =	sst s26;
	s31 =	sxor.u32 s26, s1;
	s23 =	spop (drf)  }
0xd0: {  	s1 =	spop (v2sf);
	s25 =	sshra.s32 s2, $0x1F;
	[smem:$0x7B8] =	sst s23  }
0xd1: {  	(v2sf) =	vpush v29, $0x3;
	(drf) =	srem.u32 s0, s9;
	s0 =	ssub.s32 s31, s26;
	[smem:$0x7DC] =	sst s25  }
0xd2: {  	s26 =	sxor.u32 s25, s2;
	s31 =	spop (drf);
	s2 =	sshra.s32 s1, $0x1F  }
0xd3: {  	(v2sf) =	vpush v29, $0x4;
	(drf) =	srem.u32 s0, s8;
	[smem:$0x7BA] =	sst s31;
	s0 =	ssub.s32 s26, s25  }
0xd4: {  	[smem:$0x7E8] =	sst s2;
	s25 =	sxor.u32 s2, s1;
	s26 =	spop (drf)  }
0xd5: {  	(v2sf) =	vpush v29, $0x5;
	(drf) =	srem.u32 s0, s7;
	s0 =	ssub.s32 s25, s2;
	s25 =	spop (drf)  }
0xd6: {  	[smem:$0x7BC] =	sst s26;
	s23 =	spop (v2sf)  }
0xd7: {  	(drf) =	srem.u32 s0, s6;
	[smem:$0x7BE] =	sst s25;
	s31 =	sshra.s32 s23, $0x1F  }
0xd8: {  	s1 =	spop (v2sf);
	[smem:$0x7EC] =	sst s31;
	s23 =	sxor.u32 s31, s23  }
0xd9: {  	s2 =	spop (v2sf);
	s26 =	sshra.s32 s1, $0x1F;
	s0 =	ssub.s32 s23, s31  }
0xda: {  	[smem:$0x7E0] =	sst s26;
	s31 =	sxor.u32 s26, s1;
	s23 =	spop (drf)  }
0xdb: {  	s1 =	spop (v2sf);
	s25 =	sshra.s32 s2, $0x1F;
	[smem:$0x7C0] =	sst s23  }
0xdc: {  	(v2sf) =	vpush v29, $0x6;
	(drf) =	srem.u32 s0, s5;
	s0 =	ssub.s32 s31, s26;
	[smem:$0x7E1] =	sst s25  }
0xdd: {  	s26 =	sxor.u32 s25, s2;
	s31 =	spop (drf);
	(drf) =	srem.u32 s0, s12  }
0xde: {  	(v2sf) =	vpush v29, $0x7;
	s2 =	spop (v2sf);
	[smem:$0x7C2] =	sst s31;
	s12 =	sshra.s32 s1, $0x1F  }
0xdf: {  	(v2sf) =	vpush v29, $0x8;
	s0 =	ssub.s32 s26, s25;
	s31 =	spop (drf);
	[smem:$0x7E3] =	sst s12  }
0xe0: {  	(v2sf) =	vpush v29, $0x9;
	(drf) =	srem.u32 s0, s13;
	s25 =	spop (v2sf)  }
0xe1: {  	s23 =	sxor.u32 s12, s1;
	[smem:$0x7C4] =	sst s31;
	s13 =	spop (drf)  }
0xe2: {  	s26 =	sshra.s32 s2, $0x1F;
	s0 =	ssub.s32 s23, s12;
	s12 =	spop (v2sf)  }
0xe3: {  	(v2sf) =	vpush v29, $0xA;
	s3 =	sxor.u32 s26, s2;
	[smem:$0x7C6] =	sst s13;
	s31 =	spop (drf)  }
0xe4: {  	(drf) =	srem.u32 s0, s14;
	s0 =	ssub.s32 s3, s26;
	s23 =	spop (v2sf)  }
0xe5: {  	(v2sf) =	vpush v29, $0xB;
	s14 =	sshra.s32 s25, $0x1F;
	[smem:$0x7C8] =	sst s31;
	s13 =	spop (drf)  }
0xe6: {  	[smem:$0x7E4] =	sst s14;
	(drf) =	srem.u32 s0, s17  }
0xe7: {  	(v2sf) =	vpush v29, $0xC;
	s17 =	sxor.u32 s14, s25;
	s25 =	sshra.s32 s12, $0x1F;
	[smem:$0x7CA] =	sst s13  }
0xe8: {  	s0 =	ssub.s32 s17, s14;
	s12 =	sxor.u32 s25, s12;
	s14 =	sshra.s32 s23, $0x1F  }
0xe9: {  	(drf) =	srem.u32 s0, s18;
	s0 =	ssub.s32 s12, s25;
	[smem:$0x7E6] =	sst s14  }
0xea: {  	(v2sf) =	vpush v29, $0xD;
	s18 =	sxor.u32 s14, s23;
	s23 =	spop (drf);
	(drf) =	srem.u32 s0, s20  }
0xeb: {  	s0 =	ssub.s32 s18, s14;
	[smem:$0x7CC] =	sst s23;
	s17 =	spop (v2sf)  }
0xec: {  	s14 =	spop (drf);
	(drf) =	srem.u32 s0, s21;
	s31 =	sshra.s32 s17, $0x1F  }
0xed: {  	[smem:$0x7CE] =	sst s14;
	s20 =	spop (v2sf);
	s12 =	sxor.u32 s31, s17  }
0xee: {  	[smem:$0x7E7] =	sst s31;
	s13 =	spop (v2sf);
	s0 =	ssub.s32 s12, s31  }
0xef: {  	s31 =	sshra.s32 s20, $0x1F;
	s18 =	spop (v2sf);
	s23 =	sshra.s32 s13, $0x1F  }
0xf0: {  	(drf) =	srem.u32 s0, s24;
	s17 =	sxor.u32 s31, s20;
	s20 =	spop (drf)  }
0xf1: {  	s21 =	sxor.u32 s23, s13;
	s12 =	sshra.s32 s18, $0x1F;
	[smem:$0x7D0] =	sst s20  }
0xf2: {  	s0 =	ssub.s32 s17, s31;
	s24 =	spop (v2sf);
	[smem:$0x7EA] =	sst s12  }
0xf3: {  	s13 =	sxor.u32 s12, s18;
	(drf) =	srem.u32 s0, s28;
	s28 =	spop (drf)  }
0xf4: {  	s0 =	ssub.s32 s21, s23;
	s14 =	spop (v2sf);
	[smem:$0x7D2] =	sst s28  }
0xf5: {  	s18 =	sshra.s32 s24, $0x1F;
	(drf) =	srem.u32 s0, s11;
	s17 =	spop (drf)  }
0xf6: {  	s0 =	ssub.s32 s13, s12;
	[smem:$0x7EB] =	sst s18;
	s21 =	spop (v2sf)  }
0xf7: {  	s28 =	sshra.s32 s14, $0x1F;
	[smem:$0x7D5] =	sst s17;
	(drf) =	srem.u32 s0, s10  }
0xf8: {  	s20 =	sxor.u32 s18, s24;
	s24 =	spop (drf);
	[smem:$0x7EE] =	sst s28  }
0xf9: {  	s10 =	spop (v2sf);
	s12 =	sshra.s32 s21, $0x1F;
	[smem:$0x7D7] =	sst s24  }
0xfa: {  	(v2sf) =	vpush v29, $0xE;
	s11 =	spop (drf);
	[smem:$0x7EF] =	sst s12  }
0xfb: {  	s0 =	ssub.s32 s20, s18;
	s17 =	sshra.s32 s10, $0x1F;
	[smem:$0x7DB] =	sst s11  }
0xfc: {  	(drf) =	srem.u32 s0, s9;
	s9 =	sxor.u32 s28, s14;
	[smem:$0x7F0] =	sst s17  }
0xfd: {  	s0 =	ssub.s32 s9, s28;
	s9 =	sld [smem:$0x787]  }
0xfe: {  	s20 =	sxor.u32 s17, s10;
	s10 =	sld [smem:$0x788]  }
0xff: {  	s14 =	spop (drf);
	s11 =	sld [smem:$0x789]  }
0x100: {  	[smem:$0x7DD] =	sst s14  }
0x101: {  	s13 =	sxor.u32 s12, s21;
	(drf) =	srem.u32 s0, s8;
	s8 =	sld [smem:$0x786]  }
0x102: {  	s0 =	ssub.s32 s13, s12;
	s12 =	sld [smem:$0x78A]  }
0x103: {  	s28 =	spop (drf);
	s14 =	sld [smem:$0x78B]  }
0x104: {  	[smem:$0x7E9] =	sst s28  }
0x105: {  	(drf) =	srem.u32 s0, s7;
	s0 =	ssub.s32 s20, s17;
	s17 =	sld [smem:$0x78C]  }
0x106: {  	s7 =	spop (drf);
	s20 =	sld [smem:$0x78E]  }
0x107: {  	[smem:$0x7ED] =	sst s7  }
0x108: {  	(drf) =	srem.u32 s0, s6;
	s1 =	sxor.u32 s10, s11;
	s11 =	sld [smem:$0x793]  }
0x109: {  	s0 =	sxor.u32 s8, s9;
	s2 =	sxor.u32 s12, s14;
	s18 =	spop (v2sf)  }
0x10a: {  	s13 =	ssub.s32 s0, s8;
	s28 =	ssub.s32 s2, s12;
	s8 =	sld [smem:$0x792]  }
0x10b: {  	s21 =	sshra.s32 s18, $0x1F;
	s12 =	sxor.u32 s30, s11;
	s11 =	sld [smem:$0x799]  }
0x10c: {  	[smem:$0x7F1] =	sst s21  }
0x10d: {  	s24 =	sxor.u32 s21, s18;
	s18 =	sld [smem:$0x78D]  }
0x10e: {  	s6 =	ssub.s32 s24, s21;
	s21 =	sld [smem:$0x78F]  }
0x10f: {  	s24 =	sld [smem:$0x790]  }
0x110: {  	s9 =	sxor.u32 s16, s8;
	(drf) =	srem.u32 s6, s5;
	s6 =	ssub.s32 s1, s10  }
0x111: {  	s10 =	sld [smem:$0x798];
	s0 =	sxor.u32 s17, s18;
	s1 =	sxor.u32 s20, s21  }
0x112: {  	s2 =	sxor.u32 s29, s24;
	s24 =	ssub.s32 s9, s16;
	s16 =	sld [smem:$0x795]  }
0x113: {  	s14 =	ssub.s32 s0, s17;
	s18 =	ssub.s32 s2, s29;
	s2 =	sld [smem:$0x791]  }
0x114: {  	s17 =	ssub.s32 s1, s20;
	s1 =	sxor.u32 s19, s22;
	s22 =	sld [smem:$0x796]  }
0x115: {  	v30 =	vmov s6;
	s29 =	sld [smem:$0x79D]  }
0x116: {  	vm1 =	vcmask $0x704;
	s30 =	ssub.s32 s12, s30;
	v30 =	vsel vm4, s13, v30;
	s12 =	sxor.u32 s10, s11;
	s11 =	sld [smem:$0x79F]  }
0x117: {  	vm2 =	vcmask $0xB08;
	v30 =	vsel vm1, s28, v30;
	s19 =	ssub.s32 s1, s19;
	s1 =	sld [smem:$0x7B1]  }
0x118: {  	vm3 =	vcmask $0xF0C;
	v30 =	vsel vm2, s14, v30;
	s14 =	sld [smem:$0x7C4]  }
0x119: {  	v30 =	vsel vm3, s17, v30;
	s17 =	sld [smem:$0x7C6]  }
0x11a: {  	vm9 =	vcmask $0x1310;
	s5 =	sxor.u32 s15, s2;
	s2 =	sld [smem:$0x7B3]  }
0x11b: {  	v30 =	vsel vm9, s18, v30;
	s18 =	sld [smem:$0x7CA]  }
0x11c: {  	s20 =	ssub.s32 s5, s15;
	s15 =	sld [smem:$0x794]  }
0x11d: {  	s5 =	sld [smem:$0x797]  }
0x11e: {  	v30 =	vsel vm10, s19, v30;
	s19 =	sld [smem:$0x7CC]  }
0x11f: {  	s21 =	sxor.u32 s15, s16;
	s16 =	sld [smem:$0x79B]  }
0x120: {  	s8 =	sxor.u32 s22, s5;
	s0 =	ssub.s32 s21, s15;
	s15 =	sld [smem:$0x79A]  }
0x121: {  	s9 =	ssub.s32 s8, s22;
	s22 =	sld [smem:$0x79C]  }
0x122: {  	[smem:$0x7D3] =	sst s0  }
0x123: {  	[smem:$0x7D8] =	sst s9  }
0x124: {  	s9 =	sld [smem:$0x79E]  }
0x125: {  	s0 =	ssub.s32 s12, s10;
	s12 =	sld [smem:$0x7A0]  }
0x126: {  	[smem:$0x7D9] =	sst s0  }
0x127: {  	s21 =	sxor.u32 s15, s16;
	s16 =	sld [smem:$0x7A1]  }
0x128: {  	s7 =	ssub.s32 s21, s15;
	s21 =	sld [smem:$0x7A2]  }
0x129: {  	s10 =	sxor.u32 s4, s9;
	s9 =	sld [smem:$0x7A4]  }
0x12a: {  	s5 =	sxor.u32 s22, s29;
	s15 =	sxor.u32 s11, s12;
	s12 =	sld [smem:$0x7A6]  }
0x12b: {  	s8 =	ssub.s32 s5, s22;
	[smem:$0x7DE] =	sst s7  }
0x12c: {  	[smem:$0x7DF] =	sst s8  }
0x12d: {  	s5 =	ssub.s32 s10, s4;
	s7 =	sld [smem:$0x7A3]  }
0x12e: {  	[smem:$0x7E2] =	sst s5  }
0x12f: {  	s5 =	ssub.s32 s15, s11;
	s11 =	sld [smem:$0x7A5]  }
0x130: {  	s22 =	sxor.u32 s16, s21;
	s21 =	sld [smem:$0x7A8]  }
0x131: {  	s4 =	ssub.s32 s22, s16;
	s10 =	sxor.u32 s7, s9;
	s16 =	sld [smem:$0x7A7]  }
0x132: {  	s8 =	ssub.s32 s10, s7;
	s7 =	sld [smem:$0x7A9]  }
0x133: {  	s15 =	sxor.u32 s11, s12;
	s10 =	sld [smem:$0x7AA]  }
0x134: {  	s9 =	ssub.s32 s15, s11;
	s15 =	sld [smem:$0x7AB];
	s22 =	sxor.u32 s16, s21  }
0x135: {  	s11 =	ssub.s32 s22, s16;
	s16 =	sld [smem:$0x7AC]  }
0x136: {  	s0 =	sld [smem:$0x7AF]  }
0x137: {  	s29 =	sld [smem:$0x7AE]  }
0x138: {  	s12 =	sxor.u32 s7, s10;
	s22 =	sld [smem:$0x7AD];
	s21 =	sxor.u32 s15, s16  }
0x139: {  	s7 =	ssub.s32 s12, s7;
	s12 =	ssub.s32 s21, s15;
	s15 =	sld [smem:$0x7B2]  }
0x13a: {  	s21 =	sld [smem:$0x7B4]  }
0x13b: {  	s10 =	sld [smem:$0x7B0];
	s3 =	sxor.u32 s22, s29  }
0x13c: {  	s16 =	ssub.s32 s3, s22;
	s3 =	sld [smem:$0x7B8];
	s15 =	sxor.u32 s1, s15  }
0x13d: {  	s22 =	sxor.u32 s2, s21;
	s15 =	ssub.s32 s15, s1;
	s1 =	sld [smem:$0x7B5]  }
0x13e: {  	s10 =	sxor.u32 s0, s10;
	s21 =	ssub.s32 s22, s2;
	s2 =	sld [smem:$0x7B6]  }
0x13f: {  	s10 =	ssub.s32 s10, s0;
	s0 =	sld [smem:$0x7B9]  }
0x140: {  	s22 =	sld [smem:$0x7BA]  }
0x141: {  	v30 =	vsel vm11, s20, v30;
	s6 =	sxor.u32 s1, s2;
	s2 =	sld [smem:$0x7B7]  }
0x142: {  	v30 =	vsel vm12, s24, v30;
	s24 =	sld [smem:$0x7D2]  }
0x143: {  	s13 =	ssub.s32 s6, s1;
	s1 =	sld [smem:$0x7BC]  }
0x144: {  	s6 =	sld [smem:$0x7BD];
	s29 =	sxor.u32 s2, s3;
	s3 =	sxor.u32 s0, s22  }
0x145: {  	s22 =	ssub.s32 s29, s2;
	s29 =	ssub.s32 s3, s0;
	s3 =	sld [smem:$0x7BB]  }
0x146: {  	s2 =	sld [smem:$0x7BE]  }
0x147: {  	v31 =	vmov s4;
	s4 =	sld [smem:$0x7C2]  }
0x148: {  	s0 =	sld [smem:$0x7BF]  }
0x149: {  	s28 =	sxor.u32 s3, s1;
	s1 =	sxor.u32 s6, s2;
	s2 =	sld [smem:$0x7C0]  }
0x14a: {  	s28 =	ssub.s32 s28, s3;
	s3 =	sld [smem:$0x7C1]  }
0x14b: {  	v30 =	vsel vm13, s30, v30;
	s30 =	sld [smem:$0x7D8];
	v31 =	vsel vm4, s5, v31  }
0x14c: {  	s5 =	sld [smem:$0x7C7];
	v31 =	vsel vm1, s8, v31;
	s1 =	ssub.s32 s1, s6;
	s2 =	sxor.u32 s0, s2  }
0x14d: {  	v31 =	vsel vm2, s9, v31;
	s6 =	ssub.s32 s2, s0;
	s0 =	sxor.u32 s3, s4;
	s4 =	sld [smem:$0x7C3]  }
0x14e: {  	s8 =	sld [smem:$0x7C8];
	v31 =	vsel vm3, s11, v31  }
0x14f: {  	v31 =	vsel vm9, s7, v31;
	[smem:$0x7E5] =	sst s1  }
0x150: {  	v31 =	vsel vm10, s12, v31;
	s1 =	sxor.u32 s4, s14;
	s14 =	sld [smem:$0x7C5]  }
0x151: {  	s9 =	sld [smem:$0x7CE];
	v31 =	vsel vm11, s16, v31  }
0x152: {  	s11 =	sld [smem:$0x7CF];
	v31 =	vsel vm12, s10, v31  }
0x153: {  	s12 =	sld [smem:$0x7D5];
	v31 =	vsel vm13, s15, v31;
	s2 =	sxor.u32 s14, s17  }
0x154: {  	v31 =	vsel vm14, s21, v31;
	s1 =	ssub.s32 s1, s4;
	s4 =	ssub.s32 s2, s14;
	s14 =	sld [smem:$0x7C9]  }
0x155: {  	s15 =	sld [smem:$0x7DF];
	v31 =	vsel vm15, s13, v31  }
0x156: {  	v31 =	vsel vm5, s22, v31;
	s22 =	sld [smem:$0x7E3]  }
0x157: {  	s2 =	sxor.u32 s14, s18;
	s18 =	sld [smem:$0x7CB]  }
0x158: {  	v31 =	vsel vm6, s29, v31;
	s29 =	sld [smem:$0x7E6];
	s17 =	ssub.s32 s0, s3;
	s0 =	sxor.u32 s5, s8  }
0x159: {  	s20 =	ssub.s32 s0, s5;
	s5 =	sld [smem:$0x7CD]  }
0x15a: {  	s3 =	sxor.u32 s18, s19;
	s19 =	sld [smem:$0x7D1]  }
0x15b: {  	s14 =	ssub.s32 s2, s14;
	s2 =	ssub.s32 s3, s18;
	s18 =	sld [smem:$0x7D0]  }
0x15c: {  	v32 =	vmov s17;
	s17 =	sld [smem:$0x7E0]  }
0x15d: {  	s8 =	sxor.u32 s19, s24;
	s24 =	sld [smem:$0x7D7]  }
0x15e: {  	s3 =	sxor.u32 s11, s18;
	s18 =	ssub.s32 s8, s19;
	s8 =	sld [smem:$0x7D4]  }
0x15f: {  	s0 =	sxor.u32 s5, s9;
	s19 =	sld [smem:$0x7D6]  }
0x160: {  	s0 =	ssub.s32 s0, s5;
	s5 =	ssub.s32 s3, s11;
	s11 =	sld [smem:$0x7D3]  }
0x161: {  	s3 =	sxor.u32 s8, s12;
	s12 =	sld [smem:$0x7D9]  }
0x162: {  	v32 =	vsel vm4, s6, v32;
	s7 =	sxor.u32 s19, s24;
	s24 =	sld [smem:$0x7DD]  }
0x163: {  	v32 =	vsel vm1, s1, v32;
	v30 =	vsel vm14, s11, v30;
	s9 =	ssub.s32 s3, s8;
	s8 =	ssub.s32 s7, s19;
	s7 =	sld [smem:$0x7DA]  }
0x164: {  	v32 =	vsel vm2, s4, v32;
	v30 =	vsel vm15, s30, v30;
	s30 =	sld [smem:$0x7DE]  }
0x165: {  	v32 =	vsel vm3, s20, v32;
	s19 =	sld [smem:$0x7DB]  }
0x166: {  	v32 =	vsel vm9, s14, v32;
	s11 =	spop (drf);
	v30 =	vsel vm5, s12, v30;
	s12 =	sld [smem:$0x7DC]  }
0x167: {  	v32 =	vsel vm10, s2, v32;
	s2 =	sld [smem:$0x7E7];
	s16 =	spop (drf);
	s11 =	sxor.u32 s17, s11;
	v30 =	vsel vm6, s30, v30  }
0x168: {  	s13 =	ssub.s32 s11, s17;
	s3 =	sxor.u32 s7, s19;
	v30 =	vsel vm7, s15, v30;
	s15 =	sld [smem:$0x7E1]  }
0x169: {  	s7 =	ssub.s32 s3, s7;
	s10 =	sxor.u32 s12, s24;
	s24 =	spop (drf)  }
0x16a: {  	s30 =	sld [smem:$0x7E2];
	s3 =	ssub.s32 s10, s12;
	s24 =	sxor.u32 s22, s24  }
0x16b: {  	s10 =	spop (drf);
	s1 =	ssub.s32 s24, s22;
	s21 =	sxor.u32 s15, s16  }
0x16c: {  	s24 =	sld [smem:$0x7E5];
	s16 =	spop (drf);
	s19 =	ssub.s32 s21, s15  }
0x16d: {  	s10 =	sxor.u32 s26, s10;
	s21 =	spop (drf);
	v33 =	vmov s19;
	s19 =	sld [smem:$0x7E4]  }
0x16e: {  	v30 =	vsel vm8, s30, v30;
	s30 =	spop (drf);
	s21 =	sxor.u32 s25, s21;
	v33 =	vsel vm4, s13, v33;
	s13 =	ssub.s32 s10, s26  }
0x16f: {  	s17 =	spop (drf);
	s26 =	ssub.s32 s21, s25;
	s30 =	sxor.u32 s29, s30  }
0x170: {  	s22 =	spop (drf);
	s14 =	sxor.u32 s2, s17;
	s20 =	sxor.u32 s19, s16  }
0x171: {  	v31 =	vsel vm7, s28, v31;
	s28 =	spop (drf);
	s16 =	ssub.s32 s30, s29;
	s29 =	sld [smem:$0x7E8]  }
0x172: {  	s17 =	ssub.s32 s14, s2;
	s21 =	sxor.u32 s31, s22;
	s30 =	sld [smem:$0x7E9]  }
0x173: {  	v32 =	vsel vm11, s0, v32;
	v33 =	vsel vm1, s1, v33;
	s14 =	sld [smem:$0x7EB];
	s1 =	ssub.s32 s20, s19;
	s15 =	spop (drf)  }
0x174: {  	v32 =	vsel vm12, s5, v32;
	v31 =	vsel vm8, s24, v31;
	v33 =	vsel vm2, s13, v33;
	s22 =	sxor.u32 s23, s28;
	s24 =	ssub.s32 s21, s31;
	s31 =	sld [smem:$0x7EA]  }
0x175: {  	v32 =	vsel vm13, s18, v32;
	v33 =	vsel vm3, s1, v33;
	s19 =	spop (drf);
	s25 =	ssub.s32 s22, s23;
	s22 =	sld [smem:$0x7F0]  }
0x176: {  	v32 =	vsel vm14, s9, v32;
	v33 =	vsel vm9, s26, v33;
	s2 =	sxor.u32 s14, s19;
	s19 =	sld [smem:$0x7EF]  }
0x177: {  	v58 =	vsel vm15, s8, v32;
	vm1 =	vne.s32 v30, $0x0;
	v33 =	vsel vm10, s16, v33;
	s6 =	sxor.u32 s31, s15;
	s15 =	sld [smem:$0x7EC]  }
0x178: {  	vm1 =	vmand vm0, vm1;
	vm2 =	vne.s32 v31, $0x0;
	s20 =	spop (drf);
	s9 =	sxor.u32 s29, s30;
	v33 =	vsel vm11, s17, v33;
	s17 =	sld [smem:$0x7EE]  }
0x179: {  	v34 =	vnsel vm1, $0x0, v25;
	vm2 =	vmand vm0, vm2;
	s26 =	spop (drf);
	s12 =	ssub.s32 s9, s29;
	s16 =	sld [smem:$0x7ED];
	v33 =	vsel vm12, s24, v33  }
0x17a: {  	v34 =	vsub.s32 $0x0, v34;
	v60 =	vnsel vm2, $0x0, v25;
	s2 =	ssub.s32 s2, s14;
	s28 =	spop (drf);
	s13 =	ssub.s32 s6, s31;
	v59 =	vsel vm13, s25, v33  }
0x17b: {  	vm1 =	vne.s32 v30, v34;
	v30 =	vsel vm5, s7, v58;
	s1 =	sxor.u32 s22, s28;
	s25 =	sld [smem:$0x7F1];
	v32 =	vsel vm14, s13, v59;
	s0 =	sxor.u32 s17, s20  }
0x17c: {  	vm9 =	vmmov vm4;
	v30 =	vsel vm6, s3, v30;
	s6 =	sxor.u32 s15, s16;
	s20 =	sxor.u32 s19, s26;
	v32 =	vsel vm15, s2, v32;
	s0 =	ssub.s32 s0, s17  }
0x17d: {  	vm4 =	vge.s32 v26, v24;
	v30 =	vsel vm7, s12, v30;
	s23 =	spop (drf);
	s18 =	ssub.s32 s6, s15;
	s21 =	ssub.s32 s20, s19;
	v32 =	vsel vm5, s0, v32  }
0x17e: {  	vm1 =	vmor vm4, vm1;
	s24 =	ssub.s32 s1, s22;
	v30 =	vsel vm8, s18, v30;
	s26 =	sxor.u32 s25, s23;
	v61 =	vsel vm6, s21, v32  }
0x17f: {  	vm4 =	vge.s32 v27, v24;
	vm3 =	vne.s32 v30, $0x0;
	s29 =	ssub.s32 s26, s25;
	v26 =	vsel vm7, s24, v61  }
0x180: {  	v33 =	vsub.s32 $0x0, v60;
	vm3 =	vmand vm0, vm3;
	v26 =	vsel vm8, s29, v26  }
0x181: {  	vm2 =	vne.s32 v31, v33;
	v27 =	vnsel vm3, $0x0, v25;
	vm3 =	vne.s32 v26, $0x0  }
0x182: {  	s28 =	sld [smem:$0x7F2];
	vm2 =	vmor vm4, vm2;
	v27 =	vsub.s32 $0x0, v27;
	vm3 =	vmand vm0, vm3  }
0x183: {  	vm4 =	vne.s32 v30, v27;
	v27 =	vnsel vm3, $0x0, v25;
	vm3 =	vge.s32 v28, v24  }
0x184: {  	v62 =	vsel vm1, $0xFF, v20;
	vm3 =	vmor vm3, vm4;
	v27 =	vsub.s32 $0x0, v27  }
0x185: {  	p0 =	sne.s32 s28, $0x3F0;
	vm1 =	vne.s32 v26, v27;
	v26 =	vsel vm2, $0xFF00, v20;
	vm2 =	vge.s32 v29, v24  }
.Ltmp0:
0x186: {  	s31 =	sld [smem:$0x7F4];
	v27 =	vsel vm3, $0xFF0000, v20;
	vm1 =	vmor vm2, vm1;
	v26 =	vor.u32 v62, v26;
	(pc) =	sbr.rel @p0 .LBB2_2-.Ltmp0, $4  }
0x187: {  	s30 =	sld [smem:$0x7F3];
	v63 =	vsel vm1, $0xFF000000, v20;
	v26 =	vor.u32 v27, v26  }
0x188: {  	v26 =	vor.u32 v63, v26  }
0x189: {  	[tilespmem:s31+$0x0] =	vst v26  }
0x18a: {  	s1 =	sadd.s32 $0x10, s30;
	s2 =	sadd.s32 $0x10, s28;
	s0 =	sadd.s32 $0x10, s31;
	vm4 =	vmmov vm9;
	[tilespmem:s30+$0x0] =	vst v20  }
0x18b: {  	s0 =	simm.s32 $0x0  }
0x18c: {  	v24 =	vmov s0  }
0x18d: {  	v24 =	vshll.u32 v24, $0x2  }
0x18e: {  	v24 =	vor.u32 v17, v24  }
0x18f: {  	vm0 =	vge.u32 v24, v0;
	vm1 =	vle.u32 v24, v4;
	v25 =	vor.u32 $0x3, v24  }
0x190: {  	v26 =	vor.u32 $0x1, v24;
	vm2 =	vlt.u32 v24, v4;
	v24 =	vor.u32 $0x2, v24  }
0x191: {  	[tilespmem:$0x1500] =	vst v20;
	s30 =	simm.s32 $0x1100;
	vm3 =	vge.u32 v26, v0;
	vm4 =	vge.u32 v25, v0;
	vm5 =	vle.u32 v25, v4  }
0x192: {  	v25 =	vld [tilespmem:s30+$0x0];
	vm0 =	vmand vm0, vm1;
	vm13 =	vge.u32 v24, v0;
	vm12 =	vmand vm2, vm3  }
0x193: {  	vm2 =	vmand vm2, vm13;
	v24 =	vsel vm0, $0xFFFFFF00, v18;
	v26 =	vsel vm12, $0xFFFF00FF, v18  }
0x194: {  	s31 =	simm.s32 $0x10;
	vm14 =	vmand vm4, vm5;
	v24 =	vand.u32 v24, v26;
	v26 =	vsel vm2, $0xFF00FFFF, v18  }
0x195: {  	v27 =	vmov s31;
	v24 =	vand.u32 v26, v24;
	v26 =	vsel vm14, $0xFFFFFF, v18  }
0x196: {  	v27 =	vshll.u32 v27, $0x2;
	v24 =	vand.u32 v26, v24  }
0x197: {  	v26 =	vor.u32 v17, v27;
	v24 =	vand.u32 v25, v24  }
0x198: {  	vm15 =	vge.u32 v26, v0;
	vm8 =	vle.u32 v26, v4;
	v25 =	vor.u32 $0x3, v26  }
0x199: {  	s0 =	simm.s32 $0x1980;
	v27 =	vor.u32 $0x1, v26;
	vm9 =	vlt.u32 v26, v4;
	v26 =	vor.u32 $0x2, v26  }
0x19a: {  	s1 =	simm.s32 $0x1110;
	vm10 =	vge.u32 v27, v0;
	vm11 =	vge.u32 v25, v0;
	vm12 =	vle.u32 v25, v4;
	[tilespmem:s0+$0x0] =	vst v24  }
0x19b: {  	vm0 =	vmand vm15, vm8;
	vm14 =	vge.u32 v26, v0;
	vm13 =	vmand vm9, vm10;
	v24 =	vld [tilespmem:s1+$0x0]  }
0x19c: {  	vm2 =	vmand vm9, vm14;
	v25 =	vsel vm0, $0xFFFFFF00, v18;
	v26 =	vsel vm13, $0xFFFF00FF, v18  }
0x19d: {  	s2 =	simm.s32 $0x20;
	vm15 =	vmand vm11, vm12;
	v25 =	vand.u32 v25, v26;
	v26 =	vsel vm2, $0xFF00FFFF, v18  }
0x19e: {  	v27 =	vmov s2;
	v28 =	vsel vm15, $0xFFFFFF, v18;
	v26 =	vand.u32 v26, v25  }
0x19f: {  	s2 =	simm.s32 $0x30;
	v25 =	vshll.u32 v27, $0x2;
	v26 =	vand.u32 v28, v26  }
.LBB2_4:
0x1a0: {  	p0 =	sne.s32 s2, $0x400;
	v25 =	vor.u32 v17, v25;
	v24 =	vand.u32 v24, v26;
	s0 =	sadd.s32 $0x10, s0  }
0x1a1: {  	vm0 =	vge.u32 v25, v0;
	vm1 =	vle.u32 v25, v4;
	v26 =	vor.u32 $0x3, v25;
	[tilespmem:s0+$0x0] =	vst v24  }
0x1a2: {  	v24 =	vor.u32 $0x1, v25;
	vm2 =	vlt.u32 v25, v4;
	v25 =	vor.u32 $0x2, v25  }
0x1a3: {  	s1 =	sadd.s32 $0x10, s1;
	vm3 =	vge.u32 v24, v0;
	vm4 =	vge.u32 v26, v0;
	vm5 =	vle.u32 v26, v4  }
.Ltmp1:
0x1a4: {  	vm0 =	vmand vm0, vm1;
	vm1 =	vmand vm2, vm3;
	vm3 =	vge.u32 v25, v0;
	v24 =	vld [tilespmem:s1+$0x0];
	(pc) =	sbr.rel @p0 .LBB2_4-.Ltmp1, $4  }
0x1a5: {  	v25 =	vsel vm0, $0xFFFFFF00, v18;
	vm2 =	vmand vm2, vm3;
	v26 =	vsel vm1, $0xFFFF00FF, v18  }
0x1a6: {  	vm0 =	vmand vm4, vm5;
	v25 =	vand.u32 v25, v26;
	v26 =	vsel vm2, $0xFF00FFFF, v18  }
0x1a7: {  	v27 =	vmov s2;
	v28 =	vsel vm0, $0xFFFFFF, v18;
	v26 =	vand.u32 v26, v25  }
0x1a8: {  	s2 =	sadd.s32 $0x10, s2;
	v25 =	vshll.u32 v27, $0x2;
	v26 =	vand.u32 v28, v26  }
0x1a9: {  	s4 =	sld [smem:$0x7F7];
	_ =	sdelay $0x2  }
0x1aa: {  	s2 =	sshra.s32 s4, $0x1F  }
0x1ab: {  	s3 =	sxor.u32 s2, s4  }
0x1ac: {  	s11 =	rddreg [dreg:$0x15];
	s22 =	ssub.s32 s3, s2  }
0x1ad: {  	(drf) =	srem.u32 s11, s22;
	_ =	sdelay $0x1  }
0x1ae: {  	v25 =	vor.u32 v17, v25;
	v24 =	vand.u32 v24, v26  }
0x1af: {  	vm0 =	vge.u32 v25, v0;
	vm1 =	vle.u32 v25, v4;
	v26 =	vor.u32 $0x3, v25  }
0x1b0: {  	s0 =	sadd.s32 $0x10, s0;
	v27 =	vor.u32 $0x1, v25;
	vm2 =	vlt.u32 v25, v4;
	v25 =	vor.u32 $0x2, v25  }
0x1b1: {  	s1 =	sadd.s32 $0x10, s1;
	[tilespmem:s0+$0x0] =	vst v24;
	vm3 =	vge.u32 v27, v0;
	vm4 =	vge.u32 v26, v0;
	vm0 =	vmand vm0, vm1  }
0x1b2: {  	vm15 =	vge.u32 v25, v0;
	vm5 =	vle.u32 v26, v4;
	v24 =	vld [tilespmem:s1+$0x0];
	vm3 =	vmand vm2, vm3  }
0x1b3: {  	vm1 =	vmand vm2, vm15;
	v25 =	vsel vm0, $0xFFFFFF00, v18;
	v26 =	vsel vm3, $0xFFFF00FF, v18  }
0x1b4: {  	s25 =	simm.s32 $0x0;
	vm7 =	vmand vm4, vm5;
	v25 =	vand.u32 v25, v26;
	v26 =	vsel vm1, $0xFF00FFFF, v18  }
0x1b5: {  	v27 =	vmov s25;
	s7 =	sand.u32 s2, s4;
	v25 =	vand.u32 v26, v25;
	v26 =	vsel vm7, $0xFFFFFF, v18;
	s24 =	spop (drf)  }
0x1b6: {  	s26 =	simm.s32 $0x10;
	v27 =	vshll.u32 v27, $0x2;
	s2 =	smov.u32 s7;
	v25 =	vand.u32 v26, v25;
	p0 =	seq.s32 s24, $0x0  }
0x1b7: {  	s30 =	sld [smem:$0x7F6];
	v26 =	vor.u32 v17, v27;
	v24 =	vand.u32 v24, v25;
	v25 =	vmov s26;
	s2 =	simm.s32 @p0 $0x0  }
0x1b8: {  	s0 =	sadd.s32 $0x10, s0;
	v27 =	vor.u32 $0x3, v26;
	vm8 =	vge.u32 v26, v1;
	vm9 =	vle.u32 v26, v5;
	s2 =	ssub.s32 $0x0, s2  }
0x1b9: {  	s28 =	rddreg [dreg:$0x16];
	s1 =	simm.s32 $0x1980;
	vm10 =	vlt.u32 v26, v5;
	[tilespmem:s0+$0x0] =	vst v24;
	v24 =	vor.u32 $0x1, v26;
	v26 =	vor.u32 $0x2, v26;
	p0 =	sne.s32 s24, s2  }
0x1ba: {  	s5 =	simm.s32 $0x80;
	p1 =	sge.s32 s11, s30;
	vm11 =	vge.u32 v27, v1;
	vm0 =	vmand vm8, vm9;
	vm13 =	vle.u32 v27, v5;
	s1 =	simm.s32 @!p0 $0x1580  }
0x1bb: {  	s9 =	simm.s32 $0x400;
	s29 =	simm.s32 $0x1100;
	v25 =	vshll.u32 v25, $0x2;
	vm12 =	vge.u32 v24, v1;
	vm14 =	vge.u32 v26, v1;
	s1 =	simm.s32 @p1 $0x1980  }
0x1bc: {  	vm15 =	vle.u32 v26, v5;
	v26 =	vsel vm0, $0xFFFFFF00, v18;
	vm6 =	vmand vm11, vm13;
	[hbm4b:s28+s5] =	stream.strided.scatter [tilespmem:s1], [sflag:$0x1], $0x400, s9, s5, $0x38;
	[tilespmem:$0x3D80] =	vst v63  }
0x1bd: {  	v25 =	vor.u32 v17, v25;
	vm1 =	vmand vm10, vm12;
	vm2 =	vmand vm14, vm15;
	v24 =	vld [tilespmem:s29+$0x0]  }
0x1be: {  	v28 =	vor.u32 $0x3, v25;
	vm7 =	vge.u32 v25, v1;
	v27 =	vsel vm1, $0xFFFF00FF, v18  }
0x1bf: {  	vm8 =	vle.u32 v25, v5;
	v26 =	vand.u32 v26, v27;
	v27 =	vsel vm2, $0xFF00FFFF, v18  }
0x1c0: {  	vm9 =	vlt.u32 v25, v5;
	v26 =	vand.u32 v27, v26;
	v27 =	vsel vm6, $0xFFFFFF, v18  }
0x1c1: {  	vm0 =	vmand vm7, vm8;
	vm10 =	vge.u32 v28, v1;
	v26 =	vand.u32 v27, v26  }
0x1c2: {  	vm12 =	vle.u32 v28, v5;
	s1 =	simm.s32 $0x1E00;
	v24 =	vand.u32 v24, v26;
	v26 =	vor.u32 $0x1, v25  }
0x1c3: {  	s0 =	simm.s32 $0x1110;
	vm15 =	vmand vm10, vm12;
	v25 =	vor.u32 $0x2, v25;
	vm11 =	vge.u32 v26, v1;
	[tilespmem:s1+$0x0] =	vst v24  }
0x1c4: {  	vm13 =	vge.u32 v25, v1;
	vm14 =	vle.u32 v25, v5;
	vm2 =	vmand vm9, vm11;
	v24 =	vld [tilespmem:s0+$0x0]  }
0x1c5: {  	s31 =	simm.s32 $0x20;
	v25 =	vsel vm0, $0xFFFFFF00, v18;
	vm3 =	vmand vm13, vm14;
	v26 =	vsel vm2, $0xFFFF00FF, v18  }
0x1c6: {  	v27 =	vmov s31;
	v25 =	vand.u32 v25, v26;
	v26 =	vsel vm3, $0xFF00FFFF, v18  }
0x1c7: {  	v63 =	vsel vm15, $0xFFFFFF, v18;
	v27 =	vshll.u32 v27, $0x2;
	v26 =	vand.u32 v26, v25  }
0x1c8: {  	s2 =	simm.s32 $0x30;
	v25 =	vor.u32 v17, v27;
	v26 =	vand.u32 v63, v26  }
.LBB2_6:
0x1c9: {  	v27 =	vmov s2;
	p0 =	sne.s32 s2, $0x400;
	v28 =	vor.u32 $0x3, v25;
	v24 =	vand.u32 v24, v26;
	s1 =	sadd.s32 $0x10, s1  }
0x1ca: {  	vm0 =	vge.u32 v25, v1;
	vm1 =	vle.u32 v25, v5;
	vm2 =	vlt.u32 v25, v5;
	[tilespmem:s1+$0x0] =	vst v24  }
0x1cb: {  	v24 =	vor.u32 $0x1, v25;
	v25 =	vor.u32 $0x2, v25;
	vm3 =	vge.u32 v28, v1  }
0x1cc: {  	s0 =	sadd.s32 $0x10, s0;
	vm0 =	vmand vm0, vm1;
	vm4 =	vle.u32 v28, v5;
	vm1 =	vge.u32 v24, v1  }
.Ltmp2:
0x1cd: {  	vm5 =	vle.u32 v25, v5;
	vm1 =	vmand vm2, vm1;
	vm2 =	vge.u32 v25, v1;
	v24 =	vld [tilespmem:s0+$0x0];
	(pc) =	sbr.rel @p0 .LBB2_6-.Ltmp2, $4  }
0x1ce: {  	v25 =	vsel vm0, $0xFFFFFF00, v18;
	vm2 =	vmand vm2, vm5;
	v26 =	vsel vm1, $0xFFFF00FF, v18  }
0x1cf: {  	vm0 =	vmand vm3, vm4;
	v25 =	vand.u32 v25, v26;
	v26 =	vsel vm2, $0xFF00FFFF, v18  }
0x1d0: {  	v27 =	vshll.u32 v27, $0x2;
	v28 =	vsel vm0, $0xFFFFFF, v18;
	v26 =	vand.u32 v26, v25  }
0x1d1: {  	s2 =	sadd.s32 $0x10, s2;
	v25 =	vor.u32 v17, v27;
	v26 =	vand.u32 v28, v26  }
0x1d2: {  	s4 =	rddreg [dreg:$0x17]  }
0x1d3: {  	(drf) =	srem.u32 s4, s22;
	_ =	sdelay $0x1  }
0x1d4: {  	v27 =	vor.u32 $0x3, v25;
	v24 =	vand.u32 v24, v26  }
0x1d5: {  	vm0 =	vge.u32 v25, v1;
	vm1 =	vle.u32 v25, v5;
	vm2 =	vlt.u32 v25, v5  }
0x1d6: {  	s1 =	sadd.s32 $0x10, s1;
	v26 =	vor.u32 $0x1, v25;
	v25 =	vor.u32 $0x2, v25;
	vm3 =	vge.u32 v27, v1  }
0x1d7: {  	s0 =	sadd.s32 $0x10, s0;
	[tilespmem:s1+$0x0] =	vst v24;
	vm0 =	vmand vm0, vm1;
	vm11 =	vge.u32 v26, v1;
	vm4 =	vle.u32 v27, v5  }
0x1d8: {  	vm12 =	vge.u32 v25, v1;
	vm5 =	vle.u32 v25, v5;
	v24 =	vld [tilespmem:s0+$0x0];
	vm1 =	vmand vm2, vm11  }
0x1d9: {  	vm2 =	vmand vm12, vm5;
	v25 =	vsel vm0, $0xFFFFFF00, v18;
	v26 =	vsel vm1, $0xFFFF00FF, v18  }
0x1da: {  	s3 =	simm.s32 $0x0;
	vm13 =	vmand vm3, vm4;
	v25 =	vand.u32 v25, v26;
	v26 =	vsel vm2, $0xFF00FFFF, v18  }
0x1db: {  	v27 =	vmov s3;
	v25 =	vand.u32 v26, v25;
	v26 =	vsel vm13, $0xFFFFFF, v18;
	s25 =	spop (drf)  }
0x1dc: {  	s2 =	smov.u32 s7;
	s29 =	simm.s32 $0x10;
	v25 =	vand.u32 v26, v25;
	v26 =	vshll.u32 v27, $0x2;
	p0 =	seq.s32 s25, $0x0  }
0x1dd: {  	s1 =	sadd.s32 $0x10, s1;
	v27 =	vmov s29;
	v24 =	vand.u32 v24, v25;
	v25 =	vor.u32 v17, v26;
	s2 =	simm.s32 @p0 $0x0  }
0x1de: {  	[tilespmem:s1+$0x0] =	vst v24;
	vm14 =	vge.u32 v25, v2;
	vm15 =	vle.u32 v25, v6;
	v24 =	vor.u32 $0x3, v25;
	s2 =	ssub.s32 $0x0, s2  }
0x1df: {  	s0 =	simm.s32 $0x1E00;
	v26 =	vor.u32 $0x1, v25;
	vm8 =	vlt.u32 v25, v6;
	v25 =	vor.u32 $0x2, v25;
	p0 =	sne.s32 s25, s2  }
0x1e0: {  	p1 =	sge.s32 s4, s30;
	vm9 =	vge.u32 v26, v2;
	vm10 =	vge.u32 v24, v2;
	vm11 =	vle.u32 v24, v6;
	s0 =	simm.s32 @!p0 $0x1580  }
0x1e1: {  	s26 =	rddreg [dreg:$0x18];
	s28 =	simm.s32 $0x1100;
	vm0 =	vmand vm14, vm15;
	vm13 =	vge.u32 v25, v2;
	vm12 =	vmand vm8, vm9;
	s0 =	simm.s32 @p1 $0x1E00  }
0x1e2: {  	vm2 =	vmand vm8, vm13;
	v25 =	vsel vm0, $0xFFFFFF00, v18;
	v26 =	vsel vm12, $0xFFFF00FF, v18;
	[hbm4b:s26+s5] =	stream.strided.scatter [tilespmem:s0], [sflag:$0x2], $0x400, s9, s5, $0x38;
	[tilespmem:$0x3D80] =	vst v63  }
0x1e3: {  	vm14 =	vmand vm10, vm11;
	v25 =	vand.u32 v25, v26;
	v26 =	vsel vm2, $0xFF00FFFF, v18;
	v24 =	vld [tilespmem:s28+$0x0]  }
0x1e4: {  	v27 =	vshll.u32 v27, $0x2;
	v25 =	vand.u32 v26, v25;
	v26 =	vsel vm14, $0xFFFFFF, v18  }
0x1e5: {  	v25 =	vand.u32 v26, v25;
	v26 =	vor.u32 v17, v27  }
0x1e6: {  	vm15 =	vge.u32 v26, v2  }
0x1e7: {  	vm8 =	vle.u32 v26, v6;
	v27 =	vor.u32 $0x1, v26;
	vm9 =	vlt.u32 v26, v6  }
0x1e8: {  	vm10 =	vge.u32 v27, v2;
	vm0 =	vmand vm15, vm8;
	s0 =	simm.s32 $0x2280;
	v24 =	vand.u32 v24, v25  }
0x1e9: {  	s1 =	simm.s32 $0x1110;
	vm13 =	vmand vm9, vm10;
	v25 =	vor.u32 $0x3, v26;
	v26 =	vor.u32 $0x2, v26;
	[tilespmem:s0+$0x0] =	vst v24  }
0x1ea: {  	vm11 =	vge.u32 v25, v2;
	vm12 =	vle.u32 v25, v6;
	vm14 =	vge.u32 v26, v2;
	v24 =	vld [tilespmem:s1+$0x0]  }
0x1eb: {  	v25 =	vsel vm0, $0xFFFFFF00, v18;
	v26 =	vsel vm13, $0xFFFF00FF, v18;
	vm2 =	vmand vm9, vm14  }
0x1ec: {  	s31 =	simm.s32 $0x20;
	vm15 =	vmand vm11, vm12;
	v25 =	vand.u32 v25, v26;
	v26 =	vsel vm2, $0xFF00FFFF, v18  }
0x1ed: {  	v27 =	vmov s31;
	v28 =	vsel vm15, $0xFFFFFF, v18;
	v26 =	vand.u32 v26, v25  }
0x1ee: {  	s2 =	simm.s32 $0x30;
	v25 =	vshll.u32 v27, $0x2;
	v26 =	vand.u32 v28, v26  }
.LBB2_8:
0x1ef: {  	p0 =	sne.s32 s2, $0x400;
	v25 =	vor.u32 v17, v25;
	v24 =	vand.u32 v24, v26;
	s0 =	sadd.s32 $0x10, s0  }
0x1f0: {  	vm0 =	vge.u32 v25, v2;
	vm1 =	vle.u32 v25, v6;
	v26 =	vor.u32 $0x3, v25;
	[tilespmem:s0+$0x0] =	vst v24  }
0x1f1: {  	v24 =	vor.u32 $0x1, v25;
	vm2 =	vlt.u32 v25, v6;
	v25 =	vor.u32 $0x2, v25  }
0x1f2: {  	s1 =	sadd.s32 $0x10, s1;
	vm3 =	vge.u32 v24, v2;
	vm4 =	vge.u32 v26, v2;
	vm5 =	vle.u32 v26, v6  }
.Ltmp3:
0x1f3: {  	vm0 =	vmand vm0, vm1;
	vm1 =	vmand vm2, vm3;
	vm3 =	vge.u32 v25, v2;
	v24 =	vld [tilespmem:s1+$0x0];
	(pc) =	sbr.rel @p0 .LBB2_8-.Ltmp3, $4  }
0x1f4: {  	v25 =	vsel vm0, $0xFFFFFF00, v18;
	vm2 =	vmand vm2, vm3;
	v26 =	vsel vm1, $0xFFFF00FF, v18  }
0x1f5: {  	vm0 =	vmand vm4, vm5;
	v25 =	vand.u32 v25, v26;
	v26 =	vsel vm2, $0xFF00FFFF, v18  }
0x1f6: {  	v27 =	vmov s2;
	v28 =	vsel vm0, $0xFFFFFF, v18;
	v26 =	vand.u32 v26, v25  }
0x1f7: {  	s2 =	sadd.s32 $0x10, s2;
	v25 =	vshll.u32 v27, $0x2;
	v26 =	vand.u32 v28, v26  }
0x1f8: {  	s3 =	rddreg [dreg:$0x19]  }
0x1f9: {  	(drf) =	srem.u32 s3, s22;
	_ =	sdelay $0x1  }
0x1fa: {  	v25 =	vor.u32 v17, v25;
	v24 =	vand.u32 v24, v26  }
0x1fb: {  	vm0 =	vge.u32 v25, v2;
	vm1 =	vle.u32 v25, v6;
	v26 =	vor.u32 $0x3, v25  }
0x1fc: {  	s0 =	sadd.s32 $0x10, s0;
	v27 =	vor.u32 $0x1, v25;
	vm2 =	vlt.u32 v25, v6;
	v25 =	vor.u32 $0x2, v25  }
0x1fd: {  	s1 =	sadd.s32 $0x10, s1;
	[tilespmem:s0+$0x0] =	vst v24;
	vm3 =	vge.u32 v27, v2;
	vm4 =	vge.u32 v26, v2;
	vm0 =	vmand vm0, vm1  }
0x1fe: {  	vm15 =	vge.u32 v25, v2;
	vm5 =	vle.u32 v26, v6;
	v24 =	vld [tilespmem:s1+$0x0];
	vm3 =	vmand vm2, vm3  }
0x1ff: {  	vm1 =	vmand vm2, vm15;
	v25 =	vsel vm0, $0xFFFFFF00, v18;
	v26 =	vsel vm3, $0xFFFF00FF, v18  }
0x200: {  	s2 =	simm.s32 $0x0;
	vm7 =	vmand vm4, vm5;
	v25 =	vand.u32 v25, v26;
	v26 =	vsel vm1, $0xFF00FFFF, v18  }
0x201: {  	v27 =	vmov s2;
	v25 =	vand.u32 v26, v25;
	v26 =	vsel vm7, $0xFFFFFF, v18;
	s23 =	spop (drf)  }
0x202: {  	s24 =	simm.s32 $0x10;
	s2 =	smov.u32 s7;
	v27 =	vshll.u32 v27, $0x2;
	v25 =	vand.u32 v26, v25;
	p0 =	seq.s32 s23, $0x0  }
0x203: {  	v26 =	vor.u32 v17, v27;
	v24 =	vand.u32 v24, v25;
	v25 =	vmov s24;
	s2 =	simm.s32 @p0 $0x0  }
0x204: {  	s0 =	sadd.s32 $0x10, s0;
	v27 =	vor.u32 $0x3, v26;
	vm8 =	vge.u32 v26, v3;
	vm9 =	vle.u32 v26, v8;
	s2 =	ssub.s32 $0x0, s2  }
0x205: {  	s1 =	simm.s32 $0x2280;
	vm10 =	vlt.u32 v26, v8;
	[tilespmem:s0+$0x0] =	vst v24;
	v24 =	vor.u32 $0x1, v26;
	v26 =	vor.u32 $0x2, v26;
	p0 =	sne.s32 s23, s2  }
0x206: {  	p1 =	sge.s32 s3, s30;
	vm11 =	vge.u32 v27, v3;
	vm0 =	vmand vm8, vm9;
	vm13 =	vle.u32 v27, v8;
	s1 =	simm.s32 @!p0 $0x1580  }
0x207: {  	s25 =	rddreg [dreg:$0x1a];
	s26 =	simm.s32 $0x1100;
	v25 =	vshll.u32 v25, $0x2;
	vm12 =	vge.u32 v24, v3;
	vm14 =	vge.u32 v26, v3;
	s1 =	simm.s32 @p1 $0x2280  }
0x208: {  	vm15 =	vle.u32 v26, v8;
	v26 =	vsel vm0, $0xFFFFFF00, v18;
	vm6 =	vmand vm11, vm13;
	[hbm4b:s25+s5] =	stream.strided.scatter [tilespmem:s1], [sflag:$0x3], $0x400, s9, s5, $0x38;
	[tilespmem:$0x3D80] =	vst v63  }
0x209: {  	v25 =	vor.u32 v17, v25;
	vm1 =	vmand vm10, vm12;
	vm2 =	vmand vm14, vm15;
	v24 =	vld [tilespmem:s26+$0x0]  }
0x20a: {  	v28 =	vor.u32 $0x3, v25;
	vm7 =	vge.u32 v25, v3;
	v27 =	vsel vm1, $0xFFFF00FF, v18  }
0x20b: {  	vm8 =	vle.u32 v25, v8;
	v26 =	vand.u32 v26, v27;
	v27 =	vsel vm2, $0xFF00FFFF, v18  }
0x20c: {  	vm9 =	vlt.u32 v25, v8;
	v26 =	vand.u32 v27, v26;
	v27 =	vsel vm6, $0xFFFFFF, v18  }
0x20d: {  	vm0 =	vmand vm7, vm8;
	vm10 =	vge.u32 v28, v3;
	v26 =	vand.u32 v27, v26  }
0x20e: {  	s31 =	simm.s32 $0x20;
	vm12 =	vle.u32 v28, v8;
	s1 =	simm.s32 $0x2700;
	v24 =	vand.u32 v24, v26;
	v26 =	vor.u32 $0x1, v25  }
0x20f: {  	s6 =	simm.s32 $0x1980;
	s13 =	simm.s32 $0x1E00;
	s0 =	simm.s32 $0x1110;
	vm15 =	vmand vm10, vm12;
	v25 =	vor.u32 $0x2, v25;
	vm11 =	vge.u32 v26, v3;
	[tilespmem:s1+$0x0] =	vst v24  }
0x210: {  	s14 =	simm.s32 $0x2280;
	s15 =	simm.s32 $0x2700;
	s16 =	simm.s32 $0x2B80;
	vm13 =	vge.u32 v25, v3;
	vm14 =	vle.u32 v25, v8;
	vm2 =	vmand vm9, vm11;
	v24 =	vld [tilespmem:s0+$0x0]  }
0x211: {  	s17 =	simm.s32 $0x3000;
	s18 =	simm.s32 $0x3480;
	s19 =	simm.s32 $0x3900;
	v25 =	vsel vm0, $0xFFFFFF00, v18;
	vm3 =	vmand vm13, vm14;
	v26 =	vsel vm2, $0xFFFF00FF, v18  }
0x212: {  	s20 =	simm.s32 $0x1;
	s21 =	simm.s32 $0x2;
	s28 =	simm.s32 $0x7;
	v27 =	vmov s31;
	v25 =	vand.u32 v25, v26;
	v26 =	vsel vm3, $0xFF00FFFF, v18  }
0x213: {  	s29 =	simm.s32 $0x8;
	s24 =	simm.s32 $0x4;
	v63 =	vsel vm15, $0xFFFFFF, v18;
	s2 =	simm.s32 $0x30;
	v27 =	vshll.u32 v27, $0x2;
	v26 =	vand.u32 v26, v25  }
0x214: {  	s23 =	simm.s32 $0x3;
	s25 =	simm.s32 $0x5;
	s26 =	simm.s32 $0x6;
	v25 =	vor.u32 v17, v27;
	v26 =	vand.u32 v63, v26  }
.LBB2_10:
0x215: {  	v27 =	vmov s2;
	p0 =	sne.s32 s2, $0x400;
	v28 =	vor.u32 $0x3, v25;
	v24 =	vand.u32 v24, v26;
	s1 =	sadd.s32 $0x10, s1  }
0x216: {  	vm0 =	vge.u32 v25, v3;
	vm1 =	vle.u32 v25, v8;
	vm2 =	vlt.u32 v25, v8;
	[tilespmem:s1+$0x0] =	vst v24  }
0x217: {  	v24 =	vor.u32 $0x1, v25;
	v25 =	vor.u32 $0x2, v25;
	vm3 =	vge.u32 v28, v3  }
0x218: {  	s0 =	sadd.s32 $0x10, s0;
	vm0 =	vmand vm0, vm1;
	vm4 =	vle.u32 v28, v8;
	vm1 =	vge.u32 v24, v3  }
.Ltmp4:
0x219: {  	vm5 =	vle.u32 v25, v8;
	vm1 =	vmand vm2, vm1;
	vm2 =	vge.u32 v25, v3;
	v24 =	vld [tilespmem:s0+$0x0];
	(pc) =	sbr.rel @p0 .LBB2_10-.Ltmp4, $4  }
0x21a: {  	v25 =	vsel vm0, $0xFFFFFF00, v18;
	vm2 =	vmand vm2, vm5;
	v26 =	vsel vm1, $0xFFFF00FF, v18  }
0x21b: {  	vm0 =	vmand vm3, vm4;
	v25 =	vand.u32 v25, v26;
	v26 =	vsel vm2, $0xFF00FFFF, v18  }
0x21c: {  	v27 =	vshll.u32 v27, $0x2;
	v28 =	vsel vm0, $0xFFFFFF, v18;
	v26 =	vand.u32 v26, v25  }
0x21d: {  	s2 =	sadd.s32 $0x10, s2;
	v25 =	vor.u32 v17, v27;
	v26 =	vand.u32 v28, v26  }
0x21e: {  	s4 =	rddreg [dreg:$0x1b]  }
0x21f: {  	(drf) =	srem.u32 s4, s22;
	_ =	sdelay $0x1  }
0x220: {  	v27 =	vor.u32 $0x3, v25;
	v24 =	vand.u32 v24, v26  }
0x221: {  	vm0 =	vge.u32 v25, v3;
	vm1 =	vle.u32 v25, v8;
	vm2 =	vlt.u32 v25, v8  }
0x222: {  	s1 =	sadd.s32 $0x10, s1;
	v26 =	vor.u32 $0x1, v25;
	v25 =	vor.u32 $0x2, v25;
	vm3 =	vge.u32 v27, v3  }
0x223: {  	s0 =	sadd.s32 $0x10, s0;
	[tilespmem:s1+$0x0] =	vst v24;
	vm0 =	vmand vm0, vm1;
	vm11 =	vge.u32 v26, v3;
	vm4 =	vle.u32 v27, v8  }
0x224: {  	vm12 =	vge.u32 v25, v3;
	vm5 =	vle.u32 v25, v8;
	v24 =	vld [tilespmem:s0+$0x0];
	vm1 =	vmand vm2, vm11  }
0x225: {  	vm2 =	vmand vm12, vm5;
	v25 =	vsel vm0, $0xFFFFFF00, v18;
	v26 =	vsel vm1, $0xFFFF00FF, v18  }
0x226: {  	s3 =	simm.s32 $0x0;
	vm13 =	vmand vm3, vm4;
	v25 =	vand.u32 v25, v26;
	v26 =	vsel vm2, $0xFF00FFFF, v18  }
0x227: {  	v27 =	vmov s3;
	v25 =	vand.u32 v26, v25;
	v26 =	vsel vm13, $0xFFFFFF, v18;
	s31 =	spop (drf)  }
0x228: {  	s2 =	smov.u32 s7;
	s12 =	simm.s32 $0x10;
	v25 =	vand.u32 v26, v25;
	v26 =	vshll.u32 v27, $0x2;
	p0 =	seq.s32 s31, $0x0  }
0x229: {  	s1 =	sadd.s32 $0x10, s1;
	v27 =	vmov s12;
	v24 =	vand.u32 v24, v25;
	v25 =	vor.u32 v17, v26;
	s2 =	simm.s32 @p0 $0x0  }
0x22a: {  	[tilespmem:s1+$0x0] =	vst v24;
	vm14 =	vge.u32 v25, v7;
	vm15 =	vle.u32 v25, v9;
	v24 =	vor.u32 $0x3, v25;
	s2 =	ssub.s32 $0x0, s2  }
0x22b: {  	s0 =	simm.s32 $0x2700;
	v26 =	vor.u32 $0x1, v25;
	vm8 =	vlt.u32 v25, v9;
	v25 =	vor.u32 $0x2, v25;
	p0 =	sne.s32 s31, s2  }
0x22c: {  	p1 =	sge.s32 s4, s30;
	vm9 =	vge.u32 v26, v7;
	vm10 =	vge.u32 v24, v7;
	vm11 =	vle.u32 v24, v9;
	s0 =	simm.s32 @!p0 $0x1580  }
0x22d: {  	s8 =	rddreg [dreg:$0x1c];
	s10 =	simm.s32 $0x1100;
	vm0 =	vmand vm14, vm15;
	vm13 =	vge.u32 v25, v7;
	vm12 =	vmand vm8, vm9;
	s0 =	simm.s32 @p1 $0x2700  }
0x22e: {  	vm2 =	vmand vm8, vm13;
	v25 =	vsel vm0, $0xFFFFFF00, v18;
	v26 =	vsel vm12, $0xFFFF00FF, v18;
	[hbm4b:s8+s5] =	stream.strided.scatter [tilespmem:s0], [sflag:$0x4], $0x400, s9, s5, $0x38;
	[tilespmem:$0x3D80] =	vst v63  }
0x22f: {  	vm14 =	vmand vm10, vm11;
	v25 =	vand.u32 v25, v26;
	v26 =	vsel vm2, $0xFF00FFFF, v18;
	v24 =	vld [tilespmem:s10+$0x0]  }
0x230: {  	v27 =	vshll.u32 v27, $0x2;
	v25 =	vand.u32 v26, v25;
	v26 =	vsel vm14, $0xFFFFFF, v18  }
0x231: {  	v25 =	vand.u32 v26, v25;
	v26 =	vor.u32 v17, v27  }
0x232: {  	vm15 =	vge.u32 v26, v7  }
0x233: {  	vm8 =	vle.u32 v26, v9;
	v27 =	vor.u32 $0x1, v26;
	vm9 =	vlt.u32 v26, v9  }
0x234: {  	vm10 =	vge.u32 v27, v7;
	vm0 =	vmand vm15, vm8;
	s0 =	simm.s32 $0x2B80;
	v24 =	vand.u32 v24, v25  }
0x235: {  	s1 =	simm.s32 $0x1110;
	vm13 =	vmand vm9, vm10;
	v25 =	vor.u32 $0x3, v26;
	v26 =	vor.u32 $0x2, v26;
	[tilespmem:s0+$0x0] =	vst v24  }
0x236: {  	vm11 =	vge.u32 v25, v7;
	vm12 =	vle.u32 v25, v9;
	vm14 =	vge.u32 v26, v7;
	v24 =	vld [tilespmem:s1+$0x0]  }
0x237: {  	v25 =	vsel vm0, $0xFFFFFF00, v18;
	v26 =	vsel vm13, $0xFFFF00FF, v18;
	vm2 =	vmand vm9, vm14  }
0x238: {  	s31 =	simm.s32 $0x20;
	vm15 =	vmand vm11, vm12;
	v25 =	vand.u32 v25, v26;
	v26 =	vsel vm2, $0xFF00FFFF, v18  }
0x239: {  	v27 =	vmov s31;
	v28 =	vsel vm15, $0xFFFFFF, v18;
	v26 =	vand.u32 v26, v25  }
0x23a: {  	s2 =	simm.s32 $0x30;
	v25 =	vshll.u32 v27, $0x2;
	v26 =	vand.u32 v28, v26  }
.LBB2_12:
0x23b: {  	p0 =	sne.s32 s2, $0x400;
	v25 =	vor.u32 v17, v25;
	v24 =	vand.u32 v24, v26;
	s0 =	sadd.s32 $0x10, s0  }
0x23c: {  	vm0 =	vge.u32 v25, v7;
	vm1 =	vle.u32 v25, v9;
	v26 =	vor.u32 $0x3, v25;
	[tilespmem:s0+$0x0] =	vst v24  }
0x23d: {  	v24 =	vor.u32 $0x1, v25;
	vm2 =	vlt.u32 v25, v9;
	v25 =	vor.u32 $0x2, v25  }
0x23e: {  	s1 =	sadd.s32 $0x10, s1;
	vm3 =	vge.u32 v24, v7;
	vm4 =	vge.u32 v26, v7;
	vm5 =	vle.u32 v26, v9  }
.Ltmp5:
0x23f: {  	vm0 =	vmand vm0, vm1;
	vm1 =	vmand vm2, vm3;
	vm3 =	vge.u32 v25, v7;
	v24 =	vld [tilespmem:s1+$0x0];
	(pc) =	sbr.rel @p0 .LBB2_12-.Ltmp5, $4  }
0x240: {  	v25 =	vsel vm0, $0xFFFFFF00, v18;
	vm2 =	vmand vm2, vm3;
	v26 =	vsel vm1, $0xFFFF00FF, v18  }
0x241: {  	vm0 =	vmand vm4, vm5;
	v25 =	vand.u32 v25, v26;
	v26 =	vsel vm2, $0xFF00FFFF, v18  }
0x242: {  	v27 =	vmov s2;
	v28 =	vsel vm0, $0xFFFFFF, v18;
	v26 =	vand.u32 v26, v25  }
0x243: {  	s2 =	sadd.s32 $0x10, s2;
	v25 =	vshll.u32 v27, $0x2;
	v26 =	vand.u32 v28, v26  }
0x244: {  	s3 =	rddreg [dreg:$0x1d]  }
0x245: {  	(drf) =	srem.u32 s3, s22;
	_ =	sdelay $0x1  }
0x246: {  	v25 =	vor.u32 v17, v25;
	v24 =	vand.u32 v24, v26  }
0x247: {  	vm0 =	vge.u32 v25, v7;
	vm1 =	vle.u32 v25, v9;
	v26 =	vor.u32 $0x3, v25  }
0x248: {  	s0 =	sadd.s32 $0x10, s0;
	v27 =	vor.u32 $0x1, v25;
	vm2 =	vlt.u32 v25, v9;
	v25 =	vor.u32 $0x2, v25  }
0x249: {  	s1 =	sadd.s32 $0x10, s1;
	[tilespmem:s0+$0x0] =	vst v24;
	vm3 =	vge.u32 v27, v7;
	vm4 =	vge.u32 v26, v7;
	vm0 =	vmand vm0, vm1  }
0x24a: {  	vm15 =	vge.u32 v25, v7;
	vm5 =	vle.u32 v26, v9;
	v24 =	vld [tilespmem:s1+$0x0];
	vm3 =	vmand vm2, vm3  }
0x24b: {  	vm1 =	vmand vm2, vm15;
	v25 =	vsel vm0, $0xFFFFFF00, v18;
	v26 =	vsel vm3, $0xFFFF00FF, v18  }
0x24c: {  	s2 =	simm.s32 $0x0;
	vm7 =	vmand vm4, vm5;
	v25 =	vand.u32 v25, v26;
	v26 =	vsel vm1, $0xFF00FFFF, v18  }
0x24d: {  	v27 =	vmov s2;
	v25 =	vand.u32 v26, v25;
	v26 =	vsel vm7, $0xFFFFFF, v18;
	s4 =	spop (drf)  }
0x24e: {  	s8 =	simm.s32 $0x10;
	s2 =	smov.u32 s7;
	v27 =	vshll.u32 v27, $0x2;
	v25 =	vand.u32 v26, v25;
	p0 =	seq.s32 s4, $0x0  }
0x24f: {  	v26 =	vor.u32 v17, v27;
	v24 =	vand.u32 v24, v25;
	v25 =	vmov s8;
	s2 =	simm.s32 @p0 $0x0  }
0x250: {  	s0 =	sadd.s32 $0x10, s0;
	v27 =	vor.u32 $0x3, v26;
	vm8 =	vge.u32 v26, v10;
	vm9 =	vle.u32 v26, v11;
	s2 =	ssub.s32 $0x0, s2  }
0x251: {  	s1 =	simm.s32 $0x2B80;
	vm10 =	vlt.u32 v26, v11;
	[tilespmem:s0+$0x0] =	vst v24;
	v24 =	vor.u32 $0x1, v26;
	v26 =	vor.u32 $0x2, v26;
	p0 =	sne.s32 s4, s2  }
0x252: {  	p1 =	sge.s32 s3, s30;
	vm11 =	vge.u32 v27, v10;
	vm0 =	vmand vm8, vm9;
	vm13 =	vle.u32 v27, v11;
	s1 =	simm.s32 @!p0 $0x1580  }
0x253: {  	s10 =	rddreg [dreg:$0x1e];
	s12 =	simm.s32 $0x1100;
	v25 =	vshll.u32 v25, $0x2;
	vm12 =	vge.u32 v24, v10;
	vm14 =	vge.u32 v26, v10;
	s1 =	simm.s32 @p1 $0x2B80  }
0x254: {  	vm15 =	vle.u32 v26, v11;
	v26 =	vsel vm0, $0xFFFFFF00, v18;
	vm6 =	vmand vm11, vm13;
	[hbm4b:s10+s5] =	stream.strided.scatter [tilespmem:s1], [sflag:$0x5], $0x400, s9, s5, $0x38;
	[tilespmem:$0x3D80] =	vst v63  }
0x255: {  	v25 =	vor.u32 v17, v25;
	vm1 =	vmand vm10, vm12;
	vm2 =	vmand vm14, vm15;
	v24 =	vld [tilespmem:s12+$0x0]  }
0x256: {  	v28 =	vor.u32 $0x3, v25;
	vm7 =	vge.u32 v25, v10;
	v27 =	vsel vm1, $0xFFFF00FF, v18  }
0x257: {  	vm8 =	vle.u32 v25, v11;
	v26 =	vand.u32 v26, v27;
	v27 =	vsel vm2, $0xFF00FFFF, v18  }
0x258: {  	vm9 =	vlt.u32 v25, v11;
	v26 =	vand.u32 v27, v26;
	v27 =	vsel vm6, $0xFFFFFF, v18  }
0x259: {  	vm0 =	vmand vm7, vm8;
	vm10 =	vge.u32 v28, v10;
	v26 =	vand.u32 v27, v26  }
0x25a: {  	vm12 =	vle.u32 v28, v11;
	s1 =	simm.s32 $0x3000;
	v24 =	vand.u32 v24, v26;
	v26 =	vor.u32 $0x1, v25  }
0x25b: {  	s0 =	simm.s32 $0x1110;
	vm15 =	vmand vm10, vm12;
	v25 =	vor.u32 $0x2, v25;
	vm11 =	vge.u32 v26, v10;
	[tilespmem:s1+$0x0] =	vst v24  }
0x25c: {  	vm13 =	vge.u32 v25, v10;
	vm14 =	vle.u32 v25, v11;
	vm2 =	vmand vm9, vm11;
	v24 =	vld [tilespmem:s0+$0x0]  }
0x25d: {  	s31 =	simm.s32 $0x20;
	v25 =	vsel vm0, $0xFFFFFF00, v18;
	vm3 =	vmand vm13, vm14;
	v26 =	vsel vm2, $0xFFFF00FF, v18  }
0x25e: {  	v27 =	vmov s31;
	v25 =	vand.u32 v25, v26;
	v26 =	vsel vm3, $0xFF00FFFF, v18  }
0x25f: {  	v63 =	vsel vm15, $0xFFFFFF, v18;
	v27 =	vshll.u32 v27, $0x2;
	v26 =	vand.u32 v26, v25  }
0x260: {  	s2 =	simm.s32 $0x30;
	v25 =	vor.u32 v17, v27;
	v26 =	vand.u32 v63, v26  }
.LBB2_14:
0x261: {  	v27 =	vmov s2;
	p0 =	sne.s32 s2, $0x400;
	v28 =	vor.u32 $0x3, v25;
	v24 =	vand.u32 v24, v26;
	s1 =	sadd.s32 $0x10, s1  }
0x262: {  	vm0 =	vge.u32 v25, v10;
	vm1 =	vle.u32 v25, v11;
	vm2 =	vlt.u32 v25, v11;
	[tilespmem:s1+$0x0] =	vst v24  }
0x263: {  	v24 =	vor.u32 $0x1, v25;
	v25 =	vor.u32 $0x2, v25;
	vm3 =	vge.u32 v28, v10  }
0x264: {  	s0 =	sadd.s32 $0x10, s0;
	vm0 =	vmand vm0, vm1;
	vm4 =	vle.u32 v28, v11;
	vm1 =	vge.u32 v24, v10  }
.Ltmp6:
0x265: {  	vm5 =	vle.u32 v25, v11;
	vm1 =	vmand vm2, vm1;
	vm2 =	vge.u32 v25, v10;
	v24 =	vld [tilespmem:s0+$0x0];
	(pc) =	sbr.rel @p0 .LBB2_14-.Ltmp6, $4  }
0x266: {  	v25 =	vsel vm0, $0xFFFFFF00, v18;
	vm2 =	vmand vm2, vm5;
	v26 =	vsel vm1, $0xFFFF00FF, v18  }
0x267: {  	vm0 =	vmand vm3, vm4;
	v25 =	vand.u32 v25, v26;
	v26 =	vsel vm2, $0xFF00FFFF, v18  }
0x268: {  	v27 =	vshll.u32 v27, $0x2;
	v28 =	vsel vm0, $0xFFFFFF, v18;
	v26 =	vand.u32 v26, v25  }
0x269: {  	s2 =	sadd.s32 $0x10, s2;
	v25 =	vor.u32 v17, v27;
	v26 =	vand.u32 v28, v26  }
0x26a: {  	s4 =	rddreg [dreg:$0x1f]  }
0x26b: {  	(drf) =	srem.u32 s4, s22;
	_ =	sdelay $0x1  }
0x26c: {  	v27 =	vor.u32 $0x3, v25;
	v24 =	vand.u32 v24, v26  }
0x26d: {  	vm0 =	vge.u32 v25, v10;
	vm1 =	vle.u32 v25, v11;
	vm2 =	vlt.u32 v25, v11  }
0x26e: {  	s1 =	sadd.s32 $0x10, s1;
	v26 =	vor.u32 $0x1, v25;
	v25 =	vor.u32 $0x2, v25;
	vm3 =	vge.u32 v27, v10  }
0x26f: {  	s0 =	sadd.s32 $0x10, s0;
	[tilespmem:s1+$0x0] =	vst v24;
	vm0 =	vmand vm0, vm1;
	vm11 =	vge.u32 v26, v10;
	vm4 =	vle.u32 v27, v11  }
0x270: {  	vm12 =	vge.u32 v25, v10;
	vm5 =	vle.u32 v25, v11;
	v24 =	vld [tilespmem:s0+$0x0];
	vm1 =	vmand vm2, vm11  }
0x271: {  	vm2 =	vmand vm12, vm5;
	v25 =	vsel vm0, $0xFFFFFF00, v18;
	v26 =	vsel vm1, $0xFFFF00FF, v18  }
0x272: {  	s3 =	simm.s32 $0x0;
	vm13 =	vmand vm3, vm4;
	v25 =	vand.u32 v25, v26;
	v26 =	vsel vm2, $0xFF00FFFF, v18  }
0x273: {  	v27 =	vmov s3;
	v25 =	vand.u32 v26, v25;
	v26 =	vsel vm13, $0xFFFFFF, v18;
	s31 =	spop (drf)  }
0x274: {  	s2 =	smov.u32 s7;
	s12 =	simm.s32 $0x10;
	v25 =	vand.u32 v26, v25;
	v26 =	vshll.u32 v27, $0x2;
	p0 =	seq.s32 s31, $0x0  }
0x275: {  	s1 =	sadd.s32 $0x10, s1;
	v27 =	vmov s12;
	v24 =	vand.u32 v24, v25;
	v25 =	vor.u32 v17, v26;
	s2 =	simm.s32 @p0 $0x0  }
0x276: {  	[tilespmem:s1+$0x0] =	vst v24;
	vm14 =	vge.u32 v25, v12;
	vm15 =	vle.u32 v25, v13;
	v24 =	vor.u32 $0x3, v25;
	s2 =	ssub.s32 $0x0, s2  }
0x277: {  	s8 =	sld [smem:$0x7F9];
	s0 =	simm.s32 $0x3000;
	v26 =	vor.u32 $0x1, v25;
	vm8 =	vlt.u32 v25, v13;
	v25 =	vor.u32 $0x2, v25;
	p0 =	sne.s32 s31, s2  }
0x278: {  	p1 =	sge.s32 s4, s30;
	vm9 =	vge.u32 v26, v12;
	vm10 =	vge.u32 v24, v12;
	vm11 =	vle.u32 v24, v13;
	s0 =	simm.s32 @!p0 $0x1580  }
0x279: {  	s10 =	simm.s32 $0x1100;
	vm0 =	vmand vm14, vm15;
	vm13 =	vge.u32 v25, v12;
	vm12 =	vmand vm8, vm9;
	s0 =	simm.s32 @p1 $0x3000  }
0x27a: {  	vm2 =	vmand vm8, vm13;
	v25 =	vsel vm0, $0xFFFFFF00, v18;
	v26 =	vsel vm12, $0xFFFF00FF, v18;
	[hbm4b:s8+s5] =	stream.strided.scatter [tilespmem:s0], [sflag:$0x6], $0x400, s9, s5, $0x38;
	[tilespmem:$0x3D80] =	vst v63  }
0x27b: {  	vm14 =	vmand vm10, vm11;
	v25 =	vand.u32 v25, v26;
	v26 =	vsel vm2, $0xFF00FFFF, v18;
	v24 =	vld [tilespmem:s10+$0x0]  }
0x27c: {  	v27 =	vshll.u32 v27, $0x2;
	v25 =	vand.u32 v26, v25;
	v26 =	vsel vm14, $0xFFFFFF, v18  }
0x27d: {  	v25 =	vand.u32 v26, v25;
	v26 =	vor.u32 v17, v27  }
0x27e: {  	vm15 =	vge.u32 v26, v12  }
0x27f: {  	vm8 =	vle.u32 v26, v13;
	v27 =	vor.u32 $0x1, v26;
	vm9 =	vlt.u32 v26, v13  }
0x280: {  	vm10 =	vge.u32 v27, v12;
	vm0 =	vmand vm15, vm8;
	s0 =	simm.s32 $0x3480;
	v24 =	vand.u32 v24, v25  }
0x281: {  	s1 =	simm.s32 $0x1110;
	vm13 =	vmand vm9, vm10;
	v25 =	vor.u32 $0x3, v26;
	v26 =	vor.u32 $0x2, v26;
	[tilespmem:s0+$0x0] =	vst v24  }
0x282: {  	vm11 =	vge.u32 v25, v12;
	vm12 =	vle.u32 v25, v13;
	vm14 =	vge.u32 v26, v12;
	v24 =	vld [tilespmem:s1+$0x0]  }
0x283: {  	v25 =	vsel vm0, $0xFFFFFF00, v18;
	v26 =	vsel vm13, $0xFFFF00FF, v18;
	vm2 =	vmand vm9, vm14  }
0x284: {  	s31 =	simm.s32 $0x20;
	vm15 =	vmand vm11, vm12;
	v25 =	vand.u32 v25, v26;
	v26 =	vsel vm2, $0xFF00FFFF, v18  }
0x285: {  	v27 =	vmov s31;
	v28 =	vsel vm15, $0xFFFFFF, v18;
	v26 =	vand.u32 v26, v25  }
0x286: {  	s2 =	simm.s32 $0x30;
	v25 =	vshll.u32 v27, $0x2;
	v26 =	vand.u32 v28, v26  }
.LBB2_16:
0x287: {  	p0 =	sne.s32 s2, $0x400;
	v25 =	vor.u32 v17, v25;
	v24 =	vand.u32 v24, v26;
	s0 =	sadd.s32 $0x10, s0  }
0x288: {  	vm0 =	vge.u32 v25, v12;
	vm1 =	vle.u32 v25, v13;
	v26 =	vor.u32 $0x3, v25;
	[tilespmem:s0+$0x0] =	vst v24  }
0x289: {  	v24 =	vor.u32 $0x1, v25;
	vm2 =	vlt.u32 v25, v13;
	v25 =	vor.u32 $0x2, v25  }
0x28a: {  	s1 =	sadd.s32 $0x10, s1;
	vm3 =	vge.u32 v24, v12;
	vm4 =	vge.u32 v26, v12;
	vm5 =	vle.u32 v26, v13  }
.Ltmp7:
0x28b: {  	vm0 =	vmand vm0, vm1;
	vm1 =	vmand vm2, vm3;
	vm3 =	vge.u32 v25, v12;
	v24 =	vld [tilespmem:s1+$0x0];
	(pc) =	sbr.rel @p0 .LBB2_16-.Ltmp7, $4  }
0x28c: {  	v25 =	vsel vm0, $0xFFFFFF00, v18;
	vm2 =	vmand vm2, vm3;
	v26 =	vsel vm1, $0xFFFF00FF, v18  }
0x28d: {  	vm0 =	vmand vm4, vm5;
	v25 =	vand.u32 v25, v26;
	v26 =	vsel vm2, $0xFF00FFFF, v18  }
0x28e: {  	v27 =	vmov s2;
	v28 =	vsel vm0, $0xFFFFFF, v18;
	v26 =	vand.u32 v26, v25  }
0x28f: {  	s2 =	sadd.s32 $0x10, s2;
	v25 =	vshll.u32 v27, $0x2;
	v26 =	vand.u32 v28, v26  }
0x290: {  	s3 =	sld [smem:$0x7F8];
	_ =	sdelay $0x2  }
0x291: {  	(drf) =	srem.u32 s3, s22;
	_ =	sdelay $0x1  }
0x292: {  	v25 =	vor.u32 v17, v25;
	v24 =	vand.u32 v24, v26  }
0x293: {  	vm0 =	vge.u32 v25, v12;
	vm1 =	vle.u32 v25, v13;
	v26 =	vor.u32 $0x3, v25  }
0x294: {  	s0 =	sadd.s32 $0x10, s0;
	v27 =	vor.u32 $0x1, v25;
	vm2 =	vlt.u32 v25, v13;
	v25 =	vor.u32 $0x2, v25  }
0x295: {  	s1 =	sadd.s32 $0x10, s1;
	[tilespmem:s0+$0x0] =	vst v24;
	vm3 =	vge.u32 v27, v12;
	vm4 =	vge.u32 v26, v12;
	vm0 =	vmand vm0, vm1  }
0x296: {  	vm15 =	vge.u32 v25, v12;
	vm5 =	vle.u32 v26, v13;
	v24 =	vld [tilespmem:s1+$0x0];
	vm3 =	vmand vm2, vm3  }
0x297: {  	vm1 =	vmand vm2, vm15;
	v25 =	vsel vm0, $0xFFFFFF00, v18;
	v26 =	vsel vm3, $0xFFFF00FF, v18  }
0x298: {  	s2 =	simm.s32 $0x0;
	vm7 =	vmand vm4, vm5;
	v25 =	vand.u32 v25, v26;
	v26 =	vsel vm1, $0xFF00FFFF, v18  }
0x299: {  	v27 =	vmov s2;
	v25 =	vand.u32 v26, v25;
	v26 =	vsel vm7, $0xFFFFFF, v18;
	s4 =	spop (drf)  }
0x29a: {  	s8 =	simm.s32 $0x10;
	s2 =	smov.u32 s7;
	v27 =	vshll.u32 v27, $0x2;
	v25 =	vand.u32 v26, v25;
	p0 =	seq.s32 s4, $0x0  }
0x29b: {  	v26 =	vor.u32 v17, v27;
	v24 =	vand.u32 v24, v25;
	v25 =	vmov s8;
	s2 =	simm.s32 @p0 $0x0  }
0x29c: {  	s0 =	sadd.s32 $0x10, s0;
	v27 =	vor.u32 $0x3, v26;
	vm8 =	vge.u32 v26, v14;
	vm9 =	vle.u32 v26, v15;
	s2 =	ssub.s32 $0x0, s2  }
0x29d: {  	s10 =	sld [smem:$0x7FA];
	s1 =	simm.s32 $0x3480;
	vm10 =	vlt.u32 v26, v15;
	[tilespmem:s0+$0x0] =	vst v24;
	v24 =	vor.u32 $0x1, v26;
	v26 =	vor.u32 $0x2, v26;
	p0 =	sne.s32 s4, s2  }
0x29e: {  	p1 =	sge.s32 s3, s30;
	vm11 =	vge.u32 v27, v14;
	vm0 =	vmand vm8, vm9;
	vm13 =	vle.u32 v27, v15;
	s1 =	simm.s32 @!p0 $0x1580  }
0x29f: {  	s12 =	simm.s32 $0x1100;
	v25 =	vshll.u32 v25, $0x2;
	vm12 =	vge.u32 v24, v14;
	vm14 =	vge.u32 v26, v14;
	s1 =	simm.s32 @p1 $0x3480  }
0x2a0: {  	vm15 =	vle.u32 v26, v15;
	v26 =	vsel vm0, $0xFFFFFF00, v18;
	vm6 =	vmand vm11, vm13;
	[hbm4b:s10+s5] =	stream.strided.scatter [tilespmem:s1], [sflag:$0x7], $0x400, s9, s5, $0x38;
	[tilespmem:$0x3D80] =	vst v63  }
0x2a1: {  	v25 =	vor.u32 v17, v25;
	vm1 =	vmand vm10, vm12;
	vm2 =	vmand vm14, vm15;
	v24 =	vld [tilespmem:s12+$0x0]  }
0x2a2: {  	v28 =	vor.u32 $0x3, v25;
	vm7 =	vge.u32 v25, v14;
	v27 =	vsel vm1, $0xFFFF00FF, v18  }
0x2a3: {  	vm8 =	vle.u32 v25, v15;
	v26 =	vand.u32 v26, v27;
	v27 =	vsel vm2, $0xFF00FFFF, v18  }
0x2a4: {  	vm9 =	vlt.u32 v25, v15;
	v26 =	vand.u32 v27, v26;
	v27 =	vsel vm6, $0xFFFFFF, v18  }
0x2a5: {  	vm0 =	vmand vm7, vm8;
	vm10 =	vge.u32 v28, v14;
	v26 =	vand.u32 v27, v26  }
0x2a6: {  	vm12 =	vle.u32 v28, v15;
	s1 =	simm.s32 $0x3900;
	v24 =	vand.u32 v24, v26;
	v26 =	vor.u32 $0x1, v25  }
0x2a7: {  	s0 =	simm.s32 $0x1110;
	vm15 =	vmand vm10, vm12;
	v25 =	vor.u32 $0x2, v25;
	vm11 =	vge.u32 v26, v14;
	[tilespmem:s1+$0x0] =	vst v24  }
0x2a8: {  	vm13 =	vge.u32 v25, v14;
	vm14 =	vle.u32 v25, v15;
	vm2 =	vmand vm9, vm11;
	v24 =	vld [tilespmem:s0+$0x0]  }
0x2a9: {  	s31 =	simm.s32 $0x20;
	v25 =	vsel vm0, $0xFFFFFF00, v18;
	vm3 =	vmand vm13, vm14;
	v26 =	vsel vm2, $0xFFFF00FF, v18  }
0x2aa: {  	v27 =	vmov s31;
	v25 =	vand.u32 v25, v26;
	v26 =	vsel vm3, $0xFF00FFFF, v18  }
0x2ab: {  	v63 =	vsel vm15, $0xFFFFFF, v18;
	v27 =	vshll.u32 v27, $0x2;
	v26 =	vand.u32 v26, v25  }
0x2ac: {  	s2 =	simm.s32 $0x30;
	v25 =	vor.u32 v17, v27;
	v26 =	vand.u32 v63, v26  }
.LBB2_18:
0x2ad: {  	v27 =	vmov s2;
	p0 =	sne.s32 s2, $0x400;
	v28 =	vor.u32 $0x3, v25;
	v24 =	vand.u32 v24, v26;
	s1 =	sadd.s32 $0x10, s1  }
0x2ae: {  	vm0 =	vge.u32 v25, v14;
	vm1 =	vle.u32 v25, v15;
	vm2 =	vlt.u32 v25, v15;
	[tilespmem:s1+$0x0] =	vst v24  }
0x2af: {  	v24 =	vor.u32 $0x1, v25;
	v25 =	vor.u32 $0x2, v25;
	vm3 =	vge.u32 v28, v14  }
0x2b0: {  	s0 =	sadd.s32 $0x10, s0;
	vm0 =	vmand vm0, vm1;
	vm4 =	vle.u32 v28, v15;
	vm1 =	vge.u32 v24, v14  }
.Ltmp8:
0x2b1: {  	vm5 =	vle.u32 v25, v15;
	vm1 =	vmand vm2, vm1;
	vm2 =	vge.u32 v25, v14;
	v24 =	vld [tilespmem:s0+$0x0];
	(pc) =	sbr.rel @p0 .LBB2_18-.Ltmp8, $4  }
0x2b2: {  	v25 =	vsel vm0, $0xFFFFFF00, v18;
	vm2 =	vmand vm2, vm5;
	v26 =	vsel vm1, $0xFFFF00FF, v18  }
0x2b3: {  	vm0 =	vmand vm3, vm4;
	v25 =	vand.u32 v25, v26;
	v26 =	vsel vm2, $0xFF00FFFF, v18  }
0x2b4: {  	v27 =	vshll.u32 v27, $0x2;
	v28 =	vsel vm0, $0xFFFFFF, v18;
	v26 =	vand.u32 v26, v25  }
0x2b5: {  	s2 =	sadd.s32 $0x10, s2;
	v25 =	vor.u32 v17, v27;
	v26 =	vand.u32 v28, v26  }
0x2b6: {  	s3 =	sld [smem:$0x7FB];
	_ =	sdelay $0x2  }
0x2b7: {  	(drf) =	srem.u32 s3, s22;
	_ =	sdelay $0x4  }
0x2b8: {  	v27 =	vor.u32 $0x3, v25;
	v24 =	vand.u32 v24, v26  }
0x2b9: {  	vm0 =	vge.u32 v25, v14;
	vm1 =	vle.u32 v25, v15;
	vm2 =	vlt.u32 v25, v15  }
0x2ba: {  	s1 =	sadd.s32 $0x10, s1;
	v58 =	vor.u32 $0x1, v25;
	v59 =	vor.u32 $0x2, v25;
	vm3 =	vge.u32 v27, v14  }
0x2bb: {  	s0 =	sadd.s32 $0x10, s0;
	[tilespmem:s1+$0x0] =	vst v24;
	vm0 =	vmand vm0, vm1;
	vm13 =	vge.u32 v58, v14;
	vm4 =	vle.u32 v27, v15  }
0x2bc: {  	vm14 =	vge.u32 v59, v14;
	vm5 =	vle.u32 v59, v15;
	v24 =	vld [tilespmem:s0+$0x0];
	vm1 =	vmand vm2, vm13;
	s12 =	spop (drf)  }
0x2bd: {  	s2 =	smov.u32 s7;
	vm2 =	vmand vm14, vm5;
	v60 =	vsel vm0, $0xFFFFFF00, v18;
	v61 =	vsel vm1, $0xFFFF00FF, v18;
	p0 =	seq.s32 s12, $0x0  }
0x2be: {  	vm15 =	vmand vm3, vm4;
	v62 =	vsel vm2, $0xFF00FFFF, v18;
	v25 =	vand.u32 v60, v61;
	s2 =	simm.s32 @p0 $0x0  }
0x2bf: {  	s31 =	sld [smem:$0x7FC];
	v63 =	vsel vm15, $0xFFFFFF, v18;
	v25 =	vand.u32 v62, v25;
	s2 =	ssub.s32 $0x0, s2  }
0x2c0: {  	s8 =	simm.s32 $0x0;
	s0 =	simm.s32 $0x3900;
	v25 =	vand.u32 v63, v25;
	p0 =	sne.s32 s12, s2  }
0x2c1: {  	s1 =	sadd.s32 $0x10, s1;
	p1 =	sge.s32 s3, s30;
	v24 =	vand.u32 v24, v25;
	s0 =	simm.s32 @!p0 $0x1580  }
0x2c2: {  	s10 =	rddreg [dreg:$0x2];
	[tilespmem:s1+$0x0] =	vst v24;
	s12 =	simm.s32 $0x0;
	s0 =	simm.s32 @p1 $0x3900  }
0x2c3: {  	[hbm4b:s31+s5] =	stream.strided.scatter [tilespmem:s0], [sflag:$0x8], $0x400, s9, s5, $0x38;
	[tilespmem:$0x3D80] =	vst v63  }
.LBB2_20:
0x2c4: {  	s0 =	sadd.s32 s12, s11  }
0x2c5: {  	_ =	swait.ge [sflag:s20], $0x400;
	s2 =	sadd.s32 $0x8, s0  }
0x2c6: {  	s1 =	rddreg [dreg:$0x13];
	p0 =	slt.u32 s2, $0x88  }
0x2c7: {  	s3 =	sshra.s32 s2, $0x1F;
	s1 =	sadd.s32 @!p0 s8, s1;
	v24 =	vlaneseq.u32 @!p0  }
0x2c8: {  	s4 =	sxor.u32 s3, s2;
	v24 =	vadd.s32 @!p0 s1, v24  }
0x2c9: {  	s1 =	ssub.s32 s4, s3  }
0x2ca: {  	(drf) =	srem.u32 s1, s22  }
0x2cb: {  	[sflag:s20] =	ssyncset.done $0x0  }
0x2cc: {  	[sflag:s20] =	ssyncadd.s32 $0xFFFFFC00;
	s1 =	simm.s32 @!p0 $0x1100  }
0x2cd: {  	v25 =	vld.idx.msk @!p0 [tilespmem:v24+s1+$0x0], $0xffff;
	s1 =	simm.s32 @!p0 $0x1980  }
0x2ce: {  	v26 =	vld.idx.msk @!p0 [tilespmem:v24+s1+$0x0], $0xffff  }
0x2cf: {  	s4 =	sshra.s32 s0, $0x2  }
0x2d0: {  	v27 =	vadd.s32 s4, v16;
	_ =	sdelay $0x1  }
0x2d1: {  	vm0 =	vmmov @!p0 $0x3  }
0x2d2: {  	s31 =	spop (drf);
	v25 =	vsel @!p0 vm0, v25, v26  }
0x2d3: {  	s4 =	sxor.u32 s3, s31;
	[tilespmem:v24+s1+$0x0] =	vst.idx.msk @!p0 $0xffff, v25  }
0x2d4: {  	s1 =	ssub.s32 s4, s3;
	v24 =	vld.idx.msk [tilespmem:v27+s6+$0x0], $0xffff  }
0x2d5: {  	s3 =	smov.u32 s7;
	p0 =	seq.s32 s1, $0x0  }
0x2d6: {  	s3 =	simm.s32 @p0 $0x0  }
0x2d7: {  	s3 =	ssub.s32 $0x0, s3  }
0x2d8: {  	p0 =	sne.s32 s1, s3;
	s1 =	simm.s32 $0x1980  }
0x2d9: {  	p1 =	sge.s32 s2, s30;
	s31 =	rddreg [dreg:$0x14];
	s1 =	simm.s32 @!p0 $0x1580;
	v24 =	vand.u32 v21, v24  }
0x2da: {  	s3 =	sadd.s32 s10, s31;
	s1 =	simm.s32 @p1 $0x1980;
	[tilespmem:v27+s6+$0x0] =	vst.idx.msk $0xffff, v24  }
0x2db: {  	[hbm4b:s3+s5] =	stream.strided.scatter [tilespmem:s1], [sflag:$0x1], $0x400, s9, s5, $0x38;
	[tilespmem:$0x3D80] =	vst v63  }
0x2dc: {  	s2 =	sadd.s32 $0x9, s0;
	_ =	swait.ge [sflag:s21], $0x400  }
0x2dd: {  	p0 =	slt.u32 s2, $0x88;
	s1 =	rddreg [dreg:$0x11]  }
0x2de: {  	v24 =	vlaneseq.u32 @!p0;
	s1 =	sadd.s32 @!p0 s8, s1  }
0x2df: {  	v24 =	vadd.s32 @!p0 s1, v24;
	s1 =	sshra.s32 s2, $0x1F  }
0x2e0: {  	s4 =	sxor.u32 s1, s2  }
0x2e1: {  	s3 =	ssub.s32 s4, s1  }
0x2e2: {  	[sflag:s21] =	ssyncset.done $0x0;
	(drf) =	srem.u32 s3, s22  }
0x2e3: {  	[sflag:s21] =	ssyncadd.s32 $0xFFFFFC00;
	s3 =	simm.s32 @!p0 $0x1100  }
0x2e4: {  	v25 =	vld.idx.msk @!p0 [tilespmem:v24+s3+$0x0], $0xffff;
	s3 =	simm.s32 @!p0 $0x1E00  }
0x2e5: {  	vm0 =	vcmask @!p0 $0x300;
	v26 =	vld.idx.msk @!p0 [tilespmem:v24+s3+$0x0], $0xffff  }
0x2e6: {  	s31 =	sadd.s32 $0x2, s0;
	vm1 =	vcmask @!p0 $0x704;
	v28 =	vimm.s32 @!p0 $0x0;
	v27 =	vimm.s32 @!p0 $0xFFFFFFFF  }
0x2e7: {  	v28 =	vsel @!p0 vm0, $0xFFFFFF00, v28;
	v27 =	vsel @!p0 vm0, $0xFF, v27;
	vm0 =	vcmask @!p0 $0xB08;
	s4 =	sshra.s32 s31, $0x2  }
0x2e8: {  	v28 =	vsel @!p0 vm1, $0xFFFFFFFF, v28;
	v27 =	vsel @!p0 vm1, $0x0, v27;
	v29 =	vadd.s32 s4, v16  }
0x2e9: {  	v28 =	vsel @!p0 vm0, $0xFF, v28;
	v27 =	vsel @!p0 vm0, $0xFFFFFF00, v27  }
0x2ea: {  	v25 =	vand.u32 @!p0 v28, v25;
	v26 =	vand.u32 @!p0 v27, v26  }
0x2eb: {  	v25 =	vor.u32 @!p0 v25, v26;
	s31 =	spop (drf)  }
0x2ec: {  	[tilespmem:v24+s3+$0x0] =	vst.idx.msk @!p0 $0xffff, v25;
	s4 =	sxor.u32 s1, s31  }
0x2ed: {  	v24 =	vld.idx.msk [tilespmem:v29+s13+$0x0], $0xffff;
	s1 =	ssub.s32 s4, s1  }
0x2ee: {  	s3 =	smov.u32 s7;
	p0 =	seq.s32 s1, $0x0  }
0x2ef: {  	s3 =	simm.s32 @p0 $0x0  }
0x2f0: {  	s3 =	ssub.s32 $0x0, s3  }
0x2f1: {  	p0 =	sne.s32 s1, s3;
	s1 =	simm.s32 $0x1E00  }
0x2f2: {  	p1 =	sge.s32 s2, s30;
	s31 =	rddreg [dreg:$0x12];
	v24 =	vand.u32 v22, v24;
	s1 =	simm.s32 @!p0 $0x1580  }
0x2f3: {  	s3 =	sadd.s32 s10, s31;
	[tilespmem:v29+s13+$0x0] =	vst.idx.msk $0xffff, v24;
	s1 =	simm.s32 @p1 $0x1E00  }
0x2f4: {  	[hbm4b:s3+s5] =	stream.strided.scatter [tilespmem:s1], [sflag:$0x2], $0x400, s9, s5, $0x38;
	[tilespmem:$0x3D80] =	vst v63  }
0x2f5: {  	s2 =	sadd.s32 $0xA, s0;
	_ =	swait.ge [sflag:s23], $0x400  }
0x2f6: {  	p0 =	slt.u32 s2, $0x88;
	s1 =	rddreg [dreg:$0xf]  }
0x2f7: {  	v24 =	vlaneseq.u32 @!p0;
	s1 =	sadd.s32 @!p0 s8, s1  }
0x2f8: {  	v24 =	vadd.s32 @!p0 s1, v24;
	s1 =	sshra.s32 s2, $0x1F  }
0x2f9: {  	s4 =	sxor.u32 s1, s2  }
0x2fa: {  	s3 =	ssub.s32 s4, s1  }
0x2fb: {  	[sflag:s23] =	ssyncset.done $0x0;
	(drf) =	srem.u32 s3, s22  }
0x2fc: {  	[sflag:s23] =	ssyncadd.s32 $0xFFFFFC00;
	s3 =	simm.s32 @!p0 $0x1100  }
0x2fd: {  	v25 =	vld.idx.msk @!p0 [tilespmem:v24+s3+$0x0], $0xffff;
	s3 =	simm.s32 @!p0 $0x2280  }
0x2fe: {  	v26 =	vld.idx.msk @!p0 [tilespmem:v24+s3+$0x0], $0xffff  }
0x2ff: {  	vm0 =	vcmask @!p0 $0x300;
	v27 =	vimm.s32 @!p0 $0xFFFFFFFF;
	v28 =	vimm.s32 @!p0 $0x0  }
0x300: {  	vm1 =	vcmask @!p0 $0x704;
	v27 =	vsel @!p0 vm0, $0xFFFF, v27;
	v28 =	vsel @!p0 vm0, $0xFFFF0000, v28  }
0x301: {  	vm0 =	vcmask @!p0 $0xB08;
	v27 =	vsel @!p0 vm1, $0x0, v27;
	v28 =	vsel @!p0 vm1, $0xFFFFFFFF, v28  }
0x302: {  	v27 =	vsel @!p0 vm0, $0xFFFF0000, v27;
	v28 =	vsel @!p0 vm0, $0xFFFF, v28  }
0x303: {  	v25 =	vand.u32 @!p0 v28, v25;
	v26 =	vand.u32 @!p0 v27, v26  }
0x304: {  	v25 =	vor.u32 @!p0 v25, v26;
	s31 =	spop (drf)  }
0x305: {  	[tilespmem:v24+s3+$0x0] =	vst.idx.msk @!p0 $0xffff, v25;
	s4 =	sxor.u32 s1, s31  }
0x306: {  	v24 =	vld.idx.msk [tilespmem:v29+s14+$0x0], $0xffff;
	s1 =	ssub.s32 s4, s1  }
0x307: {  	s3 =	smov.u32 s7;
	p0 =	seq.s32 s1, $0x0  }
0x308: {  	s3 =	simm.s32 @p0 $0x0  }
0x309: {  	s3 =	ssub.s32 $0x0, s3  }
0x30a: {  	p0 =	sne.s32 s1, s3;
	s1 =	simm.s32 $0x2280  }
0x30b: {  	p1 =	sge.s32 s2, s30;
	s31 =	rddreg [dreg:$0x10];
	v24 =	vand.u32 v23, v24;
	s1 =	simm.s32 @!p0 $0x1580  }
0x30c: {  	s3 =	sadd.s32 s10, s31;
	[tilespmem:v29+s14+$0x0] =	vst.idx.msk $0xffff, v24;
	s1 =	simm.s32 @p1 $0x2280  }
0x30d: {  	[hbm4b:s3+s5] =	stream.strided.scatter [tilespmem:s1], [sflag:$0x3], $0x400, s9, s5, $0x38;
	[tilespmem:$0x3D80] =	vst v63  }
0x30e: {  	s2 =	sadd.s32 $0xB, s0;
	_ =	swait.ge [sflag:s24], $0x400  }
0x30f: {  	p0 =	slt.u32 s2, $0x88;
	s1 =	rddreg [dreg:$0xd]  }
0x310: {  	v24 =	vlaneseq.u32 @!p0;
	s1 =	sadd.s32 @!p0 s8, s1  }
0x311: {  	v24 =	vadd.s32 @!p0 s1, v24;
	s1 =	sshra.s32 s2, $0x1F  }
0x312: {  	s4 =	sxor.u32 s1, s2  }
0x313: {  	s3 =	ssub.s32 s4, s1  }
0x314: {  	[sflag:s24] =	ssyncset.done $0x0;
	(drf) =	srem.u32 s3, s22  }
0x315: {  	[sflag:s24] =	ssyncadd.s32 $0xFFFFFC00;
	s3 =	simm.s32 @!p0 $0x1100  }
0x316: {  	v25 =	vld.idx.msk @!p0 [tilespmem:v24+s3+$0x0], $0xffff;
	s3 =	simm.s32 @!p0 $0x2700  }
0x317: {  	vm0 =	vcmask @!p0 $0x300;
	v26 =	vld.idx.msk @!p0 [tilespmem:v24+s3+$0x0], $0xffff  }
0x318: {  	s31 =	sadd.s32 $0x4, s0;
	v27 =	vimm.s32 @!p0 $0xFFFFFFFF;
	vm1 =	vcmask @!p0 $0x704;
	v28 =	vimm.s32 @!p0 $0x0  }
0x319: {  	v27 =	vsel @!p0 vm0, $0xFFFFFF, v27;
	v28 =	vsel @!p0 vm0, $0xFF000000, v28;
	vm0 =	vcmask @!p0 $0xB08;
	s4 =	sshra.s32 s31, $0x2  }
0x31a: {  	v27 =	vsel @!p0 vm1, $0x0, v27;
	v28 =	vsel @!p0 vm1, $0xFFFFFFFF, v28;
	v61 =	vadd.s32 s4, v16  }
0x31b: {  	v27 =	vsel @!p0 vm0, $0xFF000000, v27;
	v28 =	vsel @!p0 vm0, $0xFFFFFF, v28  }
0x31c: {  	v25 =	vand.u32 @!p0 v28, v25;
	v26 =	vand.u32 @!p0 v27, v26  }
0x31d: {  	v25 =	vor.u32 @!p0 v25, v26;
	s31 =	spop (drf)  }
0x31e: {  	[tilespmem:v24+s3+$0x0] =	vst.idx.msk @!p0 $0xffff, v25;
	s4 =	sxor.u32 s1, s31  }
0x31f: {  	v24 =	vld.idx.msk [tilespmem:v61+s15+$0x0], $0xffff;
	s1 =	ssub.s32 s4, s1  }
0x320: {  	s3 =	smov.u32 s7;
	p0 =	seq.s32 s1, $0x0  }
0x321: {  	s3 =	simm.s32 @p0 $0x0  }
0x322: {  	s3 =	ssub.s32 $0x0, s3  }
0x323: {  	p0 =	sne.s32 s1, s3;
	s1 =	simm.s32 $0x2700  }
0x324: {  	p1 =	sge.s32 s2, s30;
	s31 =	rddreg [dreg:$0xe];
	v24 =	vand.u32 v19, v24;
	s1 =	simm.s32 @!p0 $0x1580  }
0x325: {  	s3 =	sadd.s32 s10, s31;
	[tilespmem:v61+s15+$0x0] =	vst.idx.msk $0xffff, v24;
	s1 =	simm.s32 @p1 $0x2700  }
0x326: {  	[hbm4b:s3+s5] =	stream.strided.scatter [tilespmem:s1], [sflag:$0x4], $0x400, s9, s5, $0x38;
	[tilespmem:$0x3D80] =	vst v63  }
0x327: {  	s2 =	sadd.s32 $0xC, s0;
	_ =	swait.ge [sflag:s25], $0x400  }
0x328: {  	p0 =	slt.u32 s2, $0x88;
	s1 =	rddreg [dreg:$0xb]  }
0x329: {  	v24 =	vlaneseq.u32 @!p0;
	s3 =	sshra.s32 s2, $0x1F;
	s1 =	sadd.s32 @!p0 s8, s1  }
0x32a: {  	s4 =	sxor.u32 s3, s2;
	v24 =	vadd.s32 @!p0 s1, v24  }
0x32b: {  	s1 =	ssub.s32 s4, s3  }
0x32c: {  	(drf) =	srem.u32 s1, s22  }
0x32d: {  	[sflag:s25] =	ssyncset.done $0x0  }
0x32e: {  	[sflag:s25] =	ssyncadd.s32 $0xFFFFFC00;
	s1 =	simm.s32 @!p0 $0x1100  }
0x32f: {  	v25 =	vld.idx.msk @!p0 [tilespmem:v24+s1+$0x0], $0xffff;
	s1 =	simm.s32 @!p0 $0x2B80  }
0x330: {  	v26 =	vld.idx.msk @!p0 [tilespmem:v24+s1+$0x0], $0xffff;
	_ =	sdelay $0x3  }
0x331: {  	vm0 =	vmmov @!p0 $0x3  }
0x332: {  	s31 =	spop (drf);
	v25 =	vsel @!p0 vm0, v25, v26  }
0x333: {  	s4 =	sxor.u32 s3, s31;
	[tilespmem:v24+s1+$0x0] =	vst.idx.msk @!p0 $0xffff, v25  }
0x334: {  	s1 =	ssub.s32 s4, s3;
	v24 =	vld.idx.msk [tilespmem:v61+s16+$0x0], $0xffff  }
0x335: {  	s3 =	smov.u32 s7;
	p0 =	seq.s32 s1, $0x0  }
0x336: {  	s3 =	simm.s32 @p0 $0x0  }
0x337: {  	s3 =	ssub.s32 $0x0, s3  }
0x338: {  	p0 =	sne.s32 s1, s3;
	s1 =	simm.s32 $0x2B80  }
0x339: {  	p1 =	sge.s32 s2, s30;
	s31 =	rddreg [dreg:$0xc];
	s1 =	simm.s32 @!p0 $0x1580;
	v24 =	vand.u32 v21, v24  }
0x33a: {  	s3 =	sadd.s32 s10, s31;
	s1 =	simm.s32 @p1 $0x2B80;
	[tilespmem:v61+s16+$0x0] =	vst.idx.msk $0xffff, v24  }
0x33b: {  	[hbm4b:s3+s5] =	stream.strided.scatter [tilespmem:s1], [sflag:$0x5], $0x400, s9, s5, $0x38;
	[tilespmem:$0x3D80] =	vst v63  }
0x33c: {  	s2 =	sadd.s32 $0xD, s0;
	_ =	swait.ge [sflag:s26], $0x400  }
0x33d: {  	p0 =	slt.u32 s2, $0x88;
	s1 =	rddreg [dreg:$0x9]  }
0x33e: {  	v24 =	vlaneseq.u32 @!p0;
	s1 =	sadd.s32 @!p0 s8, s1  }
0x33f: {  	v24 =	vadd.s32 @!p0 s1, v24;
	s1 =	sshra.s32 s2, $0x1F  }
0x340: {  	s4 =	sxor.u32 s1, s2  }
0x341: {  	s3 =	ssub.s32 s4, s1  }
0x342: {  	[sflag:s26] =	ssyncset.done $0x0;
	(drf) =	srem.u32 s3, s22  }
0x343: {  	[sflag:s26] =	ssyncadd.s32 $0xFFFFFC00;
	s3 =	simm.s32 @!p0 $0x1100  }
0x344: {  	v25 =	vld.idx.msk @!p0 [tilespmem:v24+s3+$0x0], $0xffff;
	s3 =	simm.s32 @!p0 $0x3000  }
0x345: {  	vm0 =	vcmask @!p0 $0x300;
	v26 =	vld.idx.msk @!p0 [tilespmem:v24+s3+$0x0], $0xffff  }
0x346: {  	s31 =	sadd.s32 $0x6, s0;
	v27 =	vimm.s32 @!p0 $0xFFFFFFFF;
	vm1 =	vcmask @!p0 $0x704;
	v28 =	vimm.s32 @!p0 $0x0  }
0x347: {  	v27 =	vsel @!p0 vm0, $0xFF, v27;
	v28 =	vsel @!p0 vm0, $0xFFFFFF00, v28;
	vm0 =	vcmask @!p0 $0xB08;
	s4 =	sshra.s32 s31, $0x2  }
0x348: {  	v27 =	vsel @!p0 vm1, $0x0, v27;
	v28 =	vsel @!p0 vm1, $0xFFFFFFFF, v28;
	v62 =	vadd.s32 s4, v16  }
0x349: {  	v27 =	vsel @!p0 vm0, $0xFFFFFF00, v27;
	v28 =	vsel @!p0 vm0, $0xFF, v28  }
0x34a: {  	v25 =	vand.u32 @!p0 v28, v25;
	v26 =	vand.u32 @!p0 v27, v26  }
0x34b: {  	v25 =	vor.u32 @!p0 v25, v26;
	s31 =	spop (drf)  }
0x34c: {  	[tilespmem:v24+s3+$0x0] =	vst.idx.msk @!p0 $0xffff, v25;
	s4 =	sxor.u32 s1, s31  }
0x34d: {  	v24 =	vld.idx.msk [tilespmem:v62+s17+$0x0], $0xffff;
	s1 =	ssub.s32 s4, s1  }
0x34e: {  	s3 =	smov.u32 s7;
	p0 =	seq.s32 s1, $0x0  }
0x34f: {  	s3 =	simm.s32 @p0 $0x0  }
0x350: {  	s3 =	ssub.s32 $0x0, s3  }
0x351: {  	p0 =	sne.s32 s1, s3;
	s1 =	simm.s32 $0x3000  }
0x352: {  	p1 =	sge.s32 s2, s30;
	s31 =	rddreg [dreg:$0xa];
	v24 =	vand.u32 v22, v24;
	s1 =	simm.s32 @!p0 $0x1580  }
0x353: {  	s3 =	sadd.s32 s10, s31;
	[tilespmem:v62+s17+$0x0] =	vst.idx.msk $0xffff, v24;
	s1 =	simm.s32 @p1 $0x3000  }
0x354: {  	[hbm4b:s3+s5] =	stream.strided.scatter [tilespmem:s1], [sflag:$0x6], $0x400, s9, s5, $0x38;
	[tilespmem:$0x3D80] =	vst v63  }
0x355: {  	s2 =	sadd.s32 $0xE, s0;
	_ =	swait.ge [sflag:s28], $0x400  }
0x356: {  	p0 =	slt.u32 s2, $0x88;
	s1 =	rddreg [dreg:$0x7]  }
0x357: {  	v24 =	vlaneseq.u32 @!p0;
	s1 =	sadd.s32 @!p0 s8, s1  }
0x358: {  	v24 =	vadd.s32 @!p0 s1, v24;
	s1 =	sshra.s32 s2, $0x1F  }
0x359: {  	s4 =	sxor.u32 s1, s2  }
0x35a: {  	s3 =	ssub.s32 s4, s1  }
0x35b: {  	[sflag:s28] =	ssyncset.done $0x0;
	(drf) =	srem.u32 s3, s22  }
0x35c: {  	[sflag:s28] =	ssyncadd.s32 $0xFFFFFC00;
	s3 =	simm.s32 @!p0 $0x1100  }
0x35d: {  	v25 =	vld.idx.msk @!p0 [tilespmem:v24+s3+$0x0], $0xffff;
	s3 =	simm.s32 @!p0 $0x3480  }
0x35e: {  	v26 =	vld.idx.msk @!p0 [tilespmem:v24+s3+$0x0], $0xffff  }
0x35f: {  	vm0 =	vcmask @!p0 $0x300;
	v27 =	vimm.s32 @!p0 $0xFFFFFFFF;
	v28 =	vimm.s32 @!p0 $0x0  }
0x360: {  	vm1 =	vcmask @!p0 $0x704;
	v27 =	vsel @!p0 vm0, $0xFFFF, v27;
	v28 =	vsel @!p0 vm0, $0xFFFF0000, v28  }
0x361: {  	vm0 =	vcmask @!p0 $0xB08;
	v27 =	vsel @!p0 vm1, $0x0, v27;
	v28 =	vsel @!p0 vm1, $0xFFFFFFFF, v28  }
0x362: {  	v27 =	vsel @!p0 vm0, $0xFFFF0000, v27;
	v28 =	vsel @!p0 vm0, $0xFFFF, v28  }
0x363: {  	v25 =	vand.u32 @!p0 v28, v25;
	v26 =	vand.u32 @!p0 v27, v26  }
0x364: {  	v25 =	vor.u32 @!p0 v25, v26;
	s31 =	spop (drf)  }
0x365: {  	[tilespmem:v24+s3+$0x0] =	vst.idx.msk @!p0 $0xffff, v25;
	s4 =	sxor.u32 s1, s31  }
0x366: {  	v24 =	vld.idx.msk [tilespmem:v62+s18+$0x0], $0xffff;
	s1 =	ssub.s32 s4, s1  }
0x367: {  	s3 =	smov.u32 s7;
	p0 =	seq.s32 s1, $0x0  }
0x368: {  	s3 =	simm.s32 @p0 $0x0  }
0x369: {  	s3 =	ssub.s32 $0x0, s3  }
0x36a: {  	p0 =	sne.s32 s1, s3;
	s1 =	simm.s32 $0x3480  }
0x36b: {  	p1 =	sge.s32 s2, s30;
	s31 =	rddreg [dreg:$0x8];
	v24 =	vand.u32 v23, v24;
	s1 =	simm.s32 @!p0 $0x1580  }
0x36c: {  	s31 =	sadd.s32 s10, s31;
	[tilespmem:v62+s18+$0x0] =	vst.idx.msk $0xffff, v24;
	s1 =	simm.s32 @p1 $0x3480  }
0x36d: {  	[hbm4b:s31+s5] =	stream.strided.scatter [tilespmem:s1], [sflag:$0x7], $0x400, s9, s5, $0x38;
	[tilespmem:$0x3D80] =	vst v63  }
0x36e: {  	s0 =	sadd.s32 $0xF, s0;
	_ =	swait.ge [sflag:s29], $0x400  }
0x36f: {  	p0 =	slt.u32 s0, $0x88;
	s1 =	rddreg [dreg:$0x4]  }
0x370: {  	v24 =	vlaneseq.u32 @!p0;
	s1 =	sadd.s32 @!p0 s8, s1  }
0x371: {  	v24 =	vadd.s32 @!p0 s1, v24;
	s1 =	sshra.s32 s0, $0x1F  }
0x372: {  	s3 =	sxor.u32 s1, s0  }
0x373: {  	s2 =	ssub.s32 s3, s1  }
0x374: {  	(drf) =	srem.u32 s2, s22;
	_ =	sdelay $0x1  }
0x375: {  	[sflag:s29] =	ssyncset.done $0x0  }
0x376: {  	[sflag:s29] =	ssyncadd.s32 $0xFFFFFC00;
	s2 =	simm.s32 @!p0 $0x1100  }
0x377: {  	v25 =	vld.idx.msk @!p0 [tilespmem:v24+s2+$0x0], $0xffff;
	s2 =	simm.s32 @!p0 $0x3900  }
0x378: {  	v26 =	vld.idx.msk @!p0 [tilespmem:v24+s2+$0x0], $0xffff  }
0x379: {  	vm0 =	vcmask @!p0 $0x300;
	v27 =	vimm.s32 @!p0 $0xFFFFFFFF;
	v28 =	vimm.s32 @!p0 $0x0  }
0x37a: {  	vm1 =	vcmask @!p0 $0x704;
	v27 =	vsel @!p0 vm0, $0xFFFFFF, v27;
	v28 =	vsel @!p0 vm0, $0xFF000000, v28;
	s4 =	rddreg [dreg:$0x5]  }
0x37b: {  	vm0 =	vcmask @!p0 $0xB08;
	v27 =	vsel @!p0 vm1, $0x0, v27;
	v28 =	vsel @!p0 vm1, $0xFFFFFFFF, v28;
	s3 =	sadd.s32 s8, s4  }
0x37c: {  	v27 =	vsel @!p0 vm0, $0xFF000000, v27;
	v28 =	vsel @!p0 vm0, $0xFFFFFF, v28;
	v63 =	vadd.s32 s3, v16;
	s31 =	spop (drf)  }
0x37d: {  	v25 =	vand.u32 @!p0 v28, v25;
	v26 =	vand.u32 @!p0 v27, v26;
	s3 =	sxor.u32 s1, s31  }
0x37e: {  	v25 =	vor.u32 @!p0 v25, v26;
	s1 =	ssub.s32 s3, s1  }
0x37f: {  	[tilespmem:v24+s2+$0x0] =	vst.idx.msk @!p0 $0xffff, v25;
	s2 =	smov.u32 s7;
	p0 =	seq.s32 s1, $0x0  }
0x380: {  	s2 =	simm.s32 @p0 $0x0  }
0x381: {  	v24 =	vld.idx.msk [tilespmem:v63+s19+$0x0], $0xffff;
	s2 =	ssub.s32 $0x0, s2  }
0x382: {  	s12 =	sadd.s32 $0x8, s12;
	p0 =	sne.s32 s1, s2;
	s1 =	simm.s32 $0x3900  }
0x383: {  	s1 =	simm.s32 @!p0 $0x1580;
	p0 =	sne.s32 s12, $0x78  }
.Ltmp9:
0x384: {  	_ = 	snop;
	(pc) =	sbr.rel @p0 .LBB2_20-.Ltmp9, $4  }
0x385: {  	_ = 	snop  }
0x386: {  	p1 =	sge.s32 s0, s30;
	s4 =	rddreg [dreg:$0x6];
	s8 =	sadd.s32 $0x2, s8;
	v24 =	vand.u32 v19, v24  }
0x387: {  	s31 =	sadd.s32 s10, s4;
	s10 =	sadd.s32 $0x400, s10;
	[tilespmem:v63+s19+$0x0] =	vst.idx.msk $0xffff, v24;
	s1 =	simm.s32 @p1 $0x3900  }
0x388: {  	[hbm4b:s31+s5] =	stream.strided.scatter [tilespmem:s1], [sflag:$0x8], $0x400, s9, s5, $0x38;
	[tilespmem:$0x3D80] =	vst v63  }
0x389: {  	_ =	swait.ge [sflag:s20], $0x400  }
0x38a: {  	[sflag:s20] =	ssyncset.done $0x0  }
0x38b: {  	[sflag:s20] =	ssyncadd.s32 $0xFFFFFC00  }
0x38c: {  	_ =	swait.ge [sflag:s21], $0x400  }
0x38d: {  	[sflag:s21] =	ssyncset.done $0x0  }
0x38e: {  	[sflag:s21] =	ssyncadd.s32 $0xFFFFFC00  }
0x38f: {  	_ =	swait.ge [sflag:s23], $0x400  }
0x390: {  	[sflag:s23] =	ssyncset.done $0x0  }
0x391: {  	[sflag:s23] =	ssyncadd.s32 $0xFFFFFC00  }
0x392: {  	_ =	swait.ge [sflag:s24], $0x400  }
0x393: {  	[sflag:s24] =	ssyncset.done $0x0  }
0x394: {  	[sflag:s24] =	ssyncadd.s32 $0xFFFFFC00  }
0x395: {  	_ =	swait.ge [sflag:s25], $0x400  }
0x396: {  	[sflag:s25] =	ssyncset.done $0x0  }
0x397: {  	[sflag:s25] =	ssyncadd.s32 $0xFFFFFC00  }
0x398: {  	_ =	swait.ge [sflag:s26], $0x400  }
0x399: {  	[sflag:s26] =	ssyncset.done $0x0  }
0x39a: {  	[sflag:s26] =	ssyncadd.s32 $0xFFFFFC00  }
0x39b: {  	_ =	swait.ge [sflag:s28], $0x400  }
0x39c: {  	[sflag:s28] =	ssyncset.done $0x0  }
0x39d: {  	[sflag:s28] =	ssyncadd.s32 $0xFFFFFC00  }
0x39e: {  	_ =	swait.ge [sflag:s29], $0x400  }
0x39f: {  	s1 =	sld [smem:$0x7F5]  }
0x3a0: {  	s0 =	sld [smem:$0x7FD];
	_ =	sdelay $0x1  }
0x3a1: {  	s1 =	sadd.s32 $0x1, s1  }
0x3a2: {  	p0 =	sne.s32 s1, s0  }
.Ltmp10:
0x3a3: {  	_ = 	snop;
	(pc) =	sbr.rel @p0 .LBB2_1-.Ltmp10, $4  }
0x3a4: {  	vm4 =	vcmask $0x300;
	vm10 =	vcmask $0x1714  }
0x3a5: {  	vm11 =	vcmask $0x1B18;
	vm12 =	vcmask $0x1F1C;
	vm13 =	vcmask $0x2320  }
0x3a6: {  	vm14 =	vcmask $0x2724;
	vm15 =	vcmask $0x2B28;
	vm5 =	vcmask $0x2F2C;
	[sflag:s29] =	ssyncset.done $0x0  }
0x3a7: {  	vm1 =	vcmask $0x3330;
	vm2 =	vcmask $0x3734;
	vm8 =	vcmask $0x3B38;
	[sflag:s29] =	ssyncadd.s32 $0xFFFFFC00  }
0x3a8: {  	_ =	sfence.sel $0x180000  }
0x3a9: {  	[bflag:$0x0] =	sbarrier.arrive $0xFFFF  }
0x3aa: {  	_ =	strace $0x90000047  }
0x3ab: {  	s0 =	stileid.u32;
	[bflag:$0x2] =	sbarrier.arrive $0xFFFF  }
0x3ac: {  	p0 =	sne.s32 s0, $0x0;
	s0 =	rddreg [dreg:$0x3]  }
0x3ad: {  	s0 =	sadd.s32 @!p0 $0x100000, s0  }
0x3ae: {  	[sflag:s0] =	ssyncadd.tile.s32 @!p0 $0x1;
	_ =	shalt  }
.Lfunc_end2:
_tile_overlayer_lowered:
.L_overlay_start_2:
0x3af: {  	(tag) =	ssettag $0x2  }
0x3b0: {  	s0 =	rddreg [dreg:$0x0];
	s2 =	stileid.u32  }
0x3b1: {  	s1 =	rddreg [dreg:$0x1];
	p0 =	sne.s32 s2, $0x0  }
0x3b2: {  	s3 =	rddreg [dreg:$0x2];
	[bflag:$0x3] =	sbarrier.arrive $0xFFFF;
	s2 =	simm.s32 @!p0 $0x1C09  }
0x3b3: {  	[timem:s3], [sflag:s2] =	dma.local @!p0 [hbm:s0], s1  }
0x3b4: {  	s0 =	simm.s32 @!p0 $0x9  }
0x3b5: {  	_ =	swait.ge @!p0 [sflag:s0], s1  }
0x3b6: {  	s1 =	ssub.s32 @!p0 $0x0, s1;
	[sflag:s0] =	ssyncset.done @!p0 $0x0  }
0x3b7: {  	[sflag:s0] =	ssyncadd.s32 @!p0 s1  }
0x3b8: {  	[bflag:$0x3] =	sbarrier.arrive $0xFFFF  }
0x3b9: {  	_ =	shalt  }

</sc_bundles>
